<compile_context>
chip_gen: v7x
topology: tpu7x:2x2x1
jax: 0.10.2.dev20260603
libtpu: 0.0.44.dev20260713+nightly
codegen_flags: <defaults>
</compile_context>

<pallas_src>
import functools

import jax
import jax.numpy as jnp
from jax.experimental import pallas as pl
from jax.experimental.pallas import tpu as pltpu
from jax.experimental.pallas import tpu_sc as plsc

TEMP = 0.05
LAMBDA2 = 0.5
INV_T = 1.0 / TEMP
BM = 4096
LANES = 128
GATHER_WINDOW = 128


def _gather_rows(f, fu, fd, idx_row):
    n = idx_row.shape[1]
    d = f.shape[1]
    mesh = plsc.VectorSubcoreMesh(core_axis_name="c", subcore_axis_name="s")
    out_t = [jax.ShapeDtypeStruct((n, d), f.dtype)] * 3

    @pl.kernel(out_type=out_t, mesh=mesh, scratch_types=[])
    def gather_kernel(f_hbm, fu_hbm, fd_hbm, i_hbm, o1, o2, o3):
        for src, dst in ((f_hbm, o1), (fu_hbm, o2), (fd_hbm, o3)):
            def body(i_vmem, o_vmem, *, src_ref=src):
                pltpu.sync_copy(src_ref.at[i_vmem.at[0]], o_vmem)

            pltpu.emit_pipeline(
                body,
                grid=(n // GATHER_WINDOW,),
                in_specs=[pl.BlockSpec((1, GATHER_WINDOW), lambda i: (0, i))],
                out_specs=[pl.BlockSpec((GATHER_WINDOW, d), lambda i: (i, 0))],
                core_axis_name=("c", "s"),
                dimension_semantics=(pltpu.PARALLEL,),
            )(i_hbm, dst)

    return gather_kernel(f, fu, fd, idx_row)


def _stream_body(x_ref, xu_ref, xd_ref, f_ref, fu_ref, fd_ref,
                 acc_ref, xn_ref, *, m_total, nblk):
    i = pl.program_id(0)
    b = x_ref.shape[0]

    @pl.when(i == 0)
    def _init():
        acc_ref[...] = jnp.zeros_like(acc_ref)
        for p, xr in enumerate((x_ref, xu_ref, xd_ref)):
            xv = xr[...]
            nrm = jnp.sqrt(jnp.sum(xv * xv, axis=1, keepdims=True))
            xn_ref[p, :, :] = (xv / jnp.maximum(nrm, 1e-12)
                               ).astype(jnp.bfloat16)
    def lanes_sum(v):
        r = v[:, 0:LANES]
        for k in range(1, BM // LANES):
            r = r + v[:, k * LANES:(k + 1) * LANES]
        return r.astype(jnp.float32)

    def step(masked):
        if masked:
            cols = i * BM + jax.lax.broadcasted_iota(jnp.int32, (b, BM), 1)
            colmask = cols < m_total
        for p, fr in enumerate((f_ref, fu_ref, fd_ref)):
            xn = xn_ref[p, :, :]
            s = jax.lax.dot_general(xn, fr[...], (((1,), (1,)), ((), ())),
                                    preferred_element_type=jnp.float32
                                    ).astype(jnp.bfloat16)
            d2 = jnp.maximum(2.0 - 2.0 * s, 0.0)
            el = jnp.exp(-10.0 * d2)
            e1 = jnp.exp(jnp.sqrt(d2) - 2.0)
            if masked:
                zero = jnp.bfloat16(0.0)
                el = jnp.where(colmask, el, zero)
                e1 = jnp.where(colmask, e1, zero)
            acc_ref[p, 0, :, :] += lanes_sum(el)
            acc_ref[p, 1, :, :] += lanes_sum(e1)

    @pl.when(i < nblk - 1)
    def _full():
        step(False)

    @pl.when(i == nblk - 1)
    def _tail():
        step(True)


def _finish_body(x_ref, xu_ref, xd_ref, g_ref, gu_ref, gd_ref, acc_ref,
                 out_ref, *, m_total):
    m_f = jnp.float32(m_total)
    loss = jnp.float32(0.0)
    weights = (1.0 - LAMBDA2, LAMBDA2, LAMBDA2)
    for p, (xr, gr) in enumerate(((x_ref, g_ref), (xu_ref, gu_ref),
                                  (xd_ref, gd_ref))):
        xv = xr[...]
        nrm = jnp.sqrt(jnp.sum(xv * xv, axis=1, keepdims=True))
        xn = xv / jnp.maximum(nrm, 1e-12)
        st = jnp.sum(xn * gr[...], axis=1)
        se_l = jnp.sum(acc_ref[p, 0, :, :], axis=1)
        a1 = jnp.sum(acc_ref[p, 1, :, :], axis=1)
        lse_l = INV_T + jnp.log(se_l)
        u = 1.0 / a1
        log_s = jnp.log(m_f + a1 * u)
        cdt = jnp.sqrt(jnp.maximum(2.0 - 2.0 * st, 0.0))
        pt = jnp.exp(cdt - 2.0) * u
        ce_out = jnp.mean(lse_l - INV_T * st)
        ce_soft = jnp.mean(log_s - pt)
        loss = loss + weights[p] * (ce_out + ce_soft)
    out_ref[...] = jnp.full((1, 1), loss, jnp.float32)


def _fused_loss(x, xu, xd, tgt, f, fu, fd, *, interpret=False):
    b, d = x.shape
    m = f.shape[0]
    nblk = (m + BM - 1) // BM
    f16 = f.astype(jnp.bfloat16)
    fu16 = fu.astype(jnp.bfloat16)
    fd16 = fd.astype(jnp.bfloat16)

    acc = pl.pallas_call(
        functools.partial(_stream_body, m_total=m, nblk=nblk),
        grid=(nblk,),
        in_specs=[
            pl.BlockSpec((b, d), lambda i: (0, 0)),
            pl.BlockSpec((b, d), lambda i: (0, 0)),
            pl.BlockSpec((b, d), lambda i: (0, 0)),
            pl.BlockSpec((BM, d), lambda i: (i, 0)),
            pl.BlockSpec((BM, d), lambda i: (i, 0)),
            pl.BlockSpec((BM, d), lambda i: (i, 0)),
        ],
        out_specs=pl.BlockSpec((3, 2, b, LANES), lambda i: (0, 0, 0, 0)),
        out_shape=jax.ShapeDtypeStruct((3, 2, b, LANES), jnp.float32),
        scratch_shapes=[pltpu.VMEM((3, b, d), jnp.bfloat16)],
        compiler_params=pltpu.CompilerParams(
            dimension_semantics=("arbitrary",),
        ),
        interpret=interpret,
    )(x, xu, xd, f16, fu16, fd16)

    if interpret:
        g = jnp.take(f, tgt, axis=0)
        gu = jnp.take(fu, tgt, axis=0)
        gd = jnp.take(fd, tgt, axis=0)
    else:
        g, gu, gd = _gather_rows(f, fu, fd, tgt.reshape(1, -1))

    out = pl.pallas_call(
        functools.partial(_finish_body, m_total=m),
        grid=(1,),
        in_specs=[pl.BlockSpec((b, d), lambda i: (0, 0))] * 6 + [
            pl.BlockSpec((3, 2, b, LANES), lambda i: (0, 0, 0, 0)),
        ],
        out_specs=pl.BlockSpec((1, 1), lambda i: (0, 0)),
        out_shape=jax.ShapeDtypeStruct((1, 1), jnp.float32),
        interpret=interpret,
    )(x, xu, xd, g, gu, gd, acc)
    return out[0, 0]


def kernel(inputs, inputs_up, inputs_down, targets, epoch,
           features, features_up, features_down):
    del epoch
    tgt = jnp.asarray(targets, jnp.int32)
    return _fused_loss(inputs, inputs_up, inputs_down, tgt,
                       features, features_up, features_down)

# --- scband reference (transcript-rebuilt; emitter-appended) ---
"""Pipeline reference for scband-cluster-memory-teacher-37366215475659 (READ-ONLY COPY).

The authoritative reference and input builder live on the scoring server;
editing this copy changes nothing except your own understanding.
"""

import jax, jax.numpy as jnp
import numpy as np

TEMP = 0.05
LAMBDA2 = 0.5
B, D, M = 1024, 128, 100000

def _normalize(x):
    n = jnp.linalg.norm(x, axis=1, keepdims=True)
    return x / jnp.maximum(n, 1e-12)

def _cdist(x, y):
    # torch.cdist with p=2 (euclidean)
    x2 = jnp.sum(x * x, axis=1, keepdims=True)
    y2 = jnp.sum(y * y, axis=1)
    d2 = x2 + y2[None, :] - 2.0 * (x @ y.T)
    return jnp.sqrt(jnp.maximum(d2, 0.0))

def _cross_entropy(logits, targets):
    logp = jax.nn.log_softmax(logits, axis=1)
    nll = -jnp.take_along_axis(logp, targets[:, None], axis=1)[:, 0]
    return jnp.mean(nll)

def setup_inputs(seed: int = 0) -> dict:
    key = jax.random.key(seed)
    ks = jax.random.split(key, 7)
    inputs = jax.random.normal(ks[0], (B, D), dtype=jnp.float32)
    inputs_up = jax.random.normal(ks[1], (B, D), dtype=jnp.float32)
    inputs_down = jax.random.normal(ks[2], (B, D), dtype=jnp.float32)
    targets = jax.random.randint(ks[3], (B,), 0, M).astype(jnp.int64)
    # memory banks (buffers); init to unit-norm random vectors (zero banks are degenerate)
    features = _normalize(jax.random.normal(ks[4], (M, D), dtype=jnp.float32))
    features_up = _normalize(jax.random.normal(ks[5], (M, D), dtype=jnp.float32))
    features_down = _normalize(jax.random.normal(ks[6], (M, D), dtype=jnp.float32))
    return {"inputs": inputs, "inputs_up": inputs_up, "inputs_down": inputs_down,
            "targets": targets, "epoch": 0,
            "features": features, "features_up": features_up, "features_down": features_down}

def reference(inputs, inputs_up, inputs_down, targets, epoch, features, features_up, features_down):
    inputs = _normalize(inputs)
    inputs_up = _normalize(inputs_up)
    inputs_down = _normalize(inputs_down)
    inputs_soft = jax.nn.softmax(_cdist(inputs, features), axis=1)
    inputs_up_soft = jax.nn.softmax(_cdist(inputs_up, features_up), axis=1)
    inputs_down_soft = jax.nn.softmax(_cdist(inputs_down, features_down), axis=1)
    outputs = (inputs @ features.T) / TEMP
    outputs_up = (inputs_up @ features_up.T) / TEMP
    outputs_down = (inputs_down @ features_down.T) / TEMP
    loss = ((1.0 - LAMBDA2) * (_cross_entropy(outputs, targets) + _cross_entropy(inputs_soft, targets))
            + LAMBDA2 * (_cross_entropy(outputs_up, targets) + _cross_entropy(inputs_up_soft, targets))
            + LAMBDA2 * (_cross_entropy(outputs_down, targets) + _cross_entropy(inputs_down_soft, targets)))
    return loss

if __name__ == "__main__":
    import jax
    _d = setup_inputs()
    print(jax.jit(kernel)(*tuple(_d.values())))

</pallas_src>

<mosaic_0001>
#map = affine_map<(d0, d1) -> (0, 0)>
module attributes {stable_mosaic.version = 14 : i64} {
  func.func @gather_kernel(%arg0: i32, %arg1: i32, %arg2: memref<100000x128xf32, #tpu.memory_space<hbm>>, %arg3: memref<100000x128xf32, #tpu.memory_space<hbm>>, %arg4: memref<100000x128xf32, #tpu.memory_space<hbm>>, %arg5: memref<1x1024xi32, #tpu.memory_space<hbm>>, %arg6: memref<1024x128xf32, #tpu.memory_space<hbm>>, %arg7: memref<1024x128xf32, #tpu.memory_space<hbm>>, %arg8: memref<1024x128xf32, #tpu.memory_space<hbm>>) attributes {dimension_semantics = [#tpu.dimension_semantics<core_parallel>, #tpu.dimension_semantics<subcore_parallel>], iteration_bounds = array<i64: 2, 16>, scalar_prefetch = 0 : i64, scratch_operands = 0 : i64, tpu.core_type = #tpu.core_type<sc_vector_subcore>, window_params = [{transform_indices = #map}, {transform_indices = #map}, {transform_indices = #map}, {transform_indices = #map}, {transform_indices = #map}, {transform_indices = #map}, {transform_indices = #map}]} {
    %mul3A = arith.constant 1 : i32
    %mul3A_0 = arith.muli %arg1, %mul3A : i32
    %add3A = arith.constant 0 : i32
    %add3A_1 = arith.addi %add3A, %mul3A_0 : i32
    %mul3A_2 = arith.constant 16 : i32
    %mul3A_3 = arith.muli %arg0, %mul3A_2 : i32
    %add3A_4 = arith.addi %add3A_1, %mul3A_3 : i32
    %lt3A = arith.constant 8 : i32
    %lt3A_5 = arith.cmpi slt, %add3A_4, %lt3A : i32
    %jit3A = arith.constant 1 : i32
    %jit3A_6 = arith.constant 0 : i32
    %select_n3A = arith.select %lt3A_5, %jit3A, %jit3A_6 : i32
    %lt3A_7 = arith.constant 8 : i32
    %lt3A_8 = arith.cmpi slt, %add3A_4, %lt3A_7 : i32
    %mul3A_9 = arith.muli %add3A_4, %select_n3A : i32
    %mul3A_10 = arith.constant 0 : i32
    %mul3A_11 = arith.muli %add3A_4, %mul3A_10 : i32
    %add3A_12 = arith.constant 8 : i32
    %add3A_13 = arith.addi %mul3A_11, %add3A_12 : i32
    %select_n3A_14 = arith.select %lt3A_8, %mul3A_9, %add3A_13 : i32
    %mul3A_15 = arith.constant 1 : i32
    %mul3A_16 = arith.muli %mul3A_15, %select_n3A : i32
    "tpu.region"() ({
      %run_scoped3A = memref.alloca() : memref<2x1x128xi32, #tpu.memory_space<vmem>>
      %run_scoped3A_61 = tpu.sem_alloc : memref<2x!tpu.dma_semaphore, #tpu.memory_space<semaphore_mem>>
      %run_scoped3A_62 = memref.alloca() : memref<2x128x128xf32, #tpu.memory_space<vmem>>
      %run_scoped3A_63 = tpu.sem_alloc : memref<2x!tpu.dma_semaphore, #tpu.memory_space<semaphore_mem>>
      %gt3A = arith.constant 0 : i32
      %gt3A_64 = arith.cmpi sgt, %mul3A_16, %gt3A : i32
      %convert_element_type3A = arith.extui %gt3A_64 : i1 to i32
      %cond3A = arith.constant 0 : i32
      %cond3A_65 = arith.cmpi ne, %convert_element_type3A, %cond3A : i32
      scf.if %cond3A_65 {
        %mul3A_66 = arith.constant 1 : i32
        %mul3A_67 = arith.muli %mul3A_66, %select_n3A : i32
        %sub3A = arith.constant 1 : i32
        %sub3A_68 = arith.subi %mul3A_67, %sub3A : i32
        %eq3A = arith.constant 0 : i32
        %eq3A_69 = arith.cmpi eq, %sub3A_68, %eq3A : i32
        %add3A_70 = arith.constant 0 : i32
        %add3A_71 = arith.addi %add3A_70, %select_n3A_14 : i32
        %select_n3A_72 = arith.constant true
        %select_n3A_73 = arith.constant 0 : i32
        %select_n3A_74 = arith.constant -1 : i32
        %select_n3A_75 = arith.select %select_n3A_72, %select_n3A_74, %select_n3A_73 : i32
        %eq3A_76 = arith.constant -1 : i32
        %eq3A_77 = arith.cmpi eq, %select_n3A_75, %eq3A_76 : i32
        %sub3A_78 = arith.constant 1 : i32
        %sub3A_79 = arith.subi %select_n3A, %sub3A_78 : i32
        %select_n3A_80 = arith.select %eq3A_77, %sub3A_79, %select_n3A_75 : i32
        %add3A_81 = arith.addi %select_n3A_80, %select_n3A_14 : i32
        %select_n3A_82 = arith.constant true
        %select_n3A_83 = arith.constant 0 : i32
        %select_n3A_84 = arith.constant 1 : i32
        %select_n3A_85 = arith.select %select_n3A_82, %select_n3A_84, %select_n3A_83 : i32
        %eq3A_86 = arith.cmpi eq, %select_n3A_85, %select_n3A : i32
        %select_n3A_87 = arith.constant 0 : i32
        %select_n3A_88 = arith.select %eq3A_86, %select_n3A_87, %select_n3A_85 : i32
        %add3A_89 = arith.addi %select_n3A_88, %select_n3A_14 : i32
        %add3A_90 = arith.constant 1 : i32
        %add3A_91 = arith.addi %select_n3A_88, %add3A_90 : i32
        %select_n3A_92 = arith.constant true
        %select_n3A_93 = arith.select %select_n3A_92, %add3A_91, %select_n3A_88 : i32
        %eq3A_94 = arith.cmpi eq, %select_n3A_93, %select_n3A : i32
        %select_n3A_95 = arith.constant 0 : i32
        %select_n3A_96 = arith.select %eq3A_94, %select_n3A_95, %select_n3A_93 : i32
        %add3A_97 = arith.addi %select_n3A_96, %select_n3A_14 : i32
        "tpu.trace_start"() <{level = 10 : i32, message = "ep_initialize_0"}> : () -> ()
        %rem3A = arith.constant 0 : i32
        %rem3A_98 = arith.constant 2 : i32
        %rem3A_99 = arith.remui %rem3A, %rem3A_98 : i32
        %mul3A_100 = arith.constant 128 : i32
        %mul3A_101 = arith.muli %mul3A_100, %add3A_71 : i32
        %dma_start3A = arith.constant 0 : i32
        %dma_start3A_102 = arith.constant 0 : i32
        %dma_start3A_103 = tpu.memref_slice %run_scoped3A[%rem3A_99, %dma_start3A, %dma_start3A_102] : memref<2x1x128xi32, #tpu.memory_space<vmem>> -> memref<1x1x128xi32, #tpu.memory_space<vmem>>
        %dma_start3A_104 = tpu.memref_squeeze %dma_start3A_103 : memref<1x1x128xi32, #tpu.memory_space<vmem>> -> memref<1x128xi32, #tpu.memory_space<vmem>>
        %dma_start3A_105 = arith.constant 0 : i32
        %dma_start3A_106 = tpu.memref_slice %arg5[%dma_start3A_105, %mul3A_101] : memref<1x1024xi32, #tpu.memory_space<hbm>> -> memref<1x128xi32, #tpu.memory_space<hbm>>
        %dma_start3A_107 = tpu.memref_slice %run_scoped3A_61[%rem3A_99] : memref<2x!tpu.dma_semaphore, #tpu.memory_space<semaphore_mem>> -> memref<1x!tpu.dma_semaphore, #tpu.memory_space<semaphore_mem>>
        %dma_start3A_108 = tpu.memref_squeeze %dma_start3A_107 : memref<1x!tpu.dma_semaphore, #tpu.memory_space<semaphore_mem>> -> memref<!tpu.dma_semaphore, #tpu.memory_space<semaphore_mem>>
        %dma_start3A_109 = arith.constant 0 : i32
        %dma_start3A_110 = arith.constant 0 : i32
        %dma_start3A_111 = tpu.memref_slice %run_scoped3A[%rem3A_99, %dma_start3A_109, %dma_start3A_110] : memref<2x1x128xi32, #tpu.memory_space<vmem>> -> memref<1x1x128xi32, #tpu.memory_space<vmem>>
        %dma_start3A_112 = tpu.memref_squeeze %dma_start3A_111 : memref<1x1x128xi32, #tpu.memory_space<vmem>> -> memref<1x128xi32, #tpu.memory_space<vmem>>
        %dma_start3A_113 = arith.constant 0 : i32
        %dma_start3A_114 = tpu.memref_slice %arg5[%dma_start3A_113, %mul3A_101] : memref<1x1024xi32, #tpu.memory_space<hbm>> -> memref<1x128xi32, #tpu.memory_space<hbm>>
        tpu.enqueue_dma source(%dma_start3A_114 : memref<1x128xi32, #tpu.memory_space<hbm>>) target(%dma_start3A_112 : memref<1x128xi32, #tpu.memory_space<vmem>>) target_semaphore(%dma_start3A_108 : memref<!tpu.dma_semaphore, #tpu.memory_space<semaphore_mem>>)
        %add3A_115 = arith.constant 0 : i32
        %add3A_116 = arith.constant 1 : i32
        %add3A_117 = arith.addi %add3A_115, %add3A_116 : i32
        %select_n3A_118 = arith.constant true
        %select_n3A_119 = arith.constant 0 : i32
        %select_n3A_120 = arith.select %select_n3A_118, %add3A_117, %select_n3A_119 : i32
        %while3A = arith.constant 0 : i32
        %while3A_121 = arith.constant 0 : i32
        %while3A_122 = arith.constant 0 : i32
        %while3A_123 = arith.constant 0 : i32
        %while3A_124 = arith.constant 0 : i32
        "tpu.trace_stop"() : () -> ()
        %while3A_125 = arith.subi %mul3A_16, %while3A : i32
        %while3A_126 = arith.addi %while3A, %while3A_125 : i32
        %while3A_127 = arith.constant 1 : i32
        %while3A_128 = arith.divsi %while3A_125, %while3A_127 : i32
        %while3A_129 = arith.muli %while3A_128, %while3A_127 : i32
        %while3A_130 = arith.addi %while3A, %while3A_129 : i32
        %while3A_131 = arith.constant 1 : i32
        %while3A_132:5 = scf.for %while3A_186 = %while3A to %while3A_130 step %while3A_131 iter_args(%while3A_187 = %select_n3A_120, %while3A_188 = %while3A_121, %while3A_189 = %while3A_122, %while3A_190 = %while3A_123, %while3A_191 = %while3A_124) -> (i32, i32, i32, i32, i32)  : i32 {
          %mul3A_192 = arith.constant 1 : i32
          %mul3A_193 = arith.muli %mul3A_192, %select_n3A : i32
          %eq3A_194 = arith.constant 0 : i32
          %eq3A_195 = arith.cmpi eq, %while3A_186, %eq3A_194 : i32
          %sub3A_196 = arith.constant 1 : i32
          %sub3A_197 = arith.subi %mul3A_193, %sub3A_196 : i32
          %eq3A_198 = arith.cmpi eq, %while3A_186, %sub3A_197 : i32
          %add3A_199 = arith.addi %while3A_191, %select_n3A_14 : i32
          %sub3A_200 = arith.constant 1 : i32
          %sub3A_201 = arith.subi %while3A_191, %sub3A_200 : i32
          %select_n3A_202 = arith.constant true
          %select_n3A_203 = arith.select %select_n3A_202, %sub3A_201, %while3A_191 : i32
          %eq3A_204 = arith.constant -1 : i32
          %eq3A_205 = arith.cmpi eq, %select_n3A_203, %eq3A_204 : i32
          %sub3A_206 = arith.constant 1 : i32
          %sub3A_207 = arith.subi %select_n3A, %sub3A_206 : i32
          %select_n3A_208 = arith.select %eq3A_205, %sub3A_207, %select_n3A_203 : i32
          %add3A_209 = arith.addi %select_n3A_208, %select_n3A_14 : i32
          %add3A_210 = arith.constant 1 : i32
          %add3A_211 = arith.addi %while3A_191, %add3A_210 : i32
          %select_n3A_212 = arith.constant true
          %select_n3A_213 = arith.select %select_n3A_212, %add3A_211, %while3A_191 : i32
          %eq3A_214 = arith.cmpi eq, %select_n3A_213, %select_n3A : i32
          %select_n3A_215 = arith.constant 0 : i32
          %select_n3A_216 = arith.select %eq3A_214, %select_n3A_215, %select_n3A_213 : i32
          %add3A_217 = arith.addi %select_n3A_216, %select_n3A_14 : i32
          %add3A_218 = arith.constant 1 : i32
          %add3A_219 = arith.addi %select_n3A_216, %add3A_218 : i32
          %select_n3A_220 = arith.constant true
          %select_n3A_221 = arith.select %select_n3A_220, %add3A_219, %select_n3A_216 : i32
          %eq3A_222 = arith.cmpi eq, %select_n3A_221, %select_n3A : i32
          %select_n3A_223 = arith.constant 0 : i32
          %select_n3A_224 = arith.select %eq3A_222, %select_n3A_223, %select_n3A_221 : i32
          %add3A_225 = arith.addi %select_n3A_224, %select_n3A_14 : i32
          %ne3A = arith.cmpi ne, %add3A_199, %add3A_217 : i32
          %or3A = arith.constant false
          %or3A_226 = arith.ori %or3A, %ne3A : i1
          %sub3A_227 = arith.constant 2 : i32
          %sub3A_228 = arith.subi %mul3A_193, %sub3A_227 : i32
          %add3A_229 = arith.constant 1 : i32
          %add3A_230 = arith.addi %sub3A_228, %add3A_229 : i32
          %ge3A = arith.cmpi sge, %while3A_186, %add3A_230 : i32
          %not3A = arith.constant true
          %not3A_231 = arith.xori %ge3A, %not3A : i1
          %and3A = arith.andi %or3A_226, %not3A_231 : i1
          %convert_element_type3A_232 = arith.extui %and3A : i1 to i32
          %cond3A_233 = arith.constant 0 : i32
          %cond3A_234 = arith.cmpi ne, %convert_element_type3A_232, %cond3A_233 : i32
          scf.if %cond3A_234 {
            "tpu.trace_start"() <{level = 10 : i32, message = "ep_copy_in"}> : () -> ()
            %rem3A_338 = arith.constant 2 : i32
            %rem3A_339 = arith.remui %while3A_187, %rem3A_338 : i32
            %mul3A_340 = arith.constant 128 : i32
            %mul3A_341 = arith.muli %mul3A_340, %add3A_217 : i32
            %dma_start3A_342 = arith.constant 0 : i32
            %dma_start3A_343 = arith.constant 0 : i32
            %dma_start3A_344 = tpu.memref_slice %run_scoped3A[%rem3A_339, %dma_start3A_342, %dma_start3A_343] : memref<2x1x128xi32, #tpu.memory_space<vmem>> -> memref<1x1x128xi32, #tpu.memory_space<vmem>>
            %dma_start3A_345 = tpu.memref_squeeze %dma_start3A_344 : memref<1x1x128xi32, #tpu.memory_space<vmem>> -> memref<1x128xi32, #tpu.memory_space<vmem>>
            %dma_start3A_346 = arith.constant 0 : i32
            %dma_start3A_347 = tpu.memref_slice %arg5[%dma_start3A_346, %mul3A_341] : memref<1x1024xi32, #tpu.memory_space<hbm>> -> memref<1x128xi32, #tpu.memory_space<hbm>>
            %dma_start3A_348 = tpu.memref_slice %run_scoped3A_61[%rem3A_339] : memref<2x!tpu.dma_semaphore, #tpu.memory_space<semaphore_mem>> -> memref<1x!tpu.dma_semaphore, #tpu.memory_space<semaphore_mem>>
            %dma_start3A_349 = tpu.memref_squeeze %dma_start3A_348 : memref<1x!tpu.dma_semaphore, #tpu.memory_space<semaphore_mem>> -> memref<!tpu.dma_semaphore, #tpu.memory_space<semaphore_mem>>
            %dma_start3A_350 = arith.constant 0 : i32
            %dma_start3A_351 = arith.constant 0 : i32
            %dma_start3A_352 = tpu.memref_slice %run_scoped3A[%rem3A_339, %dma_start3A_350, %dma_start3A_351] : memref<2x1x128xi32, #tpu.memory_space<vmem>> -> memref<1x1x128xi32, #tpu.memory_space<vmem>>
            %dma_start3A_353 = tpu.memref_squeeze %dma_start3A_352 : memref<1x1x128xi32, #tpu.memory_space<vmem>> -> memref<1x128xi32, #tpu.memory_space<vmem>>
            %dma_start3A_354 = arith.constant 0 : i32
            %dma_start3A_355 = tpu.memref_slice %arg5[%dma_start3A_354, %mul3A_341] : memref<1x1024xi32, #tpu.memory_space<hbm>> -> memref<1x128xi32, #tpu.memory_space<hbm>>
            tpu.enqueue_dma source(%dma_start3A_355 : memref<1x128xi32, #tpu.memory_space<hbm>>) target(%dma_start3A_353 : memref<1x128xi32, #tpu.memory_space<vmem>>) target_semaphore(%dma_start3A_349 : memref<!tpu.dma_semaphore, #tpu.memory_space<semaphore_mem>>)
            "tpu.trace_stop"() : () -> ()
          } else {
          }
          %and3A_235 = arith.constant true
          %and3A_236 = arith.andi %and3A, %and3A_235 : i1
          %add3A_237 = arith.constant 1 : i32
          %add3A_238 = arith.addi %while3A_187, %add3A_237 : i32
          %select_n3A_239 = arith.select %and3A_236, %add3A_238, %while3A_187 : i32
          %ne3A_240 = arith.cmpi ne, %add3A_199, %add3A_217 : i32
          %or3A_241 = arith.constant false
          %or3A_242 = arith.ori %or3A_241, %ne3A_240 : i1
          %or3A_243 = arith.constant false
          %or3A_244 = arith.ori %or3A_242, %or3A_243 : i1
          %sub3A_245 = arith.constant 2 : i32
          %sub3A_246 = arith.subi %mul3A_193, %sub3A_245 : i32
          %add3A_247 = arith.constant 1 : i32
          %add3A_248 = arith.addi %sub3A_246, %add3A_247 : i32
          %ge3A_249 = arith.cmpi sge, %while3A_186, %add3A_248 : i32
          %not3A_250 = arith.constant true
          %not3A_251 = arith.xori %ge3A_249, %not3A_250 : i1
          %and3A_252 = arith.andi %or3A_244, %not3A_251 : i1
          %ne3A_253 = arith.cmpi ne, %add3A_199, %add3A_209 : i32
          %or3A_254 = arith.constant false
          %or3A_255 = arith.ori %or3A_254, %ne3A_253 : i1
          %or3A_256 = arith.ori %or3A_255, %eq3A_195 : i1
          %convert_element_type3A_257 = arith.extui %or3A_256 : i1 to i32
          %cond3A_258 = arith.constant 0 : i32
          %cond3A_259 = arith.cmpi ne, %convert_element_type3A_257, %cond3A_258 : i32
          scf.if %cond3A_259 {
            "tpu.trace_start"() <{level = 10 : i32, message = "ep_wait_in"}> : () -> ()
            %mul3A_338 = arith.constant 128 : i32
            %mul3A_339 = arith.muli %mul3A_338, %add3A_199 : i32
            %rem3A_340 = arith.constant 2 : i32
            %rem3A_341 = arith.remui %while3A_188, %rem3A_340 : i32
            %dma_wait3A = arith.constant 0 : i32
            %dma_wait3A_342 = arith.constant 0 : i32
            %dma_wait3A_343 = tpu.memref_slice %run_scoped3A[%rem3A_341, %dma_wait3A, %dma_wait3A_342] : memref<2x1x128xi32, #tpu.memory_space<vmem>> -> memref<1x1x128xi32, #tpu.memory_space<vmem>>
            %dma_wait3A_344 = tpu.memref_squeeze %dma_wait3A_343 : memref<1x1x128xi32, #tpu.memory_space<vmem>> -> memref<1x128xi32, #tpu.memory_space<vmem>>
            %dma_wait3A_345 = arith.constant 0 : i32
            %dma_wait3A_346 = tpu.memref_slice %arg5[%dma_wait3A_345, %mul3A_339] : memref<1x1024xi32, #tpu.memory_space<hbm>> -> memref<1x128xi32, #tpu.memory_space<hbm>>
            %dma_wait3A_347 = tpu.memref_slice %run_scoped3A_61[%rem3A_341] : memref<2x!tpu.dma_semaphore, #tpu.memory_space<semaphore_mem>> -> memref<1x!tpu.dma_semaphore, #tpu.memory_space<semaphore_mem>>
            %dma_wait3A_348 = tpu.memref_squeeze %dma_wait3A_347 : memref<1x!tpu.dma_semaphore, #tpu.memory_space<semaphore_mem>> -> memref<!tpu.dma_semaphore, #tpu.memory_space<semaphore_mem>>
            %dma_wait3A_349 = arith.constant 0 : i32
            %dma_wait3A_350 = arith.constant 0 : i32
            %dma_wait3A_351 = tpu.memref_slice %run_scoped3A[%rem3A_341, %dma_wait3A_349, %dma_wait3A_350] : memref<2x1x128xi32, #tpu.memory_space<vmem>> -> memref<1x1x128xi32, #tpu.memory_space<vmem>>
            %dma_wait3A_352 = tpu.memref_squeeze %dma_wait3A_351 : memref<1x1x128xi32, #tpu.memory_space<vmem>> -> memref<1x128xi32, #tpu.memory_space<vmem>>
            %dma_wait3A_353 = arith.constant 0 : i32
            %dma_wait3A_354 = tpu.memref_slice %arg5[%dma_wait3A_353, %mul3A_339] : memref<1x1024xi32, #tpu.memory_space<hbm>> -> memref<1x128xi32, #tpu.memory_space<hbm>>
            tpu.wait_dma2 semaphore(%dma_wait3A_348 : memref<!tpu.dma_semaphore, #tpu.memory_space<semaphore_mem>>) src(%dma_wait3A_354 : memref<1x128xi32, #tpu.memory_space<hbm>>) dst(%dma_wait3A_352 : memref<1x128xi32, #tpu.memory_space<vmem>>)
            "tpu.trace_stop"() : () -> ()
          } else {
          }
          %ne3A_260 = arith.cmpi ne, %add3A_199, %add3A_209 : i32
          %or3A_261 = arith.constant false
          %or3A_262 = arith.ori %or3A_261, %ne3A_260 : i1
          %or3A_263 = arith.constant false
          %or3A_264 = arith.ori %or3A_262, %or3A_263 : i1
          %or3A_265 = arith.ori %or3A_264, %eq3A_195 : i1
          %convert_element_type3A_266 = arith.extui %or3A_265 : i1 to i32
          %cond3A_267 = arith.constant 0 : i32
          %cond3A_268 = arith.cmpi ne, %convert_element_type3A_266, %cond3A_267 : i32
          scf.if %cond3A_268 {
          } else {
          }
          %rem3A_269 = arith.constant 2 : i32
          %rem3A_270 = arith.remui %while3A_188, %rem3A_269 : i32
          %rem3A_271 = arith.constant 2 : i32
          %rem3A_272 = arith.remui %while3A_189, %rem3A_271 : i32
          %run_scoped3A_273 = arith.constant 0 : i32
          "tpu.trace_start"() <{level = 10 : i32, message = "ep_run_kernel"}> : () -> ()
          "tpu.region"() ({
            %run_scoped3A_338 = tpu.sem_alloc : memref<!tpu.dma_semaphore, #tpu.memory_space<semaphore_mem>>
            %dma_start3A_339 = arith.constant 0 : i32
            %dma_start3A_340 = arith.constant 0 : i32
            %dma_start3A_341 = tpu.memref_slice %run_scoped3A_62[%rem3A_272, %dma_start3A_339, %dma_start3A_340] : memref<2x128x128xf32, #tpu.memory_space<vmem>> -> memref<1x128x128xf32, #tpu.memory_space<vmem>>
            %dma_start3A_342 = tpu.memref_squeeze %dma_start3A_341 : memref<1x128x128xf32, #tpu.memory_space<vmem>> -> memref<128x128xf32, #tpu.memory_space<vmem>>
            %dma_start3A_343 = arith.constant 0 : i32
            %dma_start3A_344 = arith.constant 0 : i32
            %dma_start3A_345 = tpu.memref_slice %run_scoped3A[%rem3A_270, %dma_start3A_343, %dma_start3A_344] : memref<2x1x128xi32, #tpu.memory_space<vmem>> -> memref<1x1x128xi32, #tpu.memory_space<vmem>>
            %dma_start3A_346 = tpu.memref_squeeze %dma_start3A_345 : memref<1x1x128xi32, #tpu.memory_space<vmem>> -> memref<1x128xi32, #tpu.memory_space<vmem>>
            %dma_start3A_347 = arith.constant 0 : i32
            %dma_start3A_348 = tpu.memref_slice %dma_start3A_346[%run_scoped3A_273, %dma_start3A_347] : memref<1x128xi32, #tpu.memory_space<vmem>> -> memref<1x128xi32, #tpu.memory_space<vmem>>
            %dma_start3A_349 = tpu.memref_squeeze %dma_start3A_348 : memref<1x128xi32, #tpu.memory_space<vmem>> -> memref<128xi32, #tpu.memory_space<vmem>>
            %dma_start3A_350 = arith.constant 0 : i32
            %dma_start3A_351 = arith.constant 0 : i32
            %dma_start3A_352 = tpu.memref_slice %arg2[%dma_start3A_350, %dma_start3A_351] : memref<100000x128xf32, #tpu.memory_space<hbm>> -> memref<100000x128xf32, #tpu.memory_space<hbm>>
            tpu.enqueue_indirect_dma source(%dma_start3A_352 : memref<100000x128xf32, #tpu.memory_space<hbm>>) target(%dma_start3A_342 : memref<128x128xf32, #tpu.memory_space<vmem>>) offsets(%dma_start3A_349 : memref<128xi32, #tpu.memory_space<vmem>>) semaphore(%run_scoped3A_338 : memref<!tpu.dma_semaphore, #tpu.memory_space<semaphore_mem>>)
            %dma_wait3A = arith.constant 0 : i32
            %dma_wait3A_353 = arith.constant 0 : i32
            %dma_wait3A_354 = tpu.memref_slice %run_scoped3A_62[%rem3A_272, %dma_wait3A, %dma_wait3A_353] : memref<2x128x128xf32, #tpu.memory_space<vmem>> -> memref<1x128x128xf32, #tpu.memory_space<vmem>>
            %dma_wait3A_355 = tpu.memref_squeeze %dma_wait3A_354 : memref<1x128x128xf32, #tpu.memory_space<vmem>> -> memref<128x128xf32, #tpu.memory_space<vmem>>
            %dma_wait3A_356 = arith.constant 0 : i32
            %dma_wait3A_357 = arith.constant 0 : i32
            %dma_wait3A_358 = tpu.memref_slice %run_scoped3A[%rem3A_270, %dma_wait3A_356, %dma_wait3A_357] : memref<2x1x128xi32, #tpu.memory_space<vmem>> -> memref<1x1x128xi32, #tpu.memory_space<vmem>>
            %dma_wait3A_359 = tpu.memref_squeeze %dma_wait3A_358 : memref<1x1x128xi32, #tpu.memory_space<vmem>> -> memref<1x128xi32, #tpu.memory_space<vmem>>
            %dma_wait3A_360 = arith.constant 0 : i32
            %dma_wait3A_361 = tpu.memref_slice %dma_wait3A_359[%run_scoped3A_273, %dma_wait3A_360] : memref<1x128xi32, #tpu.memory_space<vmem>> -> memref<1x128xi32, #tpu.memory_space<vmem>>
            %dma_wait3A_362 = tpu.memref_squeeze %dma_wait3A_361 : memref<1x128xi32, #tpu.memory_space<vmem>> -> memref<128xi32, #tpu.memory_space<vmem>>
            %dma_wait3A_363 = arith.constant 0 : i32
            %dma_wait3A_364 = arith.constant 0 : i32
            %dma_wait3A_365 = tpu.memref_slice %arg2[%dma_wait3A_363, %dma_wait3A_364] : memref<100000x128xf32, #tpu.memory_space<hbm>> -> memref<100000x128xf32, #tpu.memory_space<hbm>>
            tpu.wait_indirect_dma semaphore(%run_scoped3A_338 : memref<!tpu.dma_semaphore, #tpu.memory_space<semaphore_mem>>) src(%dma_wait3A_365 : memref<100000x128xf32, #tpu.memory_space<hbm>>) dst(%dma_wait3A_355 : memref<128x128xf32, #tpu.memory_space<vmem>>)
            tpu.yield
          }) : () -> ()
          "tpu.trace_stop"() : () -> ()
          %ne3A_274 = arith.cmpi ne, %add3A_199, %add3A_217 : i32
          %or3A_275 = arith.constant false
          %or3A_276 = arith.ori %or3A_275, %ne3A_274 : i1
          %or3A_277 = arith.ori %or3A_276, %eq3A_198 : i1
          %convert_element_type3A_278 = arith.extui %or3A_277 : i1 to i32
          %cond3A_279 = arith.constant 0 : i32
          %cond3A_280 = arith.cmpi ne, %convert_element_type3A_278, %cond3A_279 : i32
          scf.if %cond3A_280 {
          } else {
          }
          %and3A_281 = arith.constant false
          %and3A_282 = arith.andi %or3A_277, %and3A_281 : i1
          %ne3A_283 = arith.cmpi ne, %add3A_199, %add3A_217 : i32
          %or3A_284 = arith.constant false
          %or3A_285 = arith.ori %or3A_284, %ne3A_283 : i1
          %or3A_286 = arith.constant false
          %or3A_287 = arith.ori %or3A_285, %or3A_286 : i1
          %or3A_288 = arith.ori %or3A_287, %eq3A_198 : i1
          %convert_element_type3A_289 = arith.extui %or3A_288 : i1 to i32
          %cond3A_290 = arith.constant 0 : i32
          %cond3A_291 = arith.cmpi ne, %convert_element_type3A_289, %cond3A_290 : i32
          scf.if %cond3A_291 {
            "tpu.trace_start"() <{level = 10 : i32, message = "ep_copy_out"}> : () -> ()
            %rem3A_338 = arith.constant 2 : i32
            %rem3A_339 = arith.remui %while3A_189, %rem3A_338 : i32
            %mul3A_340 = arith.constant 128 : i32
            %mul3A_341 = arith.muli %mul3A_340, %add3A_199 : i32
            %dma_start3A_342 = arith.constant 0 : i32
            %dma_start3A_343 = arith.constant 0 : i32
            %dma_start3A_344 = tpu.memref_slice %run_scoped3A_62[%rem3A_339, %dma_start3A_342, %dma_start3A_343] : memref<2x128x128xf32, #tpu.memory_space<vmem>> -> memref<1x128x128xf32, #tpu.memory_space<vmem>>
            %dma_start3A_345 = tpu.memref_squeeze %dma_start3A_344 : memref<1x128x128xf32, #tpu.memory_space<vmem>> -> memref<128x128xf32, #tpu.memory_space<vmem>>
            %dma_start3A_346 = arith.constant 0 : i32
            %dma_start3A_347 = tpu.memref_slice %arg6[%mul3A_341, %dma_start3A_346] : memref<1024x128xf32, #tpu.memory_space<hbm>> -> memref<128x128xf32, #tpu.memory_space<hbm>>
            %dma_start3A_348 = tpu.memref_slice %run_scoped3A_63[%rem3A_339] : memref<2x!tpu.dma_semaphore, #tpu.memory_space<semaphore_mem>> -> memref<1x!tpu.dma_semaphore, #tpu.memory_space<semaphore_mem>>
            %dma_start3A_349 = tpu.memref_squeeze %dma_start3A_348 : memref<1x!tpu.dma_semaphore, #tpu.memory_space<semaphore_mem>> -> memref<!tpu.dma_semaphore, #tpu.memory_space<semaphore_mem>>
            %dma_start3A_350 = arith.constant 0 : i32
            %dma_start3A_351 = tpu.memref_slice %arg6[%mul3A_341, %dma_start3A_350] : memref<1024x128xf32, #tpu.memory_space<hbm>> -> memref<128x128xf32, #tpu.memory_space<hbm>>
            %dma_start3A_352 = arith.constant 0 : i32
            %dma_start3A_353 = arith.constant 0 : i32
            %dma_start3A_354 = tpu.memref_slice %run_scoped3A_62[%rem3A_339, %dma_start3A_352, %dma_start3A_353] : memref<2x128x128xf32, #tpu.memory_space<vmem>> -> memref<1x128x128xf32, #tpu.memory_space<vmem>>
            %dma_start3A_355 = tpu.memref_squeeze %dma_start3A_354 : memref<1x128x128xf32, #tpu.memory_space<vmem>> -> memref<128x128xf32, #tpu.memory_space<vmem>>
            tpu.enqueue_dma source(%dma_start3A_355 : memref<128x128xf32, #tpu.memory_space<vmem>>) target(%dma_start3A_351 : memref<128x128xf32, #tpu.memory_space<hbm>>) target_semaphore(%dma_start3A_349 : memref<!tpu.dma_semaphore, #tpu.memory_space<semaphore_mem>>)
            "tpu.trace_stop"() : () -> ()
          } else {
          }
          %and3A_292 = arith.constant true
          %and3A_293 = arith.andi %or3A_288, %and3A_292 : i1
          %add3A_294 = arith.constant 1 : i32
          %add3A_295 = arith.addi %while3A_189, %add3A_294 : i32
          %select_n3A_296 = arith.select %and3A_293, %add3A_295, %while3A_189 : i32
          %ne3A_297 = arith.cmpi ne, %add3A_199, %add3A_209 : i32
          %or3A_298 = arith.constant false
          %or3A_299 = arith.ori %or3A_298, %ne3A_297 : i1
          %not3A_300 = arith.constant true
          %not3A_301 = arith.xori %eq3A_195, %not3A_300 : i1
          %and3A_302 = arith.andi %or3A_299, %not3A_301 : i1
          %convert_element_type3A_303 = arith.extui %and3A_302 : i1 to i32
          %cond3A_304 = arith.constant 0 : i32
          %cond3A_305 = arith.cmpi ne, %convert_element_type3A_303, %cond3A_304 : i32
          scf.if %cond3A_305 {
          } else {
          }
          %and3A_306 = arith.constant false
          %and3A_307 = arith.andi %and3A_302, %and3A_306 : i1
          %ne3A_308 = arith.cmpi ne, %add3A_199, %add3A_209 : i32
          %or3A_309 = arith.constant false
          %or3A_310 = arith.ori %or3A_309, %ne3A_308 : i1
          %or3A_311 = arith.constant false
          %or3A_312 = arith.ori %or3A_310, %or3A_311 : i1
          %not3A_313 = arith.constant true
          %not3A_314 = arith.xori %eq3A_195, %not3A_313 : i1
          %and3A_315 = arith.andi %or3A_312, %not3A_314 : i1
          %convert_element_type3A_316 = arith.extui %and3A_315 : i1 to i32
          %cond3A_317 = arith.constant 0 : i32
          %cond3A_318 = arith.cmpi ne, %convert_element_type3A_316, %cond3A_317 : i32
          scf.if %cond3A_318 {
            "tpu.trace_start"() <{level = 10 : i32, message = "ep_wait_out"}> : () -> ()
            %rem3A_338 = arith.constant 2 : i32
            %rem3A_339 = arith.remui %while3A_190, %rem3A_338 : i32
            %mul3A_340 = arith.constant 128 : i32
            %mul3A_341 = arith.muli %mul3A_340, %add3A_209 : i32
            %dma_wait3A = arith.constant 0 : i32
            %dma_wait3A_342 = arith.constant 0 : i32
            %dma_wait3A_343 = tpu.memref_slice %run_scoped3A_62[%rem3A_339, %dma_wait3A, %dma_wait3A_342] : memref<2x128x128xf32, #tpu.memory_space<vmem>> -> memref<1x128x128xf32, #tpu.memory_space<vmem>>
            %dma_wait3A_344 = tpu.memref_squeeze %dma_wait3A_343 : memref<1x128x128xf32, #tpu.memory_space<vmem>> -> memref<128x128xf32, #tpu.memory_space<vmem>>
            %dma_wait3A_345 = arith.constant 0 : i32
            %dma_wait3A_346 = tpu.memref_slice %arg6[%mul3A_341, %dma_wait3A_345] : memref<1024x128xf32, #tpu.memory_space<hbm>> -> memref<128x128xf32, #tpu.memory_space<hbm>>
            %dma_wait3A_347 = tpu.memref_slice %run_scoped3A_63[%rem3A_339] : memref<2x!tpu.dma_semaphore, #tpu.memory_space<semaphore_mem>> -> memref<1x!tpu.dma_semaphore, #tpu.memory_space<semaphore_mem>>
            %dma_wait3A_348 = tpu.memref_squeeze %dma_wait3A_347 : memref<1x!tpu.dma_semaphore, #tpu.memory_space<semaphore_mem>> -> memref<!tpu.dma_semaphore, #tpu.memory_space<semaphore_mem>>
            %dma_wait3A_349 = arith.constant 0 : i32
            %dma_wait3A_350 = tpu.memref_slice %arg6[%mul3A_341, %dma_wait3A_349] : memref<1024x128xf32, #tpu.memory_space<hbm>> -> memref<128x128xf32, #tpu.memory_space<hbm>>
            %dma_wait3A_351 = arith.constant 0 : i32
            %dma_wait3A_352 = arith.constant 0 : i32
            %dma_wait3A_353 = tpu.memref_slice %run_scoped3A_62[%rem3A_339, %dma_wait3A_351, %dma_wait3A_352] : memref<2x128x128xf32, #tpu.memory_space<vmem>> -> memref<1x128x128xf32, #tpu.memory_space<vmem>>
            %dma_wait3A_354 = tpu.memref_squeeze %dma_wait3A_353 : memref<1x128x128xf32, #tpu.memory_space<vmem>> -> memref<128x128xf32, #tpu.memory_space<vmem>>
            tpu.wait_dma2 semaphore(%dma_wait3A_348 : memref<!tpu.dma_semaphore, #tpu.memory_space<semaphore_mem>>) src(%dma_wait3A_354 : memref<128x128xf32, #tpu.memory_space<vmem>>) dst(%dma_wait3A_350 : memref<128x128xf32, #tpu.memory_space<hbm>>)
            "tpu.trace_stop"() : () -> ()
          } else {
          }
          %and3A_319 = arith.constant true
          %and3A_320 = arith.andi %and3A_315, %and3A_319 : i1
          %add3A_321 = arith.constant 1 : i32
          %add3A_322 = arith.addi %while3A_190, %add3A_321 : i32
          %select_n3A_323 = arith.select %and3A_320, %add3A_322, %while3A_190 : i32
          %ne3A_324 = arith.cmpi ne, %add3A_199, %add3A_217 : i32
          %or3A_325 = arith.constant false
          %or3A_326 = arith.ori %or3A_325, %ne3A_324 : i1
          %or3A_327 = arith.ori %or3A_326, %eq3A_198 : i1
          %add3A_328 = arith.constant 1 : i32
          %add3A_329 = arith.addi %while3A_188, %add3A_328 : i32
          %select_n3A_330 = arith.select %or3A_327, %add3A_329, %while3A_188 : i32
          %add3A_331 = arith.constant 1 : i32
          %add3A_332 = arith.addi %while3A_191, %add3A_331 : i32
          %select_n3A_333 = arith.constant true
          %select_n3A_334 = arith.select %select_n3A_333, %add3A_332, %while3A_191 : i32
          %eq3A_335 = arith.cmpi eq, %select_n3A_334, %select_n3A : i32
          %select_n3A_336 = arith.constant 0 : i32
          %select_n3A_337 = arith.select %eq3A_335, %select_n3A_336, %select_n3A_334 : i32
          scf.yield %select_n3A_239, %select_n3A_330, %select_n3A_296, %select_n3A_323, %select_n3A_337 : i32, i32, i32, i32, i32
        }
        %while3A_133 = arith.constant 1 : i32
        %while3A_134:5 = scf.for %while3A_186 = %while3A_130 to %while3A_126 step %while3A_133 iter_args(%while3A_187 = %while3A_132#0, %while3A_188 = %while3A_132#1, %while3A_189 = %while3A_132#2, %while3A_190 = %while3A_132#3, %while3A_191 = %while3A_132#4) -> (i32, i32, i32, i32, i32)  : i32 {
          %mul3A_192 = arith.constant 1 : i32
          %mul3A_193 = arith.muli %mul3A_192, %select_n3A : i32
          %eq3A_194 = arith.constant 0 : i32
          %eq3A_195 = arith.cmpi eq, %while3A_186, %eq3A_194 : i32
          %sub3A_196 = arith.constant 1 : i32
          %sub3A_197 = arith.subi %mul3A_193, %sub3A_196 : i32
          %eq3A_198 = arith.cmpi eq, %while3A_186, %sub3A_197 : i32
          %add3A_199 = arith.addi %while3A_191, %select_n3A_14 : i32
          %sub3A_200 = arith.constant 1 : i32
          %sub3A_201 = arith.subi %while3A_191, %sub3A_200 : i32
          %select_n3A_202 = arith.constant true
          %select_n3A_203 = arith.select %select_n3A_202, %sub3A_201, %while3A_191 : i32
          %eq3A_204 = arith.constant -1 : i32
          %eq3A_205 = arith.cmpi eq, %select_n3A_203, %eq3A_204 : i32
          %sub3A_206 = arith.constant 1 : i32
          %sub3A_207 = arith.subi %select_n3A, %sub3A_206 : i32
          %select_n3A_208 = arith.select %eq3A_205, %sub3A_207, %select_n3A_203 : i32
          %add3A_209 = arith.addi %select_n3A_208, %select_n3A_14 : i32
          %add3A_210 = arith.constant 1 : i32
          %add3A_211 = arith.addi %while3A_191, %add3A_210 : i32
          %select_n3A_212 = arith.constant true
          %select_n3A_213 = arith.select %select_n3A_212, %add3A_211, %while3A_191 : i32
          %eq3A_214 = arith.cmpi eq, %select_n3A_213, %select_n3A : i32
          %select_n3A_215 = arith.constant 0 : i32
          %select_n3A_216 = arith.select %eq3A_214, %select_n3A_215, %select_n3A_213 : i32
          %add3A_217 = arith.addi %select_n3A_216, %select_n3A_14 : i32
          %add3A_218 = arith.constant 1 : i32
          %add3A_219 = arith.addi %select_n3A_216, %add3A_218 : i32
          %select_n3A_220 = arith.constant true
          %select_n3A_221 = arith.select %select_n3A_220, %add3A_219, %select_n3A_216 : i32
          %eq3A_222 = arith.cmpi eq, %select_n3A_221, %select_n3A : i32
          %select_n3A_223 = arith.constant 0 : i32
          %select_n3A_224 = arith.select %eq3A_222, %select_n3A_223, %select_n3A_221 : i32
          %add3A_225 = arith.addi %select_n3A_224, %select_n3A_14 : i32
          %ne3A = arith.cmpi ne, %add3A_199, %add3A_217 : i32
          %or3A = arith.constant false
          %or3A_226 = arith.ori %or3A, %ne3A : i1
          %sub3A_227 = arith.constant 2 : i32
          %sub3A_228 = arith.subi %mul3A_193, %sub3A_227 : i32
          %add3A_229 = arith.constant 1 : i32
          %add3A_230 = arith.addi %sub3A_228, %add3A_229 : i32
          %ge3A = arith.cmpi sge, %while3A_186, %add3A_230 : i32
          %not3A = arith.constant true
          %not3A_231 = arith.xori %ge3A, %not3A : i1
          %and3A = arith.andi %or3A_226, %not3A_231 : i1
          %convert_element_type3A_232 = arith.extui %and3A : i1 to i32
          %cond3A_233 = arith.constant 0 : i32
          %cond3A_234 = arith.cmpi ne, %convert_element_type3A_232, %cond3A_233 : i32
          scf.if %cond3A_234 {
            "tpu.trace_start"() <{level = 10 : i32, message = "ep_copy_in"}> : () -> ()
            %rem3A_338 = arith.constant 2 : i32
            %rem3A_339 = arith.remui %while3A_187, %rem3A_338 : i32
            %mul3A_340 = arith.constant 128 : i32
            %mul3A_341 = arith.muli %mul3A_340, %add3A_217 : i32
            %dma_start3A_342 = arith.constant 0 : i32
            %dma_start3A_343 = arith.constant 0 : i32
            %dma_start3A_344 = tpu.memref_slice %run_scoped3A[%rem3A_339, %dma_start3A_342, %dma_start3A_343] : memref<2x1x128xi32, #tpu.memory_space<vmem>> -> memref<1x1x128xi32, #tpu.memory_space<vmem>>
            %dma_start3A_345 = tpu.memref_squeeze %dma_start3A_344 : memref<1x1x128xi32, #tpu.memory_space<vmem>> -> memref<1x128xi32, #tpu.memory_space<vmem>>
            %dma_start3A_346 = arith.constant 0 : i32
            %dma_start3A_347 = tpu.memref_slice %arg5[%dma_start3A_346, %mul3A_341] : memref<1x1024xi32, #tpu.memory_space<hbm>> -> memref<1x128xi32, #tpu.memory_space<hbm>>
            %dma_start3A_348 = tpu.memref_slice %run_scoped3A_61[%rem3A_339] : memref<2x!tpu.dma_semaphore, #tpu.memory_space<semaphore_mem>> -> memref<1x!tpu.dma_semaphore, #tpu.memory_space<semaphore_mem>>
            %dma_start3A_349 = tpu.memref_squeeze %dma_start3A_348 : memref<1x!tpu.dma_semaphore, #tpu.memory_space<semaphore_mem>> -> memref<!tpu.dma_semaphore, #tpu.memory_space<semaphore_mem>>
            %dma_start3A_350 = arith.constant 0 : i32
            %dma_start3A_351 = arith.constant 0 : i32
            %dma_start3A_352 = tpu.memref_slice %run_scoped3A[%rem3A_339, %dma_start3A_350, %dma_start3A_351] : memref<2x1x128xi32, #tpu.memory_space<vmem>> -> memref<1x1x128xi32, #tpu.memory_space<vmem>>
            %dma_start3A_353 = tpu.memref_squeeze %dma_start3A_352 : memref<1x1x128xi32, #tpu.memory_space<vmem>> -> memref<1x128xi32, #tpu.memory_space<vmem>>
            %dma_start3A_354 = arith.constant 0 : i32
            %dma_start3A_355 = tpu.memref_slice %arg5[%dma_start3A_354, %mul3A_341] : memref<1x1024xi32, #tpu.memory_space<hbm>> -> memref<1x128xi32, #tpu.memory_space<hbm>>
            tpu.enqueue_dma source(%dma_start3A_355 : memref<1x128xi32, #tpu.memory_space<hbm>>) target(%dma_start3A_353 : memref<1x128xi32, #tpu.memory_space<vmem>>) target_semaphore(%dma_start3A_349 : memref<!tpu.dma_semaphore, #tpu.memory_space<semaphore_mem>>)
            "tpu.trace_stop"() : () -> ()
          } else {
          }
          %and3A_235 = arith.constant true
          %and3A_236 = arith.andi %and3A, %and3A_235 : i1
          %add3A_237 = arith.constant 1 : i32
          %add3A_238 = arith.addi %while3A_187, %add3A_237 : i32
          %select_n3A_239 = arith.select %and3A_236, %add3A_238, %while3A_187 : i32
          %ne3A_240 = arith.cmpi ne, %add3A_199, %add3A_217 : i32
          %or3A_241 = arith.constant false
          %or3A_242 = arith.ori %or3A_241, %ne3A_240 : i1
          %or3A_243 = arith.constant false
          %or3A_244 = arith.ori %or3A_242, %or3A_243 : i1
          %sub3A_245 = arith.constant 2 : i32
          %sub3A_246 = arith.subi %mul3A_193, %sub3A_245 : i32
          %add3A_247 = arith.constant 1 : i32
          %add3A_248 = arith.addi %sub3A_246, %add3A_247 : i32
          %ge3A_249 = arith.cmpi sge, %while3A_186, %add3A_248 : i32
          %not3A_250 = arith.constant true
          %not3A_251 = arith.xori %ge3A_249, %not3A_250 : i1
          %and3A_252 = arith.andi %or3A_244, %not3A_251 : i1
          %ne3A_253 = arith.cmpi ne, %add3A_199, %add3A_209 : i32
          %or3A_254 = arith.constant false
          %or3A_255 = arith.ori %or3A_254, %ne3A_253 : i1
          %or3A_256 = arith.ori %or3A_255, %eq3A_195 : i1
          %convert_element_type3A_257 = arith.extui %or3A_256 : i1 to i32
          %cond3A_258 = arith.constant 0 : i32
          %cond3A_259 = arith.cmpi ne, %convert_element_type3A_257, %cond3A_258 : i32
          scf.if %cond3A_259 {
            "tpu.trace_start"() <{level = 10 : i32, message = "ep_wait_in"}> : () -> ()
            %mul3A_338 = arith.constant 128 : i32
            %mul3A_339 = arith.muli %mul3A_338, %add3A_199 : i32
            %rem3A_340 = arith.constant 2 : i32
            %rem3A_341 = arith.remui %while3A_188, %rem3A_340 : i32
            %dma_wait3A = arith.constant 0 : i32
            %dma_wait3A_342 = arith.constant 0 : i32
            %dma_wait3A_343 = tpu.memref_slice %run_scoped3A[%rem3A_341, %dma_wait3A, %dma_wait3A_342] : memref<2x1x128xi32, #tpu.memory_space<vmem>> -> memref<1x1x128xi32, #tpu.memory_space<vmem>>
            %dma_wait3A_344 = tpu.memref_squeeze %dma_wait3A_343 : memref<1x1x128xi32, #tpu.memory_space<vmem>> -> memref<1x128xi32, #tpu.memory_space<vmem>>
            %dma_wait3A_345 = arith.constant 0 : i32
            %dma_wait3A_346 = tpu.memref_slice %arg5[%dma_wait3A_345, %mul3A_339] : memref<1x1024xi32, #tpu.memory_space<hbm>> -> memref<1x128xi32, #tpu.memory_space<hbm>>
            %dma_wait3A_347 = tpu.memref_slice %run_scoped3A_61[%rem3A_341] : memref<2x!tpu.dma_semaphore, #tpu.memory_space<semaphore_mem>> -> memref<1x!tpu.dma_semaphore, #tpu.memory_space<semaphore_mem>>
            %dma_wait3A_348 = tpu.memref_squeeze %dma_wait3A_347 : memref<1x!tpu.dma_semaphore, #tpu.memory_space<semaphore_mem>> -> memref<!tpu.dma_semaphore, #tpu.memory_space<semaphore_mem>>
            %dma_wait3A_349 = arith.constant 0 : i32
            %dma_wait3A_350 = arith.constant 0 : i32
            %dma_wait3A_351 = tpu.memref_slice %run_scoped3A[%rem3A_341, %dma_wait3A_349, %dma_wait3A_350] : memref<2x1x128xi32, #tpu.memory_space<vmem>> -> memref<1x1x128xi32, #tpu.memory_space<vmem>>
            %dma_wait3A_352 = tpu.memref_squeeze %dma_wait3A_351 : memref<1x1x128xi32, #tpu.memory_space<vmem>> -> memref<1x128xi32, #tpu.memory_space<vmem>>
            %dma_wait3A_353 = arith.constant 0 : i32
            %dma_wait3A_354 = tpu.memref_slice %arg5[%dma_wait3A_353, %mul3A_339] : memref<1x1024xi32, #tpu.memory_space<hbm>> -> memref<1x128xi32, #tpu.memory_space<hbm>>
            tpu.wait_dma2 semaphore(%dma_wait3A_348 : memref<!tpu.dma_semaphore, #tpu.memory_space<semaphore_mem>>) src(%dma_wait3A_354 : memref<1x128xi32, #tpu.memory_space<hbm>>) dst(%dma_wait3A_352 : memref<1x128xi32, #tpu.memory_space<vmem>>)
            "tpu.trace_stop"() : () -> ()
          } else {
          }
          %ne3A_260 = arith.cmpi ne, %add3A_199, %add3A_209 : i32
          %or3A_261 = arith.constant false
          %or3A_262 = arith.ori %or3A_261, %ne3A_260 : i1
          %or3A_263 = arith.constant false
          %or3A_264 = arith.ori %or3A_262, %or3A_263 : i1
          %or3A_265 = arith.ori %or3A_264, %eq3A_195 : i1
          %convert_element_type3A_266 = arith.extui %or3A_265 : i1 to i32
          %cond3A_267 = arith.constant 0 : i32
          %cond3A_268 = arith.cmpi ne, %convert_element_type3A_266, %cond3A_267 : i32
          scf.if %cond3A_268 {
          } else {
          }
          %rem3A_269 = arith.constant 2 : i32
          %rem3A_270 = arith.remui %while3A_188, %rem3A_269 : i32
          %rem3A_271 = arith.constant 2 : i32
          %rem3A_272 = arith.remui %while3A_189, %rem3A_271 : i32
          %run_scoped3A_273 = arith.constant 0 : i32
          "tpu.trace_start"() <{level = 10 : i32, message = "ep_run_kernel"}> : () -> ()
          "tpu.region"() ({
            %run_scoped3A_338 = tpu.sem_alloc : memref<!tpu.dma_semaphore, #tpu.memory_space<semaphore_mem>>
            %dma_start3A_339 = arith.constant 0 : i32
            %dma_start3A_340 = arith.constant 0 : i32
            %dma_start3A_341 = tpu.memref_slice %run_scoped3A_62[%rem3A_272, %dma_start3A_339, %dma_start3A_340] : memref<2x128x128xf32, #tpu.memory_space<vmem>> -> memref<1x128x128xf32, #tpu.memory_space<vmem>>
            %dma_start3A_342 = tpu.memref_squeeze %dma_start3A_341 : memref<1x128x128xf32, #tpu.memory_space<vmem>> -> memref<128x128xf32, #tpu.memory_space<vmem>>
            %dma_start3A_343 = arith.constant 0 : i32
            %dma_start3A_344 = arith.constant 0 : i32
            %dma_start3A_345 = tpu.memref_slice %run_scoped3A[%rem3A_270, %dma_start3A_343, %dma_start3A_344] : memref<2x1x128xi32, #tpu.memory_space<vmem>> -> memref<1x1x128xi32, #tpu.memory_space<vmem>>
            %dma_start3A_346 = tpu.memref_squeeze %dma_start3A_345 : memref<1x1x128xi32, #tpu.memory_space<vmem>> -> memref<1x128xi32, #tpu.memory_space<vmem>>
            %dma_start3A_347 = arith.constant 0 : i32
            %dma_start3A_348 = tpu.memref_slice %dma_start3A_346[%run_scoped3A_273, %dma_start3A_347] : memref<1x128xi32, #tpu.memory_space<vmem>> -> memref<1x128xi32, #tpu.memory_space<vmem>>
            %dma_start3A_349 = tpu.memref_squeeze %dma_start3A_348 : memref<1x128xi32, #tpu.memory_space<vmem>> -> memref<128xi32, #tpu.memory_space<vmem>>
            %dma_start3A_350 = arith.constant 0 : i32
            %dma_start3A_351 = arith.constant 0 : i32
            %dma_start3A_352 = tpu.memref_slice %arg2[%dma_start3A_350, %dma_start3A_351] : memref<100000x128xf32, #tpu.memory_space<hbm>> -> memref<100000x128xf32, #tpu.memory_space<hbm>>
            tpu.enqueue_indirect_dma source(%dma_start3A_352 : memref<100000x128xf32, #tpu.memory_space<hbm>>) target(%dma_start3A_342 : memref<128x128xf32, #tpu.memory_space<vmem>>) offsets(%dma_start3A_349 : memref<128xi32, #tpu.memory_space<vmem>>) semaphore(%run_scoped3A_338 : memref<!tpu.dma_semaphore, #tpu.memory_space<semaphore_mem>>)
            %dma_wait3A = arith.constant 0 : i32
            %dma_wait3A_353 = arith.constant 0 : i32
            %dma_wait3A_354 = tpu.memref_slice %run_scoped3A_62[%rem3A_272, %dma_wait3A, %dma_wait3A_353] : memref<2x128x128xf32, #tpu.memory_space<vmem>> -> memref<1x128x128xf32, #tpu.memory_space<vmem>>
            %dma_wait3A_355 = tpu.memref_squeeze %dma_wait3A_354 : memref<1x128x128xf32, #tpu.memory_space<vmem>> -> memref<128x128xf32, #tpu.memory_space<vmem>>
            %dma_wait3A_356 = arith.constant 0 : i32
            %dma_wait3A_357 = arith.constant 0 : i32
            %dma_wait3A_358 = tpu.memref_slice %run_scoped3A[%rem3A_270, %dma_wait3A_356, %dma_wait3A_357] : memref<2x1x128xi32, #tpu.memory_space<vmem>> -> memref<1x1x128xi32, #tpu.memory_space<vmem>>
            %dma_wait3A_359 = tpu.memref_squeeze %dma_wait3A_358 : memref<1x1x128xi32, #tpu.memory_space<vmem>> -> memref<1x128xi32, #tpu.memory_space<vmem>>
            %dma_wait3A_360 = arith.constant 0 : i32
            %dma_wait3A_361 = tpu.memref_slice %dma_wait3A_359[%run_scoped3A_273, %dma_wait3A_360] : memref<1x128xi32, #tpu.memory_space<vmem>> -> memref<1x128xi32, #tpu.memory_space<vmem>>
            %dma_wait3A_362 = tpu.memref_squeeze %dma_wait3A_361 : memref<1x128xi32, #tpu.memory_space<vmem>> -> memref<128xi32, #tpu.memory_space<vmem>>
            %dma_wait3A_363 = arith.constant 0 : i32
            %dma_wait3A_364 = arith.constant 0 : i32
            %dma_wait3A_365 = tpu.memref_slice %arg2[%dma_wait3A_363, %dma_wait3A_364] : memref<100000x128xf32, #tpu.memory_space<hbm>> -> memref<100000x128xf32, #tpu.memory_space<hbm>>
            tpu.wait_indirect_dma semaphore(%run_scoped3A_338 : memref<!tpu.dma_semaphore, #tpu.memory_space<semaphore_mem>>) src(%dma_wait3A_365 : memref<100000x128xf32, #tpu.memory_space<hbm>>) dst(%dma_wait3A_355 : memref<128x128xf32, #tpu.memory_space<vmem>>)
            tpu.yield
          }) : () -> ()
          "tpu.trace_stop"() : () -> ()
          %ne3A_274 = arith.cmpi ne, %add3A_199, %add3A_217 : i32
          %or3A_275 = arith.constant false
          %or3A_276 = arith.ori %or3A_275, %ne3A_274 : i1
          %or3A_277 = arith.ori %or3A_276, %eq3A_198 : i1
          %convert_element_type3A_278 = arith.extui %or3A_277 : i1 to i32
          %cond3A_279 = arith.constant 0 : i32
          %cond3A_280 = arith.cmpi ne, %convert_element_type3A_278, %cond3A_279 : i32
          scf.if %cond3A_280 {
          } else {
          }
          %and3A_281 = arith.constant false
          %and3A_282 = arith.andi %or3A_277, %and3A_281 : i1
          %ne3A_283 = arith.cmpi ne, %add3A_199, %add3A_217 : i32
          %or3A_284 = arith.constant false
          %or3A_285 = arith.ori %or3A_284, %ne3A_283 : i1
          %or3A_286 = arith.constant false
          %or3A_287 = arith.ori %or3A_285, %or3A_286 : i1
          %or3A_288 = arith.ori %or3A_287, %eq3A_198 : i1
          %convert_element_type3A_289 = arith.extui %or3A_288 : i1 to i32
          %cond3A_290 = arith.constant 0 : i32
          %cond3A_291 = arith.cmpi ne, %convert_element_type3A_289, %cond3A_290 : i32
          scf.if %cond3A_291 {
            "tpu.trace_start"() <{level = 10 : i32, message = "ep_copy_out"}> : () -> ()
            %rem3A_338 = arith.constant 2 : i32
            %rem3A_339 = arith.remui %while3A_189, %rem3A_338 : i32
            %mul3A_340 = arith.constant 128 : i32
            %mul3A_341 = arith.muli %mul3A_340, %add3A_199 : i32
            %dma_start3A_342 = arith.constant 0 : i32
            %dma_start3A_343 = arith.constant 0 : i32
            %dma_start3A_344 = tpu.memref_slice %run_scoped3A_62[%rem3A_339, %dma_start3A_342, %dma_start3A_343] : memref<2x128x128xf32, #tpu.memory_space<vmem>> -> memref<1x128x128xf32, #tpu.memory_space<vmem>>
            %dma_start3A_345 = tpu.memref_squeeze %dma_start3A_344 : memref<1x128x128xf32, #tpu.memory_space<vmem>> -> memref<128x128xf32, #tpu.memory_space<vmem>>
            %dma_start3A_346 = arith.constant 0 : i32
            %dma_start3A_347 = tpu.memref_slice %arg6[%mul3A_341, %dma_start3A_346] : memref<1024x128xf32, #tpu.memory_space<hbm>> -> memref<128x128xf32, #tpu.memory_space<hbm>>
            %dma_start3A_348 = tpu.memref_slice %run_scoped3A_63[%rem3A_339] : memref<2x!tpu.dma_semaphore, #tpu.memory_space<semaphore_mem>> -> memref<1x!tpu.dma_semaphore, #tpu.memory_space<semaphore_mem>>
            %dma_start3A_349 = tpu.memref_squeeze %dma_start3A_348 : memref<1x!tpu.dma_semaphore, #tpu.memory_space<semaphore_mem>> -> memref<!tpu.dma_semaphore, #tpu.memory_space<semaphore_mem>>
            %dma_start3A_350 = arith.constant 0 : i32
            %dma_start3A_351 = tpu.memref_slice %arg6[%mul3A_341, %dma_start3A_350] : memref<1024x128xf32, #tpu.memory_space<hbm>> -> memref<128x128xf32, #tpu.memory_space<hbm>>
            %dma_start3A_352 = arith.constant 0 : i32
            %dma_start3A_353 = arith.constant 0 : i32
            %dma_start3A_354 = tpu.memref_slice %run_scoped3A_62[%rem3A_339, %dma_start3A_352, %dma_start3A_353] : memref<2x128x128xf32, #tpu.memory_space<vmem>> -> memref<1x128x128xf32, #tpu.memory_space<vmem>>
            %dma_start3A_355 = tpu.memref_squeeze %dma_start3A_354 : memref<1x128x128xf32, #tpu.memory_space<vmem>> -> memref<128x128xf32, #tpu.memory_space<vmem>>
            tpu.enqueue_dma source(%dma_start3A_355 : memref<128x128xf32, #tpu.memory_space<vmem>>) target(%dma_start3A_351 : memref<128x128xf32, #tpu.memory_space<hbm>>) target_semaphore(%dma_start3A_349 : memref<!tpu.dma_semaphore, #tpu.memory_space<semaphore_mem>>)
            "tpu.trace_stop"() : () -> ()
          } else {
          }
          %and3A_292 = arith.constant true
          %and3A_293 = arith.andi %or3A_288, %and3A_292 : i1
          %add3A_294 = arith.constant 1 : i32
          %add3A_295 = arith.addi %while3A_189, %add3A_294 : i32
          %select_n3A_296 = arith.select %and3A_293, %add3A_295, %while3A_189 : i32
          %ne3A_297 = arith.cmpi ne, %add3A_199, %add3A_209 : i32
          %or3A_298 = arith.constant false
          %or3A_299 = arith.ori %or3A_298, %ne3A_297 : i1
          %not3A_300 = arith.constant true
          %not3A_301 = arith.xori %eq3A_195, %not3A_300 : i1
          %and3A_302 = arith.andi %or3A_299, %not3A_301 : i1
          %convert_element_type3A_303 = arith.extui %and3A_302 : i1 to i32
          %cond3A_304 = arith.constant 0 : i32
          %cond3A_305 = arith.cmpi ne, %convert_element_type3A_303, %cond3A_304 : i32
          scf.if %cond3A_305 {
          } else {
          }
          %and3A_306 = arith.constant false
          %and3A_307 = arith.andi %and3A_302, %and3A_306 : i1
          %ne3A_308 = arith.cmpi ne, %add3A_199, %add3A_209 : i32
          %or3A_309 = arith.constant false
          %or3A_310 = arith.ori %or3A_309, %ne3A_308 : i1
          %or3A_311 = arith.constant false
          %or3A_312 = arith.ori %or3A_310, %or3A_311 : i1
          %not3A_313 = arith.constant true
          %not3A_314 = arith.xori %eq3A_195, %not3A_313 : i1
          %and3A_315 = arith.andi %or3A_312, %not3A_314 : i1
          %convert_element_type3A_316 = arith.extui %and3A_315 : i1 to i32
          %cond3A_317 = arith.constant 0 : i32
          %cond3A_318 = arith.cmpi ne, %convert_element_type3A_316, %cond3A_317 : i32
          scf.if %cond3A_318 {
            "tpu.trace_start"() <{level = 10 : i32, message = "ep_wait_out"}> : () -> ()
            %rem3A_338 = arith.constant 2 : i32
            %rem3A_339 = arith.remui %while3A_190, %rem3A_338 : i32
            %mul3A_340 = arith.constant 128 : i32
            %mul3A_341 = arith.muli %mul3A_340, %add3A_209 : i32
            %dma_wait3A = arith.constant 0 : i32
            %dma_wait3A_342 = arith.constant 0 : i32
            %dma_wait3A_343 = tpu.memref_slice %run_scoped3A_62[%rem3A_339, %dma_wait3A, %dma_wait3A_342] : memref<2x128x128xf32, #tpu.memory_space<vmem>> -> memref<1x128x128xf32, #tpu.memory_space<vmem>>
            %dma_wait3A_344 = tpu.memref_squeeze %dma_wait3A_343 : memref<1x128x128xf32, #tpu.memory_space<vmem>> -> memref<128x128xf32, #tpu.memory_space<vmem>>
            %dma_wait3A_345 = arith.constant 0 : i32
            %dma_wait3A_346 = tpu.memref_slice %arg6[%mul3A_341, %dma_wait3A_345] : memref<1024x128xf32, #tpu.memory_space<hbm>> -> memref<128x128xf32, #tpu.memory_space<hbm>>
            %dma_wait3A_347 = tpu.memref_slice %run_scoped3A_63[%rem3A_339] : memref<2x!tpu.dma_semaphore, #tpu.memory_space<semaphore_mem>> -> memref<1x!tpu.dma_semaphore, #tpu.memory_space<semaphore_mem>>
            %dma_wait3A_348 = tpu.memref_squeeze %dma_wait3A_347 : memref<1x!tpu.dma_semaphore, #tpu.memory_space<semaphore_mem>> -> memref<!tpu.dma_semaphore, #tpu.memory_space<semaphore_mem>>
            %dma_wait3A_349 = arith.constant 0 : i32
            %dma_wait3A_350 = tpu.memref_slice %arg6[%mul3A_341, %dma_wait3A_349] : memref<1024x128xf32, #tpu.memory_space<hbm>> -> memref<128x128xf32, #tpu.memory_space<hbm>>
            %dma_wait3A_351 = arith.constant 0 : i32
            %dma_wait3A_352 = arith.constant 0 : i32
            %dma_wait3A_353 = tpu.memref_slice %run_scoped3A_62[%rem3A_339, %dma_wait3A_351, %dma_wait3A_352] : memref<2x128x128xf32, #tpu.memory_space<vmem>> -> memref<1x128x128xf32, #tpu.memory_space<vmem>>
            %dma_wait3A_354 = tpu.memref_squeeze %dma_wait3A_353 : memref<1x128x128xf32, #tpu.memory_space<vmem>> -> memref<128x128xf32, #tpu.memory_space<vmem>>
            tpu.wait_dma2 semaphore(%dma_wait3A_348 : memref<!tpu.dma_semaphore, #tpu.memory_space<semaphore_mem>>) src(%dma_wait3A_354 : memref<128x128xf32, #tpu.memory_space<vmem>>) dst(%dma_wait3A_350 : memref<128x128xf32, #tpu.memory_space<hbm>>)
            "tpu.trace_stop"() : () -> ()
          } else {
          }
          %and3A_319 = arith.constant true
          %and3A_320 = arith.andi %and3A_315, %and3A_319 : i1
          %add3A_321 = arith.constant 1 : i32
          %add3A_322 = arith.addi %while3A_190, %add3A_321 : i32
          %select_n3A_323 = arith.select %and3A_320, %add3A_322, %while3A_190 : i32
          %ne3A_324 = arith.cmpi ne, %add3A_199, %add3A_217 : i32
          %or3A_325 = arith.constant false
          %or3A_326 = arith.ori %or3A_325, %ne3A_324 : i1
          %or3A_327 = arith.ori %or3A_326, %eq3A_198 : i1
          %add3A_328 = arith.constant 1 : i32
          %add3A_329 = arith.addi %while3A_188, %add3A_328 : i32
          %select_n3A_330 = arith.select %or3A_327, %add3A_329, %while3A_188 : i32
          %add3A_331 = arith.constant 1 : i32
          %add3A_332 = arith.addi %while3A_191, %add3A_331 : i32
          %select_n3A_333 = arith.constant true
          %select_n3A_334 = arith.select %select_n3A_333, %add3A_332, %while3A_191 : i32
          %eq3A_335 = arith.cmpi eq, %select_n3A_334, %select_n3A : i32
          %select_n3A_336 = arith.constant 0 : i32
          %select_n3A_337 = arith.select %eq3A_335, %select_n3A_336, %select_n3A_334 : i32
          scf.yield %select_n3A_239, %select_n3A_330, %select_n3A_296, %select_n3A_323, %select_n3A_337 : i32, i32, i32, i32, i32
        }
        %sub3A_135 = arith.constant 1 : i32
        %sub3A_136 = arith.subi %while3A_134#4, %sub3A_135 : i32
        %select_n3A_137 = arith.constant true
        %select_n3A_138 = arith.select %select_n3A_137, %sub3A_136, %while3A_134#4 : i32
        %eq3A_139 = arith.constant -1 : i32
        %eq3A_140 = arith.cmpi eq, %select_n3A_138, %eq3A_139 : i32
        %sub3A_141 = arith.constant 1 : i32
        %sub3A_142 = arith.subi %select_n3A, %sub3A_141 : i32
        %select_n3A_143 = arith.select %eq3A_140, %sub3A_142, %select_n3A_138 : i32
        %sub3A_144 = arith.constant 1 : i32
        %sub3A_145 = arith.subi %mul3A_16, %sub3A_144 : i32
        %mul3A_146 = arith.constant 1 : i32
        %mul3A_147 = arith.muli %mul3A_146, %select_n3A : i32
        %eq3A_148 = arith.constant 0 : i32
        %eq3A_149 = arith.cmpi eq, %sub3A_145, %eq3A_148 : i32
        %sub3A_150 = arith.constant 1 : i32
        %sub3A_151 = arith.subi %mul3A_147, %sub3A_150 : i32
        %eq3A_152 = arith.cmpi eq, %sub3A_145, %sub3A_151 : i32
        %add3A_153 = arith.addi %select_n3A_143, %select_n3A_14 : i32
        %sub3A_154 = arith.constant 1 : i32
        %sub3A_155 = arith.subi %select_n3A_143, %sub3A_154 : i32
        %select_n3A_156 = arith.constant true
        %select_n3A_157 = arith.select %select_n3A_156, %sub3A_155, %select_n3A_143 : i32
        %eq3A_158 = arith.constant -1 : i32
        %eq3A_159 = arith.cmpi eq, %select_n3A_157, %eq3A_158 : i32
        %sub3A_160 = arith.constant 1 : i32
        %sub3A_161 = arith.subi %select_n3A, %sub3A_160 : i32
        %select_n3A_162 = arith.select %eq3A_159, %sub3A_161, %select_n3A_157 : i32
        %add3A_163 = arith.addi %select_n3A_162, %select_n3A_14 : i32
        %add3A_164 = arith.constant 1 : i32
        %add3A_165 = arith.addi %select_n3A_143, %add3A_164 : i32
        %select_n3A_166 = arith.constant true
        %select_n3A_167 = arith.select %select_n3A_166, %add3A_165, %select_n3A_143 : i32
        %eq3A_168 = arith.cmpi eq, %select_n3A_167, %select_n3A : i32
        %select_n3A_169 = arith.constant 0 : i32
        %select_n3A_170 = arith.select %eq3A_168, %select_n3A_169, %select_n3A_167 : i32
        %add3A_171 = arith.addi %select_n3A_170, %select_n3A_14 : i32
        %add3A_172 = arith.constant 1 : i32
        %add3A_173 = arith.addi %select_n3A_170, %add3A_172 : i32
        %select_n3A_174 = arith.constant true
        %select_n3A_175 = arith.select %select_n3A_174, %add3A_173, %select_n3A_170 : i32
        %eq3A_176 = arith.cmpi eq, %select_n3A_175, %select_n3A : i32
        %select_n3A_177 = arith.constant 0 : i32
        %select_n3A_178 = arith.select %eq3A_176, %select_n3A_177, %select_n3A_175 : i32
        %add3A_179 = arith.addi %select_n3A_178, %select_n3A_14 : i32
        %convert_element_type3A_180 = arith.extui %eq3A_152 : i1 to i32
        %cond3A_181 = arith.constant 0 : i32
        %cond3A_182 = arith.cmpi ne, %convert_element_type3A_180, %cond3A_181 : i32
        scf.if %cond3A_182 {
        } else {
        }
        %convert_element_type3A_183 = arith.extui %eq3A_152 : i1 to i32
        %cond3A_184 = arith.constant 0 : i32
        %cond3A_185 = arith.cmpi ne, %convert_element_type3A_183, %cond3A_184 : i32
        scf.if %cond3A_185 {
          "tpu.trace_start"() <{level = 10 : i32, message = "ep_finalize"}> : () -> ()
          %rem3A_186 = arith.constant 2 : i32
          %rem3A_187 = arith.remui %while3A_134#3, %rem3A_186 : i32
          %mul3A_188 = arith.constant 128 : i32
          %mul3A_189 = arith.muli %mul3A_188, %add3A_153 : i32
          %dma_wait3A = arith.constant 0 : i32
          %dma_wait3A_190 = arith.constant 0 : i32
          %dma_wait3A_191 = tpu.memref_slice %run_scoped3A_62[%rem3A_187, %dma_wait3A, %dma_wait3A_190] : memref<2x128x128xf32, #tpu.memory_space<vmem>> -> memref<1x128x128xf32, #tpu.memory_space<vmem>>
          %dma_wait3A_192 = tpu.memref_squeeze %dma_wait3A_191 : memref<1x128x128xf32, #tpu.memory_space<vmem>> -> memref<128x128xf32, #tpu.memory_space<vmem>>
          %dma_wait3A_193 = arith.constant 0 : i32
          %dma_wait3A_194 = tpu.memref_slice %arg6[%mul3A_189, %dma_wait3A_193] : memref<1024x128xf32, #tpu.memory_space<hbm>> -> memref<128x128xf32, #tpu.memory_space<hbm>>
          %dma_wait3A_195 = tpu.memref_slice %run_scoped3A_63[%rem3A_187] : memref<2x!tpu.dma_semaphore, #tpu.memory_space<semaphore_mem>> -> memref<1x!tpu.dma_semaphore, #tpu.memory_space<semaphore_mem>>
          %dma_wait3A_196 = tpu.memref_squeeze %dma_wait3A_195 : memref<1x!tpu.dma_semaphore, #tpu.memory_space<semaphore_mem>> -> memref<!tpu.dma_semaphore, #tpu.memory_space<semaphore_mem>>
          %dma_wait3A_197 = arith.constant 0 : i32
          %dma_wait3A_198 = tpu.memref_slice %arg6[%mul3A_189, %dma_wait3A_197] : memref<1024x128xf32, #tpu.memory_space<hbm>> -> memref<128x128xf32, #tpu.memory_space<hbm>>
          %dma_wait3A_199 = arith.constant 0 : i32
          %dma_wait3A_200 = arith.constant 0 : i32
          %dma_wait3A_201 = tpu.memref_slice %run_scoped3A_62[%rem3A_187, %dma_wait3A_199, %dma_wait3A_200] : memref<2x128x128xf32, #tpu.memory_space<vmem>> -> memref<1x128x128xf32, #tpu.memory_space<vmem>>
          %dma_wait3A_202 = tpu.memref_squeeze %dma_wait3A_201 : memref<1x128x128xf32, #tpu.memory_space<vmem>> -> memref<128x128xf32, #tpu.memory_space<vmem>>
          tpu.wait_dma2 semaphore(%dma_wait3A_196 : memref<!tpu.dma_semaphore, #tpu.memory_space<semaphore_mem>>) src(%dma_wait3A_202 : memref<128x128xf32, #tpu.memory_space<vmem>>) dst(%dma_wait3A_198 : memref<128x128xf32, #tpu.memory_space<hbm>>)
          "tpu.trace_stop"() : () -> ()
        } else {
        }
      } else {
      }
      tpu.yield
    }) : () -> ()
    %mul3A_17 = arith.constant 1 : i32
    %mul3A_18 = arith.muli %arg1, %mul3A_17 : i32
    %add3A_19 = arith.constant 0 : i32
    %add3A_20 = arith.addi %add3A_19, %mul3A_18 : i32
    %mul3A_21 = arith.constant 16 : i32
    %mul3A_22 = arith.muli %arg0, %mul3A_21 : i32
    %add3A_23 = arith.addi %add3A_20, %mul3A_22 : i32
    %lt3A_24 = arith.constant 8 : i32
    %lt3A_25 = arith.cmpi slt, %add3A_23, %lt3A_24 : i32
    %jit3A_26 = arith.constant 1 : i32
    %jit3A_27 = arith.constant 0 : i32
    %select_n3A_28 = arith.select %lt3A_25, %jit3A_26, %jit3A_27 : i32
    %lt3A_29 = arith.constant 8 : i32
    %lt3A_30 = arith.cmpi slt, %add3A_23, %lt3A_29 : i32
    %mul3A_31 = arith.muli %add3A_23, %select_n3A_28 : i32
    %mul3A_32 = arith.constant 0 : i32
    %mul3A_33 = arith.muli %add3A_23, %mul3A_32 : i32
    %add3A_34 = arith.constant 8 : i32
    %add3A_35 = arith.addi %mul3A_33, %add3A_34 : i32
    %select_n3A_36 = arith.select %lt3A_30, %mul3A_31, %add3A_35 : i32
    %mul3A_37 = arith.constant 1 : i32
    %mul3A_38 = arith.muli %mul3A_37, %select_n3A_28 : i32
    "tpu.region"() ({
      %run_scoped3A = memref.alloca() : memref<2x1x128xi32, #tpu.memory_space<vmem>>
      %run_scoped3A_61 = tpu.sem_alloc : memref<2x!tpu.dma_semaphore, #tpu.memory_space<semaphore_mem>>
      %run_scoped3A_62 = memref.alloca() : memref<2x128x128xf32, #tpu.memory_space<vmem>>
      %run_scoped3A_63 = tpu.sem_alloc : memref<2x!tpu.dma_semaphore, #tpu.memory_space<semaphore_mem>>
      %gt3A = arith.constant 0 : i32
      %gt3A_64 = arith.cmpi sgt, %mul3A_38, %gt3A : i32
      %convert_element_type3A = arith.extui %gt3A_64 : i1 to i32
      %cond3A = arith.constant 0 : i32
      %cond3A_65 = arith.cmpi ne, %convert_element_type3A, %cond3A : i32
      scf.if %cond3A_65 {
        %mul3A_66 = arith.constant 1 : i32
        %mul3A_67 = arith.muli %mul3A_66, %select_n3A_28 : i32
        %sub3A = arith.constant 1 : i32
        %sub3A_68 = arith.subi %mul3A_67, %sub3A : i32
        %eq3A = arith.constant 0 : i32
        %eq3A_69 = arith.cmpi eq, %sub3A_68, %eq3A : i32
        %add3A_70 = arith.constant 0 : i32
        %add3A_71 = arith.addi %add3A_70, %select_n3A_36 : i32
        %select_n3A_72 = arith.constant true
        %select_n3A_73 = arith.constant 0 : i32
        %select_n3A_74 = arith.constant -1 : i32
        %select_n3A_75 = arith.select %select_n3A_72, %select_n3A_74, %select_n3A_73 : i32
        %eq3A_76 = arith.constant -1 : i32
        %eq3A_77 = arith.cmpi eq, %select_n3A_75, %eq3A_76 : i32
        %sub3A_78 = arith.constant 1 : i32
        %sub3A_79 = arith.subi %select_n3A_28, %sub3A_78 : i32
        %select_n3A_80 = arith.select %eq3A_77, %sub3A_79, %select_n3A_75 : i32
        %add3A_81 = arith.addi %select_n3A_80, %select_n3A_36 : i32
        %select_n3A_82 = arith.constant true
        %select_n3A_83 = arith.constant 0 : i32
        %select_n3A_84 = arith.constant 1 : i32
        %select_n3A_85 = arith.select %select_n3A_82, %select_n3A_84, %select_n3A_83 : i32
        %eq3A_86 = arith.cmpi eq, %select_n3A_85, %select_n3A_28 : i32
        %select_n3A_87 = arith.constant 0 : i32
        %select_n3A_88 = arith.select %eq3A_86, %select_n3A_87, %select_n3A_85 : i32
        %add3A_89 = arith.addi %select_n3A_88, %select_n3A_36 : i32
        %add3A_90 = arith.constant 1 : i32
        %add3A_91 = arith.addi %select_n3A_88, %add3A_90 : i32
        %select_n3A_92 = arith.constant true
        %select_n3A_93 = arith.select %select_n3A_92, %add3A_91, %select_n3A_88 : i32
        %eq3A_94 = arith.cmpi eq, %select_n3A_93, %select_n3A_28 : i32
        %select_n3A_95 = arith.constant 0 : i32
        %select_n3A_96 = arith.select %eq3A_94, %select_n3A_95, %select_n3A_93 : i32
        %add3A_97 = arith.addi %select_n3A_96, %select_n3A_36 : i32
        "tpu.trace_start"() <{level = 10 : i32, message = "ep_initialize_0"}> : () -> ()
        %rem3A = arith.constant 0 : i32
        %rem3A_98 = arith.constant 2 : i32
        %rem3A_99 = arith.remui %rem3A, %rem3A_98 : i32
        %mul3A_100 = arith.constant 128 : i32
        %mul3A_101 = arith.muli %mul3A_100, %add3A_71 : i32
        %dma_start3A = arith.constant 0 : i32
        %dma_start3A_102 = arith.constant 0 : i32
        %dma_start3A_103 = tpu.memref_slice %run_scoped3A[%rem3A_99, %dma_start3A, %dma_start3A_102] : memref<2x1x128xi32, #tpu.memory_space<vmem>> -> memref<1x1x128xi32, #tpu.memory_space<vmem>>
        %dma_start3A_104 = tpu.memref_squeeze %dma_start3A_103 : memref<1x1x128xi32, #tpu.memory_space<vmem>> -> memref<1x128xi32, #tpu.memory_space<vmem>>
        %dma_start3A_105 = arith.constant 0 : i32
        %dma_start3A_106 = tpu.memref_slice %arg5[%dma_start3A_105, %mul3A_101] : memref<1x1024xi32, #tpu.memory_space<hbm>> -> memref<1x128xi32, #tpu.memory_space<hbm>>
        %dma_start3A_107 = tpu.memref_slice %run_scoped3A_61[%rem3A_99] : memref<2x!tpu.dma_semaphore, #tpu.memory_space<semaphore_mem>> -> memref<1x!tpu.dma_semaphore, #tpu.memory_space<semaphore_mem>>
        %dma_start3A_108 = tpu.memref_squeeze %dma_start3A_107 : memref<1x!tpu.dma_semaphore, #tpu.memory_space<semaphore_mem>> -> memref<!tpu.dma_semaphore, #tpu.memory_space<semaphore_mem>>
        %dma_start3A_109 = arith.constant 0 : i32
        %dma_start3A_110 = arith.constant 0 : i32
        %dma_start3A_111 = tpu.memref_slice %run_scoped3A[%rem3A_99, %dma_start3A_109, %dma_start3A_110] : memref<2x1x128xi32, #tpu.memory_space<vmem>> -> memref<1x1x128xi32, #tpu.memory_space<vmem>>
        %dma_start3A_112 = tpu.memref_squeeze %dma_start3A_111 : memref<1x1x128xi32, #tpu.memory_space<vmem>> -> memref<1x128xi32, #tpu.memory_space<vmem>>
        %dma_start3A_113 = arith.constant 0 : i32
        %dma_start3A_114 = tpu.memref_slice %arg5[%dma_start3A_113, %mul3A_101] : memref<1x1024xi32, #tpu.memory_space<hbm>> -> memref<1x128xi32, #tpu.memory_space<hbm>>
        tpu.enqueue_dma source(%dma_start3A_114 : memref<1x128xi32, #tpu.memory_space<hbm>>) target(%dma_start3A_112 : memref<1x128xi32, #tpu.memory_space<vmem>>) target_semaphore(%dma_start3A_108 : memref<!tpu.dma_semaphore, #tpu.memory_space<semaphore_mem>>)
        %add3A_115 = arith.constant 0 : i32
        %add3A_116 = arith.constant 1 : i32
        %add3A_117 = arith.addi %add3A_115, %add3A_116 : i32
        %select_n3A_118 = arith.constant true
        %select_n3A_119 = arith.constant 0 : i32
        %select_n3A_120 = arith.select %select_n3A_118, %add3A_117, %select_n3A_119 : i32
        %while3A = arith.constant 0 : i32
        %while3A_121 = arith.constant 0 : i32
        %while3A_122 = arith.constant 0 : i32
        %while3A_123 = arith.constant 0 : i32
        %while3A_124 = arith.constant 0 : i32
        "tpu.trace_stop"() : () -> ()
        %while3A_125 = arith.subi %mul3A_38, %while3A : i32
        %while3A_126 = arith.addi %while3A, %while3A_125 : i32
        %while3A_127 = arith.constant 1 : i32
        %while3A_128 = arith.divsi %while3A_125, %while3A_127 : i32
        %while3A_129 = arith.muli %while3A_128, %while3A_127 : i32
        %while3A_130 = arith.addi %while3A, %while3A_129 : i32
        %while3A_131 = arith.constant 1 : i32
        %while3A_132:5 = scf.for %while3A_186 = %while3A to %while3A_130 step %while3A_131 iter_args(%while3A_187 = %select_n3A_120, %while3A_188 = %while3A_121, %while3A_189 = %while3A_122, %while3A_190 = %while3A_123, %while3A_191 = %while3A_124) -> (i32, i32, i32, i32, i32)  : i32 {
          %mul3A_192 = arith.constant 1 : i32
          %mul3A_193 = arith.muli %mul3A_192, %select_n3A_28 : i32
          %eq3A_194 = arith.constant 0 : i32
          %eq3A_195 = arith.cmpi eq, %while3A_186, %eq3A_194 : i32
          %sub3A_196 = arith.constant 1 : i32
          %sub3A_197 = arith.subi %mul3A_193, %sub3A_196 : i32
          %eq3A_198 = arith.cmpi eq, %while3A_186, %sub3A_197 : i32
          %add3A_199 = arith.addi %while3A_191, %select_n3A_36 : i32
          %sub3A_200 = arith.constant 1 : i32
          %sub3A_201 = arith.subi %while3A_191, %sub3A_200 : i32
          %select_n3A_202 = arith.constant true
          %select_n3A_203 = arith.select %select_n3A_202, %sub3A_201, %while3A_191 : i32
          %eq3A_204 = arith.constant -1 : i32
          %eq3A_205 = arith.cmpi eq, %select_n3A_203, %eq3A_204 : i32
          %sub3A_206 = arith.constant 1 : i32
          %sub3A_207 = arith.subi %select_n3A_28, %sub3A_206 : i32
          %select_n3A_208 = arith.select %eq3A_205, %sub3A_207, %select_n3A_203 : i32
          %add3A_209 = arith.addi %select_n3A_208, %select_n3A_36 : i32
          %add3A_210 = arith.constant 1 : i32
          %add3A_211 = arith.addi %while3A_191, %add3A_210 : i32
          %select_n3A_212 = arith.constant true
          %select_n3A_213 = arith.select %select_n3A_212, %add3A_211, %while3A_191 : i32
          %eq3A_214 = arith.cmpi eq, %select_n3A_213, %select_n3A_28 : i32
          %select_n3A_215 = arith.constant 0 : i32
          %select_n3A_216 = arith.select %eq3A_214, %select_n3A_215, %select_n3A_213 : i32
          %add3A_217 = arith.addi %select_n3A_216, %select_n3A_36 : i32
          %add3A_218 = arith.constant 1 : i32
          %add3A_219 = arith.addi %select_n3A_216, %add3A_218 : i32
          %select_n3A_220 = arith.constant true
          %select_n3A_221 = arith.select %select_n3A_220, %add3A_219, %select_n3A_216 : i32
          %eq3A_222 = arith.cmpi eq, %select_n3A_221, %select_n3A_28 : i32
          %select_n3A_223 = arith.constant 0 : i32
          %select_n3A_224 = arith.select %eq3A_222, %select_n3A_223, %select_n3A_221 : i32
          %add3A_225 = arith.addi %select_n3A_224, %select_n3A_36 : i32
          %ne3A = arith.cmpi ne, %add3A_199, %add3A_217 : i32
          %or3A = arith.constant false
          %or3A_226 = arith.ori %or3A, %ne3A : i1
          %sub3A_227 = arith.constant 2 : i32
          %sub3A_228 = arith.subi %mul3A_193, %sub3A_227 : i32
          %add3A_229 = arith.constant 1 : i32
          %add3A_230 = arith.addi %sub3A_228, %add3A_229 : i32
          %ge3A = arith.cmpi sge, %while3A_186, %add3A_230 : i32
          %not3A = arith.constant true
          %not3A_231 = arith.xori %ge3A, %not3A : i1
          %and3A = arith.andi %or3A_226, %not3A_231 : i1
          %convert_element_type3A_232 = arith.extui %and3A : i1 to i32
          %cond3A_233 = arith.constant 0 : i32
          %cond3A_234 = arith.cmpi ne, %convert_element_type3A_232, %cond3A_233 : i32
          scf.if %cond3A_234 {
            "tpu.trace_start"() <{level = 10 : i32, message = "ep_copy_in"}> : () -> ()
            %rem3A_338 = arith.constant 2 : i32
            %rem3A_339 = arith.remui %while3A_187, %rem3A_338 : i32
            %mul3A_340 = arith.constant 128 : i32
            %mul3A_341 = arith.muli %mul3A_340, %add3A_217 : i32
            %dma_start3A_342 = arith.constant 0 : i32
            %dma_start3A_343 = arith.constant 0 : i32
            %dma_start3A_344 = tpu.memref_slice %run_scoped3A[%rem3A_339, %dma_start3A_342, %dma_start3A_343] : memref<2x1x128xi32, #tpu.memory_space<vmem>> -> memref<1x1x128xi32, #tpu.memory_space<vmem>>
            %dma_start3A_345 = tpu.memref_squeeze %dma_start3A_344 : memref<1x1x128xi32, #tpu.memory_space<vmem>> -> memref<1x128xi32, #tpu.memory_space<vmem>>
            %dma_start3A_346 = arith.constant 0 : i32
            %dma_start3A_347 = tpu.memref_slice %arg5[%dma_start3A_346, %mul3A_341] : memref<1x1024xi32, #tpu.memory_space<hbm>> -> memref<1x128xi32, #tpu.memory_space<hbm>>
            %dma_start3A_348 = tpu.memref_slice %run_scoped3A_61[%rem3A_339] : memref<2x!tpu.dma_semaphore, #tpu.memory_space<semaphore_mem>> -> memref<1x!tpu.dma_semaphore, #tpu.memory_space<semaphore_mem>>
            %dma_start3A_349 = tpu.memref_squeeze %dma_start3A_348 : memref<1x!tpu.dma_semaphore, #tpu.memory_space<semaphore_mem>> -> memref<!tpu.dma_semaphore, #tpu.memory_space<semaphore_mem>>
            %dma_start3A_350 = arith.constant 0 : i32
            %dma_start3A_351 = arith.constant 0 : i32
            %dma_start3A_352 = tpu.memref_slice %run_scoped3A[%rem3A_339, %dma_start3A_350, %dma_start3A_351] : memref<2x1x128xi32, #tpu.memory_space<vmem>> -> memref<1x1x128xi32, #tpu.memory_space<vmem>>
            %dma_start3A_353 = tpu.memref_squeeze %dma_start3A_352 : memref<1x1x128xi32, #tpu.memory_space<vmem>> -> memref<1x128xi32, #tpu.memory_space<vmem>>
            %dma_start3A_354 = arith.constant 0 : i32
            %dma_start3A_355 = tpu.memref_slice %arg5[%dma_start3A_354, %mul3A_341] : memref<1x1024xi32, #tpu.memory_space<hbm>> -> memref<1x128xi32, #tpu.memory_space<hbm>>
            tpu.enqueue_dma source(%dma_start3A_355 : memref<1x128xi32, #tpu.memory_space<hbm>>) target(%dma_start3A_353 : memref<1x128xi32, #tpu.memory_space<vmem>>) target_semaphore(%dma_start3A_349 : memref<!tpu.dma_semaphore, #tpu.memory_space<semaphore_mem>>)
            "tpu.trace_stop"() : () -> ()
          } else {
          }
          %and3A_235 = arith.constant true
          %and3A_236 = arith.andi %and3A, %and3A_235 : i1
          %add3A_237 = arith.constant 1 : i32
          %add3A_238 = arith.addi %while3A_187, %add3A_237 : i32
          %select_n3A_239 = arith.select %and3A_236, %add3A_238, %while3A_187 : i32
          %ne3A_240 = arith.cmpi ne, %add3A_199, %add3A_217 : i32
          %or3A_241 = arith.constant false
          %or3A_242 = arith.ori %or3A_241, %ne3A_240 : i1
          %or3A_243 = arith.constant false
          %or3A_244 = arith.ori %or3A_242, %or3A_243 : i1
          %sub3A_245 = arith.constant 2 : i32
          %sub3A_246 = arith.subi %mul3A_193, %sub3A_245 : i32
          %add3A_247 = arith.constant 1 : i32
          %add3A_248 = arith.addi %sub3A_246, %add3A_247 : i32
          %ge3A_249 = arith.cmpi sge, %while3A_186, %add3A_248 : i32
          %not3A_250 = arith.constant true
          %not3A_251 = arith.xori %ge3A_249, %not3A_250 : i1
          %and3A_252 = arith.andi %or3A_244, %not3A_251 : i1
          %ne3A_253 = arith.cmpi ne, %add3A_199, %add3A_209 : i32
          %or3A_254 = arith.constant false
          %or3A_255 = arith.ori %or3A_254, %ne3A_253 : i1
          %or3A_256 = arith.ori %or3A_255, %eq3A_195 : i1
          %convert_element_type3A_257 = arith.extui %or3A_256 : i1 to i32
          %cond3A_258 = arith.constant 0 : i32
          %cond3A_259 = arith.cmpi ne, %convert_element_type3A_257, %cond3A_258 : i32
          scf.if %cond3A_259 {
            "tpu.trace_start"() <{level = 10 : i32, message = "ep_wait_in"}> : () -> ()
            %mul3A_338 = arith.constant 128 : i32
            %mul3A_339 = arith.muli %mul3A_338, %add3A_199 : i32
            %rem3A_340 = arith.constant 2 : i32
            %rem3A_341 = arith.remui %while3A_188, %rem3A_340 : i32
            %dma_wait3A = arith.constant 0 : i32
            %dma_wait3A_342 = arith.constant 0 : i32
            %dma_wait3A_343 = tpu.memref_slice %run_scoped3A[%rem3A_341, %dma_wait3A, %dma_wait3A_342] : memref<2x1x128xi32, #tpu.memory_space<vmem>> -> memref<1x1x128xi32, #tpu.memory_space<vmem>>
            %dma_wait3A_344 = tpu.memref_squeeze %dma_wait3A_343 : memref<1x1x128xi32, #tpu.memory_space<vmem>> -> memref<1x128xi32, #tpu.memory_space<vmem>>
            %dma_wait3A_345 = arith.constant 0 : i32
            %dma_wait3A_346 = tpu.memref_slice %arg5[%dma_wait3A_345, %mul3A_339] : memref<1x1024xi32, #tpu.memory_space<hbm>> -> memref<1x128xi32, #tpu.memory_space<hbm>>
            %dma_wait3A_347 = tpu.memref_slice %run_scoped3A_61[%rem3A_341] : memref<2x!tpu.dma_semaphore, #tpu.memory_space<semaphore_mem>> -> memref<1x!tpu.dma_semaphore, #tpu.memory_space<semaphore_mem>>
            %dma_wait3A_348 = tpu.memref_squeeze %dma_wait3A_347 : memref<1x!tpu.dma_semaphore, #tpu.memory_space<semaphore_mem>> -> memref<!tpu.dma_semaphore, #tpu.memory_space<semaphore_mem>>
            %dma_wait3A_349 = arith.constant 0 : i32
            %dma_wait3A_350 = arith.constant 0 : i32
            %dma_wait3A_351 = tpu.memref_slice %run_scoped3A[%rem3A_341, %dma_wait3A_349, %dma_wait3A_350] : memref<2x1x128xi32, #tpu.memory_space<vmem>> -> memref<1x1x128xi32, #tpu.memory_space<vmem>>
            %dma_wait3A_352 = tpu.memref_squeeze %dma_wait3A_351 : memref<1x1x128xi32, #tpu.memory_space<vmem>> -> memref<1x128xi32, #tpu.memory_space<vmem>>
            %dma_wait3A_353 = arith.constant 0 : i32
            %dma_wait3A_354 = tpu.memref_slice %arg5[%dma_wait3A_353, %mul3A_339] : memref<1x1024xi32, #tpu.memory_space<hbm>> -> memref<1x128xi32, #tpu.memory_space<hbm>>
            tpu.wait_dma2 semaphore(%dma_wait3A_348 : memref<!tpu.dma_semaphore, #tpu.memory_space<semaphore_mem>>) src(%dma_wait3A_354 : memref<1x128xi32, #tpu.memory_space<hbm>>) dst(%dma_wait3A_352 : memref<1x128xi32, #tpu.memory_space<vmem>>)
            "tpu.trace_stop"() : () -> ()
          } else {
          }
          %ne3A_260 = arith.cmpi ne, %add3A_199, %add3A_209 : i32
          %or3A_261 = arith.constant false
          %or3A_262 = arith.ori %or3A_261, %ne3A_260 : i1
          %or3A_263 = arith.constant false
          %or3A_264 = arith.ori %or3A_262, %or3A_263 : i1
          %or3A_265 = arith.ori %or3A_264, %eq3A_195 : i1
          %convert_element_type3A_266 = arith.extui %or3A_265 : i1 to i32
          %cond3A_267 = arith.constant 0 : i32
          %cond3A_268 = arith.cmpi ne, %convert_element_type3A_266, %cond3A_267 : i32
          scf.if %cond3A_268 {
          } else {
          }
          %rem3A_269 = arith.constant 2 : i32
          %rem3A_270 = arith.remui %while3A_188, %rem3A_269 : i32
          %rem3A_271 = arith.constant 2 : i32
          %rem3A_272 = arith.remui %while3A_189, %rem3A_271 : i32
          %run_scoped3A_273 = arith.constant 0 : i32
          "tpu.trace_start"() <{level = 10 : i32, message = "ep_run_kernel"}> : () -> ()
          "tpu.region"() ({
            %run_scoped3A_338 = tpu.sem_alloc : memref<!tpu.dma_semaphore, #tpu.memory_space<semaphore_mem>>
            %dma_start3A_339 = arith.constant 0 : i32
            %dma_start3A_340 = arith.constant 0 : i32
            %dma_start3A_341 = tpu.memref_slice %run_scoped3A_62[%rem3A_272, %dma_start3A_339, %dma_start3A_340] : memref<2x128x128xf32, #tpu.memory_space<vmem>> -> memref<1x128x128xf32, #tpu.memory_space<vmem>>
            %dma_start3A_342 = tpu.memref_squeeze %dma_start3A_341 : memref<1x128x128xf32, #tpu.memory_space<vmem>> -> memref<128x128xf32, #tpu.memory_space<vmem>>
            %dma_start3A_343 = arith.constant 0 : i32
            %dma_start3A_344 = arith.constant 0 : i32
            %dma_start3A_345 = tpu.memref_slice %run_scoped3A[%rem3A_270, %dma_start3A_343, %dma_start3A_344] : memref<2x1x128xi32, #tpu.memory_space<vmem>> -> memref<1x1x128xi32, #tpu.memory_space<vmem>>
            %dma_start3A_346 = tpu.memref_squeeze %dma_start3A_345 : memref<1x1x128xi32, #tpu.memory_space<vmem>> -> memref<1x128xi32, #tpu.memory_space<vmem>>
            %dma_start3A_347 = arith.constant 0 : i32
            %dma_start3A_348 = tpu.memref_slice %dma_start3A_346[%run_scoped3A_273, %dma_start3A_347] : memref<1x128xi32, #tpu.memory_space<vmem>> -> memref<1x128xi32, #tpu.memory_space<vmem>>
            %dma_start3A_349 = tpu.memref_squeeze %dma_start3A_348 : memref<1x128xi32, #tpu.memory_space<vmem>> -> memref<128xi32, #tpu.memory_space<vmem>>
            %dma_start3A_350 = arith.constant 0 : i32
            %dma_start3A_351 = arith.constant 0 : i32
            %dma_start3A_352 = tpu.memref_slice %arg3[%dma_start3A_350, %dma_start3A_351] : memref<100000x128xf32, #tpu.memory_space<hbm>> -> memref<100000x128xf32, #tpu.memory_space<hbm>>
            tpu.enqueue_indirect_dma source(%dma_start3A_352 : memref<100000x128xf32, #tpu.memory_space<hbm>>) target(%dma_start3A_342 : memref<128x128xf32, #tpu.memory_space<vmem>>) offsets(%dma_start3A_349 : memref<128xi32, #tpu.memory_space<vmem>>) semaphore(%run_scoped3A_338 : memref<!tpu.dma_semaphore, #tpu.memory_space<semaphore_mem>>)
            %dma_wait3A = arith.constant 0 : i32
            %dma_wait3A_353 = arith.constant 0 : i32
            %dma_wait3A_354 = tpu.memref_slice %run_scoped3A_62[%rem3A_272, %dma_wait3A, %dma_wait3A_353] : memref<2x128x128xf32, #tpu.memory_space<vmem>> -> memref<1x128x128xf32, #tpu.memory_space<vmem>>
            %dma_wait3A_355 = tpu.memref_squeeze %dma_wait3A_354 : memref<1x128x128xf32, #tpu.memory_space<vmem>> -> memref<128x128xf32, #tpu.memory_space<vmem>>
            %dma_wait3A_356 = arith.constant 0 : i32
            %dma_wait3A_357 = arith.constant 0 : i32
            %dma_wait3A_358 = tpu.memref_slice %run_scoped3A[%rem3A_270, %dma_wait3A_356, %dma_wait3A_357] : memref<2x1x128xi32, #tpu.memory_space<vmem>> -> memref<1x1x128xi32, #tpu.memory_space<vmem>>
            %dma_wait3A_359 = tpu.memref_squeeze %dma_wait3A_358 : memref<1x1x128xi32, #tpu.memory_space<vmem>> -> memref<1x128xi32, #tpu.memory_space<vmem>>
            %dma_wait3A_360 = arith.constant 0 : i32
            %dma_wait3A_361 = tpu.memref_slice %dma_wait3A_359[%run_scoped3A_273, %dma_wait3A_360] : memref<1x128xi32, #tpu.memory_space<vmem>> -> memref<1x128xi32, #tpu.memory_space<vmem>>
            %dma_wait3A_362 = tpu.memref_squeeze %dma_wait3A_361 : memref<1x128xi32, #tpu.memory_space<vmem>> -> memref<128xi32, #tpu.memory_space<vmem>>
            %dma_wait3A_363 = arith.constant 0 : i32
            %dma_wait3A_364 = arith.constant 0 : i32
            %dma_wait3A_365 = tpu.memref_slice %arg3[%dma_wait3A_363, %dma_wait3A_364] : memref<100000x128xf32, #tpu.memory_space<hbm>> -> memref<100000x128xf32, #tpu.memory_space<hbm>>
            tpu.wait_indirect_dma semaphore(%run_scoped3A_338 : memref<!tpu.dma_semaphore, #tpu.memory_space<semaphore_mem>>) src(%dma_wait3A_365 : memref<100000x128xf32, #tpu.memory_space<hbm>>) dst(%dma_wait3A_355 : memref<128x128xf32, #tpu.memory_space<vmem>>)
            tpu.yield
          }) : () -> ()
          "tpu.trace_stop"() : () -> ()
          %ne3A_274 = arith.cmpi ne, %add3A_199, %add3A_217 : i32
          %or3A_275 = arith.constant false
          %or3A_276 = arith.ori %or3A_275, %ne3A_274 : i1
          %or3A_277 = arith.ori %or3A_276, %eq3A_198 : i1
          %convert_element_type3A_278 = arith.extui %or3A_277 : i1 to i32
          %cond3A_279 = arith.constant 0 : i32
          %cond3A_280 = arith.cmpi ne, %convert_element_type3A_278, %cond3A_279 : i32
          scf.if %cond3A_280 {
          } else {
          }
          %and3A_281 = arith.constant false
          %and3A_282 = arith.andi %or3A_277, %and3A_281 : i1
          %ne3A_283 = arith.cmpi ne, %add3A_199, %add3A_217 : i32
          %or3A_284 = arith.constant false
          %or3A_285 = arith.ori %or3A_284, %ne3A_283 : i1
          %or3A_286 = arith.constant false
          %or3A_287 = arith.ori %or3A_285, %or3A_286 : i1
          %or3A_288 = arith.ori %or3A_287, %eq3A_198 : i1
          %convert_element_type3A_289 = arith.extui %or3A_288 : i1 to i32
          %cond3A_290 = arith.constant 0 : i32
          %cond3A_291 = arith.cmpi ne, %convert_element_type3A_289, %cond3A_290 : i32
          scf.if %cond3A_291 {
            "tpu.trace_start"() <{level = 10 : i32, message = "ep_copy_out"}> : () -> ()
            %rem3A_338 = arith.constant 2 : i32
            %rem3A_339 = arith.remui %while3A_189, %rem3A_338 : i32
            %mul3A_340 = arith.constant 128 : i32
            %mul3A_341 = arith.muli %mul3A_340, %add3A_199 : i32
            %dma_start3A_342 = arith.constant 0 : i32
            %dma_start3A_343 = arith.constant 0 : i32
            %dma_start3A_344 = tpu.memref_slice %run_scoped3A_62[%rem3A_339, %dma_start3A_342, %dma_start3A_343] : memref<2x128x128xf32, #tpu.memory_space<vmem>> -> memref<1x128x128xf32, #tpu.memory_space<vmem>>
            %dma_start3A_345 = tpu.memref_squeeze %dma_start3A_344 : memref<1x128x128xf32, #tpu.memory_space<vmem>> -> memref<128x128xf32, #tpu.memory_space<vmem>>
            %dma_start3A_346 = arith.constant 0 : i32
            %dma_start3A_347 = tpu.memref_slice %arg7[%mul3A_341, %dma_start3A_346] : memref<1024x128xf32, #tpu.memory_space<hbm>> -> memref<128x128xf32, #tpu.memory_space<hbm>>
            %dma_start3A_348 = tpu.memref_slice %run_scoped3A_63[%rem3A_339] : memref<2x!tpu.dma_semaphore, #tpu.memory_space<semaphore_mem>> -> memref<1x!tpu.dma_semaphore, #tpu.memory_space<semaphore_mem>>
            %dma_start3A_349 = tpu.memref_squeeze %dma_start3A_348 : memref<1x!tpu.dma_semaphore, #tpu.memory_space<semaphore_mem>> -> memref<!tpu.dma_semaphore, #tpu.memory_space<semaphore_mem>>
            %dma_start3A_350 = arith.constant 0 : i32
            %dma_start3A_351 = tpu.memref_slice %arg7[%mul3A_341, %dma_start3A_350] : memref<1024x128xf32, #tpu.memory_space<hbm>> -> memref<128x128xf32, #tpu.memory_space<hbm>>
            %dma_start3A_352 = arith.constant 0 : i32
            %dma_start3A_353 = arith.constant 0 : i32
            %dma_start3A_354 = tpu.memref_slice %run_scoped3A_62[%rem3A_339, %dma_start3A_352, %dma_start3A_353] : memref<2x128x128xf32, #tpu.memory_space<vmem>> -> memref<1x128x128xf32, #tpu.memory_space<vmem>>
            %dma_start3A_355 = tpu.memref_squeeze %dma_start3A_354 : memref<1x128x128xf32, #tpu.memory_space<vmem>> -> memref<128x128xf32, #tpu.memory_space<vmem>>
            tpu.enqueue_dma source(%dma_start3A_355 : memref<128x128xf32, #tpu.memory_space<vmem>>) target(%dma_start3A_351 : memref<128x128xf32, #tpu.memory_space<hbm>>) target_semaphore(%dma_start3A_349 : memref<!tpu.dma_semaphore, #tpu.memory_space<semaphore_mem>>)
            "tpu.trace_stop"() : () -> ()
          } else {
          }
          %and3A_292 = arith.constant true
          %and3A_293 = arith.andi %or3A_288, %and3A_292 : i1
          %add3A_294 = arith.constant 1 : i32
          %add3A_295 = arith.addi %while3A_189, %add3A_294 : i32
          %select_n3A_296 = arith.select %and3A_293, %add3A_295, %while3A_189 : i32
          %ne3A_297 = arith.cmpi ne, %add3A_199, %add3A_209 : i32
          %or3A_298 = arith.constant false
          %or3A_299 = arith.ori %or3A_298, %ne3A_297 : i1
          %not3A_300 = arith.constant true
          %not3A_301 = arith.xori %eq3A_195, %not3A_300 : i1
          %and3A_302 = arith.andi %or3A_299, %not3A_301 : i1
          %convert_element_type3A_303 = arith.extui %and3A_302 : i1 to i32
          %cond3A_304 = arith.constant 0 : i32
          %cond3A_305 = arith.cmpi ne, %convert_element_type3A_303, %cond3A_304 : i32
          scf.if %cond3A_305 {
          } else {
          }
          %and3A_306 = arith.constant false
          %and3A_307 = arith.andi %and3A_302, %and3A_306 : i1
          %ne3A_308 = arith.cmpi ne, %add3A_199, %add3A_209 : i32
          %or3A_309 = arith.constant false
          %or3A_310 = arith.ori %or3A_309, %ne3A_308 : i1
          %or3A_311 = arith.constant false
          %or3A_312 = arith.ori %or3A_310, %or3A_311 : i1
          %not3A_313 = arith.constant true
          %not3A_314 = arith.xori %eq3A_195, %not3A_313 : i1
          %and3A_315 = arith.andi %or3A_312, %not3A_314 : i1
          %convert_element_type3A_316 = arith.extui %and3A_315 : i1 to i32
          %cond3A_317 = arith.constant 0 : i32
          %cond3A_318 = arith.cmpi ne, %convert_element_type3A_316, %cond3A_317 : i32
          scf.if %cond3A_318 {
            "tpu.trace_start"() <{level = 10 : i32, message = "ep_wait_out"}> : () -> ()
            %rem3A_338 = arith.constant 2 : i32
            %rem3A_339 = arith.remui %while3A_190, %rem3A_338 : i32
            %mul3A_340 = arith.constant 128 : i32
            %mul3A_341 = arith.muli %mul3A_340, %add3A_209 : i32
            %dma_wait3A = arith.constant 0 : i32
            %dma_wait3A_342 = arith.constant 0 : i32
            %dma_wait3A_343 = tpu.memref_slice %run_scoped3A_62[%rem3A_339, %dma_wait3A, %dma_wait3A_342] : memref<2x128x128xf32, #tpu.memory_space<vmem>> -> memref<1x128x128xf32, #tpu.memory_space<vmem>>
            %dma_wait3A_344 = tpu.memref_squeeze %dma_wait3A_343 : memref<1x128x128xf32, #tpu.memory_space<vmem>> -> memref<128x128xf32, #tpu.memory_space<vmem>>
            %dma_wait3A_345 = arith.constant 0 : i32
            %dma_wait3A_346 = tpu.memref_slice %arg7[%mul3A_341, %dma_wait3A_345] : memref<1024x128xf32, #tpu.memory_space<hbm>> -> memref<128x128xf32, #tpu.memory_space<hbm>>
            %dma_wait3A_347 = tpu.memref_slice %run_scoped3A_63[%rem3A_339] : memref<2x!tpu.dma_semaphore, #tpu.memory_space<semaphore_mem>> -> memref<1x!tpu.dma_semaphore, #tpu.memory_space<semaphore_mem>>
            %dma_wait3A_348 = tpu.memref_squeeze %dma_wait3A_347 : memref<1x!tpu.dma_semaphore, #tpu.memory_space<semaphore_mem>> -> memref<!tpu.dma_semaphore, #tpu.memory_space<semaphore_mem>>
            %dma_wait3A_349 = arith.constant 0 : i32
            %dma_wait3A_350 = tpu.memref_slice %arg7[%mul3A_341, %dma_wait3A_349] : memref<1024x128xf32, #tpu.memory_space<hbm>> -> memref<128x128xf32, #tpu.memory_space<hbm>>
            %dma_wait3A_351 = arith.constant 0 : i32
            %dma_wait3A_352 = arith.constant 0 : i32
            %dma_wait3A_353 = tpu.memref_slice %run_scoped3A_62[%rem3A_339, %dma_wait3A_351, %dma_wait3A_352] : memref<2x128x128xf32, #tpu.memory_space<vmem>> -> memref<1x128x128xf32, #tpu.memory_space<vmem>>
            %dma_wait3A_354 = tpu.memref_squeeze %dma_wait3A_353 : memref<1x128x128xf32, #tpu.memory_space<vmem>> -> memref<128x128xf32, #tpu.memory_space<vmem>>
            tpu.wait_dma2 semaphore(%dma_wait3A_348 : memref<!tpu.dma_semaphore, #tpu.memory_space<semaphore_mem>>) src(%dma_wait3A_354 : memref<128x128xf32, #tpu.memory_space<vmem>>) dst(%dma_wait3A_350 : memref<128x128xf32, #tpu.memory_space<hbm>>)
            "tpu.trace_stop"() : () -> ()
          } else {
          }
          %and3A_319 = arith.constant true
          %and3A_320 = arith.andi %and3A_315, %and3A_319 : i1
          %add3A_321 = arith.constant 1 : i32
          %add3A_322 = arith.addi %while3A_190, %add3A_321 : i32
          %select_n3A_323 = arith.select %and3A_320, %add3A_322, %while3A_190 : i32
          %ne3A_324 = arith.cmpi ne, %add3A_199, %add3A_217 : i32
          %or3A_325 = arith.constant false
          %or3A_326 = arith.ori %or3A_325, %ne3A_324 : i1
          %or3A_327 = arith.ori %or3A_326, %eq3A_198 : i1
          %add3A_328 = arith.constant 1 : i32
          %add3A_329 = arith.addi %while3A_188, %add3A_328 : i32
          %select_n3A_330 = arith.select %or3A_327, %add3A_329, %while3A_188 : i32
          %add3A_331 = arith.constant 1 : i32
          %add3A_332 = arith.addi %while3A_191, %add3A_331 : i32
          %select_n3A_333 = arith.constant true
          %select_n3A_334 = arith.select %select_n3A_333, %add3A_332, %while3A_191 : i32
          %eq3A_335 = arith.cmpi eq, %select_n3A_334, %select_n3A_28 : i32
          %select_n3A_336 = arith.constant 0 : i32
          %select_n3A_337 = arith.select %eq3A_335, %select_n3A_336, %select_n3A_334 : i32
          scf.yield %select_n3A_239, %select_n3A_330, %select_n3A_296, %select_n3A_323, %select_n3A_337 : i32, i32, i32, i32, i32
        }
        %while3A_133 = arith.constant 1 : i32
        %while3A_134:5 = scf.for %while3A_186 = %while3A_130 to %while3A_126 step %while3A_133 iter_args(%while3A_187 = %while3A_132#0, %while3A_188 = %while3A_132#1, %while3A_189 = %while3A_132#2, %while3A_190 = %while3A_132#3, %while3A_191 = %while3A_132#4) -> (i32, i32, i32, i32, i32)  : i32 {
          %mul3A_192 = arith.constant 1 : i32
          %mul3A_193 = arith.muli %mul3A_192, %select_n3A_28 : i32
          %eq3A_194 = arith.constant 0 : i32
          %eq3A_195 = arith.cmpi eq, %while3A_186, %eq3A_194 : i32
          %sub3A_196 = arith.constant 1 : i32
          %sub3A_197 = arith.subi %mul3A_193, %sub3A_196 : i32
          %eq3A_198 = arith.cmpi eq, %while3A_186, %sub3A_197 : i32
          %add3A_199 = arith.addi %while3A_191, %select_n3A_36 : i32
          %sub3A_200 = arith.constant 1 : i32
          %sub3A_201 = arith.subi %while3A_191, %sub3A_200 : i32
          %select_n3A_202 = arith.constant true
          %select_n3A_203 = arith.select %select_n3A_202, %sub3A_201, %while3A_191 : i32
          %eq3A_204 = arith.constant -1 : i32
          %eq3A_205 = arith.cmpi eq, %select_n3A_203, %eq3A_204 : i32
          %sub3A_206 = arith.constant 1 : i32
          %sub3A_207 = arith.subi %select_n3A_28, %sub3A_206 : i32
          %select_n3A_208 = arith.select %eq3A_205, %sub3A_207, %select_n3A_203 : i32
          %add3A_209 = arith.addi %select_n3A_208, %select_n3A_36 : i32
          %add3A_210 = arith.constant 1 : i32
          %add3A_211 = arith.addi %while3A_191, %add3A_210 : i32
          %select_n3A_212 = arith.constant true
          %select_n3A_213 = arith.select %select_n3A_212, %add3A_211, %while3A_191 : i32
          %eq3A_214 = arith.cmpi eq, %select_n3A_213, %select_n3A_28 : i32
          %select_n3A_215 = arith.constant 0 : i32
          %select_n3A_216 = arith.select %eq3A_214, %select_n3A_215, %select_n3A_213 : i32
          %add3A_217 = arith.addi %select_n3A_216, %select_n3A_36 : i32
          %add3A_218 = arith.constant 1 : i32
          %add3A_219 = arith.addi %select_n3A_216, %add3A_218 : i32
          %select_n3A_220 = arith.constant true
          %select_n3A_221 = arith.select %select_n3A_220, %add3A_219, %select_n3A_216 : i32
          %eq3A_222 = arith.cmpi eq, %select_n3A_221, %select_n3A_28 : i32
          %select_n3A_223 = arith.constant 0 : i32
          %select_n3A_224 = arith.select %eq3A_222, %select_n3A_223, %select_n3A_221 : i32
          %add3A_225 = arith.addi %select_n3A_224, %select_n3A_36 : i32
          %ne3A = arith.cmpi ne, %add3A_199, %add3A_217 : i32
          %or3A = arith.constant false
          %or3A_226 = arith.ori %or3A, %ne3A : i1
          %sub3A_227 = arith.constant 2 : i32
          %sub3A_228 = arith.subi %mul3A_193, %sub3A_227 : i32
          %add3A_229 = arith.constant 1 : i32
          %add3A_230 = arith.addi %sub3A_228, %add3A_229 : i32
          %ge3A = arith.cmpi sge, %while3A_186, %add3A_230 : i32
          %not3A = arith.constant true
          %not3A_231 = arith.xori %ge3A, %not3A : i1
          %and3A = arith.andi %or3A_226, %not3A_231 : i1
          %convert_element_type3A_232 = arith.extui %and3A : i1 to i32
          %cond3A_233 = arith.constant 0 : i32
          %cond3A_234 = arith.cmpi ne, %convert_element_type3A_232, %cond3A_233 : i32
          scf.if %cond3A_234 {
            "tpu.trace_start"() <{level = 10 : i32, message = "ep_copy_in"}> : () -> ()
            %rem3A_338 = arith.constant 2 : i32
            %rem3A_339 = arith.remui %while3A_187, %rem3A_338 : i32
            %mul3A_340 = arith.constant 128 : i32
            %mul3A_341 = arith.muli %mul3A_340, %add3A_217 : i32
            %dma_start3A_342 = arith.constant 0 : i32
            %dma_start3A_343 = arith.constant 0 : i32
            %dma_start3A_344 = tpu.memref_slice %run_scoped3A[%rem3A_339, %dma_start3A_342, %dma_start3A_343] : memref<2x1x128xi32, #tpu.memory_space<vmem>> -> memref<1x1x128xi32, #tpu.memory_space<vmem>>
            %dma_start3A_345 = tpu.memref_squeeze %dma_start3A_344 : memref<1x1x128xi32, #tpu.memory_space<vmem>> -> memref<1x128xi32, #tpu.memory_space<vmem>>
            %dma_start3A_346 = arith.constant 0 : i32
            %dma_start3A_347 = tpu.memref_slice %arg5[%dma_start3A_346, %mul3A_341] : memref<1x1024xi32, #tpu.memory_space<hbm>> -> memref<1x128xi32, #tpu.memory_space<hbm>>
            %dma_start3A_348 = tpu.memref_slice %run_scoped3A_61[%rem3A_339] : memref<2x!tpu.dma_semaphore, #tpu.memory_space<semaphore_mem>> -> memref<1x!tpu.dma_semaphore, #tpu.memory_space<semaphore_mem>>
            %dma_start3A_349 = tpu.memref_squeeze %dma_start3A_348 : memref<1x!tpu.dma_semaphore, #tpu.memory_space<semaphore_mem>> -> memref<!tpu.dma_semaphore, #tpu.memory_space<semaphore_mem>>
            %dma_start3A_350 = arith.constant 0 : i32
            %dma_start3A_351 = arith.constant 0 : i32
            %dma_start3A_352 = tpu.memref_slice %run_scoped3A[%rem3A_339, %dma_start3A_350, %dma_start3A_351] : memref<2x1x128xi32, #tpu.memory_space<vmem>> -> memref<1x1x128xi32, #tpu.memory_space<vmem>>
            %dma_start3A_353 = tpu.memref_squeeze %dma_start3A_352 : memref<1x1x128xi32, #tpu.memory_space<vmem>> -> memref<1x128xi32, #tpu.memory_space<vmem>>
            %dma_start3A_354 = arith.constant 0 : i32
            %dma_start3A_355 = tpu.memref_slice %arg5[%dma_start3A_354, %mul3A_341] : memref<1x1024xi32, #tpu.memory_space<hbm>> -> memref<1x128xi32, #tpu.memory_space<hbm>>
            tpu.enqueue_dma source(%dma_start3A_355 : memref<1x128xi32, #tpu.memory_space<hbm>>) target(%dma_start3A_353 : memref<1x128xi32, #tpu.memory_space<vmem>>) target_semaphore(%dma_start3A_349 : memref<!tpu.dma_semaphore, #tpu.memory_space<semaphore_mem>>)
            "tpu.trace_stop"() : () -> ()
          } else {
          }
          %and3A_235 = arith.constant true
          %and3A_236 = arith.andi %and3A, %and3A_235 : i1
          %add3A_237 = arith.constant 1 : i32
          %add3A_238 = arith.addi %while3A_187, %add3A_237 : i32
          %select_n3A_239 = arith.select %and3A_236, %add3A_238, %while3A_187 : i32
          %ne3A_240 = arith.cmpi ne, %add3A_199, %add3A_217 : i32
          %or3A_241 = arith.constant false
          %or3A_242 = arith.ori %or3A_241, %ne3A_240 : i1
          %or3A_243 = arith.constant false
          %or3A_244 = arith.ori %or3A_242, %or3A_243 : i1
          %sub3A_245 = arith.constant 2 : i32
          %sub3A_246 = arith.subi %mul3A_193, %sub3A_245 : i32
          %add3A_247 = arith.constant 1 : i32
          %add3A_248 = arith.addi %sub3A_246, %add3A_247 : i32
          %ge3A_249 = arith.cmpi sge, %while3A_186, %add3A_248 : i32
          %not3A_250 = arith.constant true
          %not3A_251 = arith.xori %ge3A_249, %not3A_250 : i1
          %and3A_252 = arith.andi %or3A_244, %not3A_251 : i1
          %ne3A_253 = arith.cmpi ne, %add3A_199, %add3A_209 : i32
          %or3A_254 = arith.constant false
          %or3A_255 = arith.ori %or3A_254, %ne3A_253 : i1
          %or3A_256 = arith.ori %or3A_255, %eq3A_195 : i1
          %convert_element_type3A_257 = arith.extui %or3A_256 : i1 to i32
          %cond3A_258 = arith.constant 0 : i32
          %cond3A_259 = arith.cmpi ne, %convert_element_type3A_257, %cond3A_258 : i32
          scf.if %cond3A_259 {
            "tpu.trace_start"() <{level = 10 : i32, message = "ep_wait_in"}> : () -> ()
            %mul3A_338 = arith.constant 128 : i32
            %mul3A_339 = arith.muli %mul3A_338, %add3A_199 : i32
            %rem3A_340 = arith.constant 2 : i32
            %rem3A_341 = arith.remui %while3A_188, %rem3A_340 : i32
            %dma_wait3A = arith.constant 0 : i32
            %dma_wait3A_342 = arith.constant 0 : i32
            %dma_wait3A_343 = tpu.memref_slice %run_scoped3A[%rem3A_341, %dma_wait3A, %dma_wait3A_342] : memref<2x1x128xi32, #tpu.memory_space<vmem>> -> memref<1x1x128xi32, #tpu.memory_space<vmem>>
            %dma_wait3A_344 = tpu.memref_squeeze %dma_wait3A_343 : memref<1x1x128xi32, #tpu.memory_space<vmem>> -> memref<1x128xi32, #tpu.memory_space<vmem>>
            %dma_wait3A_345 = arith.constant 0 : i32
            %dma_wait3A_346 = tpu.memref_slice %arg5[%dma_wait3A_345, %mul3A_339] : memref<1x1024xi32, #tpu.memory_space<hbm>> -> memref<1x128xi32, #tpu.memory_space<hbm>>
            %dma_wait3A_347 = tpu.memref_slice %run_scoped3A_61[%rem3A_341] : memref<2x!tpu.dma_semaphore, #tpu.memory_space<semaphore_mem>> -> memref<1x!tpu.dma_semaphore, #tpu.memory_space<semaphore_mem>>
            %dma_wait3A_348 = tpu.memref_squeeze %dma_wait3A_347 : memref<1x!tpu.dma_semaphore, #tpu.memory_space<semaphore_mem>> -> memref<!tpu.dma_semaphore, #tpu.memory_space<semaphore_mem>>
            %dma_wait3A_349 = arith.constant 0 : i32
            %dma_wait3A_350 = arith.constant 0 : i32
            %dma_wait3A_351 = tpu.memref_slice %run_scoped3A[%rem3A_341, %dma_wait3A_349, %dma_wait3A_350] : memref<2x1x128xi32, #tpu.memory_space<vmem>> -> memref<1x1x128xi32, #tpu.memory_space<vmem>>
            %dma_wait3A_352 = tpu.memref_squeeze %dma_wait3A_351 : memref<1x1x128xi32, #tpu.memory_space<vmem>> -> memref<1x128xi32, #tpu.memory_space<vmem>>
            %dma_wait3A_353 = arith.constant 0 : i32
            %dma_wait3A_354 = tpu.memref_slice %arg5[%dma_wait3A_353, %mul3A_339] : memref<1x1024xi32, #tpu.memory_space<hbm>> -> memref<1x128xi32, #tpu.memory_space<hbm>>
            tpu.wait_dma2 semaphore(%dma_wait3A_348 : memref<!tpu.dma_semaphore, #tpu.memory_space<semaphore_mem>>) src(%dma_wait3A_354 : memref<1x128xi32, #tpu.memory_space<hbm>>) dst(%dma_wait3A_352 : memref<1x128xi32, #tpu.memory_space<vmem>>)
            "tpu.trace_stop"() : () -> ()
          } else {
          }
          %ne3A_260 = arith.cmpi ne, %add3A_199, %add3A_209 : i32
          %or3A_261 = arith.constant false
          %or3A_262 = arith.ori %or3A_261, %ne3A_260 : i1
          %or3A_263 = arith.constant false
          %or3A_264 = arith.ori %or3A_262, %or3A_263 : i1
          %or3A_265 = arith.ori %or3A_264, %eq3A_195 : i1
          %convert_element_type3A_266 = arith.extui %or3A_265 : i1 to i32
          %cond3A_267 = arith.constant 0 : i32
          %cond3A_268 = arith.cmpi ne, %convert_element_type3A_266, %cond3A_267 : i32
          scf.if %cond3A_268 {
          } else {
          }
          %rem3A_269 = arith.constant 2 : i32
          %rem3A_270 = arith.remui %while3A_188, %rem3A_269 : i32
          %rem3A_271 = arith.constant 2 : i32
          %rem3A_272 = arith.remui %while3A_189, %rem3A_271 : i32
          %run_scoped3A_273 = arith.constant 0 : i32
          "tpu.trace_start"() <{level = 10 : i32, message = "ep_run_kernel"}> : () -> ()
          "tpu.region"() ({
            %run_scoped3A_338 = tpu.sem_alloc : memref<!tpu.dma_semaphore, #tpu.memory_space<semaphore_mem>>
            %dma_start3A_339 = arith.constant 0 : i32
            %dma_start3A_340 = arith.constant 0 : i32
            %dma_start3A_341 = tpu.memref_slice %run_scoped3A_62[%rem3A_272, %dma_start3A_339, %dma_start3A_340] : memref<2x128x128xf32, #tpu.memory_space<vmem>> -> memref<1x128x128xf32, #tpu.memory_space<vmem>>
            %dma_start3A_342 = tpu.memref_squeeze %dma_start3A_341 : memref<1x128x128xf32, #tpu.memory_space<vmem>> -> memref<128x128xf32, #tpu.memory_space<vmem>>
            %dma_start3A_343 = arith.constant 0 : i32
            %dma_start3A_344 = arith.constant 0 : i32
            %dma_start3A_345 = tpu.memref_slice %run_scoped3A[%rem3A_270, %dma_start3A_343, %dma_start3A_344] : memref<2x1x128xi32, #tpu.memory_space<vmem>> -> memref<1x1x128xi32, #tpu.memory_space<vmem>>
            %dma_start3A_346 = tpu.memref_squeeze %dma_start3A_345 : memref<1x1x128xi32, #tpu.memory_space<vmem>> -> memref<1x128xi32, #tpu.memory_space<vmem>>
            %dma_start3A_347 = arith.constant 0 : i32
            %dma_start3A_348 = tpu.memref_slice %dma_start3A_346[%run_scoped3A_273, %dma_start3A_347] : memref<1x128xi32, #tpu.memory_space<vmem>> -> memref<1x128xi32, #tpu.memory_space<vmem>>
            %dma_start3A_349 = tpu.memref_squeeze %dma_start3A_348 : memref<1x128xi32, #tpu.memory_space<vmem>> -> memref<128xi32, #tpu.memory_space<vmem>>
            %dma_start3A_350 = arith.constant 0 : i32
            %dma_start3A_351 = arith.constant 0 : i32
            %dma_start3A_352 = tpu.memref_slice %arg3[%dma_start3A_350, %dma_start3A_351] : memref<100000x128xf32, #tpu.memory_space<hbm>> -> memref<100000x128xf32, #tpu.memory_space<hbm>>
            tpu.enqueue_indirect_dma source(%dma_start3A_352 : memref<100000x128xf32, #tpu.memory_space<hbm>>) target(%dma_start3A_342 : memref<128x128xf32, #tpu.memory_space<vmem>>) offsets(%dma_start3A_349 : memref<128xi32, #tpu.memory_space<vmem>>) semaphore(%run_scoped3A_338 : memref<!tpu.dma_semaphore, #tpu.memory_space<semaphore_mem>>)
            %dma_wait3A = arith.constant 0 : i32
            %dma_wait3A_353 = arith.constant 0 : i32
            %dma_wait3A_354 = tpu.memref_slice %run_scoped3A_62[%rem3A_272, %dma_wait3A, %dma_wait3A_353] : memref<2x128x128xf32, #tpu.memory_space<vmem>> -> memref<1x128x128xf32, #tpu.memory_space<vmem>>
            %dma_wait3A_355 = tpu.memref_squeeze %dma_wait3A_354 : memref<1x128x128xf32, #tpu.memory_space<vmem>> -> memref<128x128xf32, #tpu.memory_space<vmem>>
            %dma_wait3A_356 = arith.constant 0 : i32
            %dma_wait3A_357 = arith.constant 0 : i32
            %dma_wait3A_358 = tpu.memref_slice %run_scoped3A[%rem3A_270, %dma_wait3A_356, %dma_wait3A_357] : memref<2x1x128xi32, #tpu.memory_space<vmem>> -> memref<1x1x128xi32, #tpu.memory_space<vmem>>
            %dma_wait3A_359 = tpu.memref_squeeze %dma_wait3A_358 : memref<1x1x128xi32, #tpu.memory_space<vmem>> -> memref<1x128xi32, #tpu.memory_space<vmem>>
            %dma_wait3A_360 = arith.constant 0 : i32
            %dma_wait3A_361 = tpu.memref_slice %dma_wait3A_359[%run_scoped3A_273, %dma_wait3A_360] : memref<1x128xi32, #tpu.memory_space<vmem>> -> memref<1x128xi32, #tpu.memory_space<vmem>>
            %dma_wait3A_362 = tpu.memref_squeeze %dma_wait3A_361 : memref<1x128xi32, #tpu.memory_space<vmem>> -> memref<128xi32, #tpu.memory_space<vmem>>
            %dma_wait3A_363 = arith.constant 0 : i32
            %dma_wait3A_364 = arith.constant 0 : i32
            %dma_wait3A_365 = tpu.memref_slice %arg3[%dma_wait3A_363, %dma_wait3A_364] : memref<100000x128xf32, #tpu.memory_space<hbm>> -> memref<100000x128xf32, #tpu.memory_space<hbm>>
            tpu.wait_indirect_dma semaphore(%run_scoped3A_338 : memref<!tpu.dma_semaphore, #tpu.memory_space<semaphore_mem>>) src(%dma_wait3A_365 : memref<100000x128xf32, #tpu.memory_space<hbm>>) dst(%dma_wait3A_355 : memref<128x128xf32, #tpu.memory_space<vmem>>)
            tpu.yield
          }) : () -> ()
          "tpu.trace_stop"() : () -> ()
          %ne3A_274 = arith.cmpi ne, %add3A_199, %add3A_217 : i32
          %or3A_275 = arith.constant false
          %or3A_276 = arith.ori %or3A_275, %ne3A_274 : i1
          %or3A_277 = arith.ori %or3A_276, %eq3A_198 : i1
          %convert_element_type3A_278 = arith.extui %or3A_277 : i1 to i32
          %cond3A_279 = arith.constant 0 : i32
          %cond3A_280 = arith.cmpi ne, %convert_element_type3A_278, %cond3A_279 : i32
          scf.if %cond3A_280 {
          } else {
          }
          %and3A_281 = arith.constant false
          %and3A_282 = arith.andi %or3A_277, %and3A_281 : i1
          %ne3A_283 = arith.cmpi ne, %add3A_199, %add3A_217 : i32
          %or3A_284 = arith.constant false
          %or3A_285 = arith.ori %or3A_284, %ne3A_283 : i1
          %or3A_286 = arith.constant false
          %or3A_287 = arith.ori %or3A_285, %or3A_286 : i1
          %or3A_288 = arith.ori %or3A_287, %eq3A_198 : i1
          %convert_element_type3A_289 = arith.extui %or3A_288 : i1 to i32
          %cond3A_290 = arith.constant 0 : i32
          %cond3A_291 = arith.cmpi ne, %convert_element_type3A_289, %cond3A_290 : i32
          scf.if %cond3A_291 {
            "tpu.trace_start"() <{level = 10 : i32, message = "ep_copy_out"}> : () -> ()
            %rem3A_338 = arith.constant 2 : i32
            %rem3A_339 = arith.remui %while3A_189, %rem3A_338 : i32
            %mul3A_340 = arith.constant 128 : i32
            %mul3A_341 = arith.muli %mul3A_340, %add3A_199 : i32
            %dma_start3A_342 = arith.constant 0 : i32
            %dma_start3A_343 = arith.constant 0 : i32
            %dma_start3A_344 = tpu.memref_slice %run_scoped3A_62[%rem3A_339, %dma_start3A_342, %dma_start3A_343] : memref<2x128x128xf32, #tpu.memory_space<vmem>> -> memref<1x128x128xf32, #tpu.memory_space<vmem>>
            %dma_start3A_345 = tpu.memref_squeeze %dma_start3A_344 : memref<1x128x128xf32, #tpu.memory_space<vmem>> -> memref<128x128xf32, #tpu.memory_space<vmem>>
            %dma_start3A_346 = arith.constant 0 : i32
            %dma_start3A_347 = tpu.memref_slice %arg7[%mul3A_341, %dma_start3A_346] : memref<1024x128xf32, #tpu.memory_space<hbm>> -> memref<128x128xf32, #tpu.memory_space<hbm>>
            %dma_start3A_348 = tpu.memref_slice %run_scoped3A_63[%rem3A_339] : memref<2x!tpu.dma_semaphore, #tpu.memory_space<semaphore_mem>> -> memref<1x!tpu.dma_semaphore, #tpu.memory_space<semaphore_mem>>
            %dma_start3A_349 = tpu.memref_squeeze %dma_start3A_348 : memref<1x!tpu.dma_semaphore, #tpu.memory_space<semaphore_mem>> -> memref<!tpu.dma_semaphore, #tpu.memory_space<semaphore_mem>>
            %dma_start3A_350 = arith.constant 0 : i32
            %dma_start3A_351 = tpu.memref_slice %arg7[%mul3A_341, %dma_start3A_350] : memref<1024x128xf32, #tpu.memory_space<hbm>> -> memref<128x128xf32, #tpu.memory_space<hbm>>
            %dma_start3A_352 = arith.constant 0 : i32
            %dma_start3A_353 = arith.constant 0 : i32
            %dma_start3A_354 = tpu.memref_slice %run_scoped3A_62[%rem3A_339, %dma_start3A_352, %dma_start3A_353] : memref<2x128x128xf32, #tpu.memory_space<vmem>> -> memref<1x128x128xf32, #tpu.memory_space<vmem>>
            %dma_start3A_355 = tpu.memref_squeeze %dma_start3A_354 : memref<1x128x128xf32, #tpu.memory_space<vmem>> -> memref<128x128xf32, #tpu.memory_space<vmem>>
            tpu.enqueue_dma source(%dma_start3A_355 : memref<128x128xf32, #tpu.memory_space<vmem>>) target(%dma_start3A_351 : memref<128x128xf32, #tpu.memory_space<hbm>>) target_semaphore(%dma_start3A_349 : memref<!tpu.dma_semaphore, #tpu.memory_space<semaphore_mem>>)
            "tpu.trace_stop"() : () -> ()
          } else {
          }
          %and3A_292 = arith.constant true
          %and3A_293 = arith.andi %or3A_288, %and3A_292 : i1
          %add3A_294 = arith.constant 1 : i32
          %add3A_295 = arith.addi %while3A_189, %add3A_294 : i32
          %select_n3A_296 = arith.select %and3A_293, %add3A_295, %while3A_189 : i32
          %ne3A_297 = arith.cmpi ne, %add3A_199, %add3A_209 : i32
          %or3A_298 = arith.constant false
          %or3A_299 = arith.ori %or3A_298, %ne3A_297 : i1
          %not3A_300 = arith.constant true
          %not3A_301 = arith.xori %eq3A_195, %not3A_300 : i1
          %and3A_302 = arith.andi %or3A_299, %not3A_301 : i1
          %convert_element_type3A_303 = arith.extui %and3A_302 : i1 to i32
          %cond3A_304 = arith.constant 0 : i32
          %cond3A_305 = arith.cmpi ne, %convert_element_type3A_303, %cond3A_304 : i32
          scf.if %cond3A_305 {
          } else {
          }
          %and3A_306 = arith.constant false
          %and3A_307 = arith.andi %and3A_302, %and3A_306 : i1
          %ne3A_308 = arith.cmpi ne, %add3A_199, %add3A_209 : i32
          %or3A_309 = arith.constant false
          %or3A_310 = arith.ori %or3A_309, %ne3A_308 : i1
          %or3A_311 = arith.constant false
          %or3A_312 = arith.ori %or3A_310, %or3A_311 : i1
          %not3A_313 = arith.constant true
          %not3A_314 = arith.xori %eq3A_195, %not3A_313 : i1
          %and3A_315 = arith.andi %or3A_312, %not3A_314 : i1
          %convert_element_type3A_316 = arith.extui %and3A_315 : i1 to i32
          %cond3A_317 = arith.constant 0 : i32
          %cond3A_318 = arith.cmpi ne, %convert_element_type3A_316, %cond3A_317 : i32
          scf.if %cond3A_318 {
            "tpu.trace_start"() <{level = 10 : i32, message = "ep_wait_out"}> : () -> ()
            %rem3A_338 = arith.constant 2 : i32
            %rem3A_339 = arith.remui %while3A_190, %rem3A_338 : i32
            %mul3A_340 = arith.constant 128 : i32
            %mul3A_341 = arith.muli %mul3A_340, %add3A_209 : i32
            %dma_wait3A = arith.constant 0 : i32
            %dma_wait3A_342 = arith.constant 0 : i32
            %dma_wait3A_343 = tpu.memref_slice %run_scoped3A_62[%rem3A_339, %dma_wait3A, %dma_wait3A_342] : memref<2x128x128xf32, #tpu.memory_space<vmem>> -> memref<1x128x128xf32, #tpu.memory_space<vmem>>
            %dma_wait3A_344 = tpu.memref_squeeze %dma_wait3A_343 : memref<1x128x128xf32, #tpu.memory_space<vmem>> -> memref<128x128xf32, #tpu.memory_space<vmem>>
            %dma_wait3A_345 = arith.constant 0 : i32
            %dma_wait3A_346 = tpu.memref_slice %arg7[%mul3A_341, %dma_wait3A_345] : memref<1024x128xf32, #tpu.memory_space<hbm>> -> memref<128x128xf32, #tpu.memory_space<hbm>>
            %dma_wait3A_347 = tpu.memref_slice %run_scoped3A_63[%rem3A_339] : memref<2x!tpu.dma_semaphore, #tpu.memory_space<semaphore_mem>> -> memref<1x!tpu.dma_semaphore, #tpu.memory_space<semaphore_mem>>
            %dma_wait3A_348 = tpu.memref_squeeze %dma_wait3A_347 : memref<1x!tpu.dma_semaphore, #tpu.memory_space<semaphore_mem>> -> memref<!tpu.dma_semaphore, #tpu.memory_space<semaphore_mem>>
            %dma_wait3A_349 = arith.constant 0 : i32
            %dma_wait3A_350 = tpu.memref_slice %arg7[%mul3A_341, %dma_wait3A_349] : memref<1024x128xf32, #tpu.memory_space<hbm>> -> memref<128x128xf32, #tpu.memory_space<hbm>>
            %dma_wait3A_351 = arith.constant 0 : i32
            %dma_wait3A_352 = arith.constant 0 : i32
            %dma_wait3A_353 = tpu.memref_slice %run_scoped3A_62[%rem3A_339, %dma_wait3A_351, %dma_wait3A_352] : memref<2x128x128xf32, #tpu.memory_space<vmem>> -> memref<1x128x128xf32, #tpu.memory_space<vmem>>
            %dma_wait3A_354 = tpu.memref_squeeze %dma_wait3A_353 : memref<1x128x128xf32, #tpu.memory_space<vmem>> -> memref<128x128xf32, #tpu.memory_space<vmem>>
            tpu.wait_dma2 semaphore(%dma_wait3A_348 : memref<!tpu.dma_semaphore, #tpu.memory_space<semaphore_mem>>) src(%dma_wait3A_354 : memref<128x128xf32, #tpu.memory_space<vmem>>) dst(%dma_wait3A_350 : memref<128x128xf32, #tpu.memory_space<hbm>>)
            "tpu.trace_stop"() : () -> ()
          } else {
          }
          %and3A_319 = arith.constant true
          %and3A_320 = arith.andi %and3A_315, %and3A_319 : i1
          %add3A_321 = arith.constant 1 : i32
          %add3A_322 = arith.addi %while3A_190, %add3A_321 : i32
          %select_n3A_323 = arith.select %and3A_320, %add3A_322, %while3A_190 : i32
          %ne3A_324 = arith.cmpi ne, %add3A_199, %add3A_217 : i32
          %or3A_325 = arith.constant false
          %or3A_326 = arith.ori %or3A_325, %ne3A_324 : i1
          %or3A_327 = arith.ori %or3A_326, %eq3A_198 : i1
          %add3A_328 = arith.constant 1 : i32
          %add3A_329 = arith.addi %while3A_188, %add3A_328 : i32
          %select_n3A_330 = arith.select %or3A_327, %add3A_329, %while3A_188 : i32
          %add3A_331 = arith.constant 1 : i32
          %add3A_332 = arith.addi %while3A_191, %add3A_331 : i32
          %select_n3A_333 = arith.constant true
          %select_n3A_334 = arith.select %select_n3A_333, %add3A_332, %while3A_191 : i32
          %eq3A_335 = arith.cmpi eq, %select_n3A_334, %select_n3A_28 : i32
          %select_n3A_336 = arith.constant 0 : i32
          %select_n3A_337 = arith.select %eq3A_335, %select_n3A_336, %select_n3A_334 : i32
          scf.yield %select_n3A_239, %select_n3A_330, %select_n3A_296, %select_n3A_323, %select_n3A_337 : i32, i32, i32, i32, i32
        }
        %sub3A_135 = arith.constant 1 : i32
        %sub3A_136 = arith.subi %while3A_134#4, %sub3A_135 : i32
        %select_n3A_137 = arith.constant true
        %select_n3A_138 = arith.select %select_n3A_137, %sub3A_136, %while3A_134#4 : i32
        %eq3A_139 = arith.constant -1 : i32
        %eq3A_140 = arith.cmpi eq, %select_n3A_138, %eq3A_139 : i32
        %sub3A_141 = arith.constant 1 : i32
        %sub3A_142 = arith.subi %select_n3A_28, %sub3A_141 : i32
        %select_n3A_143 = arith.select %eq3A_140, %sub3A_142, %select_n3A_138 : i32
        %sub3A_144 = arith.constant 1 : i32
        %sub3A_145 = arith.subi %mul3A_38, %sub3A_144 : i32
        %mul3A_146 = arith.constant 1 : i32
        %mul3A_147 = arith.muli %mul3A_146, %select_n3A_28 : i32
        %eq3A_148 = arith.constant 0 : i32
        %eq3A_149 = arith.cmpi eq, %sub3A_145, %eq3A_148 : i32
        %sub3A_150 = arith.constant 1 : i32
        %sub3A_151 = arith.subi %mul3A_147, %sub3A_150 : i32
        %eq3A_152 = arith.cmpi eq, %sub3A_145, %sub3A_151 : i32
        %add3A_153 = arith.addi %select_n3A_143, %select_n3A_36 : i32
        %sub3A_154 = arith.constant 1 : i32
        %sub3A_155 = arith.subi %select_n3A_143, %sub3A_154 : i32
        %select_n3A_156 = arith.constant true
        %select_n3A_157 = arith.select %select_n3A_156, %sub3A_155, %select_n3A_143 : i32
        %eq3A_158 = arith.constant -1 : i32
        %eq3A_159 = arith.cmpi eq, %select_n3A_157, %eq3A_158 : i32
        %sub3A_160 = arith.constant 1 : i32
        %sub3A_161 = arith.subi %select_n3A_28, %sub3A_160 : i32
        %select_n3A_162 = arith.select %eq3A_159, %sub3A_161, %select_n3A_157 : i32
        %add3A_163 = arith.addi %select_n3A_162, %select_n3A_36 : i32
        %add3A_164 = arith.constant 1 : i32
        %add3A_165 = arith.addi %select_n3A_143, %add3A_164 : i32
        %select_n3A_166 = arith.constant true
        %select_n3A_167 = arith.select %select_n3A_166, %add3A_165, %select_n3A_143 : i32
        %eq3A_168 = arith.cmpi eq, %select_n3A_167, %select_n3A_28 : i32
        %select_n3A_169 = arith.constant 0 : i32
        %select_n3A_170 = arith.select %eq3A_168, %select_n3A_169, %select_n3A_167 : i32
        %add3A_171 = arith.addi %select_n3A_170, %select_n3A_36 : i32
        %add3A_172 = arith.constant 1 : i32
        %add3A_173 = arith.addi %select_n3A_170, %add3A_172 : i32
        %select_n3A_174 = arith.constant true
        %select_n3A_175 = arith.select %select_n3A_174, %add3A_173, %select_n3A_170 : i32
        %eq3A_176 = arith.cmpi eq, %select_n3A_175, %select_n3A_28 : i32
        %select_n3A_177 = arith.constant 0 : i32
        %select_n3A_178 = arith.select %eq3A_176, %select_n3A_177, %select_n3A_175 : i32
        %add3A_179 = arith.addi %select_n3A_178, %select_n3A_36 : i32
        %convert_element_type3A_180 = arith.extui %eq3A_152 : i1 to i32
        %cond3A_181 = arith.constant 0 : i32
        %cond3A_182 = arith.cmpi ne, %convert_element_type3A_180, %cond3A_181 : i32
        scf.if %cond3A_182 {
        } else {
        }
        %convert_element_type3A_183 = arith.extui %eq3A_152 : i1 to i32
        %cond3A_184 = arith.constant 0 : i32
        %cond3A_185 = arith.cmpi ne, %convert_element_type3A_183, %cond3A_184 : i32
        scf.if %cond3A_185 {
          "tpu.trace_start"() <{level = 10 : i32, message = "ep_finalize"}> : () -> ()
          %rem3A_186 = arith.constant 2 : i32
          %rem3A_187 = arith.remui %while3A_134#3, %rem3A_186 : i32
          %mul3A_188 = arith.constant 128 : i32
          %mul3A_189 = arith.muli %mul3A_188, %add3A_153 : i32
          %dma_wait3A = arith.constant 0 : i32
          %dma_wait3A_190 = arith.constant 0 : i32
          %dma_wait3A_191 = tpu.memref_slice %run_scoped3A_62[%rem3A_187, %dma_wait3A, %dma_wait3A_190] : memref<2x128x128xf32, #tpu.memory_space<vmem>> -> memref<1x128x128xf32, #tpu.memory_space<vmem>>
          %dma_wait3A_192 = tpu.memref_squeeze %dma_wait3A_191 : memref<1x128x128xf32, #tpu.memory_space<vmem>> -> memref<128x128xf32, #tpu.memory_space<vmem>>
          %dma_wait3A_193 = arith.constant 0 : i32
          %dma_wait3A_194 = tpu.memref_slice %arg7[%mul3A_189, %dma_wait3A_193] : memref<1024x128xf32, #tpu.memory_space<hbm>> -> memref<128x128xf32, #tpu.memory_space<hbm>>
          %dma_wait3A_195 = tpu.memref_slice %run_scoped3A_63[%rem3A_187] : memref<2x!tpu.dma_semaphore, #tpu.memory_space<semaphore_mem>> -> memref<1x!tpu.dma_semaphore, #tpu.memory_space<semaphore_mem>>
          %dma_wait3A_196 = tpu.memref_squeeze %dma_wait3A_195 : memref<1x!tpu.dma_semaphore, #tpu.memory_space<semaphore_mem>> -> memref<!tpu.dma_semaphore, #tpu.memory_space<semaphore_mem>>
          %dma_wait3A_197 = arith.constant 0 : i32
          %dma_wait3A_198 = tpu.memref_slice %arg7[%mul3A_189, %dma_wait3A_197] : memref<1024x128xf32, #tpu.memory_space<hbm>> -> memref<128x128xf32, #tpu.memory_space<hbm>>
          %dma_wait3A_199 = arith.constant 0 : i32
          %dma_wait3A_200 = arith.constant 0 : i32
          %dma_wait3A_201 = tpu.memref_slice %run_scoped3A_62[%rem3A_187, %dma_wait3A_199, %dma_wait3A_200] : memref<2x128x128xf32, #tpu.memory_space<vmem>> -> memref<1x128x128xf32, #tpu.memory_space<vmem>>
          %dma_wait3A_202 = tpu.memref_squeeze %dma_wait3A_201 : memref<1x128x128xf32, #tpu.memory_space<vmem>> -> memref<128x128xf32, #tpu.memory_space<vmem>>
          tpu.wait_dma2 semaphore(%dma_wait3A_196 : memref<!tpu.dma_semaphore, #tpu.memory_space<semaphore_mem>>) src(%dma_wait3A_202 : memref<128x128xf32, #tpu.memory_space<vmem>>) dst(%dma_wait3A_198 : memref<128x128xf32, #tpu.memory_space<hbm>>)
          "tpu.trace_stop"() : () -> ()
        } else {
        }
      } else {
      }
      tpu.yield
    }) : () -> ()
    %mul3A_39 = arith.constant 1 : i32
    %mul3A_40 = arith.muli %arg1, %mul3A_39 : i32
    %add3A_41 = arith.constant 0 : i32
    %add3A_42 = arith.addi %add3A_41, %mul3A_40 : i32
    %mul3A_43 = arith.constant 16 : i32
    %mul3A_44 = arith.muli %arg0, %mul3A_43 : i32
    %add3A_45 = arith.addi %add3A_42, %mul3A_44 : i32
    %lt3A_46 = arith.constant 8 : i32
    %lt3A_47 = arith.cmpi slt, %add3A_45, %lt3A_46 : i32
    %jit3A_48 = arith.constant 1 : i32
    %jit3A_49 = arith.constant 0 : i32
    %select_n3A_50 = arith.select %lt3A_47, %jit3A_48, %jit3A_49 : i32
    %lt3A_51 = arith.constant 8 : i32
    %lt3A_52 = arith.cmpi slt, %add3A_45, %lt3A_51 : i32
    %mul3A_53 = arith.muli %add3A_45, %select_n3A_50 : i32
    %mul3A_54 = arith.constant 0 : i32
    %mul3A_55 = arith.muli %add3A_45, %mul3A_54 : i32
    %add3A_56 = arith.constant 8 : i32
    %add3A_57 = arith.addi %mul3A_55, %add3A_56 : i32
    %select_n3A_58 = arith.select %lt3A_52, %mul3A_53, %add3A_57 : i32
    %mul3A_59 = arith.constant 1 : i32
    %mul3A_60 = arith.muli %mul3A_59, %select_n3A_50 : i32
    "tpu.region"() ({
      %run_scoped3A = memref.alloca() : memref<2x1x128xi32, #tpu.memory_space<vmem>>
      %run_scoped3A_61 = tpu.sem_alloc : memref<2x!tpu.dma_semaphore, #tpu.memory_space<semaphore_mem>>
      %run_scoped3A_62 = memref.alloca() : memref<2x128x128xf32, #tpu.memory_space<vmem>>
      %run_scoped3A_63 = tpu.sem_alloc : memref<2x!tpu.dma_semaphore, #tpu.memory_space<semaphore_mem>>
      %gt3A = arith.constant 0 : i32
      %gt3A_64 = arith.cmpi sgt, %mul3A_60, %gt3A : i32
      %convert_element_type3A = arith.extui %gt3A_64 : i1 to i32
      %cond3A = arith.constant 0 : i32
      %cond3A_65 = arith.cmpi ne, %convert_element_type3A, %cond3A : i32
      scf.if %cond3A_65 {
        %mul3A_66 = arith.constant 1 : i32
        %mul3A_67 = arith.muli %mul3A_66, %select_n3A_50 : i32
        %sub3A = arith.constant 1 : i32
        %sub3A_68 = arith.subi %mul3A_67, %sub3A : i32
        %eq3A = arith.constant 0 : i32
        %eq3A_69 = arith.cmpi eq, %sub3A_68, %eq3A : i32
        %add3A_70 = arith.constant 0 : i32
        %add3A_71 = arith.addi %add3A_70, %select_n3A_58 : i32
        %select_n3A_72 = arith.constant true
        %select_n3A_73 = arith.constant 0 : i32
        %select_n3A_74 = arith.constant -1 : i32
        %select_n3A_75 = arith.select %select_n3A_72, %select_n3A_74, %select_n3A_73 : i32
        %eq3A_76 = arith.constant -1 : i32
        %eq3A_77 = arith.cmpi eq, %select_n3A_75, %eq3A_76 : i32
        %sub3A_78 = arith.constant 1 : i32
        %sub3A_79 = arith.subi %select_n3A_50, %sub3A_78 : i32
        %select_n3A_80 = arith.select %eq3A_77, %sub3A_79, %select_n3A_75 : i32
        %add3A_81 = arith.addi %select_n3A_80, %select_n3A_58 : i32
        %select_n3A_82 = arith.constant true
        %select_n3A_83 = arith.constant 0 : i32
        %select_n3A_84 = arith.constant 1 : i32
        %select_n3A_85 = arith.select %select_n3A_82, %select_n3A_84, %select_n3A_83 : i32
        %eq3A_86 = arith.cmpi eq, %select_n3A_85, %select_n3A_50 : i32
        %select_n3A_87 = arith.constant 0 : i32
        %select_n3A_88 = arith.select %eq3A_86, %select_n3A_87, %select_n3A_85 : i32
        %add3A_89 = arith.addi %select_n3A_88, %select_n3A_58 : i32
        %add3A_90 = arith.constant 1 : i32
        %add3A_91 = arith.addi %select_n3A_88, %add3A_90 : i32
        %select_n3A_92 = arith.constant true
        %select_n3A_93 = arith.select %select_n3A_92, %add3A_91, %select_n3A_88 : i32
        %eq3A_94 = arith.cmpi eq, %select_n3A_93, %select_n3A_50 : i32
        %select_n3A_95 = arith.constant 0 : i32
        %select_n3A_96 = arith.select %eq3A_94, %select_n3A_95, %select_n3A_93 : i32
        %add3A_97 = arith.addi %select_n3A_96, %select_n3A_58 : i32
        "tpu.trace_start"() <{level = 10 : i32, message = "ep_initialize_0"}> : () -> ()
        %rem3A = arith.constant 0 : i32
        %rem3A_98 = arith.constant 2 : i32
        %rem3A_99 = arith.remui %rem3A, %rem3A_98 : i32
        %mul3A_100 = arith.constant 128 : i32
        %mul3A_101 = arith.muli %mul3A_100, %add3A_71 : i32
        %dma_start3A = arith.constant 0 : i32
        %dma_start3A_102 = arith.constant 0 : i32
        %dma_start3A_103 = tpu.memref_slice %run_scoped3A[%rem3A_99, %dma_start3A, %dma_start3A_102] : memref<2x1x128xi32, #tpu.memory_space<vmem>> -> memref<1x1x128xi32, #tpu.memory_space<vmem>>
        %dma_start3A_104 = tpu.memref_squeeze %dma_start3A_103 : memref<1x1x128xi32, #tpu.memory_space<vmem>> -> memref<1x128xi32, #tpu.memory_space<vmem>>
        %dma_start3A_105 = arith.constant 0 : i32
        %dma_start3A_106 = tpu.memref_slice %arg5[%dma_start3A_105, %mul3A_101] : memref<1x1024xi32, #tpu.memory_space<hbm>> -> memref<1x128xi32, #tpu.memory_space<hbm>>
        %dma_start3A_107 = tpu.memref_slice %run_scoped3A_61[%rem3A_99] : memref<2x!tpu.dma_semaphore, #tpu.memory_space<semaphore_mem>> -> memref<1x!tpu.dma_semaphore, #tpu.memory_space<semaphore_mem>>
        %dma_start3A_108 = tpu.memref_squeeze %dma_start3A_107 : memref<1x!tpu.dma_semaphore, #tpu.memory_space<semaphore_mem>> -> memref<!tpu.dma_semaphore, #tpu.memory_space<semaphore_mem>>
        %dma_start3A_109 = arith.constant 0 : i32
        %dma_start3A_110 = arith.constant 0 : i32
        %dma_start3A_111 = tpu.memref_slice %run_scoped3A[%rem3A_99, %dma_start3A_109, %dma_start3A_110] : memref<2x1x128xi32, #tpu.memory_space<vmem>> -> memref<1x1x128xi32, #tpu.memory_space<vmem>>
        %dma_start3A_112 = tpu.memref_squeeze %dma_start3A_111 : memref<1x1x128xi32, #tpu.memory_space<vmem>> -> memref<1x128xi32, #tpu.memory_space<vmem>>
        %dma_start3A_113 = arith.constant 0 : i32
        %dma_start3A_114 = tpu.memref_slice %arg5[%dma_start3A_113, %mul3A_101] : memref<1x1024xi32, #tpu.memory_space<hbm>> -> memref<1x128xi32, #tpu.memory_space<hbm>>
        tpu.enqueue_dma source(%dma_start3A_114 : memref<1x128xi32, #tpu.memory_space<hbm>>) target(%dma_start3A_112 : memref<1x128xi32, #tpu.memory_space<vmem>>) target_semaphore(%dma_start3A_108 : memref<!tpu.dma_semaphore, #tpu.memory_space<semaphore_mem>>)
        %add3A_115 = arith.constant 0 : i32
        %add3A_116 = arith.constant 1 : i32
        %add3A_117 = arith.addi %add3A_115, %add3A_116 : i32
        %select_n3A_118 = arith.constant true
        %select_n3A_119 = arith.constant 0 : i32
        %select_n3A_120 = arith.select %select_n3A_118, %add3A_117, %select_n3A_119 : i32
        %while3A = arith.constant 0 : i32
        %while3A_121 = arith.constant 0 : i32
        %while3A_122 = arith.constant 0 : i32
        %while3A_123 = arith.constant 0 : i32
        %while3A_124 = arith.constant 0 : i32
        "tpu.trace_stop"() : () -> ()
        %while3A_125 = arith.subi %mul3A_60, %while3A : i32
        %while3A_126 = arith.addi %while3A, %while3A_125 : i32
        %while3A_127 = arith.constant 1 : i32
        %while3A_128 = arith.divsi %while3A_125, %while3A_127 : i32
        %while3A_129 = arith.muli %while3A_128, %while3A_127 : i32
        %while3A_130 = arith.addi %while3A, %while3A_129 : i32
        %while3A_131 = arith.constant 1 : i32
        %while3A_132:5 = scf.for %while3A_186 = %while3A to %while3A_130 step %while3A_131 iter_args(%while3A_187 = %select_n3A_120, %while3A_188 = %while3A_121, %while3A_189 = %while3A_122, %while3A_190 = %while3A_123, %while3A_191 = %while3A_124) -> (i32, i32, i32, i32, i32)  : i32 {
          %mul3A_192 = arith.constant 1 : i32
          %mul3A_193 = arith.muli %mul3A_192, %select_n3A_50 : i32
          %eq3A_194 = arith.constant 0 : i32
          %eq3A_195 = arith.cmpi eq, %while3A_186, %eq3A_194 : i32
          %sub3A_196 = arith.constant 1 : i32
          %sub3A_197 = arith.subi %mul3A_193, %sub3A_196 : i32
          %eq3A_198 = arith.cmpi eq, %while3A_186, %sub3A_197 : i32
          %add3A_199 = arith.addi %while3A_191, %select_n3A_58 : i32
          %sub3A_200 = arith.constant 1 : i32
          %sub3A_201 = arith.subi %while3A_191, %sub3A_200 : i32
          %select_n3A_202 = arith.constant true
          %select_n3A_203 = arith.select %select_n3A_202, %sub3A_201, %while3A_191 : i32
          %eq3A_204 = arith.constant -1 : i32
          %eq3A_205 = arith.cmpi eq, %select_n3A_203, %eq3A_204 : i32
          %sub3A_206 = arith.constant 1 : i32
          %sub3A_207 = arith.subi %select_n3A_50, %sub3A_206 : i32
          %select_n3A_208 = arith.select %eq3A_205, %sub3A_207, %select_n3A_203 : i32
          %add3A_209 = arith.addi %select_n3A_208, %select_n3A_58 : i32
          %add3A_210 = arith.constant 1 : i32
          %add3A_211 = arith.addi %while3A_191, %add3A_210 : i32
          %select_n3A_212 = arith.constant true
          %select_n3A_213 = arith.select %select_n3A_212, %add3A_211, %while3A_191 : i32
          %eq3A_214 = arith.cmpi eq, %select_n3A_213, %select_n3A_50 : i32
          %select_n3A_215 = arith.constant 0 : i32
          %select_n3A_216 = arith.select %eq3A_214, %select_n3A_215, %select_n3A_213 : i32
          %add3A_217 = arith.addi %select_n3A_216, %select_n3A_58 : i32
          %add3A_218 = arith.constant 1 : i32
          %add3A_219 = arith.addi %select_n3A_216, %add3A_218 : i32
          %select_n3A_220 = arith.constant true
          %select_n3A_221 = arith.select %select_n3A_220, %add3A_219, %select_n3A_216 : i32
          %eq3A_222 = arith.cmpi eq, %select_n3A_221, %select_n3A_50 : i32
          %select_n3A_223 = arith.constant 0 : i32
          %select_n3A_224 = arith.select %eq3A_222, %select_n3A_223, %select_n3A_221 : i32
          %add3A_225 = arith.addi %select_n3A_224, %select_n3A_58 : i32
          %ne3A = arith.cmpi ne, %add3A_199, %add3A_217 : i32
          %or3A = arith.constant false
          %or3A_226 = arith.ori %or3A, %ne3A : i1
          %sub3A_227 = arith.constant 2 : i32
          %sub3A_228 = arith.subi %mul3A_193, %sub3A_227 : i32
          %add3A_229 = arith.constant 1 : i32
          %add3A_230 = arith.addi %sub3A_228, %add3A_229 : i32
          %ge3A = arith.cmpi sge, %while3A_186, %add3A_230 : i32
          %not3A = arith.constant true
          %not3A_231 = arith.xori %ge3A, %not3A : i1
          %and3A = arith.andi %or3A_226, %not3A_231 : i1
          %convert_element_type3A_232 = arith.extui %and3A : i1 to i32
          %cond3A_233 = arith.constant 0 : i32
          %cond3A_234 = arith.cmpi ne, %convert_element_type3A_232, %cond3A_233 : i32
          scf.if %cond3A_234 {
            "tpu.trace_start"() <{level = 10 : i32, message = "ep_copy_in"}> : () -> ()
            %rem3A_338 = arith.constant 2 : i32
            %rem3A_339 = arith.remui %while3A_187, %rem3A_338 : i32
            %mul3A_340 = arith.constant 128 : i32
            %mul3A_341 = arith.muli %mul3A_340, %add3A_217 : i32
            %dma_start3A_342 = arith.constant 0 : i32
            %dma_start3A_343 = arith.constant 0 : i32
            %dma_start3A_344 = tpu.memref_slice %run_scoped3A[%rem3A_339, %dma_start3A_342, %dma_start3A_343] : memref<2x1x128xi32, #tpu.memory_space<vmem>> -> memref<1x1x128xi32, #tpu.memory_space<vmem>>
            %dma_start3A_345 = tpu.memref_squeeze %dma_start3A_344 : memref<1x1x128xi32, #tpu.memory_space<vmem>> -> memref<1x128xi32, #tpu.memory_space<vmem>>
            %dma_start3A_346 = arith.constant 0 : i32
            %dma_start3A_347 = tpu.memref_slice %arg5[%dma_start3A_346, %mul3A_341] : memref<1x1024xi32, #tpu.memory_space<hbm>> -> memref<1x128xi32, #tpu.memory_space<hbm>>
            %dma_start3A_348 = tpu.memref_slice %run_scoped3A_61[%rem3A_339] : memref<2x!tpu.dma_semaphore, #tpu.memory_space<semaphore_mem>> -> memref<1x!tpu.dma_semaphore, #tpu.memory_space<semaphore_mem>>
            %dma_start3A_349 = tpu.memref_squeeze %dma_start3A_348 : memref<1x!tpu.dma_semaphore, #tpu.memory_space<semaphore_mem>> -> memref<!tpu.dma_semaphore, #tpu.memory_space<semaphore_mem>>
            %dma_start3A_350 = arith.constant 0 : i32
            %dma_start3A_351 = arith.constant 0 : i32
            %dma_start3A_352 = tpu.memref_slice %run_scoped3A[%rem3A_339, %dma_start3A_350, %dma_start3A_351] : memref<2x1x128xi32, #tpu.memory_space<vmem>> -> memref<1x1x128xi32, #tpu.memory_space<vmem>>
            %dma_start3A_353 = tpu.memref_squeeze %dma_start3A_352 : memref<1x1x128xi32, #tpu.memory_space<vmem>> -> memref<1x128xi32, #tpu.memory_space<vmem>>
            %dma_start3A_354 = arith.constant 0 : i32
            %dma_start3A_355 = tpu.memref_slice %arg5[%dma_start3A_354, %mul3A_341] : memref<1x1024xi32, #tpu.memory_space<hbm>> -> memref<1x128xi32, #tpu.memory_space<hbm>>
            tpu.enqueue_dma source(%dma_start3A_355 : memref<1x128xi32, #tpu.memory_space<hbm>>) target(%dma_start3A_353 : memref<1x128xi32, #tpu.memory_space<vmem>>) target_semaphore(%dma_start3A_349 : memref<!tpu.dma_semaphore, #tpu.memory_space<semaphore_mem>>)
            "tpu.trace_stop"() : () -> ()
          } else {
          }
          %and3A_235 = arith.constant true
          %and3A_236 = arith.andi %and3A, %and3A_235 : i1
          %add3A_237 = arith.constant 1 : i32
          %add3A_238 = arith.addi %while3A_187, %add3A_237 : i32
          %select_n3A_239 = arith.select %and3A_236, %add3A_238, %while3A_187 : i32
          %ne3A_240 = arith.cmpi ne, %add3A_199, %add3A_217 : i32
          %or3A_241 = arith.constant false
          %or3A_242 = arith.ori %or3A_241, %ne3A_240 : i1
          %or3A_243 = arith.constant false
          %or3A_244 = arith.ori %or3A_242, %or3A_243 : i1
          %sub3A_245 = arith.constant 2 : i32
          %sub3A_246 = arith.subi %mul3A_193, %sub3A_245 : i32
          %add3A_247 = arith.constant 1 : i32
          %add3A_248 = arith.addi %sub3A_246, %add3A_247 : i32
          %ge3A_249 = arith.cmpi sge, %while3A_186, %add3A_248 : i32
          %not3A_250 = arith.constant true
          %not3A_251 = arith.xori %ge3A_249, %not3A_250 : i1
          %and3A_252 = arith.andi %or3A_244, %not3A_251 : i1
          %ne3A_253 = arith.cmpi ne, %add3A_199, %add3A_209 : i32
          %or3A_254 = arith.constant false
          %or3A_255 = arith.ori %or3A_254, %ne3A_253 : i1
          %or3A_256 = arith.ori %or3A_255, %eq3A_195 : i1
          %convert_element_type3A_257 = arith.extui %or3A_256 : i1 to i32
          %cond3A_258 = arith.constant 0 : i32
          %cond3A_259 = arith.cmpi ne, %convert_element_type3A_257, %cond3A_258 : i32
          scf.if %cond3A_259 {
            "tpu.trace_start"() <{level = 10 : i32, message = "ep_wait_in"}> : () -> ()
            %mul3A_338 = arith.constant 128 : i32
            %mul3A_339 = arith.muli %mul3A_338, %add3A_199 : i32
            %rem3A_340 = arith.constant 2 : i32
            %rem3A_341 = arith.remui %while3A_188, %rem3A_340 : i32
            %dma_wait3A = arith.constant 0 : i32
            %dma_wait3A_342 = arith.constant 0 : i32
            %dma_wait3A_343 = tpu.memref_slice %run_scoped3A[%rem3A_341, %dma_wait3A, %dma_wait3A_342] : memref<2x1x128xi32, #tpu.memory_space<vmem>> -> memref<1x1x128xi32, #tpu.memory_space<vmem>>
            %dma_wait3A_344 = tpu.memref_squeeze %dma_wait3A_343 : memref<1x1x128xi32, #tpu.memory_space<vmem>> -> memref<1x128xi32, #tpu.memory_space<vmem>>
            %dma_wait3A_345 = arith.constant 0 : i32
            %dma_wait3A_346 = tpu.memref_slice %arg5[%dma_wait3A_345, %mul3A_339] : memref<1x1024xi32, #tpu.memory_space<hbm>> -> memref<1x128xi32, #tpu.memory_space<hbm>>
            %dma_wait3A_347 = tpu.memref_slice %run_scoped3A_61[%rem3A_341] : memref<2x!tpu.dma_semaphore, #tpu.memory_space<semaphore_mem>> -> memref<1x!tpu.dma_semaphore, #tpu.memory_space<semaphore_mem>>
            %dma_wait3A_348 = tpu.memref_squeeze %dma_wait3A_347 : memref<1x!tpu.dma_semaphore, #tpu.memory_space<semaphore_mem>> -> memref<!tpu.dma_semaphore, #tpu.memory_space<semaphore_mem>>
            %dma_wait3A_349 = arith.constant 0 : i32
            %dma_wait3A_350 = arith.constant 0 : i32
            %dma_wait3A_351 = tpu.memref_slice %run_scoped3A[%rem3A_341, %dma_wait3A_349, %dma_wait3A_350] : memref<2x1x128xi32, #tpu.memory_space<vmem>> -> memref<1x1x128xi32, #tpu.memory_space<vmem>>
            %dma_wait3A_352 = tpu.memref_squeeze %dma_wait3A_351 : memref<1x1x128xi32, #tpu.memory_space<vmem>> -> memref<1x128xi32, #tpu.memory_space<vmem>>
            %dma_wait3A_353 = arith.constant 0 : i32
            %dma_wait3A_354 = tpu.memref_slice %arg5[%dma_wait3A_353, %mul3A_339] : memref<1x1024xi32, #tpu.memory_space<hbm>> -> memref<1x128xi32, #tpu.memory_space<hbm>>
            tpu.wait_dma2 semaphore(%dma_wait3A_348 : memref<!tpu.dma_semaphore, #tpu.memory_space<semaphore_mem>>) src(%dma_wait3A_354 : memref<1x128xi32, #tpu.memory_space<hbm>>) dst(%dma_wait3A_352 : memref<1x128xi32, #tpu.memory_space<vmem>>)
            "tpu.trace_stop"() : () -> ()
          } else {
          }
          %ne3A_260 = arith.cmpi ne, %add3A_199, %add3A_209 : i32
          %or3A_261 = arith.constant false
          %or3A_262 = arith.ori %or3A_261, %ne3A_260 : i1
          %or3A_263 = arith.constant false
          %or3A_264 = arith.ori %or3A_262, %or3A_263 : i1
          %or3A_265 = arith.ori %or3A_264, %eq3A_195 : i1
          %convert_element_type3A_266 = arith.extui %or3A_265 : i1 to i32
          %cond3A_267 = arith.constant 0 : i32
          %cond3A_268 = arith.cmpi ne, %convert_element_type3A_266, %cond3A_267 : i32
          scf.if %cond3A_268 {
          } else {
          }
          %rem3A_269 = arith.constant 2 : i32
          %rem3A_270 = arith.remui %while3A_188, %rem3A_269 : i32
          %rem3A_271 = arith.constant 2 : i32
          %rem3A_272 = arith.remui %while3A_189, %rem3A_271 : i32
          %run_scoped3A_273 = arith.constant 0 : i32
          "tpu.trace_start"() <{level = 10 : i32, message = "ep_run_kernel"}> : () -> ()
          "tpu.region"() ({
            %run_scoped3A_338 = tpu.sem_alloc : memref<!tpu.dma_semaphore, #tpu.memory_space<semaphore_mem>>
            %dma_start3A_339 = arith.constant 0 : i32
            %dma_start3A_340 = arith.constant 0 : i32
            %dma_start3A_341 = tpu.memref_slice %run_scoped3A_62[%rem3A_272, %dma_start3A_339, %dma_start3A_340] : memref<2x128x128xf32, #tpu.memory_space<vmem>> -> memref<1x128x128xf32, #tpu.memory_space<vmem>>
            %dma_start3A_342 = tpu.memref_squeeze %dma_start3A_341 : memref<1x128x128xf32, #tpu.memory_space<vmem>> -> memref<128x128xf32, #tpu.memory_space<vmem>>
            %dma_start3A_343 = arith.constant 0 : i32
            %dma_start3A_344 = arith.constant 0 : i32
            %dma_start3A_345 = tpu.memref_slice %run_scoped3A[%rem3A_270, %dma_start3A_343, %dma_start3A_344] : memref<2x1x128xi32, #tpu.memory_space<vmem>> -> memref<1x1x128xi32, #tpu.memory_space<vmem>>
            %dma_start3A_346 = tpu.memref_squeeze %dma_start3A_345 : memref<1x1x128xi32, #tpu.memory_space<vmem>> -> memref<1x128xi32, #tpu.memory_space<vmem>>
            %dma_start3A_347 = arith.constant 0 : i32
            %dma_start3A_348 = tpu.memref_slice %dma_start3A_346[%run_scoped3A_273, %dma_start3A_347] : memref<1x128xi32, #tpu.memory_space<vmem>> -> memref<1x128xi32, #tpu.memory_space<vmem>>
            %dma_start3A_349 = tpu.memref_squeeze %dma_start3A_348 : memref<1x128xi32, #tpu.memory_space<vmem>> -> memref<128xi32, #tpu.memory_space<vmem>>
            %dma_start3A_350 = arith.constant 0 : i32
            %dma_start3A_351 = arith.constant 0 : i32
            %dma_start3A_352 = tpu.memref_slice %arg4[%dma_start3A_350, %dma_start3A_351] : memref<100000x128xf32, #tpu.memory_space<hbm>> -> memref<100000x128xf32, #tpu.memory_space<hbm>>
            tpu.enqueue_indirect_dma source(%dma_start3A_352 : memref<100000x128xf32, #tpu.memory_space<hbm>>) target(%dma_start3A_342 : memref<128x128xf32, #tpu.memory_space<vmem>>) offsets(%dma_start3A_349 : memref<128xi32, #tpu.memory_space<vmem>>) semaphore(%run_scoped3A_338 : memref<!tpu.dma_semaphore, #tpu.memory_space<semaphore_mem>>)
            %dma_wait3A = arith.constant 0 : i32
            %dma_wait3A_353 = arith.constant 0 : i32
            %dma_wait3A_354 = tpu.memref_slice %run_scoped3A_62[%rem3A_272, %dma_wait3A, %dma_wait3A_353] : memref<2x128x128xf32, #tpu.memory_space<vmem>> -> memref<1x128x128xf32, #tpu.memory_space<vmem>>
            %dma_wait3A_355 = tpu.memref_squeeze %dma_wait3A_354 : memref<1x128x128xf32, #tpu.memory_space<vmem>> -> memref<128x128xf32, #tpu.memory_space<vmem>>
            %dma_wait3A_356 = arith.constant 0 : i32
            %dma_wait3A_357 = arith.constant 0 : i32
            %dma_wait3A_358 = tpu.memref_slice %run_scoped3A[%rem3A_270, %dma_wait3A_356, %dma_wait3A_357] : memref<2x1x128xi32, #tpu.memory_space<vmem>> -> memref<1x1x128xi32, #tpu.memory_space<vmem>>
            %dma_wait3A_359 = tpu.memref_squeeze %dma_wait3A_358 : memref<1x1x128xi32, #tpu.memory_space<vmem>> -> memref<1x128xi32, #tpu.memory_space<vmem>>
            %dma_wait3A_360 = arith.constant 0 : i32
            %dma_wait3A_361 = tpu.memref_slice %dma_wait3A_359[%run_scoped3A_273, %dma_wait3A_360] : memref<1x128xi32, #tpu.memory_space<vmem>> -> memref<1x128xi32, #tpu.memory_space<vmem>>
            %dma_wait3A_362 = tpu.memref_squeeze %dma_wait3A_361 : memref<1x128xi32, #tpu.memory_space<vmem>> -> memref<128xi32, #tpu.memory_space<vmem>>
            %dma_wait3A_363 = arith.constant 0 : i32
            %dma_wait3A_364 = arith.constant 0 : i32
            %dma_wait3A_365 = tpu.memref_slice %arg4[%dma_wait3A_363, %dma_wait3A_364] : memref<100000x128xf32, #tpu.memory_space<hbm>> -> memref<100000x128xf32, #tpu.memory_space<hbm>>
            tpu.wait_indirect_dma semaphore(%run_scoped3A_338 : memref<!tpu.dma_semaphore, #tpu.memory_space<semaphore_mem>>) src(%dma_wait3A_365 : memref<100000x128xf32, #tpu.memory_space<hbm>>) dst(%dma_wait3A_355 : memref<128x128xf32, #tpu.memory_space<vmem>>)
            tpu.yield
          }) : () -> ()
          "tpu.trace_stop"() : () -> ()
          %ne3A_274 = arith.cmpi ne, %add3A_199, %add3A_217 : i32
          %or3A_275 = arith.constant false
          %or3A_276 = arith.ori %or3A_275, %ne3A_274 : i1
          %or3A_277 = arith.ori %or3A_276, %eq3A_198 : i1
          %convert_element_type3A_278 = arith.extui %or3A_277 : i1 to i32
          %cond3A_279 = arith.constant 0 : i32
          %cond3A_280 = arith.cmpi ne, %convert_element_type3A_278, %cond3A_279 : i32
          scf.if %cond3A_280 {
          } else {
          }
          %and3A_281 = arith.constant false
          %and3A_282 = arith.andi %or3A_277, %and3A_281 : i1
          %ne3A_283 = arith.cmpi ne, %add3A_199, %add3A_217 : i32
          %or3A_284 = arith.constant false
          %or3A_285 = arith.ori %or3A_284, %ne3A_283 : i1
          %or3A_286 = arith.constant false
          %or3A_287 = arith.ori %or3A_285, %or3A_286 : i1
          %or3A_288 = arith.ori %or3A_287, %eq3A_198 : i1
          %convert_element_type3A_289 = arith.extui %or3A_288 : i1 to i32
          %cond3A_290 = arith.constant 0 : i32
          %cond3A_291 = arith.cmpi ne, %convert_element_type3A_289, %cond3A_290 : i32
          scf.if %cond3A_291 {
            "tpu.trace_start"() <{level = 10 : i32, message = "ep_copy_out"}> : () -> ()
            %rem3A_338 = arith.constant 2 : i32
            %rem3A_339 = arith.remui %while3A_189, %rem3A_338 : i32
            %mul3A_340 = arith.constant 128 : i32
            %mul3A_341 = arith.muli %mul3A_340, %add3A_199 : i32
            %dma_start3A_342 = arith.constant 0 : i32
            %dma_start3A_343 = arith.constant 0 : i32
            %dma_start3A_344 = tpu.memref_slice %run_scoped3A_62[%rem3A_339, %dma_start3A_342, %dma_start3A_343] : memref<2x128x128xf32, #tpu.memory_space<vmem>> -> memref<1x128x128xf32, #tpu.memory_space<vmem>>
            %dma_start3A_345 = tpu.memref_squeeze %dma_start3A_344 : memref<1x128x128xf32, #tpu.memory_space<vmem>> -> memref<128x128xf32, #tpu.memory_space<vmem>>
            %dma_start3A_346 = arith.constant 0 : i32
            %dma_start3A_347 = tpu.memref_slice %arg8[%mul3A_341, %dma_start3A_346] : memref<1024x128xf32, #tpu.memory_space<hbm>> -> memref<128x128xf32, #tpu.memory_space<hbm>>
            %dma_start3A_348 = tpu.memref_slice %run_scoped3A_63[%rem3A_339] : memref<2x!tpu.dma_semaphore, #tpu.memory_space<semaphore_mem>> -> memref<1x!tpu.dma_semaphore, #tpu.memory_space<semaphore_mem>>
            %dma_start3A_349 = tpu.memref_squeeze %dma_start3A_348 : memref<1x!tpu.dma_semaphore, #tpu.memory_space<semaphore_mem>> -> memref<!tpu.dma_semaphore, #tpu.memory_space<semaphore_mem>>
            %dma_start3A_350 = arith.constant 0 : i32
            %dma_start3A_351 = tpu.memref_slice %arg8[%mul3A_341, %dma_start3A_350] : memref<1024x128xf32, #tpu.memory_space<hbm>> -> memref<128x128xf32, #tpu.memory_space<hbm>>
            %dma_start3A_352 = arith.constant 0 : i32
            %dma_start3A_353 = arith.constant 0 : i32
            %dma_start3A_354 = tpu.memref_slice %run_scoped3A_62[%rem3A_339, %dma_start3A_352, %dma_start3A_353] : memref<2x128x128xf32, #tpu.memory_space<vmem>> -> memref<1x128x128xf32, #tpu.memory_space<vmem>>
            %dma_start3A_355 = tpu.memref_squeeze %dma_start3A_354 : memref<1x128x128xf32, #tpu.memory_space<vmem>> -> memref<128x128xf32, #tpu.memory_space<vmem>>
            tpu.enqueue_dma source(%dma_start3A_355 : memref<128x128xf32, #tpu.memory_space<vmem>>) target(%dma_start3A_351 : memref<128x128xf32, #tpu.memory_space<hbm>>) target_semaphore(%dma_start3A_349 : memref<!tpu.dma_semaphore, #tpu.memory_space<semaphore_mem>>)
            "tpu.trace_stop"() : () -> ()
          } else {
          }
          %and3A_292 = arith.constant true
          %and3A_293 = arith.andi %or3A_288, %and3A_292 : i1
          %add3A_294 = arith.constant 1 : i32
          %add3A_295 = arith.addi %while3A_189, %add3A_294 : i32
          %select_n3A_296 = arith.select %and3A_293, %add3A_295, %while3A_189 : i32
          %ne3A_297 = arith.cmpi ne, %add3A_199, %add3A_209 : i32
          %or3A_298 = arith.constant false
          %or3A_299 = arith.ori %or3A_298, %ne3A_297 : i1
          %not3A_300 = arith.constant true
          %not3A_301 = arith.xori %eq3A_195, %not3A_300 : i1
          %and3A_302 = arith.andi %or3A_299, %not3A_301 : i1
          %convert_element_type3A_303 = arith.extui %and3A_302 : i1 to i32
          %cond3A_304 = arith.constant 0 : i32
          %cond3A_305 = arith.cmpi ne, %convert_element_type3A_303, %cond3A_304 : i32
          scf.if %cond3A_305 {
          } else {
          }
          %and3A_306 = arith.constant false
          %and3A_307 = arith.andi %and3A_302, %and3A_306 : i1
          %ne3A_308 = arith.cmpi ne, %add3A_199, %add3A_209 : i32
          %or3A_309 = arith.constant false
          %or3A_310 = arith.ori %or3A_309, %ne3A_308 : i1
          %or3A_311 = arith.constant false
          %or3A_312 = arith.ori %or3A_310, %or3A_311 : i1
          %not3A_313 = arith.constant true
          %not3A_314 = arith.xori %eq3A_195, %not3A_313 : i1
          %and3A_315 = arith.andi %or3A_312, %not3A_314 : i1
          %convert_element_type3A_316 = arith.extui %and3A_315 : i1 to i32
          %cond3A_317 = arith.constant 0 : i32
          %cond3A_318 = arith.cmpi ne, %convert_element_type3A_316, %cond3A_317 : i32
          scf.if %cond3A_318 {
            "tpu.trace_start"() <{level = 10 : i32, message = "ep_wait_out"}> : () -> ()
            %rem3A_338 = arith.constant 2 : i32
            %rem3A_339 = arith.remui %while3A_190, %rem3A_338 : i32
            %mul3A_340 = arith.constant 128 : i32
            %mul3A_341 = arith.muli %mul3A_340, %add3A_209 : i32
            %dma_wait3A = arith.constant 0 : i32
            %dma_wait3A_342 = arith.constant 0 : i32
            %dma_wait3A_343 = tpu.memref_slice %run_scoped3A_62[%rem3A_339, %dma_wait3A, %dma_wait3A_342] : memref<2x128x128xf32, #tpu.memory_space<vmem>> -> memref<1x128x128xf32, #tpu.memory_space<vmem>>
            %dma_wait3A_344 = tpu.memref_squeeze %dma_wait3A_343 : memref<1x128x128xf32, #tpu.memory_space<vmem>> -> memref<128x128xf32, #tpu.memory_space<vmem>>
            %dma_wait3A_345 = arith.constant 0 : i32
            %dma_wait3A_346 = tpu.memref_slice %arg8[%mul3A_341, %dma_wait3A_345] : memref<1024x128xf32, #tpu.memory_space<hbm>> -> memref<128x128xf32, #tpu.memory_space<hbm>>
            %dma_wait3A_347 = tpu.memref_slice %run_scoped3A_63[%rem3A_339] : memref<2x!tpu.dma_semaphore, #tpu.memory_space<semaphore_mem>> -> memref<1x!tpu.dma_semaphore, #tpu.memory_space<semaphore_mem>>
            %dma_wait3A_348 = tpu.memref_squeeze %dma_wait3A_347 : memref<1x!tpu.dma_semaphore, #tpu.memory_space<semaphore_mem>> -> memref<!tpu.dma_semaphore, #tpu.memory_space<semaphore_mem>>
            %dma_wait3A_349 = arith.constant 0 : i32
            %dma_wait3A_350 = tpu.memref_slice %arg8[%mul3A_341, %dma_wait3A_349] : memref<1024x128xf32, #tpu.memory_space<hbm>> -> memref<128x128xf32, #tpu.memory_space<hbm>>
            %dma_wait3A_351 = arith.constant 0 : i32
            %dma_wait3A_352 = arith.constant 0 : i32
            %dma_wait3A_353 = tpu.memref_slice %run_scoped3A_62[%rem3A_339, %dma_wait3A_351, %dma_wait3A_352] : memref<2x128x128xf32, #tpu.memory_space<vmem>> -> memref<1x128x128xf32, #tpu.memory_space<vmem>>
            %dma_wait3A_354 = tpu.memref_squeeze %dma_wait3A_353 : memref<1x128x128xf32, #tpu.memory_space<vmem>> -> memref<128x128xf32, #tpu.memory_space<vmem>>
            tpu.wait_dma2 semaphore(%dma_wait3A_348 : memref<!tpu.dma_semaphore, #tpu.memory_space<semaphore_mem>>) src(%dma_wait3A_354 : memref<128x128xf32, #tpu.memory_space<vmem>>) dst(%dma_wait3A_350 : memref<128x128xf32, #tpu.memory_space<hbm>>)
            "tpu.trace_stop"() : () -> ()
          } else {
          }
          %and3A_319 = arith.constant true
          %and3A_320 = arith.andi %and3A_315, %and3A_319 : i1
          %add3A_321 = arith.constant 1 : i32
          %add3A_322 = arith.addi %while3A_190, %add3A_321 : i32
          %select_n3A_323 = arith.select %and3A_320, %add3A_322, %while3A_190 : i32
          %ne3A_324 = arith.cmpi ne, %add3A_199, %add3A_217 : i32
          %or3A_325 = arith.constant false
          %or3A_326 = arith.ori %or3A_325, %ne3A_324 : i1
          %or3A_327 = arith.ori %or3A_326, %eq3A_198 : i1
          %add3A_328 = arith.constant 1 : i32
          %add3A_329 = arith.addi %while3A_188, %add3A_328 : i32
          %select_n3A_330 = arith.select %or3A_327, %add3A_329, %while3A_188 : i32
          %add3A_331 = arith.constant 1 : i32
          %add3A_332 = arith.addi %while3A_191, %add3A_331 : i32
          %select_n3A_333 = arith.constant true
          %select_n3A_334 = arith.select %select_n3A_333, %add3A_332, %while3A_191 : i32
          %eq3A_335 = arith.cmpi eq, %select_n3A_334, %select_n3A_50 : i32
          %select_n3A_336 = arith.constant 0 : i32
          %select_n3A_337 = arith.select %eq3A_335, %select_n3A_336, %select_n3A_334 : i32
          scf.yield %select_n3A_239, %select_n3A_330, %select_n3A_296, %select_n3A_323, %select_n3A_337 : i32, i32, i32, i32, i32
        }
        %while3A_133 = arith.constant 1 : i32
        %while3A_134:5 = scf.for %while3A_186 = %while3A_130 to %while3A_126 step %while3A_133 iter_args(%while3A_187 = %while3A_132#0, %while3A_188 = %while3A_132#1, %while3A_189 = %while3A_132#2, %while3A_190 = %while3A_132#3, %while3A_191 = %while3A_132#4) -> (i32, i32, i32, i32, i32)  : i32 {
          %mul3A_192 = arith.constant 1 : i32
          %mul3A_193 = arith.muli %mul3A_192, %select_n3A_50 : i32
          %eq3A_194 = arith.constant 0 : i32
          %eq3A_195 = arith.cmpi eq, %while3A_186, %eq3A_194 : i32
          %sub3A_196 = arith.constant 1 : i32
          %sub3A_197 = arith.subi %mul3A_193, %sub3A_196 : i32
          %eq3A_198 = arith.cmpi eq, %while3A_186, %sub3A_197 : i32
          %add3A_199 = arith.addi %while3A_191, %select_n3A_58 : i32
          %sub3A_200 = arith.constant 1 : i32
          %sub3A_201 = arith.subi %while3A_191, %sub3A_200 : i32
          %select_n3A_202 = arith.constant true
          %select_n3A_203 = arith.select %select_n3A_202, %sub3A_201, %while3A_191 : i32
          %eq3A_204 = arith.constant -1 : i32
          %eq3A_205 = arith.cmpi eq, %select_n3A_203, %eq3A_204 : i32
          %sub3A_206 = arith.constant 1 : i32
          %sub3A_207 = arith.subi %select_n3A_50, %sub3A_206 : i32
          %select_n3A_208 = arith.select %eq3A_205, %sub3A_207, %select_n3A_203 : i32
          %add3A_209 = arith.addi %select_n3A_208, %select_n3A_58 : i32
          %add3A_210 = arith.constant 1 : i32
          %add3A_211 = arith.addi %while3A_191, %add3A_210 : i32
          %select_n3A_212 = arith.constant true
          %select_n3A_213 = arith.select %select_n3A_212, %add3A_211, %while3A_191 : i32
          %eq3A_214 = arith.cmpi eq, %select_n3A_213, %select_n3A_50 : i32
          %select_n3A_215 = arith.constant 0 : i32
          %select_n3A_216 = arith.select %eq3A_214, %select_n3A_215, %select_n3A_213 : i32
          %add3A_217 = arith.addi %select_n3A_216, %select_n3A_58 : i32
          %add3A_218 = arith.constant 1 : i32
          %add3A_219 = arith.addi %select_n3A_216, %add3A_218 : i32
          %select_n3A_220 = arith.constant true
          %select_n3A_221 = arith.select %select_n3A_220, %add3A_219, %select_n3A_216 : i32
          %eq3A_222 = arith.cmpi eq, %select_n3A_221, %select_n3A_50 : i32
          %select_n3A_223 = arith.constant 0 : i32
          %select_n3A_224 = arith.select %eq3A_222, %select_n3A_223, %select_n3A_221 : i32
          %add3A_225 = arith.addi %select_n3A_224, %select_n3A_58 : i32
          %ne3A = arith.cmpi ne, %add3A_199, %add3A_217 : i32
          %or3A = arith.constant false
          %or3A_226 = arith.ori %or3A, %ne3A : i1
          %sub3A_227 = arith.constant 2 : i32
          %sub3A_228 = arith.subi %mul3A_193, %sub3A_227 : i32
          %add3A_229 = arith.constant 1 : i32
          %add3A_230 = arith.addi %sub3A_228, %add3A_229 : i32
          %ge3A = arith.cmpi sge, %while3A_186, %add3A_230 : i32
          %not3A = arith.constant true
          %not3A_231 = arith.xori %ge3A, %not3A : i1
          %and3A = arith.andi %or3A_226, %not3A_231 : i1
          %convert_element_type3A_232 = arith.extui %and3A : i1 to i32
          %cond3A_233 = arith.constant 0 : i32
          %cond3A_234 = arith.cmpi ne, %convert_element_type3A_232, %cond3A_233 : i32
          scf.if %cond3A_234 {
            "tpu.trace_start"() <{level = 10 : i32, message = "ep_copy_in"}> : () -> ()
            %rem3A_338 = arith.constant 2 : i32
            %rem3A_339 = arith.remui %while3A_187, %rem3A_338 : i32
            %mul3A_340 = arith.constant 128 : i32
            %mul3A_341 = arith.muli %mul3A_340, %add3A_217 : i32
            %dma_start3A_342 = arith.constant 0 : i32
            %dma_start3A_343 = arith.constant 0 : i32
            %dma_start3A_344 = tpu.memref_slice %run_scoped3A[%rem3A_339, %dma_start3A_342, %dma_start3A_343] : memref<2x1x128xi32, #tpu.memory_space<vmem>> -> memref<1x1x128xi32, #tpu.memory_space<vmem>>
            %dma_start3A_345 = tpu.memref_squeeze %dma_start3A_344 : memref<1x1x128xi32, #tpu.memory_space<vmem>> -> memref<1x128xi32, #tpu.memory_space<vmem>>
            %dma_start3A_346 = arith.constant 0 : i32
            %dma_start3A_347 = tpu.memref_slice %arg5[%dma_start3A_346, %mul3A_341] : memref<1x1024xi32, #tpu.memory_space<hbm>> -> memref<1x128xi32, #tpu.memory_space<hbm>>
            %dma_start3A_348 = tpu.memref_slice %run_scoped3A_61[%rem3A_339] : memref<2x!tpu.dma_semaphore, #tpu.memory_space<semaphore_mem>> -> memref<1x!tpu.dma_semaphore, #tpu.memory_space<semaphore_mem>>
            %dma_start3A_349 = tpu.memref_squeeze %dma_start3A_348 : memref<1x!tpu.dma_semaphore, #tpu.memory_space<semaphore_mem>> -> memref<!tpu.dma_semaphore, #tpu.memory_space<semaphore_mem>>
            %dma_start3A_350 = arith.constant 0 : i32
            %dma_start3A_351 = arith.constant 0 : i32
            %dma_start3A_352 = tpu.memref_slice %run_scoped3A[%rem3A_339, %dma_start3A_350, %dma_start3A_351] : memref<2x1x128xi32, #tpu.memory_space<vmem>> -> memref<1x1x128xi32, #tpu.memory_space<vmem>>
            %dma_start3A_353 = tpu.memref_squeeze %dma_start3A_352 : memref<1x1x128xi32, #tpu.memory_space<vmem>> -> memref<1x128xi32, #tpu.memory_space<vmem>>
            %dma_start3A_354 = arith.constant 0 : i32
            %dma_start3A_355 = tpu.memref_slice %arg5[%dma_start3A_354, %mul3A_341] : memref<1x1024xi32, #tpu.memory_space<hbm>> -> memref<1x128xi32, #tpu.memory_space<hbm>>
            tpu.enqueue_dma source(%dma_start3A_355 : memref<1x128xi32, #tpu.memory_space<hbm>>) target(%dma_start3A_353 : memref<1x128xi32, #tpu.memory_space<vmem>>) target_semaphore(%dma_start3A_349 : memref<!tpu.dma_semaphore, #tpu.memory_space<semaphore_mem>>)
            "tpu.trace_stop"() : () -> ()
          } else {
          }
          %and3A_235 = arith.constant true
          %and3A_236 = arith.andi %and3A, %and3A_235 : i1
          %add3A_237 = arith.constant 1 : i32
          %add3A_238 = arith.addi %while3A_187, %add3A_237 : i32
          %select_n3A_239 = arith.select %and3A_236, %add3A_238, %while3A_187 : i32
          %ne3A_240 = arith.cmpi ne, %add3A_199, %add3A_217 : i32
          %or3A_241 = arith.constant false
          %or3A_242 = arith.ori %or3A_241, %ne3A_240 : i1
          %or3A_243 = arith.constant false
          %or3A_244 = arith.ori %or3A_242, %or3A_243 : i1
          %sub3A_245 = arith.constant 2 : i32
          %sub3A_246 = arith.subi %mul3A_193, %sub3A_245 : i32
          %add3A_247 = arith.constant 1 : i32
          %add3A_248 = arith.addi %sub3A_246, %add3A_247 : i32
          %ge3A_249 = arith.cmpi sge, %while3A_186, %add3A_248 : i32
          %not3A_250 = arith.constant true
          %not3A_251 = arith.xori %ge3A_249, %not3A_250 : i1
          %and3A_252 = arith.andi %or3A_244, %not3A_251 : i1
          %ne3A_253 = arith.cmpi ne, %add3A_199, %add3A_209 : i32
          %or3A_254 = arith.constant false
          %or3A_255 = arith.ori %or3A_254, %ne3A_253 : i1
          %or3A_256 = arith.ori %or3A_255, %eq3A_195 : i1
          %convert_element_type3A_257 = arith.extui %or3A_256 : i1 to i32
          %cond3A_258 = arith.constant 0 : i32
          %cond3A_259 = arith.cmpi ne, %convert_element_type3A_257, %cond3A_258 : i32
          scf.if %cond3A_259 {
            "tpu.trace_start"() <{level = 10 : i32, message = "ep_wait_in"}> : () -> ()
            %mul3A_338 = arith.constant 128 : i32
            %mul3A_339 = arith.muli %mul3A_338, %add3A_199 : i32
            %rem3A_340 = arith.constant 2 : i32
            %rem3A_341 = arith.remui %while3A_188, %rem3A_340 : i32
            %dma_wait3A = arith.constant 0 : i32
            %dma_wait3A_342 = arith.constant 0 : i32
            %dma_wait3A_343 = tpu.memref_slice %run_scoped3A[%rem3A_341, %dma_wait3A, %dma_wait3A_342] : memref<2x1x128xi32, #tpu.memory_space<vmem>> -> memref<1x1x128xi32, #tpu.memory_space<vmem>>
            %dma_wait3A_344 = tpu.memref_squeeze %dma_wait3A_343 : memref<1x1x128xi32, #tpu.memory_space<vmem>> -> memref<1x128xi32, #tpu.memory_space<vmem>>
            %dma_wait3A_345 = arith.constant 0 : i32
            %dma_wait3A_346 = tpu.memref_slice %arg5[%dma_wait3A_345, %mul3A_339] : memref<1x1024xi32, #tpu.memory_space<hbm>> -> memref<1x128xi32, #tpu.memory_space<hbm>>
            %dma_wait3A_347 = tpu.memref_slice %run_scoped3A_61[%rem3A_341] : memref<2x!tpu.dma_semaphore, #tpu.memory_space<semaphore_mem>> -> memref<1x!tpu.dma_semaphore, #tpu.memory_space<semaphore_mem>>
            %dma_wait3A_348 = tpu.memref_squeeze %dma_wait3A_347 : memref<1x!tpu.dma_semaphore, #tpu.memory_space<semaphore_mem>> -> memref<!tpu.dma_semaphore, #tpu.memory_space<semaphore_mem>>
            %dma_wait3A_349 = arith.constant 0 : i32
            %dma_wait3A_350 = arith.constant 0 : i32
            %dma_wait3A_351 = tpu.memref_slice %run_scoped3A[%rem3A_341, %dma_wait3A_349, %dma_wait3A_350] : memref<2x1x128xi32, #tpu.memory_space<vmem>> -> memref<1x1x128xi32, #tpu.memory_space<vmem>>
            %dma_wait3A_352 = tpu.memref_squeeze %dma_wait3A_351 : memref<1x1x128xi32, #tpu.memory_space<vmem>> -> memref<1x128xi32, #tpu.memory_space<vmem>>
            %dma_wait3A_353 = arith.constant 0 : i32
            %dma_wait3A_354 = tpu.memref_slice %arg5[%dma_wait3A_353, %mul3A_339] : memref<1x1024xi32, #tpu.memory_space<hbm>> -> memref<1x128xi32, #tpu.memory_space<hbm>>
            tpu.wait_dma2 semaphore(%dma_wait3A_348 : memref<!tpu.dma_semaphore, #tpu.memory_space<semaphore_mem>>) src(%dma_wait3A_354 : memref<1x128xi32, #tpu.memory_space<hbm>>) dst(%dma_wait3A_352 : memref<1x128xi32, #tpu.memory_space<vmem>>)
            "tpu.trace_stop"() : () -> ()
          } else {
          }
          %ne3A_260 = arith.cmpi ne, %add3A_199, %add3A_209 : i32
          %or3A_261 = arith.constant false
          %or3A_262 = arith.ori %or3A_261, %ne3A_260 : i1
          %or3A_263 = arith.constant false
          %or3A_264 = arith.ori %or3A_262, %or3A_263 : i1
          %or3A_265 = arith.ori %or3A_264, %eq3A_195 : i1
          %convert_element_type3A_266 = arith.extui %or3A_265 : i1 to i32
          %cond3A_267 = arith.constant 0 : i32
          %cond3A_268 = arith.cmpi ne, %convert_element_type3A_266, %cond3A_267 : i32
          scf.if %cond3A_268 {
          } else {
          }
          %rem3A_269 = arith.constant 2 : i32
          %rem3A_270 = arith.remui %while3A_188, %rem3A_269 : i32
          %rem3A_271 = arith.constant 2 : i32
          %rem3A_272 = arith.remui %while3A_189, %rem3A_271 : i32
          %run_scoped3A_273 = arith.constant 0 : i32
          "tpu.trace_start"() <{level = 10 : i32, message = "ep_run_kernel"}> : () -> ()
          "tpu.region"() ({
            %run_scoped3A_338 = tpu.sem_alloc : memref<!tpu.dma_semaphore, #tpu.memory_space<semaphore_mem>>
            %dma_start3A_339 = arith.constant 0 : i32
            %dma_start3A_340 = arith.constant 0 : i32
            %dma_start3A_341 = tpu.memref_slice %run_scoped3A_62[%rem3A_272, %dma_start3A_339, %dma_start3A_340] : memref<2x128x128xf32, #tpu.memory_space<vmem>> -> memref<1x128x128xf32, #tpu.memory_space<vmem>>
            %dma_start3A_342 = tpu.memref_squeeze %dma_start3A_341 : memref<1x128x128xf32, #tpu.memory_space<vmem>> -> memref<128x128xf32, #tpu.memory_space<vmem>>
            %dma_start3A_343 = arith.constant 0 : i32
            %dma_start3A_344 = arith.constant 0 : i32
            %dma_start3A_345 = tpu.memref_slice %run_scoped3A[%rem3A_270, %dma_start3A_343, %dma_start3A_344] : memref<2x1x128xi32, #tpu.memory_space<vmem>> -> memref<1x1x128xi32, #tpu.memory_space<vmem>>
            %dma_start3A_346 = tpu.memref_squeeze %dma_start3A_345 : memref<1x1x128xi32, #tpu.memory_space<vmem>> -> memref<1x128xi32, #tpu.memory_space<vmem>>
            %dma_start3A_347 = arith.constant 0 : i32
            %dma_start3A_348 = tpu.memref_slice %dma_start3A_346[%run_scoped3A_273, %dma_start3A_347] : memref<1x128xi32, #tpu.memory_space<vmem>> -> memref<1x128xi32, #tpu.memory_space<vmem>>
            %dma_start3A_349 = tpu.memref_squeeze %dma_start3A_348 : memref<1x128xi32, #tpu.memory_space<vmem>> -> memref<128xi32, #tpu.memory_space<vmem>>
            %dma_start3A_350 = arith.constant 0 : i32
            %dma_start3A_351 = arith.constant 0 : i32
            %dma_start3A_352 = tpu.memref_slice %arg4[%dma_start3A_350, %dma_start3A_351] : memref<100000x128xf32, #tpu.memory_space<hbm>> -> memref<100000x128xf32, #tpu.memory_space<hbm>>
            tpu.enqueue_indirect_dma source(%dma_start3A_352 : memref<100000x128xf32, #tpu.memory_space<hbm>>) target(%dma_start3A_342 : memref<128x128xf32, #tpu.memory_space<vmem>>) offsets(%dma_start3A_349 : memref<128xi32, #tpu.memory_space<vmem>>) semaphore(%run_scoped3A_338 : memref<!tpu.dma_semaphore, #tpu.memory_space<semaphore_mem>>)
            %dma_wait3A = arith.constant 0 : i32
            %dma_wait3A_353 = arith.constant 0 : i32
            %dma_wait3A_354 = tpu.memref_slice %run_scoped3A_62[%rem3A_272, %dma_wait3A, %dma_wait3A_353] : memref<2x128x128xf32, #tpu.memory_space<vmem>> -> memref<1x128x128xf32, #tpu.memory_space<vmem>>
            %dma_wait3A_355 = tpu.memref_squeeze %dma_wait3A_354 : memref<1x128x128xf32, #tpu.memory_space<vmem>> -> memref<128x128xf32, #tpu.memory_space<vmem>>
            %dma_wait3A_356 = arith.constant 0 : i32
            %dma_wait3A_357 = arith.constant 0 : i32
            %dma_wait3A_358 = tpu.memref_slice %run_scoped3A[%rem3A_270, %dma_wait3A_356, %dma_wait3A_357] : memref<2x1x128xi32, #tpu.memory_space<vmem>> -> memref<1x1x128xi32, #tpu.memory_space<vmem>>
            %dma_wait3A_359 = tpu.memref_squeeze %dma_wait3A_358 : memref<1x1x128xi32, #tpu.memory_space<vmem>> -> memref<1x128xi32, #tpu.memory_space<vmem>>
            %dma_wait3A_360 = arith.constant 0 : i32
            %dma_wait3A_361 = tpu.memref_slice %dma_wait3A_359[%run_scoped3A_273, %dma_wait3A_360] : memref<1x128xi32, #tpu.memory_space<vmem>> -> memref<1x128xi32, #tpu.memory_space<vmem>>
            %dma_wait3A_362 = tpu.memref_squeeze %dma_wait3A_361 : memref<1x128xi32, #tpu.memory_space<vmem>> -> memref<128xi32, #tpu.memory_space<vmem>>
            %dma_wait3A_363 = arith.constant 0 : i32
            %dma_wait3A_364 = arith.constant 0 : i32
            %dma_wait3A_365 = tpu.memref_slice %arg4[%dma_wait3A_363, %dma_wait3A_364] : memref<100000x128xf32, #tpu.memory_space<hbm>> -> memref<100000x128xf32, #tpu.memory_space<hbm>>
            tpu.wait_indirect_dma semaphore(%run_scoped3A_338 : memref<!tpu.dma_semaphore, #tpu.memory_space<semaphore_mem>>) src(%dma_wait3A_365 : memref<100000x128xf32, #tpu.memory_space<hbm>>) dst(%dma_wait3A_355 : memref<128x128xf32, #tpu.memory_space<vmem>>)
            tpu.yield
          }) : () -> ()
          "tpu.trace_stop"() : () -> ()
          %ne3A_274 = arith.cmpi ne, %add3A_199, %add3A_217 : i32
          %or3A_275 = arith.constant false
          %or3A_276 = arith.ori %or3A_275, %ne3A_274 : i1
          %or3A_277 = arith.ori %or3A_276, %eq3A_198 : i1
          %convert_element_type3A_278 = arith.extui %or3A_277 : i1 to i32
          %cond3A_279 = arith.constant 0 : i32
          %cond3A_280 = arith.cmpi ne, %convert_element_type3A_278, %cond3A_279 : i32
          scf.if %cond3A_280 {
          } else {
          }
          %and3A_281 = arith.constant false
          %and3A_282 = arith.andi %or3A_277, %and3A_281 : i1
          %ne3A_283 = arith.cmpi ne, %add3A_199, %add3A_217 : i32
          %or3A_284 = arith.constant false
          %or3A_285 = arith.ori %or3A_284, %ne3A_283 : i1
          %or3A_286 = arith.constant false
          %or3A_287 = arith.ori %or3A_285, %or3A_286 : i1
          %or3A_288 = arith.ori %or3A_287, %eq3A_198 : i1
          %convert_element_type3A_289 = arith.extui %or3A_288 : i1 to i32
          %cond3A_290 = arith.constant 0 : i32
          %cond3A_291 = arith.cmpi ne, %convert_element_type3A_289, %cond3A_290 : i32
          scf.if %cond3A_291 {
            "tpu.trace_start"() <{level = 10 : i32, message = "ep_copy_out"}> : () -> ()
            %rem3A_338 = arith.constant 2 : i32
            %rem3A_339 = arith.remui %while3A_189, %rem3A_338 : i32
            %mul3A_340 = arith.constant 128 : i32
            %mul3A_341 = arith.muli %mul3A_340, %add3A_199 : i32
            %dma_start3A_342 = arith.constant 0 : i32
            %dma_start3A_343 = arith.constant 0 : i32
            %dma_start3A_344 = tpu.memref_slice %run_scoped3A_62[%rem3A_339, %dma_start3A_342, %dma_start3A_343] : memref<2x128x128xf32, #tpu.memory_space<vmem>> -> memref<1x128x128xf32, #tpu.memory_space<vmem>>
            %dma_start3A_345 = tpu.memref_squeeze %dma_start3A_344 : memref<1x128x128xf32, #tpu.memory_space<vmem>> -> memref<128x128xf32, #tpu.memory_space<vmem>>
            %dma_start3A_346 = arith.constant 0 : i32
            %dma_start3A_347 = tpu.memref_slice %arg8[%mul3A_341, %dma_start3A_346] : memref<1024x128xf32, #tpu.memory_space<hbm>> -> memref<128x128xf32, #tpu.memory_space<hbm>>
            %dma_start3A_348 = tpu.memref_slice %run_scoped3A_63[%rem3A_339] : memref<2x!tpu.dma_semaphore, #tpu.memory_space<semaphore_mem>> -> memref<1x!tpu.dma_semaphore, #tpu.memory_space<semaphore_mem>>
            %dma_start3A_349 = tpu.memref_squeeze %dma_start3A_348 : memref<1x!tpu.dma_semaphore, #tpu.memory_space<semaphore_mem>> -> memref<!tpu.dma_semaphore, #tpu.memory_space<semaphore_mem>>
            %dma_start3A_350 = arith.constant 0 : i32
            %dma_start3A_351 = tpu.memref_slice %arg8[%mul3A_341, %dma_start3A_350] : memref<1024x128xf32, #tpu.memory_space<hbm>> -> memref<128x128xf32, #tpu.memory_space<hbm>>
            %dma_start3A_352 = arith.constant 0 : i32
            %dma_start3A_353 = arith.constant 0 : i32
            %dma_start3A_354 = tpu.memref_slice %run_scoped3A_62[%rem3A_339, %dma_start3A_352, %dma_start3A_353] : memref<2x128x128xf32, #tpu.memory_space<vmem>> -> memref<1x128x128xf32, #tpu.memory_space<vmem>>
            %dma_start3A_355 = tpu.memref_squeeze %dma_start3A_354 : memref<1x128x128xf32, #tpu.memory_space<vmem>> -> memref<128x128xf32, #tpu.memory_space<vmem>>
            tpu.enqueue_dma source(%dma_start3A_355 : memref<128x128xf32, #tpu.memory_space<vmem>>) target(%dma_start3A_351 : memref<128x128xf32, #tpu.memory_space<hbm>>) target_semaphore(%dma_start3A_349 : memref<!tpu.dma_semaphore, #tpu.memory_space<semaphore_mem>>)
            "tpu.trace_stop"() : () -> ()
          } else {
          }
          %and3A_292 = arith.constant true
          %and3A_293 = arith.andi %or3A_288, %and3A_292 : i1
          %add3A_294 = arith.constant 1 : i32
          %add3A_295 = arith.addi %while3A_189, %add3A_294 : i32
          %select_n3A_296 = arith.select %and3A_293, %add3A_295, %while3A_189 : i32
          %ne3A_297 = arith.cmpi ne, %add3A_199, %add3A_209 : i32
          %or3A_298 = arith.constant false
          %or3A_299 = arith.ori %or3A_298, %ne3A_297 : i1
          %not3A_300 = arith.constant true
          %not3A_301 = arith.xori %eq3A_195, %not3A_300 : i1
          %and3A_302 = arith.andi %or3A_299, %not3A_301 : i1
          %convert_element_type3A_303 = arith.extui %and3A_302 : i1 to i32
          %cond3A_304 = arith.constant 0 : i32
          %cond3A_305 = arith.cmpi ne, %convert_element_type3A_303, %cond3A_304 : i32
          scf.if %cond3A_305 {
          } else {
          }
          %and3A_306 = arith.constant false
          %and3A_307 = arith.andi %and3A_302, %and3A_306 : i1
          %ne3A_308 = arith.cmpi ne, %add3A_199, %add3A_209 : i32
          %or3A_309 = arith.constant false
          %or3A_310 = arith.ori %or3A_309, %ne3A_308 : i1
          %or3A_311 = arith.constant false
          %or3A_312 = arith.ori %or3A_310, %or3A_311 : i1
          %not3A_313 = arith.constant true
          %not3A_314 = arith.xori %eq3A_195, %not3A_313 : i1
          %and3A_315 = arith.andi %or3A_312, %not3A_314 : i1
          %convert_element_type3A_316 = arith.extui %and3A_315 : i1 to i32
          %cond3A_317 = arith.constant 0 : i32
          %cond3A_318 = arith.cmpi ne, %convert_element_type3A_316, %cond3A_317 : i32
          scf.if %cond3A_318 {
            "tpu.trace_start"() <{level = 10 : i32, message = "ep_wait_out"}> : () -> ()
            %rem3A_338 = arith.constant 2 : i32
            %rem3A_339 = arith.remui %while3A_190, %rem3A_338 : i32
            %mul3A_340 = arith.constant 128 : i32
            %mul3A_341 = arith.muli %mul3A_340, %add3A_209 : i32
            %dma_wait3A = arith.constant 0 : i32
            %dma_wait3A_342 = arith.constant 0 : i32
            %dma_wait3A_343 = tpu.memref_slice %run_scoped3A_62[%rem3A_339, %dma_wait3A, %dma_wait3A_342] : memref<2x128x128xf32, #tpu.memory_space<vmem>> -> memref<1x128x128xf32, #tpu.memory_space<vmem>>
            %dma_wait3A_344 = tpu.memref_squeeze %dma_wait3A_343 : memref<1x128x128xf32, #tpu.memory_space<vmem>> -> memref<128x128xf32, #tpu.memory_space<vmem>>
            %dma_wait3A_345 = arith.constant 0 : i32
            %dma_wait3A_346 = tpu.memref_slice %arg8[%mul3A_341, %dma_wait3A_345] : memref<1024x128xf32, #tpu.memory_space<hbm>> -> memref<128x128xf32, #tpu.memory_space<hbm>>
            %dma_wait3A_347 = tpu.memref_slice %run_scoped3A_63[%rem3A_339] : memref<2x!tpu.dma_semaphore, #tpu.memory_space<semaphore_mem>> -> memref<1x!tpu.dma_semaphore, #tpu.memory_space<semaphore_mem>>
            %dma_wait3A_348 = tpu.memref_squeeze %dma_wait3A_347 : memref<1x!tpu.dma_semaphore, #tpu.memory_space<semaphore_mem>> -> memref<!tpu.dma_semaphore, #tpu.memory_space<semaphore_mem>>
            %dma_wait3A_349 = arith.constant 0 : i32
            %dma_wait3A_350 = tpu.memref_slice %arg8[%mul3A_341, %dma_wait3A_349] : memref<1024x128xf32, #tpu.memory_space<hbm>> -> memref<128x128xf32, #tpu.memory_space<hbm>>
            %dma_wait3A_351 = arith.constant 0 : i32
            %dma_wait3A_352 = arith.constant 0 : i32
            %dma_wait3A_353 = tpu.memref_slice %run_scoped3A_62[%rem3A_339, %dma_wait3A_351, %dma_wait3A_352] : memref<2x128x128xf32, #tpu.memory_space<vmem>> -> memref<1x128x128xf32, #tpu.memory_space<vmem>>
            %dma_wait3A_354 = tpu.memref_squeeze %dma_wait3A_353 : memref<1x128x128xf32, #tpu.memory_space<vmem>> -> memref<128x128xf32, #tpu.memory_space<vmem>>
            tpu.wait_dma2 semaphore(%dma_wait3A_348 : memref<!tpu.dma_semaphore, #tpu.memory_space<semaphore_mem>>) src(%dma_wait3A_354 : memref<128x128xf32, #tpu.memory_space<vmem>>) dst(%dma_wait3A_350 : memref<128x128xf32, #tpu.memory_space<hbm>>)
            "tpu.trace_stop"() : () -> ()
          } else {
          }
          %and3A_319 = arith.constant true
          %and3A_320 = arith.andi %and3A_315, %and3A_319 : i1
          %add3A_321 = arith.constant 1 : i32
          %add3A_322 = arith.addi %while3A_190, %add3A_321 : i32
          %select_n3A_323 = arith.select %and3A_320, %add3A_322, %while3A_190 : i32
          %ne3A_324 = arith.cmpi ne, %add3A_199, %add3A_217 : i32
          %or3A_325 = arith.constant false
          %or3A_326 = arith.ori %or3A_325, %ne3A_324 : i1
          %or3A_327 = arith.ori %or3A_326, %eq3A_198 : i1
          %add3A_328 = arith.constant 1 : i32
          %add3A_329 = arith.addi %while3A_188, %add3A_328 : i32
          %select_n3A_330 = arith.select %or3A_327, %add3A_329, %while3A_188 : i32
          %add3A_331 = arith.constant 1 : i32
          %add3A_332 = arith.addi %while3A_191, %add3A_331 : i32
          %select_n3A_333 = arith.constant true
          %select_n3A_334 = arith.select %select_n3A_333, %add3A_332, %while3A_191 : i32
          %eq3A_335 = arith.cmpi eq, %select_n3A_334, %select_n3A_50 : i32
          %select_n3A_336 = arith.constant 0 : i32
          %select_n3A_337 = arith.select %eq3A_335, %select_n3A_336, %select_n3A_334 : i32
          scf.yield %select_n3A_239, %select_n3A_330, %select_n3A_296, %select_n3A_323, %select_n3A_337 : i32, i32, i32, i32, i32
        }
        %sub3A_135 = arith.constant 1 : i32
        %sub3A_136 = arith.subi %while3A_134#4, %sub3A_135 : i32
        %select_n3A_137 = arith.constant true
        %select_n3A_138 = arith.select %select_n3A_137, %sub3A_136, %while3A_134#4 : i32
        %eq3A_139 = arith.constant -1 : i32
        %eq3A_140 = arith.cmpi eq, %select_n3A_138, %eq3A_139 : i32
        %sub3A_141 = arith.constant 1 : i32
        %sub3A_142 = arith.subi %select_n3A_50, %sub3A_141 : i32
        %select_n3A_143 = arith.select %eq3A_140, %sub3A_142, %select_n3A_138 : i32
        %sub3A_144 = arith.constant 1 : i32
        %sub3A_145 = arith.subi %mul3A_60, %sub3A_144 : i32
        %mul3A_146 = arith.constant 1 : i32
        %mul3A_147 = arith.muli %mul3A_146, %select_n3A_50 : i32
        %eq3A_148 = arith.constant 0 : i32
        %eq3A_149 = arith.cmpi eq, %sub3A_145, %eq3A_148 : i32
        %sub3A_150 = arith.constant 1 : i32
        %sub3A_151 = arith.subi %mul3A_147, %sub3A_150 : i32
        %eq3A_152 = arith.cmpi eq, %sub3A_145, %sub3A_151 : i32
        %add3A_153 = arith.addi %select_n3A_143, %select_n3A_58 : i32
        %sub3A_154 = arith.constant 1 : i32
        %sub3A_155 = arith.subi %select_n3A_143, %sub3A_154 : i32
        %select_n3A_156 = arith.constant true
        %select_n3A_157 = arith.select %select_n3A_156, %sub3A_155, %select_n3A_143 : i32
        %eq3A_158 = arith.constant -1 : i32
        %eq3A_159 = arith.cmpi eq, %select_n3A_157, %eq3A_158 : i32
        %sub3A_160 = arith.constant 1 : i32
        %sub3A_161 = arith.subi %select_n3A_50, %sub3A_160 : i32
        %select_n3A_162 = arith.select %eq3A_159, %sub3A_161, %select_n3A_157 : i32
        %add3A_163 = arith.addi %select_n3A_162, %select_n3A_58 : i32
        %add3A_164 = arith.constant 1 : i32
        %add3A_165 = arith.addi %select_n3A_143, %add3A_164 : i32
        %select_n3A_166 = arith.constant true
        %select_n3A_167 = arith.select %select_n3A_166, %add3A_165, %select_n3A_143 : i32
        %eq3A_168 = arith.cmpi eq, %select_n3A_167, %select_n3A_50 : i32
        %select_n3A_169 = arith.constant 0 : i32
        %select_n3A_170 = arith.select %eq3A_168, %select_n3A_169, %select_n3A_167 : i32
        %add3A_171 = arith.addi %select_n3A_170, %select_n3A_58 : i32
        %add3A_172 = arith.constant 1 : i32
        %add3A_173 = arith.addi %select_n3A_170, %add3A_172 : i32
        %select_n3A_174 = arith.constant true
        %select_n3A_175 = arith.select %select_n3A_174, %add3A_173, %select_n3A_170 : i32
        %eq3A_176 = arith.cmpi eq, %select_n3A_175, %select_n3A_50 : i32
        %select_n3A_177 = arith.constant 0 : i32
        %select_n3A_178 = arith.select %eq3A_176, %select_n3A_177, %select_n3A_175 : i32
        %add3A_179 = arith.addi %select_n3A_178, %select_n3A_58 : i32
        %convert_element_type3A_180 = arith.extui %eq3A_152 : i1 to i32
        %cond3A_181 = arith.constant 0 : i32
        %cond3A_182 = arith.cmpi ne, %convert_element_type3A_180, %cond3A_181 : i32
        scf.if %cond3A_182 {
        } else {
        }
        %convert_element_type3A_183 = arith.extui %eq3A_152 : i1 to i32
        %cond3A_184 = arith.constant 0 : i32
        %cond3A_185 = arith.cmpi ne, %convert_element_type3A_183, %cond3A_184 : i32
        scf.if %cond3A_185 {
          "tpu.trace_start"() <{level = 10 : i32, message = "ep_finalize"}> : () -> ()
          %rem3A_186 = arith.constant 2 : i32
          %rem3A_187 = arith.remui %while3A_134#3, %rem3A_186 : i32
          %mul3A_188 = arith.constant 128 : i32
          %mul3A_189 = arith.muli %mul3A_188, %add3A_153 : i32
          %dma_wait3A = arith.constant 0 : i32
          %dma_wait3A_190 = arith.constant 0 : i32
          %dma_wait3A_191 = tpu.memref_slice %run_scoped3A_62[%rem3A_187, %dma_wait3A, %dma_wait3A_190] : memref<2x128x128xf32, #tpu.memory_space<vmem>> -> memref<1x128x128xf32, #tpu.memory_space<vmem>>
          %dma_wait3A_192 = tpu.memref_squeeze %dma_wait3A_191 : memref<1x128x128xf32, #tpu.memory_space<vmem>> -> memref<128x128xf32, #tpu.memory_space<vmem>>
          %dma_wait3A_193 = arith.constant 0 : i32
          %dma_wait3A_194 = tpu.memref_slice %arg8[%mul3A_189, %dma_wait3A_193] : memref<1024x128xf32, #tpu.memory_space<hbm>> -> memref<128x128xf32, #tpu.memory_space<hbm>>
          %dma_wait3A_195 = tpu.memref_slice %run_scoped3A_63[%rem3A_187] : memref<2x!tpu.dma_semaphore, #tpu.memory_space<semaphore_mem>> -> memref<1x!tpu.dma_semaphore, #tpu.memory_space<semaphore_mem>>
          %dma_wait3A_196 = tpu.memref_squeeze %dma_wait3A_195 : memref<1x!tpu.dma_semaphore, #tpu.memory_space<semaphore_mem>> -> memref<!tpu.dma_semaphore, #tpu.memory_space<semaphore_mem>>
          %dma_wait3A_197 = arith.constant 0 : i32
          %dma_wait3A_198 = tpu.memref_slice %arg8[%mul3A_189, %dma_wait3A_197] : memref<1024x128xf32, #tpu.memory_space<hbm>> -> memref<128x128xf32, #tpu.memory_space<hbm>>
          %dma_wait3A_199 = arith.constant 0 : i32
          %dma_wait3A_200 = arith.constant 0 : i32
          %dma_wait3A_201 = tpu.memref_slice %run_scoped3A_62[%rem3A_187, %dma_wait3A_199, %dma_wait3A_200] : memref<2x128x128xf32, #tpu.memory_space<vmem>> -> memref<1x128x128xf32, #tpu.memory_space<vmem>>
          %dma_wait3A_202 = tpu.memref_squeeze %dma_wait3A_201 : memref<1x128x128xf32, #tpu.memory_space<vmem>> -> memref<128x128xf32, #tpu.memory_space<vmem>>
          tpu.wait_dma2 semaphore(%dma_wait3A_196 : memref<!tpu.dma_semaphore, #tpu.memory_space<semaphore_mem>>) src(%dma_wait3A_202 : memref<128x128xf32, #tpu.memory_space<vmem>>) dst(%dma_wait3A_198 : memref<128x128xf32, #tpu.memory_space<hbm>>)
          "tpu.trace_stop"() : () -> ()
        } else {
        }
      } else {
      }
      tpu.yield
    }) : () -> ()
    return
  }
}

module attributes {stable_mosaic.version = 14 : i64} {
  func.func @_finish_body(%arg0: i32, %arg1: memref<1024x128xf32, #tpu.memory_space<vmem>>, %arg2: memref<1024x128xf32, #tpu.memory_space<vmem>>, %arg3: memref<1024x128xf32, #tpu.memory_space<vmem>>, %arg4: memref<1024x128xf32, #tpu.memory_space<vmem>>, %arg5: memref<1024x128xf32, #tpu.memory_space<vmem>>, %arg6: memref<1024x128xf32, #tpu.memory_space<vmem>>, %arg7: memref<3x2x1024x128xf32, #tpu.memory_space<vmem>>, %arg8: memref<1x1xf32, #tpu.memory_space<vmem>>) attributes {dimension_semantics = [#tpu.dimension_semantics<arbitrary>], iteration_bounds = array<i64: 1>, scalar_prefetch = 0 : i64, scratch_operands = 0 : i64, tpu.core_type = #tpu.core_type<tc>, window_params = [{pipeline_mode = #tpu.pipeline_mode<synchronous>, transform_indices = @transform_0, window_bounds = array<i64: 1024, 128>}, {pipeline_mode = #tpu.pipeline_mode<synchronous>, transform_indices = @transform_1, window_bounds = array<i64: 1024, 128>}, {pipeline_mode = #tpu.pipeline_mode<synchronous>, transform_indices = @transform_2, window_bounds = array<i64: 1024, 128>}, {pipeline_mode = #tpu.pipeline_mode<synchronous>, transform_indices = @transform_3, window_bounds = array<i64: 1024, 128>}, {pipeline_mode = #tpu.pipeline_mode<synchronous>, transform_indices = @transform_4, window_bounds = array<i64: 1024, 128>}, {pipeline_mode = #tpu.pipeline_mode<synchronous>, transform_indices = @transform_5, window_bounds = array<i64: 1024, 128>}, {pipeline_mode = #tpu.pipeline_mode<synchronous>, transform_indices = @transform_6, window_bounds = array<i64: 3, 2, 1024, 128>}, {pipeline_mode = #tpu.pipeline_mode<synchronous>, transform_indices = @transform_7, window_bounds = array<i64: 1, 1>}]} {
    %get3A = arith.constant 0 : index
    %get3A_0 = arith.constant 0 : index
    %get3A_1 = vector.load %arg1[%get3A, %get3A_0] : memref<1024x128xf32, #tpu.memory_space<vmem>>, vector<1024x128xf32>
    %mul3A = arith.mulf %get3A_1, %get3A_1 : vector<1024x128xf32>
    %reduce_sum3A = arith.constant dense<0.000000e+00> : vector<1024xf32>
    %reduce_sum3A_2 = vector.multi_reduction <add>, %mul3A, %reduce_sum3A [1] : vector<1024x128xf32> to vector<1024xf32>
    %broadcast_in_dim3A = vector.shape_cast %reduce_sum3A_2 : vector<1024xf32> to vector<1024x1xf32>
    %sqrt3A = math.sqrt %broadcast_in_dim3A : vector<1024x1xf32>
    %max3A = arith.constant 9.99999996E-13 : f32
    %max3A_3 = vector.broadcast %max3A : f32 to vector<1024x1xf32>
    %max3A_4 = arith.maximumf %sqrt3A, %max3A_3 : vector<1024x1xf32>
    %div3A = vector.broadcast %max3A_4 : vector<1024x1xf32> to vector<1024x128xf32>
    %div3A_5 = arith.divf %get3A_1, %div3A : vector<1024x128xf32>
    %get3A_6 = arith.constant 0 : index
    %get3A_7 = arith.constant 0 : index
    %get3A_8 = vector.load %arg4[%get3A_6, %get3A_7] : memref<1024x128xf32, #tpu.memory_space<vmem>>, vector<1024x128xf32>
    %mul3A_9 = arith.mulf %div3A_5, %get3A_8 : vector<1024x128xf32>
    %reduce_sum3A_10 = arith.constant dense<0.000000e+00> : vector<1024xf32>
    %reduce_sum3A_11 = vector.multi_reduction <add>, %mul3A_9, %reduce_sum3A_10 [1] : vector<1024x128xf32> to vector<1024xf32>
    %get3A_12 = arith.constant 0 : index
    %get3A_13 = arith.constant 0 : index
    %get3A_14 = arith.constant 0 : index
    %get3A_15 = arith.constant 0 : index
    %get3A_16 = vector.load %arg7[%get3A_12, %get3A_13, %get3A_14, %get3A_15] : memref<3x2x1024x128xf32, #tpu.memory_space<vmem>>, vector<1x1x1024x128xf32>
    %get3A_17 = vector.shape_cast %get3A_16 : vector<1x1x1024x128xf32> to vector<1024x128xf32>
    %reduce_sum3A_18 = arith.constant dense<0.000000e+00> : vector<1024xf32>
    %reduce_sum3A_19 = vector.multi_reduction <add>, %get3A_17, %reduce_sum3A_18 [1] : vector<1024x128xf32> to vector<1024xf32>
    %get3A_20 = arith.constant 0 : index
    %get3A_21 = arith.constant 1 : index
    %get3A_22 = arith.constant 0 : index
    %get3A_23 = arith.constant 0 : index
    %get3A_24 = vector.load %arg7[%get3A_20, %get3A_21, %get3A_22, %get3A_23] : memref<3x2x1024x128xf32, #tpu.memory_space<vmem>>, vector<1x1x1024x128xf32>
    %get3A_25 = vector.shape_cast %get3A_24 : vector<1x1x1024x128xf32> to vector<1024x128xf32>
    %reduce_sum3A_26 = arith.constant dense<0.000000e+00> : vector<1024xf32>
    %reduce_sum3A_27 = vector.multi_reduction <add>, %get3A_25, %reduce_sum3A_26 [1] : vector<1024x128xf32> to vector<1024xf32>
    %log3A = math.log %reduce_sum3A_19 : vector<1024xf32>
    %add3A = arith.constant 2.000000e+01 : f32
    %add3A_28 = vector.broadcast %add3A : f32 to vector<1024xf32>
    %add3A_29 = arith.addf %add3A_28, %log3A : vector<1024xf32>
    %div3A_30 = arith.constant 1.000000e+00 : f32
    %div3A_31 = vector.broadcast %div3A_30 : f32 to vector<1024xf32>
    %div3A_32 = arith.divf %div3A_31, %reduce_sum3A_27 : vector<1024xf32>
    %mul3A_33 = arith.mulf %reduce_sum3A_27, %div3A_32 : vector<1024xf32>
    %add3A_34 = arith.constant 1.000000e+05 : f32
    %add3A_35 = vector.broadcast %add3A_34 : f32 to vector<1024xf32>
    %add3A_36 = arith.addf %add3A_35, %mul3A_33 : vector<1024xf32>
    %log3A_37 = math.log %add3A_36 : vector<1024xf32>
    %mul3A_38 = arith.constant 2.000000e+00 : f32
    %mul3A_39 = vector.broadcast %mul3A_38 : f32 to vector<1024xf32>
    %mul3A_40 = arith.mulf %mul3A_39, %reduce_sum3A_11 : vector<1024xf32>
    %sub3A = arith.constant 2.000000e+00 : f32
    %sub3A_41 = vector.broadcast %sub3A : f32 to vector<1024xf32>
    %sub3A_42 = arith.subf %sub3A_41, %mul3A_40 : vector<1024xf32>
    %max3A_43 = arith.constant 0.000000e+00 : f32
    %max3A_44 = vector.broadcast %max3A_43 : f32 to vector<1024xf32>
    %max3A_45 = arith.maximumf %sub3A_42, %max3A_44 : vector<1024xf32>
    %sqrt3A_46 = math.sqrt %max3A_45 : vector<1024xf32>
    %sub3A_47 = arith.constant 2.000000e+00 : f32
    %sub3A_48 = vector.broadcast %sub3A_47 : f32 to vector<1024xf32>
    %sub3A_49 = arith.subf %sqrt3A_46, %sub3A_48 : vector<1024xf32>
    %exp3A = math.exp %sub3A_49 : vector<1024xf32>
    %mul3A_50 = arith.mulf %exp3A, %div3A_32 : vector<1024xf32>
    %mul3A_51 = arith.constant 2.000000e+01 : f32
    %mul3A_52 = vector.broadcast %mul3A_51 : f32 to vector<1024xf32>
    %mul3A_53 = arith.mulf %mul3A_52, %reduce_sum3A_11 : vector<1024xf32>
    %sub3A_54 = arith.subf %add3A_29, %mul3A_53 : vector<1024xf32>
    %reduce_sum3A_55 = vector.shape_cast %sub3A_54 : vector<1024xf32> to vector<1x1024xf32>
    %reduce_sum3A_56 = arith.constant dense<0.000000e+00> : vector<1xf32>
    %reduce_sum3A_57 = vector.multi_reduction <add>, %reduce_sum3A_55, %reduce_sum3A_56 [1] : vector<1x1024xf32> to vector<1xf32>
    %reduce_sum3A_58 = vector.shape_cast %reduce_sum3A_57 : vector<1xf32> to vector<1x1xf32>
    %reduce_sum3A_59 = vector.extract %reduce_sum3A_58[0, 0] : f32 from vector<1x1xf32>
    %div3A_60 = arith.constant 1.024000e+03 : f32
    %div3A_61 = arith.divf %reduce_sum3A_59, %div3A_60 : f32
    %sub3A_62 = arith.subf %log3A_37, %mul3A_50 : vector<1024xf32>
    %reduce_sum3A_63 = vector.shape_cast %sub3A_62 : vector<1024xf32> to vector<1x1024xf32>
    %reduce_sum3A_64 = arith.constant dense<0.000000e+00> : vector<1xf32>
    %reduce_sum3A_65 = vector.multi_reduction <add>, %reduce_sum3A_63, %reduce_sum3A_64 [1] : vector<1x1024xf32> to vector<1xf32>
    %reduce_sum3A_66 = vector.shape_cast %reduce_sum3A_65 : vector<1xf32> to vector<1x1xf32>
    %reduce_sum3A_67 = vector.extract %reduce_sum3A_66[0, 0] : f32 from vector<1x1xf32>
    %div3A_68 = arith.constant 1.024000e+03 : f32
    %div3A_69 = arith.divf %reduce_sum3A_67, %div3A_68 : f32
    %add3A_70 = arith.addf %div3A_61, %div3A_69 : f32
    %mul3A_71 = arith.constant 5.000000e-01 : f32
    %mul3A_72 = arith.mulf %mul3A_71, %add3A_70 : f32
    %add3A_73 = arith.constant 0.000000e+00 : f32
    %add3A_74 = arith.addf %add3A_73, %mul3A_72 : f32
    %get3A_75 = arith.constant 0 : index
    %get3A_76 = arith.constant 0 : index
    %get3A_77 = vector.load %arg2[%get3A_75, %get3A_76] : memref<1024x128xf32, #tpu.memory_space<vmem>>, vector<1024x128xf32>
    %mul3A_78 = arith.mulf %get3A_77, %get3A_77 : vector<1024x128xf32>
    %reduce_sum3A_79 = arith.constant dense<0.000000e+00> : vector<1024xf32>
    %reduce_sum3A_80 = vector.multi_reduction <add>, %mul3A_78, %reduce_sum3A_79 [1] : vector<1024x128xf32> to vector<1024xf32>
    %broadcast_in_dim3A_81 = vector.shape_cast %reduce_sum3A_80 : vector<1024xf32> to vector<1024x1xf32>
    %sqrt3A_82 = math.sqrt %broadcast_in_dim3A_81 : vector<1024x1xf32>
    %max3A_83 = arith.constant 9.99999996E-13 : f32
    %max3A_84 = vector.broadcast %max3A_83 : f32 to vector<1024x1xf32>
    %max3A_85 = arith.maximumf %sqrt3A_82, %max3A_84 : vector<1024x1xf32>
    %div3A_86 = vector.broadcast %max3A_85 : vector<1024x1xf32> to vector<1024x128xf32>
    %div3A_87 = arith.divf %get3A_77, %div3A_86 : vector<1024x128xf32>
    %get3A_88 = arith.constant 0 : index
    %get3A_89 = arith.constant 0 : index
    %get3A_90 = vector.load %arg5[%get3A_88, %get3A_89] : memref<1024x128xf32, #tpu.memory_space<vmem>>, vector<1024x128xf32>
    %mul3A_91 = arith.mulf %div3A_87, %get3A_90 : vector<1024x128xf32>
    %reduce_sum3A_92 = arith.constant dense<0.000000e+00> : vector<1024xf32>
    %reduce_sum3A_93 = vector.multi_reduction <add>, %mul3A_91, %reduce_sum3A_92 [1] : vector<1024x128xf32> to vector<1024xf32>
    %get3A_94 = arith.constant 1 : index
    %get3A_95 = arith.constant 0 : index
    %get3A_96 = arith.constant 0 : index
    %get3A_97 = arith.constant 0 : index
    %get3A_98 = vector.load %arg7[%get3A_94, %get3A_95, %get3A_96, %get3A_97] : memref<3x2x1024x128xf32, #tpu.memory_space<vmem>>, vector<1x1x1024x128xf32>
    %get3A_99 = vector.shape_cast %get3A_98 : vector<1x1x1024x128xf32> to vector<1024x128xf32>
    %reduce_sum3A_100 = arith.constant dense<0.000000e+00> : vector<1024xf32>
    %reduce_sum3A_101 = vector.multi_reduction <add>, %get3A_99, %reduce_sum3A_100 [1] : vector<1024x128xf32> to vector<1024xf32>
    %get3A_102 = arith.constant 1 : index
    %get3A_103 = arith.constant 1 : index
    %get3A_104 = arith.constant 0 : index
    %get3A_105 = arith.constant 0 : index
    %get3A_106 = vector.load %arg7[%get3A_102, %get3A_103, %get3A_104, %get3A_105] : memref<3x2x1024x128xf32, #tpu.memory_space<vmem>>, vector<1x1x1024x128xf32>
    %get3A_107 = vector.shape_cast %get3A_106 : vector<1x1x1024x128xf32> to vector<1024x128xf32>
    %reduce_sum3A_108 = arith.constant dense<0.000000e+00> : vector<1024xf32>
    %reduce_sum3A_109 = vector.multi_reduction <add>, %get3A_107, %reduce_sum3A_108 [1] : vector<1024x128xf32> to vector<1024xf32>
    %log3A_110 = math.log %reduce_sum3A_101 : vector<1024xf32>
    %add3A_111 = arith.constant 2.000000e+01 : f32
    %add3A_112 = vector.broadcast %add3A_111 : f32 to vector<1024xf32>
    %add3A_113 = arith.addf %add3A_112, %log3A_110 : vector<1024xf32>
    %div3A_114 = arith.constant 1.000000e+00 : f32
    %div3A_115 = vector.broadcast %div3A_114 : f32 to vector<1024xf32>
    %div3A_116 = arith.divf %div3A_115, %reduce_sum3A_109 : vector<1024xf32>
    %mul3A_117 = arith.mulf %reduce_sum3A_109, %div3A_116 : vector<1024xf32>
    %add3A_118 = arith.constant 1.000000e+05 : f32
    %add3A_119 = vector.broadcast %add3A_118 : f32 to vector<1024xf32>
    %add3A_120 = arith.addf %add3A_119, %mul3A_117 : vector<1024xf32>
    %log3A_121 = math.log %add3A_120 : vector<1024xf32>
    %mul3A_122 = arith.constant 2.000000e+00 : f32
    %mul3A_123 = vector.broadcast %mul3A_122 : f32 to vector<1024xf32>
    %mul3A_124 = arith.mulf %mul3A_123, %reduce_sum3A_93 : vector<1024xf32>
    %sub3A_125 = arith.constant 2.000000e+00 : f32
    %sub3A_126 = vector.broadcast %sub3A_125 : f32 to vector<1024xf32>
    %sub3A_127 = arith.subf %sub3A_126, %mul3A_124 : vector<1024xf32>
    %max3A_128 = arith.constant 0.000000e+00 : f32
    %max3A_129 = vector.broadcast %max3A_128 : f32 to vector<1024xf32>
    %max3A_130 = arith.maximumf %sub3A_127, %max3A_129 : vector<1024xf32>
    %sqrt3A_131 = math.sqrt %max3A_130 : vector<1024xf32>
    %sub3A_132 = arith.constant 2.000000e+00 : f32
    %sub3A_133 = vector.broadcast %sub3A_132 : f32 to vector<1024xf32>
    %sub3A_134 = arith.subf %sqrt3A_131, %sub3A_133 : vector<1024xf32>
    %exp3A_135 = math.exp %sub3A_134 : vector<1024xf32>
    %mul3A_136 = arith.mulf %exp3A_135, %div3A_116 : vector<1024xf32>
    %mul3A_137 = arith.constant 2.000000e+01 : f32
    %mul3A_138 = vector.broadcast %mul3A_137 : f32 to vector<1024xf32>
    %mul3A_139 = arith.mulf %mul3A_138, %reduce_sum3A_93 : vector<1024xf32>
    %sub3A_140 = arith.subf %add3A_113, %mul3A_139 : vector<1024xf32>
    %reduce_sum3A_141 = vector.shape_cast %sub3A_140 : vector<1024xf32> to vector<1x1024xf32>
    %reduce_sum3A_142 = arith.constant dense<0.000000e+00> : vector<1xf32>
    %reduce_sum3A_143 = vector.multi_reduction <add>, %reduce_sum3A_141, %reduce_sum3A_142 [1] : vector<1x1024xf32> to vector<1xf32>
    %reduce_sum3A_144 = vector.shape_cast %reduce_sum3A_143 : vector<1xf32> to vector<1x1xf32>
    %reduce_sum3A_145 = vector.extract %reduce_sum3A_144[0, 0] : f32 from vector<1x1xf32>
    %div3A_146 = arith.constant 1.024000e+03 : f32
    %div3A_147 = arith.divf %reduce_sum3A_145, %div3A_146 : f32
    %sub3A_148 = arith.subf %log3A_121, %mul3A_136 : vector<1024xf32>
    %reduce_sum3A_149 = vector.shape_cast %sub3A_148 : vector<1024xf32> to vector<1x1024xf32>
    %reduce_sum3A_150 = arith.constant dense<0.000000e+00> : vector<1xf32>
    %reduce_sum3A_151 = vector.multi_reduction <add>, %reduce_sum3A_149, %reduce_sum3A_150 [1] : vector<1x1024xf32> to vector<1xf32>
    %reduce_sum3A_152 = vector.shape_cast %reduce_sum3A_151 : vector<1xf32> to vector<1x1xf32>
    %reduce_sum3A_153 = vector.extract %reduce_sum3A_152[0, 0] : f32 from vector<1x1xf32>
    %div3A_154 = arith.constant 1.024000e+03 : f32
    %div3A_155 = arith.divf %reduce_sum3A_153, %div3A_154 : f32
    %add3A_156 = arith.addf %div3A_147, %div3A_155 : f32
    %mul3A_157 = arith.constant 5.000000e-01 : f32
    %mul3A_158 = arith.mulf %mul3A_157, %add3A_156 : f32
    %add3A_159 = arith.addf %add3A_74, %mul3A_158 : f32
    %get3A_160 = arith.constant 0 : index
    %get3A_161 = arith.constant 0 : index
    %get3A_162 = vector.load %arg3[%get3A_160, %get3A_161] : memref<1024x128xf32, #tpu.memory_space<vmem>>, vector<1024x128xf32>
    %mul3A_163 = arith.mulf %get3A_162, %get3A_162 : vector<1024x128xf32>
    %reduce_sum3A_164 = arith.constant dense<0.000000e+00> : vector<1024xf32>
    %reduce_sum3A_165 = vector.multi_reduction <add>, %mul3A_163, %reduce_sum3A_164 [1] : vector<1024x128xf32> to vector<1024xf32>
    %broadcast_in_dim3A_166 = vector.shape_cast %reduce_sum3A_165 : vector<1024xf32> to vector<1024x1xf32>
    %sqrt3A_167 = math.sqrt %broadcast_in_dim3A_166 : vector<1024x1xf32>
    %max3A_168 = arith.constant 9.99999996E-13 : f32
    %max3A_169 = vector.broadcast %max3A_168 : f32 to vector<1024x1xf32>
    %max3A_170 = arith.maximumf %sqrt3A_167, %max3A_169 : vector<1024x1xf32>
    %div3A_171 = vector.broadcast %max3A_170 : vector<1024x1xf32> to vector<1024x128xf32>
    %div3A_172 = arith.divf %get3A_162, %div3A_171 : vector<1024x128xf32>
    %get3A_173 = arith.constant 0 : index
    %get3A_174 = arith.constant 0 : index
    %get3A_175 = vector.load %arg6[%get3A_173, %get3A_174] : memref<1024x128xf32, #tpu.memory_space<vmem>>, vector<1024x128xf32>
    %mul3A_176 = arith.mulf %div3A_172, %get3A_175 : vector<1024x128xf32>
    %reduce_sum3A_177 = arith.constant dense<0.000000e+00> : vector<1024xf32>
    %reduce_sum3A_178 = vector.multi_reduction <add>, %mul3A_176, %reduce_sum3A_177 [1] : vector<1024x128xf32> to vector<1024xf32>
    %get3A_179 = arith.constant 2 : index
    %get3A_180 = arith.constant 0 : index
    %get3A_181 = arith.constant 0 : index
    %get3A_182 = arith.constant 0 : index
    %get3A_183 = vector.load %arg7[%get3A_179, %get3A_180, %get3A_181, %get3A_182] : memref<3x2x1024x128xf32, #tpu.memory_space<vmem>>, vector<1x1x1024x128xf32>
    %get3A_184 = vector.shape_cast %get3A_183 : vector<1x1x1024x128xf32> to vector<1024x128xf32>
    %reduce_sum3A_185 = arith.constant dense<0.000000e+00> : vector<1024xf32>
    %reduce_sum3A_186 = vector.multi_reduction <add>, %get3A_184, %reduce_sum3A_185 [1] : vector<1024x128xf32> to vector<1024xf32>
    %get3A_187 = arith.constant 2 : index
    %get3A_188 = arith.constant 1 : index
    %get3A_189 = arith.constant 0 : index
    %get3A_190 = arith.constant 0 : index
    %get3A_191 = vector.load %arg7[%get3A_187, %get3A_188, %get3A_189, %get3A_190] : memref<3x2x1024x128xf32, #tpu.memory_space<vmem>>, vector<1x1x1024x128xf32>
    %get3A_192 = vector.shape_cast %get3A_191 : vector<1x1x1024x128xf32> to vector<1024x128xf32>
    %reduce_sum3A_193 = arith.constant dense<0.000000e+00> : vector<1024xf32>
    %reduce_sum3A_194 = vector.multi_reduction <add>, %get3A_192, %reduce_sum3A_193 [1] : vector<1024x128xf32> to vector<1024xf32>
    %log3A_195 = math.log %reduce_sum3A_186 : vector<1024xf32>
    %add3A_196 = arith.constant 2.000000e+01 : f32
    %add3A_197 = vector.broadcast %add3A_196 : f32 to vector<1024xf32>
    %add3A_198 = arith.addf %add3A_197, %log3A_195 : vector<1024xf32>
    %div3A_199 = arith.constant 1.000000e+00 : f32
    %div3A_200 = vector.broadcast %div3A_199 : f32 to vector<1024xf32>
    %div3A_201 = arith.divf %div3A_200, %reduce_sum3A_194 : vector<1024xf32>
    %mul3A_202 = arith.mulf %reduce_sum3A_194, %div3A_201 : vector<1024xf32>
    %add3A_203 = arith.constant 1.000000e+05 : f32
    %add3A_204 = vector.broadcast %add3A_203 : f32 to vector<1024xf32>
    %add3A_205 = arith.addf %add3A_204, %mul3A_202 : vector<1024xf32>
    %log3A_206 = math.log %add3A_205 : vector<1024xf32>
    %mul3A_207 = arith.constant 2.000000e+00 : f32
    %mul3A_208 = vector.broadcast %mul3A_207 : f32 to vector<1024xf32>
    %mul3A_209 = arith.mulf %mul3A_208, %reduce_sum3A_178 : vector<1024xf32>
    %sub3A_210 = arith.constant 2.000000e+00 : f32
    %sub3A_211 = vector.broadcast %sub3A_210 : f32 to vector<1024xf32>
    %sub3A_212 = arith.subf %sub3A_211, %mul3A_209 : vector<1024xf32>
    %max3A_213 = arith.constant 0.000000e+00 : f32
    %max3A_214 = vector.broadcast %max3A_213 : f32 to vector<1024xf32>
    %max3A_215 = arith.maximumf %sub3A_212, %max3A_214 : vector<1024xf32>
    %sqrt3A_216 = math.sqrt %max3A_215 : vector<1024xf32>
    %sub3A_217 = arith.constant 2.000000e+00 : f32
    %sub3A_218 = vector.broadcast %sub3A_217 : f32 to vector<1024xf32>
    %sub3A_219 = arith.subf %sqrt3A_216, %sub3A_218 : vector<1024xf32>
    %exp3A_220 = math.exp %sub3A_219 : vector<1024xf32>
    %mul3A_221 = arith.mulf %exp3A_220, %div3A_201 : vector<1024xf32>
    %mul3A_222 = arith.constant 2.000000e+01 : f32
    %mul3A_223 = vector.broadcast %mul3A_222 : f32 to vector<1024xf32>
    %mul3A_224 = arith.mulf %mul3A_223, %reduce_sum3A_178 : vector<1024xf32>
    %sub3A_225 = arith.subf %add3A_198, %mul3A_224 : vector<1024xf32>
    %reduce_sum3A_226 = vector.shape_cast %sub3A_225 : vector<1024xf32> to vector<1x1024xf32>
    %reduce_sum3A_227 = arith.constant dense<0.000000e+00> : vector<1xf32>
    %reduce_sum3A_228 = vector.multi_reduction <add>, %reduce_sum3A_226, %reduce_sum3A_227 [1] : vector<1x1024xf32> to vector<1xf32>
    %reduce_sum3A_229 = vector.shape_cast %reduce_sum3A_228 : vector<1xf32> to vector<1x1xf32>
    %reduce_sum3A_230 = vector.extract %reduce_sum3A_229[0, 0] : f32 from vector<1x1xf32>
    %div3A_231 = arith.constant 1.024000e+03 : f32
    %div3A_232 = arith.divf %reduce_sum3A_230, %div3A_231 : f32
    %sub3A_233 = arith.subf %log3A_206, %mul3A_221 : vector<1024xf32>
    %reduce_sum3A_234 = vector.shape_cast %sub3A_233 : vector<1024xf32> to vector<1x1024xf32>
    %reduce_sum3A_235 = arith.constant dense<0.000000e+00> : vector<1xf32>
    %reduce_sum3A_236 = vector.multi_reduction <add>, %reduce_sum3A_234, %reduce_sum3A_235 [1] : vector<1x1024xf32> to vector<1xf32>
    %reduce_sum3A_237 = vector.shape_cast %reduce_sum3A_236 : vector<1xf32> to vector<1x1xf32>
    %reduce_sum3A_238 = vector.extract %reduce_sum3A_237[0, 0] : f32 from vector<1x1xf32>
    %div3A_239 = arith.constant 1.024000e+03 : f32
    %div3A_240 = arith.divf %reduce_sum3A_238, %div3A_239 : f32
    %add3A_241 = arith.addf %div3A_232, %div3A_240 : f32
    %mul3A_242 = arith.constant 5.000000e-01 : f32
    %mul3A_243 = arith.mulf %mul3A_242, %add3A_241 : f32
    %add3A_244 = arith.addf %add3A_159, %mul3A_243 : f32
    %broadcast_in_dim3A_245 = vector.broadcast %add3A_244 : f32 to vector<1x1xf32>
    %swap3A = arith.constant 0 : index
    %swap3A_246 = arith.constant 0 : index
    %swap3A_247 = vector.load %arg8[%swap3A, %swap3A_246] : memref<1x1xf32, #tpu.memory_space<vmem>>, vector<1x1xf32>
    tpu.vector_store %arg8[%swap3A, %swap3A_246], %broadcast_in_dim3A_245 {strides = array<i32>} : memref<1x1xf32, #tpu.memory_space<vmem>>, vector<1x1xf32>,
    return
  }
  func.func @transform_0(%arg0: i32) -> (i32, i32) {
    %c0_i32 = arith.constant 0 : i32
    %c0_i32_0 = arith.constant 0 : i32
    %c0_i32_1 = arith.constant 0 : i32
    return %c0_i32, %c0_i32_0 : i32, i32
  }
  func.func @transform_1(%arg0: i32) -> (i32, i32) {
    %c0_i32 = arith.constant 0 : i32
    %c0_i32_0 = arith.constant 0 : i32
    %c0_i32_1 = arith.constant 0 : i32
    return %c0_i32, %c0_i32_0 : i32, i32
  }
  func.func @transform_2(%arg0: i32) -> (i32, i32) {
    %c0_i32 = arith.constant 0 : i32
    %c0_i32_0 = arith.constant 0 : i32
    %c0_i32_1 = arith.constant 0 : i32
    return %c0_i32, %c0_i32_0 : i32, i32
  }
  func.func @transform_3(%arg0: i32) -> (i32, i32) {
    %c0_i32 = arith.constant 0 : i32
    %c0_i32_0 = arith.constant 0 : i32
    %c0_i32_1 = arith.constant 0 : i32
    return %c0_i32, %c0_i32_0 : i32, i32
  }
  func.func @transform_4(%arg0: i32) -> (i32, i32) {
    %c0_i32 = arith.constant 0 : i32
    %c0_i32_0 = arith.constant 0 : i32
    %c0_i32_1 = arith.constant 0 : i32
    return %c0_i32, %c0_i32_0 : i32, i32
  }
  func.func @transform_5(%arg0: i32) -> (i32, i32) {
    %c0_i32 = arith.constant 0 : i32
    %c0_i32_0 = arith.constant 0 : i32
    %c0_i32_1 = arith.constant 0 : i32
    return %c0_i32, %c0_i32_0 : i32, i32
  }
  func.func @transform_6(%arg0: i32) -> (i32, i32, i32, i32) {
    %c0_i32 = arith.constant 0 : i32
    %c0_i32_0 = arith.constant 0 : i32
    %c0_i32_1 = arith.constant 0 : i32
    %c0_i32_2 = arith.constant 0 : i32
    %c0_i32_3 = arith.constant 0 : i32
    return %c0_i32, %c0_i32_0, %c0_i32_1, %c0_i32_2 : i32, i32, i32, i32
  }
  func.func @transform_7(%arg0: i32) -> (i32, i32) {
    %c0_i32 = arith.constant 0 : i32
    %c0_i32_0 = arith.constant 0 : i32
    %c0_i32_1 = arith.constant 0 : i32
    return %c0_i32, %c0_i32_0 : i32, i32
  }
}

module attributes {stable_mosaic.version = 14 : i64} {
  func.func @_stream_body(%arg0: i32, %arg1: memref<1024x128xf32, #tpu.memory_space<vmem>>, %arg2: memref<1024x128xf32, #tpu.memory_space<vmem>>, %arg3: memref<1024x128xf32, #tpu.memory_space<vmem>>, %arg4: memref<4096x128xbf16, #tpu.memory_space<vmem>>, %arg5: memref<4096x128xbf16, #tpu.memory_space<vmem>>, %arg6: memref<4096x128xbf16, #tpu.memory_space<vmem>>, %arg7: memref<3x2x1024x128xf32, #tpu.memory_space<vmem>>, %arg8: memref<3x1024x128xbf16, #tpu.memory_space<vmem>>) attributes {dimension_semantics = [#tpu.dimension_semantics<arbitrary>], iteration_bounds = array<i64: 25>, scalar_prefetch = 0 : i64, scratch_operands = 1 : i64, tpu.core_type = #tpu.core_type<tc>, window_params = [{pipeline_mode = #tpu.pipeline_mode<synchronous>, transform_indices = @transform_0, window_bounds = array<i64: 1024, 128>}, {pipeline_mode = #tpu.pipeline_mode<synchronous>, transform_indices = @transform_1, window_bounds = array<i64: 1024, 128>}, {pipeline_mode = #tpu.pipeline_mode<synchronous>, transform_indices = @transform_2, window_bounds = array<i64: 1024, 128>}, {transform_indices = @transform_3, window_bounds = array<i64: 4096, 128>}, {transform_indices = @transform_4, window_bounds = array<i64: 4096, 128>}, {transform_indices = @transform_5, window_bounds = array<i64: 4096, 128>}, {pipeline_mode = #tpu.pipeline_mode<synchronous>, transform_indices = @transform_6, window_bounds = array<i64: 3, 2, 1024, 128>}]} {
    %eq3A = arith.constant 0 : i32
    %eq3A_0 = arith.cmpi eq, %arg0, %eq3A : i32
    %convert_element_type3A = arith.extui %eq3A_0 : i1 to i32
    %cond3A = arith.constant 0 : i32
    %cond3A_1 = arith.cmpi ne, %convert_element_type3A, %cond3A : i32
    scf.if %cond3A_1 {
      %broadcast_in_dim3A = arith.constant 0.000000e+00 : f32
      %broadcast_in_dim3A_11 = vector.broadcast %broadcast_in_dim3A : f32 to vector<3x2x1024x128xf32>
      %swap3A = arith.constant 0 : index
      %swap3A_12 = arith.constant 0 : index
      %swap3A_13 = arith.constant 0 : index
      %swap3A_14 = arith.constant 0 : index
      %swap3A_15 = vector.load %arg7[%swap3A, %swap3A_12, %swap3A_13, %swap3A_14] : memref<3x2x1024x128xf32, #tpu.memory_space<vmem>>, vector<3x2x1024x128xf32>
      tpu.vector_store %arg7[%swap3A, %swap3A_12, %swap3A_13, %swap3A_14], %broadcast_in_dim3A_11 {strides = array<i32>} : memref<3x2x1024x128xf32, #tpu.memory_space<vmem>>, vector<3x2x1024x128xf32>,
      %get3A = arith.constant 0 : index
      %get3A_16 = arith.constant 0 : index
      %get3A_17 = vector.load %arg1[%get3A, %get3A_16] : memref<1024x128xf32, #tpu.memory_space<vmem>>, vector<1024x128xf32>
      %mul3A = arith.mulf %get3A_17, %get3A_17 : vector<1024x128xf32>
      %reduce_sum3A = arith.constant dense<0.000000e+00> : vector<1024xf32>
      %reduce_sum3A_18 = vector.multi_reduction <add>, %mul3A, %reduce_sum3A [1] : vector<1024x128xf32> to vector<1024xf32>
      %broadcast_in_dim3A_19 = vector.shape_cast %reduce_sum3A_18 : vector<1024xf32> to vector<1024x1xf32>
      %sqrt3A = math.sqrt %broadcast_in_dim3A_19 : vector<1024x1xf32>
      %max3A = arith.constant 9.99999996E-13 : f32
      %max3A_20 = vector.broadcast %max3A : f32 to vector<1024x1xf32>
      %max3A_21 = arith.maximumf %sqrt3A, %max3A_20 : vector<1024x1xf32>
      %div3A = vector.broadcast %max3A_21 : vector<1024x1xf32> to vector<1024x128xf32>
      %div3A_22 = arith.divf %get3A_17, %div3A : vector<1024x128xf32>
      %convert_element_type3A_23 = arith.truncf %div3A_22 : vector<1024x128xf32> to vector<1024x128xbf16>
      %swap3A_24 = arith.constant 0 : index
      %swap3A_25 = arith.constant 0 : index
      %swap3A_26 = arith.constant 0 : index
      %swap3A_27 = vector.load %arg8[%swap3A_24, %swap3A_25, %swap3A_26] : memref<3x1024x128xbf16, #tpu.memory_space<vmem>>, vector<1x1024x128xbf16>
      %swap3A_28 = vector.shape_cast %swap3A_27 : vector<1x1024x128xbf16> to vector<1024x128xbf16>
      %swap3A_29 = vector.shape_cast %convert_element_type3A_23 : vector<1024x128xbf16> to vector<1x1024x128xbf16>
      tpu.vector_store %arg8[%swap3A_24, %swap3A_25, %swap3A_26], %swap3A_29 {strides = array<i32>} : memref<3x1024x128xbf16, #tpu.memory_space<vmem>>, vector<1x1024x128xbf16>,
      %get3A_30 = arith.constant 0 : index
      %get3A_31 = arith.constant 0 : index
      %get3A_32 = vector.load %arg2[%get3A_30, %get3A_31] : memref<1024x128xf32, #tpu.memory_space<vmem>>, vector<1024x128xf32>
      %mul3A_33 = arith.mulf %get3A_32, %get3A_32 : vector<1024x128xf32>
      %reduce_sum3A_34 = arith.constant dense<0.000000e+00> : vector<1024xf32>
      %reduce_sum3A_35 = vector.multi_reduction <add>, %mul3A_33, %reduce_sum3A_34 [1] : vector<1024x128xf32> to vector<1024xf32>
      %broadcast_in_dim3A_36 = vector.shape_cast %reduce_sum3A_35 : vector<1024xf32> to vector<1024x1xf32>
      %sqrt3A_37 = math.sqrt %broadcast_in_dim3A_36 : vector<1024x1xf32>
      %max3A_38 = arith.constant 9.99999996E-13 : f32
      %max3A_39 = vector.broadcast %max3A_38 : f32 to vector<1024x1xf32>
      %max3A_40 = arith.maximumf %sqrt3A_37, %max3A_39 : vector<1024x1xf32>
      %div3A_41 = vector.broadcast %max3A_40 : vector<1024x1xf32> to vector<1024x128xf32>
      %div3A_42 = arith.divf %get3A_32, %div3A_41 : vector<1024x128xf32>
      %convert_element_type3A_43 = arith.truncf %div3A_42 : vector<1024x128xf32> to vector<1024x128xbf16>
      %swap3A_44 = arith.constant 1 : index
      %swap3A_45 = arith.constant 0 : index
      %swap3A_46 = arith.constant 0 : index
      %swap3A_47 = vector.load %arg8[%swap3A_44, %swap3A_45, %swap3A_46] : memref<3x1024x128xbf16, #tpu.memory_space<vmem>>, vector<1x1024x128xbf16>
      %swap3A_48 = vector.shape_cast %swap3A_47 : vector<1x1024x128xbf16> to vector<1024x128xbf16>
      %swap3A_49 = vector.shape_cast %convert_element_type3A_43 : vector<1024x128xbf16> to vector<1x1024x128xbf16>
      tpu.vector_store %arg8[%swap3A_44, %swap3A_45, %swap3A_46], %swap3A_49 {strides = array<i32>} : memref<3x1024x128xbf16, #tpu.memory_space<vmem>>, vector<1x1024x128xbf16>,
      %get3A_50 = arith.constant 0 : index
      %get3A_51 = arith.constant 0 : index
      %get3A_52 = vector.load %arg3[%get3A_50, %get3A_51] : memref<1024x128xf32, #tpu.memory_space<vmem>>, vector<1024x128xf32>
      %mul3A_53 = arith.mulf %get3A_52, %get3A_52 : vector<1024x128xf32>
      %reduce_sum3A_54 = arith.constant dense<0.000000e+00> : vector<1024xf32>
      %reduce_sum3A_55 = vector.multi_reduction <add>, %mul3A_53, %reduce_sum3A_54 [1] : vector<1024x128xf32> to vector<1024xf32>
      %broadcast_in_dim3A_56 = vector.shape_cast %reduce_sum3A_55 : vector<1024xf32> to vector<1024x1xf32>
      %sqrt3A_57 = math.sqrt %broadcast_in_dim3A_56 : vector<1024x1xf32>
      %max3A_58 = arith.constant 9.99999996E-13 : f32
      %max3A_59 = vector.broadcast %max3A_58 : f32 to vector<1024x1xf32>
      %max3A_60 = arith.maximumf %sqrt3A_57, %max3A_59 : vector<1024x1xf32>
      %div3A_61 = vector.broadcast %max3A_60 : vector<1024x1xf32> to vector<1024x128xf32>
      %div3A_62 = arith.divf %get3A_52, %div3A_61 : vector<1024x128xf32>
      %convert_element_type3A_63 = arith.truncf %div3A_62 : vector<1024x128xf32> to vector<1024x128xbf16>
      %swap3A_64 = arith.constant 2 : index
      %swap3A_65 = arith.constant 0 : index
      %swap3A_66 = arith.constant 0 : index
      %swap3A_67 = vector.load %arg8[%swap3A_64, %swap3A_65, %swap3A_66] : memref<3x1024x128xbf16, #tpu.memory_space<vmem>>, vector<1x1024x128xbf16>
      %swap3A_68 = vector.shape_cast %swap3A_67 : vector<1x1024x128xbf16> to vector<1024x128xbf16>
      %swap3A_69 = vector.shape_cast %convert_element_type3A_63 : vector<1024x128xbf16> to vector<1x1024x128xbf16>
      tpu.vector_store %arg8[%swap3A_64, %swap3A_65, %swap3A_66], %swap3A_69 {strides = array<i32>} : memref<3x1024x128xbf16, #tpu.memory_space<vmem>>, vector<1x1024x128xbf16>,
    } else {
    }
    %lt3A = arith.constant 24 : i32
    %lt3A_2 = arith.cmpi slt, %arg0, %lt3A : i32
    %convert_element_type3A_3 = arith.extui %lt3A_2 : i1 to i32
    %cond3A_4 = arith.constant 0 : i32
    %cond3A_5 = arith.cmpi ne, %convert_element_type3A_3, %cond3A_4 : i32
    scf.if %cond3A_5 {
      %get3A = arith.constant 0 : index
      %get3A_11 = arith.constant 0 : index
      %get3A_12 = arith.constant 0 : index
      %get3A_13 = vector.load %arg8[%get3A, %get3A_11, %get3A_12] : memref<3x1024x128xbf16, #tpu.memory_space<vmem>>, vector<1x1024x128xbf16>
      %get3A_14 = vector.shape_cast %get3A_13 : vector<1x1024x128xbf16> to vector<1024x128xbf16>
      %get3A_15 = arith.constant 0 : index
      %get3A_16 = arith.constant 0 : index
      %get3A_17 = vector.load %arg4[%get3A_15, %get3A_16] : memref<4096x128xbf16, #tpu.memory_space<vmem>>, vector<4096x128xbf16>
      %dot_general3A = arith.constant dense<0.000000e+00> : vector<1024x4096xf32>
      %dot_general3A_18 = tpu.matmul %get3A_14, %get3A_17, %dot_general3A {dimension_numbers = #tpu.dot_dimension_numbers<[1], [1], [0], [0], [0, 0, 1, 0], [], []>, transpose_lhs_hint = false} : vector<1024x128xbf16>, vector<4096x128xbf16>, vector<1024x4096xf32> -> vector<1024x4096xf32>
      %convert_element_type3A_19 = arith.truncf %dot_general3A_18 : vector<1024x4096xf32> to vector<1024x4096xbf16>
      %mul3A = arith.constant 2.000000e+00 : bf16
      %mul3A_20 = vector.broadcast %mul3A : bf16 to vector<1024x4096xbf16>
      %mul3A_21 = arith.mulf %mul3A_20, %convert_element_type3A_19 : vector<1024x4096xbf16>
      %sub3A = arith.constant 2.000000e+00 : bf16
      %sub3A_22 = vector.broadcast %sub3A : bf16 to vector<1024x4096xbf16>
      %sub3A_23 = arith.subf %sub3A_22, %mul3A_21 : vector<1024x4096xbf16>
      %max3A = arith.constant 0.000000e+00 : bf16
      %max3A_24 = vector.broadcast %max3A : bf16 to vector<1024x4096xbf16>
      %max3A_25 = arith.maximumf %sub3A_23, %max3A_24 : vector<1024x4096xbf16>
      %mul3A_26 = arith.constant -1.000000e+01 : bf16
      %mul3A_27 = vector.broadcast %mul3A_26 : bf16 to vector<1024x4096xbf16>
      %mul3A_28 = arith.mulf %mul3A_27, %max3A_25 : vector<1024x4096xbf16>
      %exp3A = math.exp %mul3A_28 : vector<1024x4096xbf16>
      %sqrt3A = math.sqrt %max3A_25 : vector<1024x4096xbf16>
      %sub3A_29 = arith.constant 2.000000e+00 : bf16
      %sub3A_30 = vector.broadcast %sub3A_29 : bf16 to vector<1024x4096xbf16>
      %sub3A_31 = arith.subf %sqrt3A, %sub3A_30 : vector<1024x4096xbf16>
      %exp3A_32 = math.exp %sub3A_31 : vector<1024x4096xbf16>
      %get3A_33 = arith.constant 0 : index
      %get3A_34 = arith.constant 0 : index
      %get3A_35 = arith.constant 0 : index
      %get3A_36 = arith.constant 0 : index
      %get3A_37 = vector.load %arg7[%get3A_33, %get3A_34, %get3A_35, %get3A_36] : memref<3x2x1024x128xf32, #tpu.memory_space<vmem>>, vector<1x1x1024x128xf32>
      %get3A_38 = vector.shape_cast %get3A_37 : vector<1x1x1024x128xf32> to vector<1024x128xf32>
      %slice3A = vector.extract_strided_slice %exp3A {offsets = [0, 0], sizes = [1024, 128], strides = [1, 1]} : vector<1024x4096xbf16> to vector<1024x128xbf16>
      %slice3A_39 = vector.extract_strided_slice %exp3A {offsets = [0, 128], sizes = [1024, 128], strides = [1, 1]} : vector<1024x4096xbf16> to vector<1024x128xbf16>
      %add3A = arith.addf %slice3A, %slice3A_39 : vector<1024x128xbf16>
      %slice3A_40 = vector.extract_strided_slice %exp3A {offsets = [0, 256], sizes = [1024, 128], strides = [1, 1]} : vector<1024x4096xbf16> to vector<1024x128xbf16>
      %add3A_41 = arith.addf %add3A, %slice3A_40 : vector<1024x128xbf16>
      %slice3A_42 = vector.extract_strided_slice %exp3A {offsets = [0, 384], sizes = [1024, 128], strides = [1, 1]} : vector<1024x4096xbf16> to vector<1024x128xbf16>
      %add3A_43 = arith.addf %add3A_41, %slice3A_42 : vector<1024x128xbf16>
      %slice3A_44 = vector.extract_strided_slice %exp3A {offsets = [0, 512], sizes = [1024, 128], strides = [1, 1]} : vector<1024x4096xbf16> to vector<1024x128xbf16>
      %add3A_45 = arith.addf %add3A_43, %slice3A_44 : vector<1024x128xbf16>
      %slice3A_46 = vector.extract_strided_slice %exp3A {offsets = [0, 640], sizes = [1024, 128], strides = [1, 1]} : vector<1024x4096xbf16> to vector<1024x128xbf16>
      %add3A_47 = arith.addf %add3A_45, %slice3A_46 : vector<1024x128xbf16>
      %slice3A_48 = vector.extract_strided_slice %exp3A {offsets = [0, 768], sizes = [1024, 128], strides = [1, 1]} : vector<1024x4096xbf16> to vector<1024x128xbf16>
      %add3A_49 = arith.addf %add3A_47, %slice3A_48 : vector<1024x128xbf16>
      %slice3A_50 = vector.extract_strided_slice %exp3A {offsets = [0, 896], sizes = [1024, 128], strides = [1, 1]} : vector<1024x4096xbf16> to vector<1024x128xbf16>
      %add3A_51 = arith.addf %add3A_49, %slice3A_50 : vector<1024x128xbf16>
      %slice3A_52 = vector.extract_strided_slice %exp3A {offsets = [0, 1024], sizes = [1024, 128], strides = [1, 1]} : vector<1024x4096xbf16> to vector<1024x128xbf16>
      %add3A_53 = arith.addf %add3A_51, %slice3A_52 : vector<1024x128xbf16>
      %slice3A_54 = vector.extract_strided_slice %exp3A {offsets = [0, 1152], sizes = [1024, 128], strides = [1, 1]} : vector<1024x4096xbf16> to vector<1024x128xbf16>
      %add3A_55 = arith.addf %add3A_53, %slice3A_54 : vector<1024x128xbf16>
      %slice3A_56 = vector.extract_strided_slice %exp3A {offsets = [0, 1280], sizes = [1024, 128], strides = [1, 1]} : vector<1024x4096xbf16> to vector<1024x128xbf16>
      %add3A_57 = arith.addf %add3A_55, %slice3A_56 : vector<1024x128xbf16>
      %slice3A_58 = vector.extract_strided_slice %exp3A {offsets = [0, 1408], sizes = [1024, 128], strides = [1, 1]} : vector<1024x4096xbf16> to vector<1024x128xbf16>
      %add3A_59 = arith.addf %add3A_57, %slice3A_58 : vector<1024x128xbf16>
      %slice3A_60 = vector.extract_strided_slice %exp3A {offsets = [0, 1536], sizes = [1024, 128], strides = [1, 1]} : vector<1024x4096xbf16> to vector<1024x128xbf16>
      %add3A_61 = arith.addf %add3A_59, %slice3A_60 : vector<1024x128xbf16>
      %slice3A_62 = vector.extract_strided_slice %exp3A {offsets = [0, 1664], sizes = [1024, 128], strides = [1, 1]} : vector<1024x4096xbf16> to vector<1024x128xbf16>
      %add3A_63 = arith.addf %add3A_61, %slice3A_62 : vector<1024x128xbf16>
      %slice3A_64 = vector.extract_strided_slice %exp3A {offsets = [0, 1792], sizes = [1024, 128], strides = [1, 1]} : vector<1024x4096xbf16> to vector<1024x128xbf16>
      %add3A_65 = arith.addf %add3A_63, %slice3A_64 : vector<1024x128xbf16>
      %slice3A_66 = vector.extract_strided_slice %exp3A {offsets = [0, 1920], sizes = [1024, 128], strides = [1, 1]} : vector<1024x4096xbf16> to vector<1024x128xbf16>
      %add3A_67 = arith.addf %add3A_65, %slice3A_66 : vector<1024x128xbf16>
      %slice3A_68 = vector.extract_strided_slice %exp3A {offsets = [0, 2048], sizes = [1024, 128], strides = [1, 1]} : vector<1024x4096xbf16> to vector<1024x128xbf16>
      %add3A_69 = arith.addf %add3A_67, %slice3A_68 : vector<1024x128xbf16>
      %slice3A_70 = vector.extract_strided_slice %exp3A {offsets = [0, 2176], sizes = [1024, 128], strides = [1, 1]} : vector<1024x4096xbf16> to vector<1024x128xbf16>
      %add3A_71 = arith.addf %add3A_69, %slice3A_70 : vector<1024x128xbf16>
      %slice3A_72 = vector.extract_strided_slice %exp3A {offsets = [0, 2304], sizes = [1024, 128], strides = [1, 1]} : vector<1024x4096xbf16> to vector<1024x128xbf16>
      %add3A_73 = arith.addf %add3A_71, %slice3A_72 : vector<1024x128xbf16>
      %slice3A_74 = vector.extract_strided_slice %exp3A {offsets = [0, 2432], sizes = [1024, 128], strides = [1, 1]} : vector<1024x4096xbf16> to vector<1024x128xbf16>
      %add3A_75 = arith.addf %add3A_73, %slice3A_74 : vector<1024x128xbf16>
      %slice3A_76 = vector.extract_strided_slice %exp3A {offsets = [0, 2560], sizes = [1024, 128], strides = [1, 1]} : vector<1024x4096xbf16> to vector<1024x128xbf16>
      %add3A_77 = arith.addf %add3A_75, %slice3A_76 : vector<1024x128xbf16>
      %slice3A_78 = vector.extract_strided_slice %exp3A {offsets = [0, 2688], sizes = [1024, 128], strides = [1, 1]} : vector<1024x4096xbf16> to vector<1024x128xbf16>
      %add3A_79 = arith.addf %add3A_77, %slice3A_78 : vector<1024x128xbf16>
      %slice3A_80 = vector.extract_strided_slice %exp3A {offsets = [0, 2816], sizes = [1024, 128], strides = [1, 1]} : vector<1024x4096xbf16> to vector<1024x128xbf16>
      %add3A_81 = arith.addf %add3A_79, %slice3A_80 : vector<1024x128xbf16>
      %slice3A_82 = vector.extract_strided_slice %exp3A {offsets = [0, 2944], sizes = [1024, 128], strides = [1, 1]} : vector<1024x4096xbf16> to vector<1024x128xbf16>
      %add3A_83 = arith.addf %add3A_81, %slice3A_82 : vector<1024x128xbf16>
      %slice3A_84 = vector.extract_strided_slice %exp3A {offsets = [0, 3072], sizes = [1024, 128], strides = [1, 1]} : vector<1024x4096xbf16> to vector<1024x128xbf16>
      %add3A_85 = arith.addf %add3A_83, %slice3A_84 : vector<1024x128xbf16>
      %slice3A_86 = vector.extract_strided_slice %exp3A {offsets = [0, 3200], sizes = [1024, 128], strides = [1, 1]} : vector<1024x4096xbf16> to vector<1024x128xbf16>
      %add3A_87 = arith.addf %add3A_85, %slice3A_86 : vector<1024x128xbf16>
      %slice3A_88 = vector.extract_strided_slice %exp3A {offsets = [0, 3328], sizes = [1024, 128], strides = [1, 1]} : vector<1024x4096xbf16> to vector<1024x128xbf16>
      %add3A_89 = arith.addf %add3A_87, %slice3A_88 : vector<1024x128xbf16>
      %slice3A_90 = vector.extract_strided_slice %exp3A {offsets = [0, 3456], sizes = [1024, 128], strides = [1, 1]} : vector<1024x4096xbf16> to vector<1024x128xbf16>
      %add3A_91 = arith.addf %add3A_89, %slice3A_90 : vector<1024x128xbf16>
      %slice3A_92 = vector.extract_strided_slice %exp3A {offsets = [0, 3584], sizes = [1024, 128], strides = [1, 1]} : vector<1024x4096xbf16> to vector<1024x128xbf16>
      %add3A_93 = arith.addf %add3A_91, %slice3A_92 : vector<1024x128xbf16>
      %slice3A_94 = vector.extract_strided_slice %exp3A {offsets = [0, 3712], sizes = [1024, 128], strides = [1, 1]} : vector<1024x4096xbf16> to vector<1024x128xbf16>
      %add3A_95 = arith.addf %add3A_93, %slice3A_94 : vector<1024x128xbf16>
      %slice3A_96 = vector.extract_strided_slice %exp3A {offsets = [0, 3840], sizes = [1024, 128], strides = [1, 1]} : vector<1024x4096xbf16> to vector<1024x128xbf16>
      %add3A_97 = arith.addf %add3A_95, %slice3A_96 : vector<1024x128xbf16>
      %slice3A_98 = vector.extract_strided_slice %exp3A {offsets = [0, 3968], sizes = [1024, 128], strides = [1, 1]} : vector<1024x4096xbf16> to vector<1024x128xbf16>
      %add3A_99 = arith.addf %add3A_97, %slice3A_98 : vector<1024x128xbf16>
      %convert_element_type3A_100 = arith.extf %add3A_99 : vector<1024x128xbf16> to vector<1024x128xf32>
      %add3A_101 = arith.addf %get3A_38, %convert_element_type3A_100 : vector<1024x128xf32>
      %swap3A = arith.constant 0 : index
      %swap3A_102 = arith.constant 0 : index
      %swap3A_103 = arith.constant 0 : index
      %swap3A_104 = arith.constant 0 : index
      %swap3A_105 = vector.load %arg7[%swap3A, %swap3A_102, %swap3A_103, %swap3A_104] : memref<3x2x1024x128xf32, #tpu.memory_space<vmem>>, vector<1x1x1024x128xf32>
      %swap3A_106 = vector.shape_cast %swap3A_105 : vector<1x1x1024x128xf32> to vector<1024x128xf32>
      %swap3A_107 = vector.shape_cast %add3A_101 : vector<1024x128xf32> to vector<1x1x1024x128xf32>
      tpu.vector_store %arg7[%swap3A, %swap3A_102, %swap3A_103, %swap3A_104], %swap3A_107 {strides = array<i32>} : memref<3x2x1024x128xf32, #tpu.memory_space<vmem>>, vector<1x1x1024x128xf32>,
      %get3A_108 = arith.constant 0 : index
      %get3A_109 = arith.constant 1 : index
      %get3A_110 = arith.constant 0 : index
      %get3A_111 = arith.constant 0 : index
      %get3A_112 = vector.load %arg7[%get3A_108, %get3A_109, %get3A_110, %get3A_111] : memref<3x2x1024x128xf32, #tpu.memory_space<vmem>>, vector<1x1x1024x128xf32>
      %get3A_113 = vector.shape_cast %get3A_112 : vector<1x1x1024x128xf32> to vector<1024x128xf32>
      %slice3A_114 = vector.extract_strided_slice %exp3A_32 {offsets = [0, 0], sizes = [1024, 128], strides = [1, 1]} : vector<1024x4096xbf16> to vector<1024x128xbf16>
      %slice3A_115 = vector.extract_strided_slice %exp3A_32 {offsets = [0, 128], sizes = [1024, 128], strides = [1, 1]} : vector<1024x4096xbf16> to vector<1024x128xbf16>
      %add3A_116 = arith.addf %slice3A_114, %slice3A_115 : vector<1024x128xbf16>
      %slice3A_117 = vector.extract_strided_slice %exp3A_32 {offsets = [0, 256], sizes = [1024, 128], strides = [1, 1]} : vector<1024x4096xbf16> to vector<1024x128xbf16>
      %add3A_118 = arith.addf %add3A_116, %slice3A_117 : vector<1024x128xbf16>
      %slice3A_119 = vector.extract_strided_slice %exp3A_32 {offsets = [0, 384], sizes = [1024, 128], strides = [1, 1]} : vector<1024x4096xbf16> to vector<1024x128xbf16>
      %add3A_120 = arith.addf %add3A_118, %slice3A_119 : vector<1024x128xbf16>
      %slice3A_121 = vector.extract_strided_slice %exp3A_32 {offsets = [0, 512], sizes = [1024, 128], strides = [1, 1]} : vector<1024x4096xbf16> to vector<1024x128xbf16>
      %add3A_122 = arith.addf %add3A_120, %slice3A_121 : vector<1024x128xbf16>
      %slice3A_123 = vector.extract_strided_slice %exp3A_32 {offsets = [0, 640], sizes = [1024, 128], strides = [1, 1]} : vector<1024x4096xbf16> to vector<1024x128xbf16>
      %add3A_124 = arith.addf %add3A_122, %slice3A_123 : vector<1024x128xbf16>
      %slice3A_125 = vector.extract_strided_slice %exp3A_32 {offsets = [0, 768], sizes = [1024, 128], strides = [1, 1]} : vector<1024x4096xbf16> to vector<1024x128xbf16>
      %add3A_126 = arith.addf %add3A_124, %slice3A_125 : vector<1024x128xbf16>
      %slice3A_127 = vector.extract_strided_slice %exp3A_32 {offsets = [0, 896], sizes = [1024, 128], strides = [1, 1]} : vector<1024x4096xbf16> to vector<1024x128xbf16>
      %add3A_128 = arith.addf %add3A_126, %slice3A_127 : vector<1024x128xbf16>
      %slice3A_129 = vector.extract_strided_slice %exp3A_32 {offsets = [0, 1024], sizes = [1024, 128], strides = [1, 1]} : vector<1024x4096xbf16> to vector<1024x128xbf16>
      %add3A_130 = arith.addf %add3A_128, %slice3A_129 : vector<1024x128xbf16>
      %slice3A_131 = vector.extract_strided_slice %exp3A_32 {offsets = [0, 1152], sizes = [1024, 128], strides = [1, 1]} : vector<1024x4096xbf16> to vector<1024x128xbf16>
      %add3A_132 = arith.addf %add3A_130, %slice3A_131 : vector<1024x128xbf16>
      %slice3A_133 = vector.extract_strided_slice %exp3A_32 {offsets = [0, 1280], sizes = [1024, 128], strides = [1, 1]} : vector<1024x4096xbf16> to vector<1024x128xbf16>
      %add3A_134 = arith.addf %add3A_132, %slice3A_133 : vector<1024x128xbf16>
      %slice3A_135 = vector.extract_strided_slice %exp3A_32 {offsets = [0, 1408], sizes = [1024, 128], strides = [1, 1]} : vector<1024x4096xbf16> to vector<1024x128xbf16>
      %add3A_136 = arith.addf %add3A_134, %slice3A_135 : vector<1024x128xbf16>
      %slice3A_137 = vector.extract_strided_slice %exp3A_32 {offsets = [0, 1536], sizes = [1024, 128], strides = [1, 1]} : vector<1024x4096xbf16> to vector<1024x128xbf16>
      %add3A_138 = arith.addf %add3A_136, %slice3A_137 : vector<1024x128xbf16>
      %slice3A_139 = vector.extract_strided_slice %exp3A_32 {offsets = [0, 1664], sizes = [1024, 128], strides = [1, 1]} : vector<1024x4096xbf16> to vector<1024x128xbf16>
      %add3A_140 = arith.addf %add3A_138, %slice3A_139 : vector<1024x128xbf16>
      %slice3A_141 = vector.extract_strided_slice %exp3A_32 {offsets = [0, 1792], sizes = [1024, 128], strides = [1, 1]} : vector<1024x4096xbf16> to vector<1024x128xbf16>
      %add3A_142 = arith.addf %add3A_140, %slice3A_141 : vector<1024x128xbf16>
      %slice3A_143 = vector.extract_strided_slice %exp3A_32 {offsets = [0, 1920], sizes = [1024, 128], strides = [1, 1]} : vector<1024x4096xbf16> to vector<1024x128xbf16>
      %add3A_144 = arith.addf %add3A_142, %slice3A_143 : vector<1024x128xbf16>
      %slice3A_145 = vector.extract_strided_slice %exp3A_32 {offsets = [0, 2048], sizes = [1024, 128], strides = [1, 1]} : vector<1024x4096xbf16> to vector<1024x128xbf16>
      %add3A_146 = arith.addf %add3A_144, %slice3A_145 : vector<1024x128xbf16>
      %slice3A_147 = vector.extract_strided_slice %exp3A_32 {offsets = [0, 2176], sizes = [1024, 128], strides = [1, 1]} : vector<1024x4096xbf16> to vector<1024x128xbf16>
      %add3A_148 = arith.addf %add3A_146, %slice3A_147 : vector<1024x128xbf16>
      %slice3A_149 = vector.extract_strided_slice %exp3A_32 {offsets = [0, 2304], sizes = [1024, 128], strides = [1, 1]} : vector<1024x4096xbf16> to vector<1024x128xbf16>
      %add3A_150 = arith.addf %add3A_148, %slice3A_149 : vector<1024x128xbf16>
      %slice3A_151 = vector.extract_strided_slice %exp3A_32 {offsets = [0, 2432], sizes = [1024, 128], strides = [1, 1]} : vector<1024x4096xbf16> to vector<1024x128xbf16>
      %add3A_152 = arith.addf %add3A_150, %slice3A_151 : vector<1024x128xbf16>
      %slice3A_153 = vector.extract_strided_slice %exp3A_32 {offsets = [0, 2560], sizes = [1024, 128], strides = [1, 1]} : vector<1024x4096xbf16> to vector<1024x128xbf16>
      %add3A_154 = arith.addf %add3A_152, %slice3A_153 : vector<1024x128xbf16>
      %slice3A_155 = vector.extract_strided_slice %exp3A_32 {offsets = [0, 2688], sizes = [1024, 128], strides = [1, 1]} : vector<1024x4096xbf16> to vector<1024x128xbf16>
      %add3A_156 = arith.addf %add3A_154, %slice3A_155 : vector<1024x128xbf16>
      %slice3A_157 = vector.extract_strided_slice %exp3A_32 {offsets = [0, 2816], sizes = [1024, 128], strides = [1, 1]} : vector<1024x4096xbf16> to vector<1024x128xbf16>
      %add3A_158 = arith.addf %add3A_156, %slice3A_157 : vector<1024x128xbf16>
      %slice3A_159 = vector.extract_strided_slice %exp3A_32 {offsets = [0, 2944], sizes = [1024, 128], strides = [1, 1]} : vector<1024x4096xbf16> to vector<1024x128xbf16>
      %add3A_160 = arith.addf %add3A_158, %slice3A_159 : vector<1024x128xbf16>
      %slice3A_161 = vector.extract_strided_slice %exp3A_32 {offsets = [0, 3072], sizes = [1024, 128], strides = [1, 1]} : vector<1024x4096xbf16> to vector<1024x128xbf16>
      %add3A_162 = arith.addf %add3A_160, %slice3A_161 : vector<1024x128xbf16>
      %slice3A_163 = vector.extract_strided_slice %exp3A_32 {offsets = [0, 3200], sizes = [1024, 128], strides = [1, 1]} : vector<1024x4096xbf16> to vector<1024x128xbf16>
      %add3A_164 = arith.addf %add3A_162, %slice3A_163 : vector<1024x128xbf16>
      %slice3A_165 = vector.extract_strided_slice %exp3A_32 {offsets = [0, 3328], sizes = [1024, 128], strides = [1, 1]} : vector<1024x4096xbf16> to vector<1024x128xbf16>
      %add3A_166 = arith.addf %add3A_164, %slice3A_165 : vector<1024x128xbf16>
      %slice3A_167 = vector.extract_strided_slice %exp3A_32 {offsets = [0, 3456], sizes = [1024, 128], strides = [1, 1]} : vector<1024x4096xbf16> to vector<1024x128xbf16>
      %add3A_168 = arith.addf %add3A_166, %slice3A_167 : vector<1024x128xbf16>
      %slice3A_169 = vector.extract_strided_slice %exp3A_32 {offsets = [0, 3584], sizes = [1024, 128], strides = [1, 1]} : vector<1024x4096xbf16> to vector<1024x128xbf16>
      %add3A_170 = arith.addf %add3A_168, %slice3A_169 : vector<1024x128xbf16>
      %slice3A_171 = vector.extract_strided_slice %exp3A_32 {offsets = [0, 3712], sizes = [1024, 128], strides = [1, 1]} : vector<1024x4096xbf16> to vector<1024x128xbf16>
      %add3A_172 = arith.addf %add3A_170, %slice3A_171 : vector<1024x128xbf16>
      %slice3A_173 = vector.extract_strided_slice %exp3A_32 {offsets = [0, 3840], sizes = [1024, 128], strides = [1, 1]} : vector<1024x4096xbf16> to vector<1024x128xbf16>
      %add3A_174 = arith.addf %add3A_172, %slice3A_173 : vector<1024x128xbf16>
      %slice3A_175 = vector.extract_strided_slice %exp3A_32 {offsets = [0, 3968], sizes = [1024, 128], strides = [1, 1]} : vector<1024x4096xbf16> to vector<1024x128xbf16>
      %add3A_176 = arith.addf %add3A_174, %slice3A_175 : vector<1024x128xbf16>
      %convert_element_type3A_177 = arith.extf %add3A_176 : vector<1024x128xbf16> to vector<1024x128xf32>
      %add3A_178 = arith.addf %get3A_113, %convert_element_type3A_177 : vector<1024x128xf32>
      %swap3A_179 = arith.constant 0 : index
      %swap3A_180 = arith.constant 1 : index
      %swap3A_181 = arith.constant 0 : index
      %swap3A_182 = arith.constant 0 : index
      %swap3A_183 = vector.load %arg7[%swap3A_179, %swap3A_180, %swap3A_181, %swap3A_182] : memref<3x2x1024x128xf32, #tpu.memory_space<vmem>>, vector<1x1x1024x128xf32>
      %swap3A_184 = vector.shape_cast %swap3A_183 : vector<1x1x1024x128xf32> to vector<1024x128xf32>
      %swap3A_185 = vector.shape_cast %add3A_178 : vector<1024x128xf32> to vector<1x1x1024x128xf32>
      tpu.vector_store %arg7[%swap3A_179, %swap3A_180, %swap3A_181, %swap3A_182], %swap3A_185 {strides = array<i32>} : memref<3x2x1024x128xf32, #tpu.memory_space<vmem>>, vector<1x1x1024x128xf32>,
      %get3A_186 = arith.constant 1 : index
      %get3A_187 = arith.constant 0 : index
      %get3A_188 = arith.constant 0 : index
      %get3A_189 = vector.load %arg8[%get3A_186, %get3A_187, %get3A_188] : memref<3x1024x128xbf16, #tpu.memory_space<vmem>>, vector<1x1024x128xbf16>
      %get3A_190 = vector.shape_cast %get3A_189 : vector<1x1024x128xbf16> to vector<1024x128xbf16>
      %get3A_191 = arith.constant 0 : index
      %get3A_192 = arith.constant 0 : index
      %get3A_193 = vector.load %arg5[%get3A_191, %get3A_192] : memref<4096x128xbf16, #tpu.memory_space<vmem>>, vector<4096x128xbf16>
      %dot_general3A_194 = arith.constant dense<0.000000e+00> : vector<1024x4096xf32>
      %dot_general3A_195 = tpu.matmul %get3A_190, %get3A_193, %dot_general3A_194 {dimension_numbers = #tpu.dot_dimension_numbers<[1], [1], [0], [0], [0, 0, 1, 0], [], []>, transpose_lhs_hint = false} : vector<1024x128xbf16>, vector<4096x128xbf16>, vector<1024x4096xf32> -> vector<1024x4096xf32>
      %convert_element_type3A_196 = arith.truncf %dot_general3A_195 : vector<1024x4096xf32> to vector<1024x4096xbf16>
      %mul3A_197 = arith.constant 2.000000e+00 : bf16
      %mul3A_198 = vector.broadcast %mul3A_197 : bf16 to vector<1024x4096xbf16>
      %mul3A_199 = arith.mulf %mul3A_198, %convert_element_type3A_196 : vector<1024x4096xbf16>
      %sub3A_200 = arith.constant 2.000000e+00 : bf16
      %sub3A_201 = vector.broadcast %sub3A_200 : bf16 to vector<1024x4096xbf16>
      %sub3A_202 = arith.subf %sub3A_201, %mul3A_199 : vector<1024x4096xbf16>
      %max3A_203 = arith.constant 0.000000e+00 : bf16
      %max3A_204 = vector.broadcast %max3A_203 : bf16 to vector<1024x4096xbf16>
      %max3A_205 = arith.maximumf %sub3A_202, %max3A_204 : vector<1024x4096xbf16>
      %mul3A_206 = arith.constant -1.000000e+01 : bf16
      %mul3A_207 = vector.broadcast %mul3A_206 : bf16 to vector<1024x4096xbf16>
      %mul3A_208 = arith.mulf %mul3A_207, %max3A_205 : vector<1024x4096xbf16>
      %exp3A_209 = math.exp %mul3A_208 : vector<1024x4096xbf16>
      %sqrt3A_210 = math.sqrt %max3A_205 : vector<1024x4096xbf16>
      %sub3A_211 = arith.constant 2.000000e+00 : bf16
      %sub3A_212 = vector.broadcast %sub3A_211 : bf16 to vector<1024x4096xbf16>
      %sub3A_213 = arith.subf %sqrt3A_210, %sub3A_212 : vector<1024x4096xbf16>
      %exp3A_214 = math.exp %sub3A_213 : vector<1024x4096xbf16>
      %get3A_215 = arith.constant 1 : index
      %get3A_216 = arith.constant 0 : index
      %get3A_217 = arith.constant 0 : index
      %get3A_218 = arith.constant 0 : index
      %get3A_219 = vector.load %arg7[%get3A_215, %get3A_216, %get3A_217, %get3A_218] : memref<3x2x1024x128xf32, #tpu.memory_space<vmem>>, vector<1x1x1024x128xf32>
      %get3A_220 = vector.shape_cast %get3A_219 : vector<1x1x1024x128xf32> to vector<1024x128xf32>
      %slice3A_221 = vector.extract_strided_slice %exp3A_209 {offsets = [0, 0], sizes = [1024, 128], strides = [1, 1]} : vector<1024x4096xbf16> to vector<1024x128xbf16>
      %slice3A_222 = vector.extract_strided_slice %exp3A_209 {offsets = [0, 128], sizes = [1024, 128], strides = [1, 1]} : vector<1024x4096xbf16> to vector<1024x128xbf16>
      %add3A_223 = arith.addf %slice3A_221, %slice3A_222 : vector<1024x128xbf16>
      %slice3A_224 = vector.extract_strided_slice %exp3A_209 {offsets = [0, 256], sizes = [1024, 128], strides = [1, 1]} : vector<1024x4096xbf16> to vector<1024x128xbf16>
      %add3A_225 = arith.addf %add3A_223, %slice3A_224 : vector<1024x128xbf16>
      %slice3A_226 = vector.extract_strided_slice %exp3A_209 {offsets = [0, 384], sizes = [1024, 128], strides = [1, 1]} : vector<1024x4096xbf16> to vector<1024x128xbf16>
      %add3A_227 = arith.addf %add3A_225, %slice3A_226 : vector<1024x128xbf16>
      %slice3A_228 = vector.extract_strided_slice %exp3A_209 {offsets = [0, 512], sizes = [1024, 128], strides = [1, 1]} : vector<1024x4096xbf16> to vector<1024x128xbf16>
      %add3A_229 = arith.addf %add3A_227, %slice3A_228 : vector<1024x128xbf16>
      %slice3A_230 = vector.extract_strided_slice %exp3A_209 {offsets = [0, 640], sizes = [1024, 128], strides = [1, 1]} : vector<1024x4096xbf16> to vector<1024x128xbf16>
      %add3A_231 = arith.addf %add3A_229, %slice3A_230 : vector<1024x128xbf16>
      %slice3A_232 = vector.extract_strided_slice %exp3A_209 {offsets = [0, 768], sizes = [1024, 128], strides = [1, 1]} : vector<1024x4096xbf16> to vector<1024x128xbf16>
      %add3A_233 = arith.addf %add3A_231, %slice3A_232 : vector<1024x128xbf16>
      %slice3A_234 = vector.extract_strided_slice %exp3A_209 {offsets = [0, 896], sizes = [1024, 128], strides = [1, 1]} : vector<1024x4096xbf16> to vector<1024x128xbf16>
      %add3A_235 = arith.addf %add3A_233, %slice3A_234 : vector<1024x128xbf16>
      %slice3A_236 = vector.extract_strided_slice %exp3A_209 {offsets = [0, 1024], sizes = [1024, 128], strides = [1, 1]} : vector<1024x4096xbf16> to vector<1024x128xbf16>
      %add3A_237 = arith.addf %add3A_235, %slice3A_236 : vector<1024x128xbf16>
      %slice3A_238 = vector.extract_strided_slice %exp3A_209 {offsets = [0, 1152], sizes = [1024, 128], strides = [1, 1]} : vector<1024x4096xbf16> to vector<1024x128xbf16>
      %add3A_239 = arith.addf %add3A_237, %slice3A_238 : vector<1024x128xbf16>
      %slice3A_240 = vector.extract_strided_slice %exp3A_209 {offsets = [0, 1280], sizes = [1024, 128], strides = [1, 1]} : vector<1024x4096xbf16> to vector<1024x128xbf16>
      %add3A_241 = arith.addf %add3A_239, %slice3A_240 : vector<1024x128xbf16>
      %slice3A_242 = vector.extract_strided_slice %exp3A_209 {offsets = [0, 1408], sizes = [1024, 128], strides = [1, 1]} : vector<1024x4096xbf16> to vector<1024x128xbf16>
      %add3A_243 = arith.addf %add3A_241, %slice3A_242 : vector<1024x128xbf16>
      %slice3A_244 = vector.extract_strided_slice %exp3A_209 {offsets = [0, 1536], sizes = [1024, 128], strides = [1, 1]} : vector<1024x4096xbf16> to vector<1024x128xbf16>
      %add3A_245 = arith.addf %add3A_243, %slice3A_244 : vector<1024x128xbf16>
      %slice3A_246 = vector.extract_strided_slice %exp3A_209 {offsets = [0, 1664], sizes = [1024, 128], strides = [1, 1]} : vector<1024x4096xbf16> to vector<1024x128xbf16>
      %add3A_247 = arith.addf %add3A_245, %slice3A_246 : vector<1024x128xbf16>
      %slice3A_248 = vector.extract_strided_slice %exp3A_209 {offsets = [0, 1792], sizes = [1024, 128], strides = [1, 1]} : vector<1024x4096xbf16> to vector<1024x128xbf16>
      %add3A_249 = arith.addf %add3A_247, %slice3A_248 : vector<1024x128xbf16>
      %slice3A_250 = vector.extract_strided_slice %exp3A_209 {offsets = [0, 1920], sizes = [1024, 128], strides = [1, 1]} : vector<1024x4096xbf16> to vector<1024x128xbf16>
      %add3A_251 = arith.addf %add3A_249, %slice3A_250 : vector<1024x128xbf16>
      %slice3A_252 = vector.extract_strided_slice %exp3A_209 {offsets = [0, 2048], sizes = [1024, 128], strides = [1, 1]} : vector<1024x4096xbf16> to vector<1024x128xbf16>
      %add3A_253 = arith.addf %add3A_251, %slice3A_252 : vector<1024x128xbf16>
      %slice3A_254 = vector.extract_strided_slice %exp3A_209 {offsets = [0, 2176], sizes = [1024, 128], strides = [1, 1]} : vector<1024x4096xbf16> to vector<1024x128xbf16>
      %add3A_255 = arith.addf %add3A_253, %slice3A_254 : vector<1024x128xbf16>
      %slice3A_256 = vector.extract_strided_slice %exp3A_209 {offsets = [0, 2304], sizes = [1024, 128], strides = [1, 1]} : vector<1024x4096xbf16> to vector<1024x128xbf16>
      %add3A_257 = arith.addf %add3A_255, %slice3A_256 : vector<1024x128xbf16>
      %slice3A_258 = vector.extract_strided_slice %exp3A_209 {offsets = [0, 2432], sizes = [1024, 128], strides = [1, 1]} : vector<1024x4096xbf16> to vector<1024x128xbf16>
      %add3A_259 = arith.addf %add3A_257, %slice3A_258 : vector<1024x128xbf16>
      %slice3A_260 = vector.extract_strided_slice %exp3A_209 {offsets = [0, 2560], sizes = [1024, 128], strides = [1, 1]} : vector<1024x4096xbf16> to vector<1024x128xbf16>
      %add3A_261 = arith.addf %add3A_259, %slice3A_260 : vector<1024x128xbf16>
      %slice3A_262 = vector.extract_strided_slice %exp3A_209 {offsets = [0, 2688], sizes = [1024, 128], strides = [1, 1]} : vector<1024x4096xbf16> to vector<1024x128xbf16>
      %add3A_263 = arith.addf %add3A_261, %slice3A_262 : vector<1024x128xbf16>
      %slice3A_264 = vector.extract_strided_slice %exp3A_209 {offsets = [0, 2816], sizes = [1024, 128], strides = [1, 1]} : vector<1024x4096xbf16> to vector<1024x128xbf16>
      %add3A_265 = arith.addf %add3A_263, %slice3A_264 : vector<1024x128xbf16>
      %slice3A_266 = vector.extract_strided_slice %exp3A_209 {offsets = [0, 2944], sizes = [1024, 128], strides = [1, 1]} : vector<1024x4096xbf16> to vector<1024x128xbf16>
      %add3A_267 = arith.addf %add3A_265, %slice3A_266 : vector<1024x128xbf16>
      %slice3A_268 = vector.extract_strided_slice %exp3A_209 {offsets = [0, 3072], sizes = [1024, 128], strides = [1, 1]} : vector<1024x4096xbf16> to vector<1024x128xbf16>
      %add3A_269 = arith.addf %add3A_267, %slice3A_268 : vector<1024x128xbf16>
      %slice3A_270 = vector.extract_strided_slice %exp3A_209 {offsets = [0, 3200], sizes = [1024, 128], strides = [1, 1]} : vector<1024x4096xbf16> to vector<1024x128xbf16>
      %add3A_271 = arith.addf %add3A_269, %slice3A_270 : vector<1024x128xbf16>
      %slice3A_272 = vector.extract_strided_slice %exp3A_209 {offsets = [0, 3328], sizes = [1024, 128], strides = [1, 1]} : vector<1024x4096xbf16> to vector<1024x128xbf16>
      %add3A_273 = arith.addf %add3A_271, %slice3A_272 : vector<1024x128xbf16>
      %slice3A_274 = vector.extract_strided_slice %exp3A_209 {offsets = [0, 3456], sizes = [1024, 128], strides = [1, 1]} : vector<1024x4096xbf16> to vector<1024x128xbf16>
      %add3A_275 = arith.addf %add3A_273, %slice3A_274 : vector<1024x128xbf16>
      %slice3A_276 = vector.extract_strided_slice %exp3A_209 {offsets = [0, 3584], sizes = [1024, 128], strides = [1, 1]} : vector<1024x4096xbf16> to vector<1024x128xbf16>
      %add3A_277 = arith.addf %add3A_275, %slice3A_276 : vector<1024x128xbf16>
      %slice3A_278 = vector.extract_strided_slice %exp3A_209 {offsets = [0, 3712], sizes = [1024, 128], strides = [1, 1]} : vector<1024x4096xbf16> to vector<1024x128xbf16>
      %add3A_279 = arith.addf %add3A_277, %slice3A_278 : vector<1024x128xbf16>
      %slice3A_280 = vector.extract_strided_slice %exp3A_209 {offsets = [0, 3840], sizes = [1024, 128], strides = [1, 1]} : vector<1024x4096xbf16> to vector<1024x128xbf16>
      %add3A_281 = arith.addf %add3A_279, %slice3A_280 : vector<1024x128xbf16>
      %slice3A_282 = vector.extract_strided_slice %exp3A_209 {offsets = [0, 3968], sizes = [1024, 128], strides = [1, 1]} : vector<1024x4096xbf16> to vector<1024x128xbf16>
      %add3A_283 = arith.addf %add3A_281, %slice3A_282 : vector<1024x128xbf16>
      %convert_element_type3A_284 = arith.extf %add3A_283 : vector<1024x128xbf16> to vector<1024x128xf32>
      %add3A_285 = arith.addf %get3A_220, %convert_element_type3A_284 : vector<1024x128xf32>
      %swap3A_286 = arith.constant 1 : index
      %swap3A_287 = arith.constant 0 : index
      %swap3A_288 = arith.constant 0 : index
      %swap3A_289 = arith.constant 0 : index
      %swap3A_290 = vector.load %arg7[%swap3A_286, %swap3A_287, %swap3A_288, %swap3A_289] : memref<3x2x1024x128xf32, #tpu.memory_space<vmem>>, vector<1x1x1024x128xf32>
      %swap3A_291 = vector.shape_cast %swap3A_290 : vector<1x1x1024x128xf32> to vector<1024x128xf32>
      %swap3A_292 = vector.shape_cast %add3A_285 : vector<1024x128xf32> to vector<1x1x1024x128xf32>
      tpu.vector_store %arg7[%swap3A_286, %swap3A_287, %swap3A_288, %swap3A_289], %swap3A_292 {strides = array<i32>} : memref<3x2x1024x128xf32, #tpu.memory_space<vmem>>, vector<1x1x1024x128xf32>,
      %get3A_293 = arith.constant 1 : index
      %get3A_294 = arith.constant 1 : index
      %get3A_295 = arith.constant 0 : index
      %get3A_296 = arith.constant 0 : index
      %get3A_297 = vector.load %arg7[%get3A_293, %get3A_294, %get3A_295, %get3A_296] : memref<3x2x1024x128xf32, #tpu.memory_space<vmem>>, vector<1x1x1024x128xf32>
      %get3A_298 = vector.shape_cast %get3A_297 : vector<1x1x1024x128xf32> to vector<1024x128xf32>
      %slice3A_299 = vector.extract_strided_slice %exp3A_214 {offsets = [0, 0], sizes = [1024, 128], strides = [1, 1]} : vector<1024x4096xbf16> to vector<1024x128xbf16>
      %slice3A_300 = vector.extract_strided_slice %exp3A_214 {offsets = [0, 128], sizes = [1024, 128], strides = [1, 1]} : vector<1024x4096xbf16> to vector<1024x128xbf16>
      %add3A_301 = arith.addf %slice3A_299, %slice3A_300 : vector<1024x128xbf16>
      %slice3A_302 = vector.extract_strided_slice %exp3A_214 {offsets = [0, 256], sizes = [1024, 128], strides = [1, 1]} : vector<1024x4096xbf16> to vector<1024x128xbf16>
      %add3A_303 = arith.addf %add3A_301, %slice3A_302 : vector<1024x128xbf16>
      %slice3A_304 = vector.extract_strided_slice %exp3A_214 {offsets = [0, 384], sizes = [1024, 128], strides = [1, 1]} : vector<1024x4096xbf16> to vector<1024x128xbf16>
      %add3A_305 = arith.addf %add3A_303, %slice3A_304 : vector<1024x128xbf16>
      %slice3A_306 = vector.extract_strided_slice %exp3A_214 {offsets = [0, 512], sizes = [1024, 128], strides = [1, 1]} : vector<1024x4096xbf16> to vector<1024x128xbf16>
      %add3A_307 = arith.addf %add3A_305, %slice3A_306 : vector<1024x128xbf16>
      %slice3A_308 = vector.extract_strided_slice %exp3A_214 {offsets = [0, 640], sizes = [1024, 128], strides = [1, 1]} : vector<1024x4096xbf16> to vector<1024x128xbf16>
      %add3A_309 = arith.addf %add3A_307, %slice3A_308 : vector<1024x128xbf16>
      %slice3A_310 = vector.extract_strided_slice %exp3A_214 {offsets = [0, 768], sizes = [1024, 128], strides = [1, 1]} : vector<1024x4096xbf16> to vector<1024x128xbf16>
      %add3A_311 = arith.addf %add3A_309, %slice3A_310 : vector<1024x128xbf16>
      %slice3A_312 = vector.extract_strided_slice %exp3A_214 {offsets = [0, 896], sizes = [1024, 128], strides = [1, 1]} : vector<1024x4096xbf16> to vector<1024x128xbf16>
      %add3A_313 = arith.addf %add3A_311, %slice3A_312 : vector<1024x128xbf16>
      %slice3A_314 = vector.extract_strided_slice %exp3A_214 {offsets = [0, 1024], sizes = [1024, 128], strides = [1, 1]} : vector<1024x4096xbf16> to vector<1024x128xbf16>
      %add3A_315 = arith.addf %add3A_313, %slice3A_314 : vector<1024x128xbf16>
      %slice3A_316 = vector.extract_strided_slice %exp3A_214 {offsets = [0, 1152], sizes = [1024, 128], strides = [1, 1]} : vector<1024x4096xbf16> to vector<1024x128xbf16>
      %add3A_317 = arith.addf %add3A_315, %slice3A_316 : vector<1024x128xbf16>
      %slice3A_318 = vector.extract_strided_slice %exp3A_214 {offsets = [0, 1280], sizes = [1024, 128], strides = [1, 1]} : vector<1024x4096xbf16> to vector<1024x128xbf16>
      %add3A_319 = arith.addf %add3A_317, %slice3A_318 : vector<1024x128xbf16>
      %slice3A_320 = vector.extract_strided_slice %exp3A_214 {offsets = [0, 1408], sizes = [1024, 128], strides = [1, 1]} : vector<1024x4096xbf16> to vector<1024x128xbf16>
      %add3A_321 = arith.addf %add3A_319, %slice3A_320 : vector<1024x128xbf16>
      %slice3A_322 = vector.extract_strided_slice %exp3A_214 {offsets = [0, 1536], sizes = [1024, 128], strides = [1, 1]} : vector<1024x4096xbf16> to vector<1024x128xbf16>
      %add3A_323 = arith.addf %add3A_321, %slice3A_322 : vector<1024x128xbf16>
      %slice3A_324 = vector.extract_strided_slice %exp3A_214 {offsets = [0, 1664], sizes = [1024, 128], strides = [1, 1]} : vector<1024x4096xbf16> to vector<1024x128xbf16>
      %add3A_325 = arith.addf %add3A_323, %slice3A_324 : vector<1024x128xbf16>
      %slice3A_326 = vector.extract_strided_slice %exp3A_214 {offsets = [0, 1792], sizes = [1024, 128], strides = [1, 1]} : vector<1024x4096xbf16> to vector<1024x128xbf16>
      %add3A_327 = arith.addf %add3A_325, %slice3A_326 : vector<1024x128xbf16>
      %slice3A_328 = vector.extract_strided_slice %exp3A_214 {offsets = [0, 1920], sizes = [1024, 128], strides = [1, 1]} : vector<1024x4096xbf16> to vector<1024x128xbf16>
      %add3A_329 = arith.addf %add3A_327, %slice3A_328 : vector<1024x128xbf16>
      %slice3A_330 = vector.extract_strided_slice %exp3A_214 {offsets = [0, 2048], sizes = [1024, 128], strides = [1, 1]} : vector<1024x4096xbf16> to vector<1024x128xbf16>
      %add3A_331 = arith.addf %add3A_329, %slice3A_330 : vector<1024x128xbf16>
      %slice3A_332 = vector.extract_strided_slice %exp3A_214 {offsets = [0, 2176], sizes = [1024, 128], strides = [1, 1]} : vector<1024x4096xbf16> to vector<1024x128xbf16>
      %add3A_333 = arith.addf %add3A_331, %slice3A_332 : vector<1024x128xbf16>
      %slice3A_334 = vector.extract_strided_slice %exp3A_214 {offsets = [0, 2304], sizes = [1024, 128], strides = [1, 1]} : vector<1024x4096xbf16> to vector<1024x128xbf16>
      %add3A_335 = arith.addf %add3A_333, %slice3A_334 : vector<1024x128xbf16>
      %slice3A_336 = vector.extract_strided_slice %exp3A_214 {offsets = [0, 2432], sizes = [1024, 128], strides = [1, 1]} : vector<1024x4096xbf16> to vector<1024x128xbf16>
      %add3A_337 = arith.addf %add3A_335, %slice3A_336 : vector<1024x128xbf16>
      %slice3A_338 = vector.extract_strided_slice %exp3A_214 {offsets = [0, 2560], sizes = [1024, 128], strides = [1, 1]} : vector<1024x4096xbf16> to vector<1024x128xbf16>
      %add3A_339 = arith.addf %add3A_337, %slice3A_338 : vector<1024x128xbf16>
      %slice3A_340 = vector.extract_strided_slice %exp3A_214 {offsets = [0, 2688], sizes = [1024, 128], strides = [1, 1]} : vector<1024x4096xbf16> to vector<1024x128xbf16>
      %add3A_341 = arith.addf %add3A_339, %slice3A_340 : vector<1024x128xbf16>
      %slice3A_342 = vector.extract_strided_slice %exp3A_214 {offsets = [0, 2816], sizes = [1024, 128], strides = [1, 1]} : vector<1024x4096xbf16> to vector<1024x128xbf16>
      %add3A_343 = arith.addf %add3A_341, %slice3A_342 : vector<1024x128xbf16>
      %slice3A_344 = vector.extract_strided_slice %exp3A_214 {offsets = [0, 2944], sizes = [1024, 128], strides = [1, 1]} : vector<1024x4096xbf16> to vector<1024x128xbf16>
      %add3A_345 = arith.addf %add3A_343, %slice3A_344 : vector<1024x128xbf16>
      %slice3A_346 = vector.extract_strided_slice %exp3A_214 {offsets = [0, 3072], sizes = [1024, 128], strides = [1, 1]} : vector<1024x4096xbf16> to vector<1024x128xbf16>
      %add3A_347 = arith.addf %add3A_345, %slice3A_346 : vector<1024x128xbf16>
      %slice3A_348 = vector.extract_strided_slice %exp3A_214 {offsets = [0, 3200], sizes = [1024, 128], strides = [1, 1]} : vector<1024x4096xbf16> to vector<1024x128xbf16>
      %add3A_349 = arith.addf %add3A_347, %slice3A_348 : vector<1024x128xbf16>
      %slice3A_350 = vector.extract_strided_slice %exp3A_214 {offsets = [0, 3328], sizes = [1024, 128], strides = [1, 1]} : vector<1024x4096xbf16> to vector<1024x128xbf16>
      %add3A_351 = arith.addf %add3A_349, %slice3A_350 : vector<1024x128xbf16>
      %slice3A_352 = vector.extract_strided_slice %exp3A_214 {offsets = [0, 3456], sizes = [1024, 128], strides = [1, 1]} : vector<1024x4096xbf16> to vector<1024x128xbf16>
      %add3A_353 = arith.addf %add3A_351, %slice3A_352 : vector<1024x128xbf16>
      %slice3A_354 = vector.extract_strided_slice %exp3A_214 {offsets = [0, 3584], sizes = [1024, 128], strides = [1, 1]} : vector<1024x4096xbf16> to vector<1024x128xbf16>
      %add3A_355 = arith.addf %add3A_353, %slice3A_354 : vector<1024x128xbf16>
      %slice3A_356 = vector.extract_strided_slice %exp3A_214 {offsets = [0, 3712], sizes = [1024, 128], strides = [1, 1]} : vector<1024x4096xbf16> to vector<1024x128xbf16>
      %add3A_357 = arith.addf %add3A_355, %slice3A_356 : vector<1024x128xbf16>
      %slice3A_358 = vector.extract_strided_slice %exp3A_214 {offsets = [0, 3840], sizes = [1024, 128], strides = [1, 1]} : vector<1024x4096xbf16> to vector<1024x128xbf16>
      %add3A_359 = arith.addf %add3A_357, %slice3A_358 : vector<1024x128xbf16>
      %slice3A_360 = vector.extract_strided_slice %exp3A_214 {offsets = [0, 3968], sizes = [1024, 128], strides = [1, 1]} : vector<1024x4096xbf16> to vector<1024x128xbf16>
      %add3A_361 = arith.addf %add3A_359, %slice3A_360 : vector<1024x128xbf16>
      %convert_element_type3A_362 = arith.extf %add3A_361 : vector<1024x128xbf16> to vector<1024x128xf32>
      %add3A_363 = arith.addf %get3A_298, %convert_element_type3A_362 : vector<1024x128xf32>
      %swap3A_364 = arith.constant 1 : index
      %swap3A_365 = arith.constant 1 : index
      %swap3A_366 = arith.constant 0 : index
      %swap3A_367 = arith.constant 0 : index
      %swap3A_368 = vector.load %arg7[%swap3A_364, %swap3A_365, %swap3A_366, %swap3A_367] : memref<3x2x1024x128xf32, #tpu.memory_space<vmem>>, vector<1x1x1024x128xf32>
      %swap3A_369 = vector.shape_cast %swap3A_368 : vector<1x1x1024x128xf32> to vector<1024x128xf32>
      %swap3A_370 = vector.shape_cast %add3A_363 : vector<1024x128xf32> to vector<1x1x1024x128xf32>
      tpu.vector_store %arg7[%swap3A_364, %swap3A_365, %swap3A_366, %swap3A_367], %swap3A_370 {strides = array<i32>} : memref<3x2x1024x128xf32, #tpu.memory_space<vmem>>, vector<1x1x1024x128xf32>,
      %get3A_371 = arith.constant 2 : index
      %get3A_372 = arith.constant 0 : index
      %get3A_373 = arith.constant 0 : index
      %get3A_374 = vector.load %arg8[%get3A_371, %get3A_372, %get3A_373] : memref<3x1024x128xbf16, #tpu.memory_space<vmem>>, vector<1x1024x128xbf16>
      %get3A_375 = vector.shape_cast %get3A_374 : vector<1x1024x128xbf16> to vector<1024x128xbf16>
      %get3A_376 = arith.constant 0 : index
      %get3A_377 = arith.constant 0 : index
      %get3A_378 = vector.load %arg6[%get3A_376, %get3A_377] : memref<4096x128xbf16, #tpu.memory_space<vmem>>, vector<4096x128xbf16>
      %dot_general3A_379 = arith.constant dense<0.000000e+00> : vector<1024x4096xf32>
      %dot_general3A_380 = tpu.matmul %get3A_375, %get3A_378, %dot_general3A_379 {dimension_numbers = #tpu.dot_dimension_numbers<[1], [1], [0], [0], [0, 0, 1, 0], [], []>, transpose_lhs_hint = false} : vector<1024x128xbf16>, vector<4096x128xbf16>, vector<1024x4096xf32> -> vector<1024x4096xf32>
      %convert_element_type3A_381 = arith.truncf %dot_general3A_380 : vector<1024x4096xf32> to vector<1024x4096xbf16>
      %mul3A_382 = arith.constant 2.000000e+00 : bf16
      %mul3A_383 = vector.broadcast %mul3A_382 : bf16 to vector<1024x4096xbf16>
      %mul3A_384 = arith.mulf %mul3A_383, %convert_element_type3A_381 : vector<1024x4096xbf16>
      %sub3A_385 = arith.constant 2.000000e+00 : bf16
      %sub3A_386 = vector.broadcast %sub3A_385 : bf16 to vector<1024x4096xbf16>
      %sub3A_387 = arith.subf %sub3A_386, %mul3A_384 : vector<1024x4096xbf16>
      %max3A_388 = arith.constant 0.000000e+00 : bf16
      %max3A_389 = vector.broadcast %max3A_388 : bf16 to vector<1024x4096xbf16>
      %max3A_390 = arith.maximumf %sub3A_387, %max3A_389 : vector<1024x4096xbf16>
      %mul3A_391 = arith.constant -1.000000e+01 : bf16
      %mul3A_392 = vector.broadcast %mul3A_391 : bf16 to vector<1024x4096xbf16>
      %mul3A_393 = arith.mulf %mul3A_392, %max3A_390 : vector<1024x4096xbf16>
      %exp3A_394 = math.exp %mul3A_393 : vector<1024x4096xbf16>
      %sqrt3A_395 = math.sqrt %max3A_390 : vector<1024x4096xbf16>
      %sub3A_396 = arith.constant 2.000000e+00 : bf16
      %sub3A_397 = vector.broadcast %sub3A_396 : bf16 to vector<1024x4096xbf16>
      %sub3A_398 = arith.subf %sqrt3A_395, %sub3A_397 : vector<1024x4096xbf16>
      %exp3A_399 = math.exp %sub3A_398 : vector<1024x4096xbf16>
      %get3A_400 = arith.constant 2 : index
      %get3A_401 = arith.constant 0 : index
      %get3A_402 = arith.constant 0 : index
      %get3A_403 = arith.constant 0 : index
      %get3A_404 = vector.load %arg7[%get3A_400, %get3A_401, %get3A_402, %get3A_403] : memref<3x2x1024x128xf32, #tpu.memory_space<vmem>>, vector<1x1x1024x128xf32>
      %get3A_405 = vector.shape_cast %get3A_404 : vector<1x1x1024x128xf32> to vector<1024x128xf32>
      %slice3A_406 = vector.extract_strided_slice %exp3A_394 {offsets = [0, 0], sizes = [1024, 128], strides = [1, 1]} : vector<1024x4096xbf16> to vector<1024x128xbf16>
      %slice3A_407 = vector.extract_strided_slice %exp3A_394 {offsets = [0, 128], sizes = [1024, 128], strides = [1, 1]} : vector<1024x4096xbf16> to vector<1024x128xbf16>
      %add3A_408 = arith.addf %slice3A_406, %slice3A_407 : vector<1024x128xbf16>
      %slice3A_409 = vector.extract_strided_slice %exp3A_394 {offsets = [0, 256], sizes = [1024, 128], strides = [1, 1]} : vector<1024x4096xbf16> to vector<1024x128xbf16>
      %add3A_410 = arith.addf %add3A_408, %slice3A_409 : vector<1024x128xbf16>
      %slice3A_411 = vector.extract_strided_slice %exp3A_394 {offsets = [0, 384], sizes = [1024, 128], strides = [1, 1]} : vector<1024x4096xbf16> to vector<1024x128xbf16>
      %add3A_412 = arith.addf %add3A_410, %slice3A_411 : vector<1024x128xbf16>
      %slice3A_413 = vector.extract_strided_slice %exp3A_394 {offsets = [0, 512], sizes = [1024, 128], strides = [1, 1]} : vector<1024x4096xbf16> to vector<1024x128xbf16>
      %add3A_414 = arith.addf %add3A_412, %slice3A_413 : vector<1024x128xbf16>
      %slice3A_415 = vector.extract_strided_slice %exp3A_394 {offsets = [0, 640], sizes = [1024, 128], strides = [1, 1]} : vector<1024x4096xbf16> to vector<1024x128xbf16>
      %add3A_416 = arith.addf %add3A_414, %slice3A_415 : vector<1024x128xbf16>
      %slice3A_417 = vector.extract_strided_slice %exp3A_394 {offsets = [0, 768], sizes = [1024, 128], strides = [1, 1]} : vector<1024x4096xbf16> to vector<1024x128xbf16>
      %add3A_418 = arith.addf %add3A_416, %slice3A_417 : vector<1024x128xbf16>
      %slice3A_419 = vector.extract_strided_slice %exp3A_394 {offsets = [0, 896], sizes = [1024, 128], strides = [1, 1]} : vector<1024x4096xbf16> to vector<1024x128xbf16>
      %add3A_420 = arith.addf %add3A_418, %slice3A_419 : vector<1024x128xbf16>
      %slice3A_421 = vector.extract_strided_slice %exp3A_394 {offsets = [0, 1024], sizes = [1024, 128], strides = [1, 1]} : vector<1024x4096xbf16> to vector<1024x128xbf16>
      %add3A_422 = arith.addf %add3A_420, %slice3A_421 : vector<1024x128xbf16>
      %slice3A_423 = vector.extract_strided_slice %exp3A_394 {offsets = [0, 1152], sizes = [1024, 128], strides = [1, 1]} : vector<1024x4096xbf16> to vector<1024x128xbf16>
      %add3A_424 = arith.addf %add3A_422, %slice3A_423 : vector<1024x128xbf16>
      %slice3A_425 = vector.extract_strided_slice %exp3A_394 {offsets = [0, 1280], sizes = [1024, 128], strides = [1, 1]} : vector<1024x4096xbf16> to vector<1024x128xbf16>
      %add3A_426 = arith.addf %add3A_424, %slice3A_425 : vector<1024x128xbf16>
      %slice3A_427 = vector.extract_strided_slice %exp3A_394 {offsets = [0, 1408], sizes = [1024, 128], strides = [1, 1]} : vector<1024x4096xbf16> to vector<1024x128xbf16>
      %add3A_428 = arith.addf %add3A_426, %slice3A_427 : vector<1024x128xbf16>
      %slice3A_429 = vector.extract_strided_slice %exp3A_394 {offsets = [0, 1536], sizes = [1024, 128], strides = [1, 1]} : vector<1024x4096xbf16> to vector<1024x128xbf16>
      %add3A_430 = arith.addf %add3A_428, %slice3A_429 : vector<1024x128xbf16>
      %slice3A_431 = vector.extract_strided_slice %exp3A_394 {offsets = [0, 1664], sizes = [1024, 128], strides = [1, 1]} : vector<1024x4096xbf16> to vector<1024x128xbf16>
      %add3A_432 = arith.addf %add3A_430, %slice3A_431 : vector<1024x128xbf16>
      %slice3A_433 = vector.extract_strided_slice %exp3A_394 {offsets = [0, 1792], sizes = [1024, 128], strides = [1, 1]} : vector<1024x4096xbf16> to vector<1024x128xbf16>
      %add3A_434 = arith.addf %add3A_432, %slice3A_433 : vector<1024x128xbf16>
      %slice3A_435 = vector.extract_strided_slice %exp3A_394 {offsets = [0, 1920], sizes = [1024, 128], strides = [1, 1]} : vector<1024x4096xbf16> to vector<1024x128xbf16>
      %add3A_436 = arith.addf %add3A_434, %slice3A_435 : vector<1024x128xbf16>
      %slice3A_437 = vector.extract_strided_slice %exp3A_394 {offsets = [0, 2048], sizes = [1024, 128], strides = [1, 1]} : vector<1024x4096xbf16> to vector<1024x128xbf16>
      %add3A_438 = arith.addf %add3A_436, %slice3A_437 : vector<1024x128xbf16>
      %slice3A_439 = vector.extract_strided_slice %exp3A_394 {offsets = [0, 2176], sizes = [1024, 128], strides = [1, 1]} : vector<1024x4096xbf16> to vector<1024x128xbf16>
      %add3A_440 = arith.addf %add3A_438, %slice3A_439 : vector<1024x128xbf16>
      %slice3A_441 = vector.extract_strided_slice %exp3A_394 {offsets = [0, 2304], sizes = [1024, 128], strides = [1, 1]} : vector<1024x4096xbf16> to vector<1024x128xbf16>
      %add3A_442 = arith.addf %add3A_440, %slice3A_441 : vector<1024x128xbf16>
      %slice3A_443 = vector.extract_strided_slice %exp3A_394 {offsets = [0, 2432], sizes = [1024, 128], strides = [1, 1]} : vector<1024x4096xbf16> to vector<1024x128xbf16>
      %add3A_444 = arith.addf %add3A_442, %slice3A_443 : vector<1024x128xbf16>
      %slice3A_445 = vector.extract_strided_slice %exp3A_394 {offsets = [0, 2560], sizes = [1024, 128], strides = [1, 1]} : vector<1024x4096xbf16> to vector<1024x128xbf16>
      %add3A_446 = arith.addf %add3A_444, %slice3A_445 : vector<1024x128xbf16>
      %slice3A_447 = vector.extract_strided_slice %exp3A_394 {offsets = [0, 2688], sizes = [1024, 128], strides = [1, 1]} : vector<1024x4096xbf16> to vector<1024x128xbf16>
      %add3A_448 = arith.addf %add3A_446, %slice3A_447 : vector<1024x128xbf16>
      %slice3A_449 = vector.extract_strided_slice %exp3A_394 {offsets = [0, 2816], sizes = [1024, 128], strides = [1, 1]} : vector<1024x4096xbf16> to vector<1024x128xbf16>
      %add3A_450 = arith.addf %add3A_448, %slice3A_449 : vector<1024x128xbf16>
      %slice3A_451 = vector.extract_strided_slice %exp3A_394 {offsets = [0, 2944], sizes = [1024, 128], strides = [1, 1]} : vector<1024x4096xbf16> to vector<1024x128xbf16>
      %add3A_452 = arith.addf %add3A_450, %slice3A_451 : vector<1024x128xbf16>
      %slice3A_453 = vector.extract_strided_slice %exp3A_394 {offsets = [0, 3072], sizes = [1024, 128], strides = [1, 1]} : vector<1024x4096xbf16> to vector<1024x128xbf16>
      %add3A_454 = arith.addf %add3A_452, %slice3A_453 : vector<1024x128xbf16>
      %slice3A_455 = vector.extract_strided_slice %exp3A_394 {offsets = [0, 3200], sizes = [1024, 128], strides = [1, 1]} : vector<1024x4096xbf16> to vector<1024x128xbf16>
      %add3A_456 = arith.addf %add3A_454, %slice3A_455 : vector<1024x128xbf16>
      %slice3A_457 = vector.extract_strided_slice %exp3A_394 {offsets = [0, 3328], sizes = [1024, 128], strides = [1, 1]} : vector<1024x4096xbf16> to vector<1024x128xbf16>
      %add3A_458 = arith.addf %add3A_456, %slice3A_457 : vector<1024x128xbf16>
      %slice3A_459 = vector.extract_strided_slice %exp3A_394 {offsets = [0, 3456], sizes = [1024, 128], strides = [1, 1]} : vector<1024x4096xbf16> to vector<1024x128xbf16>
      %add3A_460 = arith.addf %add3A_458, %slice3A_459 : vector<1024x128xbf16>
      %slice3A_461 = vector.extract_strided_slice %exp3A_394 {offsets = [0, 3584], sizes = [1024, 128], strides = [1, 1]} : vector<1024x4096xbf16> to vector<1024x128xbf16>
      %add3A_462 = arith.addf %add3A_460, %slice3A_461 : vector<1024x128xbf16>
      %slice3A_463 = vector.extract_strided_slice %exp3A_394 {offsets = [0, 3712], sizes = [1024, 128], strides = [1, 1]} : vector<1024x4096xbf16> to vector<1024x128xbf16>
      %add3A_464 = arith.addf %add3A_462, %slice3A_463 : vector<1024x128xbf16>
      %slice3A_465 = vector.extract_strided_slice %exp3A_394 {offsets = [0, 3840], sizes = [1024, 128], strides = [1, 1]} : vector<1024x4096xbf16> to vector<1024x128xbf16>
      %add3A_466 = arith.addf %add3A_464, %slice3A_465 : vector<1024x128xbf16>
      %slice3A_467 = vector.extract_strided_slice %exp3A_394 {offsets = [0, 3968], sizes = [1024, 128], strides = [1, 1]} : vector<1024x4096xbf16> to vector<1024x128xbf16>
      %add3A_468 = arith.addf %add3A_466, %slice3A_467 : vector<1024x128xbf16>
      %convert_element_type3A_469 = arith.extf %add3A_468 : vector<1024x128xbf16> to vector<1024x128xf32>
      %add3A_470 = arith.addf %get3A_405, %convert_element_type3A_469 : vector<1024x128xf32>
      %swap3A_471 = arith.constant 2 : index
      %swap3A_472 = arith.constant 0 : index
      %swap3A_473 = arith.constant 0 : index
      %swap3A_474 = arith.constant 0 : index
      %swap3A_475 = vector.load %arg7[%swap3A_471, %swap3A_472, %swap3A_473, %swap3A_474] : memref<3x2x1024x128xf32, #tpu.memory_space<vmem>>, vector<1x1x1024x128xf32>
      %swap3A_476 = vector.shape_cast %swap3A_475 : vector<1x1x1024x128xf32> to vector<1024x128xf32>
      %swap3A_477 = vector.shape_cast %add3A_470 : vector<1024x128xf32> to vector<1x1x1024x128xf32>
      tpu.vector_store %arg7[%swap3A_471, %swap3A_472, %swap3A_473, %swap3A_474], %swap3A_477 {strides = array<i32>} : memref<3x2x1024x128xf32, #tpu.memory_space<vmem>>, vector<1x1x1024x128xf32>,
      %get3A_478 = arith.constant 2 : index
      %get3A_479 = arith.constant 1 : index
      %get3A_480 = arith.constant 0 : index
      %get3A_481 = arith.constant 0 : index
      %get3A_482 = vector.load %arg7[%get3A_478, %get3A_479, %get3A_480, %get3A_481] : memref<3x2x1024x128xf32, #tpu.memory_space<vmem>>, vector<1x1x1024x128xf32>
      %get3A_483 = vector.shape_cast %get3A_482 : vector<1x1x1024x128xf32> to vector<1024x128xf32>
      %slice3A_484 = vector.extract_strided_slice %exp3A_399 {offsets = [0, 0], sizes = [1024, 128], strides = [1, 1]} : vector<1024x4096xbf16> to vector<1024x128xbf16>
      %slice3A_485 = vector.extract_strided_slice %exp3A_399 {offsets = [0, 128], sizes = [1024, 128], strides = [1, 1]} : vector<1024x4096xbf16> to vector<1024x128xbf16>
      %add3A_486 = arith.addf %slice3A_484, %slice3A_485 : vector<1024x128xbf16>
      %slice3A_487 = vector.extract_strided_slice %exp3A_399 {offsets = [0, 256], sizes = [1024, 128], strides = [1, 1]} : vector<1024x4096xbf16> to vector<1024x128xbf16>
      %add3A_488 = arith.addf %add3A_486, %slice3A_487 : vector<1024x128xbf16>
      %slice3A_489 = vector.extract_strided_slice %exp3A_399 {offsets = [0, 384], sizes = [1024, 128], strides = [1, 1]} : vector<1024x4096xbf16> to vector<1024x128xbf16>
      %add3A_490 = arith.addf %add3A_488, %slice3A_489 : vector<1024x128xbf16>
      %slice3A_491 = vector.extract_strided_slice %exp3A_399 {offsets = [0, 512], sizes = [1024, 128], strides = [1, 1]} : vector<1024x4096xbf16> to vector<1024x128xbf16>
      %add3A_492 = arith.addf %add3A_490, %slice3A_491 : vector<1024x128xbf16>
      %slice3A_493 = vector.extract_strided_slice %exp3A_399 {offsets = [0, 640], sizes = [1024, 128], strides = [1, 1]} : vector<1024x4096xbf16> to vector<1024x128xbf16>
      %add3A_494 = arith.addf %add3A_492, %slice3A_493 : vector<1024x128xbf16>
      %slice3A_495 = vector.extract_strided_slice %exp3A_399 {offsets = [0, 768], sizes = [1024, 128], strides = [1, 1]} : vector<1024x4096xbf16> to vector<1024x128xbf16>
      %add3A_496 = arith.addf %add3A_494, %slice3A_495 : vector<1024x128xbf16>
      %slice3A_497 = vector.extract_strided_slice %exp3A_399 {offsets = [0, 896], sizes = [1024, 128], strides = [1, 1]} : vector<1024x4096xbf16> to vector<1024x128xbf16>
      %add3A_498 = arith.addf %add3A_496, %slice3A_497 : vector<1024x128xbf16>
      %slice3A_499 = vector.extract_strided_slice %exp3A_399 {offsets = [0, 1024], sizes = [1024, 128], strides = [1, 1]} : vector<1024x4096xbf16> to vector<1024x128xbf16>
      %add3A_500 = arith.addf %add3A_498, %slice3A_499 : vector<1024x128xbf16>
      %slice3A_501 = vector.extract_strided_slice %exp3A_399 {offsets = [0, 1152], sizes = [1024, 128], strides = [1, 1]} : vector<1024x4096xbf16> to vector<1024x128xbf16>
      %add3A_502 = arith.addf %add3A_500, %slice3A_501 : vector<1024x128xbf16>
      %slice3A_503 = vector.extract_strided_slice %exp3A_399 {offsets = [0, 1280], sizes = [1024, 128], strides = [1, 1]} : vector<1024x4096xbf16> to vector<1024x128xbf16>
      %add3A_504 = arith.addf %add3A_502, %slice3A_503 : vector<1024x128xbf16>
      %slice3A_505 = vector.extract_strided_slice %exp3A_399 {offsets = [0, 1408], sizes = [1024, 128], strides = [1, 1]} : vector<1024x4096xbf16> to vector<1024x128xbf16>
      %add3A_506 = arith.addf %add3A_504, %slice3A_505 : vector<1024x128xbf16>
      %slice3A_507 = vector.extract_strided_slice %exp3A_399 {offsets = [0, 1536], sizes = [1024, 128], strides = [1, 1]} : vector<1024x4096xbf16> to vector<1024x128xbf16>
      %add3A_508 = arith.addf %add3A_506, %slice3A_507 : vector<1024x128xbf16>
      %slice3A_509 = vector.extract_strided_slice %exp3A_399 {offsets = [0, 1664], sizes = [1024, 128], strides = [1, 1]} : vector<1024x4096xbf16> to vector<1024x128xbf16>
      %add3A_510 = arith.addf %add3A_508, %slice3A_509 : vector<1024x128xbf16>
      %slice3A_511 = vector.extract_strided_slice %exp3A_399 {offsets = [0, 1792], sizes = [1024, 128], strides = [1, 1]} : vector<1024x4096xbf16> to vector<1024x128xbf16>
      %add3A_512 = arith.addf %add3A_510, %slice3A_511 : vector<1024x128xbf16>
      %slice3A_513 = vector.extract_strided_slice %exp3A_399 {offsets = [0, 1920], sizes = [1024, 128], strides = [1, 1]} : vector<1024x4096xbf16> to vector<1024x128xbf16>
      %add3A_514 = arith.addf %add3A_512, %slice3A_513 : vector<1024x128xbf16>
      %slice3A_515 = vector.extract_strided_slice %exp3A_399 {offsets = [0, 2048], sizes = [1024, 128], strides = [1, 1]} : vector<1024x4096xbf16> to vector<1024x128xbf16>
      %add3A_516 = arith.addf %add3A_514, %slice3A_515 : vector<1024x128xbf16>
      %slice3A_517 = vector.extract_strided_slice %exp3A_399 {offsets = [0, 2176], sizes = [1024, 128], strides = [1, 1]} : vector<1024x4096xbf16> to vector<1024x128xbf16>
      %add3A_518 = arith.addf %add3A_516, %slice3A_517 : vector<1024x128xbf16>
      %slice3A_519 = vector.extract_strided_slice %exp3A_399 {offsets = [0, 2304], sizes = [1024, 128], strides = [1, 1]} : vector<1024x4096xbf16> to vector<1024x128xbf16>
      %add3A_520 = arith.addf %add3A_518, %slice3A_519 : vector<1024x128xbf16>
      %slice3A_521 = vector.extract_strided_slice %exp3A_399 {offsets = [0, 2432], sizes = [1024, 128], strides = [1, 1]} : vector<1024x4096xbf16> to vector<1024x128xbf16>
      %add3A_522 = arith.addf %add3A_520, %slice3A_521 : vector<1024x128xbf16>
      %slice3A_523 = vector.extract_strided_slice %exp3A_399 {offsets = [0, 2560], sizes = [1024, 128], strides = [1, 1]} : vector<1024x4096xbf16> to vector<1024x128xbf16>
      %add3A_524 = arith.addf %add3A_522, %slice3A_523 : vector<1024x128xbf16>
      %slice3A_525 = vector.extract_strided_slice %exp3A_399 {offsets = [0, 2688], sizes = [1024, 128], strides = [1, 1]} : vector<1024x4096xbf16> to vector<1024x128xbf16>
      %add3A_526 = arith.addf %add3A_524, %slice3A_525 : vector<1024x128xbf16>
      %slice3A_527 = vector.extract_strided_slice %exp3A_399 {offsets = [0, 2816], sizes = [1024, 128], strides = [1, 1]} : vector<1024x4096xbf16> to vector<1024x128xbf16>
      %add3A_528 = arith.addf %add3A_526, %slice3A_527 : vector<1024x128xbf16>
      %slice3A_529 = vector.extract_strided_slice %exp3A_399 {offsets = [0, 2944], sizes = [1024, 128], strides = [1, 1]} : vector<1024x4096xbf16> to vector<1024x128xbf16>
      %add3A_530 = arith.addf %add3A_528, %slice3A_529 : vector<1024x128xbf16>
      %slice3A_531 = vector.extract_strided_slice %exp3A_399 {offsets = [0, 3072], sizes = [1024, 128], strides = [1, 1]} : vector<1024x4096xbf16> to vector<1024x128xbf16>
      %add3A_532 = arith.addf %add3A_530, %slice3A_531 : vector<1024x128xbf16>
      %slice3A_533 = vector.extract_strided_slice %exp3A_399 {offsets = [0, 3200], sizes = [1024, 128], strides = [1, 1]} : vector<1024x4096xbf16> to vector<1024x128xbf16>
      %add3A_534 = arith.addf %add3A_532, %slice3A_533 : vector<1024x128xbf16>
      %slice3A_535 = vector.extract_strided_slice %exp3A_399 {offsets = [0, 3328], sizes = [1024, 128], strides = [1, 1]} : vector<1024x4096xbf16> to vector<1024x128xbf16>
      %add3A_536 = arith.addf %add3A_534, %slice3A_535 : vector<1024x128xbf16>
      %slice3A_537 = vector.extract_strided_slice %exp3A_399 {offsets = [0, 3456], sizes = [1024, 128], strides = [1, 1]} : vector<1024x4096xbf16> to vector<1024x128xbf16>
      %add3A_538 = arith.addf %add3A_536, %slice3A_537 : vector<1024x128xbf16>
      %slice3A_539 = vector.extract_strided_slice %exp3A_399 {offsets = [0, 3584], sizes = [1024, 128], strides = [1, 1]} : vector<1024x4096xbf16> to vector<1024x128xbf16>
      %add3A_540 = arith.addf %add3A_538, %slice3A_539 : vector<1024x128xbf16>
      %slice3A_541 = vector.extract_strided_slice %exp3A_399 {offsets = [0, 3712], sizes = [1024, 128], strides = [1, 1]} : vector<1024x4096xbf16> to vector<1024x128xbf16>
      %add3A_542 = arith.addf %add3A_540, %slice3A_541 : vector<1024x128xbf16>
      %slice3A_543 = vector.extract_strided_slice %exp3A_399 {offsets = [0, 3840], sizes = [1024, 128], strides = [1, 1]} : vector<1024x4096xbf16> to vector<1024x128xbf16>
      %add3A_544 = arith.addf %add3A_542, %slice3A_543 : vector<1024x128xbf16>
      %slice3A_545 = vector.extract_strided_slice %exp3A_399 {offsets = [0, 3968], sizes = [1024, 128], strides = [1, 1]} : vector<1024x4096xbf16> to vector<1024x128xbf16>
      %add3A_546 = arith.addf %add3A_544, %slice3A_545 : vector<1024x128xbf16>
      %convert_element_type3A_547 = arith.extf %add3A_546 : vector<1024x128xbf16> to vector<1024x128xf32>
      %add3A_548 = arith.addf %get3A_483, %convert_element_type3A_547 : vector<1024x128xf32>
      %swap3A_549 = arith.constant 2 : index
      %swap3A_550 = arith.constant 1 : index
      %swap3A_551 = arith.constant 0 : index
      %swap3A_552 = arith.constant 0 : index
      %swap3A_553 = vector.load %arg7[%swap3A_549, %swap3A_550, %swap3A_551, %swap3A_552] : memref<3x2x1024x128xf32, #tpu.memory_space<vmem>>, vector<1x1x1024x128xf32>
      %swap3A_554 = vector.shape_cast %swap3A_553 : vector<1x1x1024x128xf32> to vector<1024x128xf32>
      %swap3A_555 = vector.shape_cast %add3A_548 : vector<1024x128xf32> to vector<1x1x1024x128xf32>
      tpu.vector_store %arg7[%swap3A_549, %swap3A_550, %swap3A_551, %swap3A_552], %swap3A_555 {strides = array<i32>} : memref<3x2x1024x128xf32, #tpu.memory_space<vmem>>, vector<1x1x1024x128xf32>,
    } else {
    }
    %eq3A_6 = arith.constant 24 : i32
    %eq3A_7 = arith.cmpi eq, %arg0, %eq3A_6 : i32
    %convert_element_type3A_8 = arith.extui %eq3A_7 : i1 to i32
    %cond3A_9 = arith.constant 0 : i32
    %cond3A_10 = arith.cmpi ne, %convert_element_type3A_8, %cond3A_9 : i32
    scf.if %cond3A_10 {
      %mul3A = arith.constant 4096 : i32
      %mul3A_11 = arith.muli %arg0, %mul3A : i32
      %iota3A = tpu.iota {dimensions = array<i32: 1>} : vector<1024x4096xi32>
      %add3A = vector.broadcast %mul3A_11 : i32 to vector<1024x4096xi32>
      %add3A_12 = arith.addi %add3A, %iota3A : vector<1024x4096xi32>
      %lt3A_13 = arith.constant 100000 : i32
      %lt3A_14 = vector.broadcast %lt3A_13 : i32 to vector<1024x4096xi32>
      %lt3A_15 = arith.cmpi slt, %add3A_12, %lt3A_14 : vector<1024x4096xi32>
      %get3A = arith.constant 0 : index
      %get3A_16 = arith.constant 0 : index
      %get3A_17 = arith.constant 0 : index
      %get3A_18 = vector.load %arg8[%get3A, %get3A_16, %get3A_17] : memref<3x1024x128xbf16, #tpu.memory_space<vmem>>, vector<1x1024x128xbf16>
      %get3A_19 = vector.shape_cast %get3A_18 : vector<1x1024x128xbf16> to vector<1024x128xbf16>
      %get3A_20 = arith.constant 0 : index
      %get3A_21 = arith.constant 0 : index
      %get3A_22 = vector.load %arg4[%get3A_20, %get3A_21] : memref<4096x128xbf16, #tpu.memory_space<vmem>>, vector<4096x128xbf16>
      %dot_general3A = arith.constant dense<0.000000e+00> : vector<1024x4096xf32>
      %dot_general3A_23 = tpu.matmul %get3A_19, %get3A_22, %dot_general3A {dimension_numbers = #tpu.dot_dimension_numbers<[1], [1], [0], [0], [0, 0, 1, 0], [], []>, transpose_lhs_hint = false} : vector<1024x128xbf16>, vector<4096x128xbf16>, vector<1024x4096xf32> -> vector<1024x4096xf32>
      %convert_element_type3A_24 = arith.truncf %dot_general3A_23 : vector<1024x4096xf32> to vector<1024x4096xbf16>
      %mul3A_25 = arith.constant 2.000000e+00 : bf16
      %mul3A_26 = vector.broadcast %mul3A_25 : bf16 to vector<1024x4096xbf16>
      %mul3A_27 = arith.mulf %mul3A_26, %convert_element_type3A_24 : vector<1024x4096xbf16>
      %sub3A = arith.constant 2.000000e+00 : bf16
      %sub3A_28 = vector.broadcast %sub3A : bf16 to vector<1024x4096xbf16>
      %sub3A_29 = arith.subf %sub3A_28, %mul3A_27 : vector<1024x4096xbf16>
      %max3A = arith.constant 0.000000e+00 : bf16
      %max3A_30 = vector.broadcast %max3A : bf16 to vector<1024x4096xbf16>
      %max3A_31 = arith.maximumf %sub3A_29, %max3A_30 : vector<1024x4096xbf16>
      %mul3A_32 = arith.constant -1.000000e+01 : bf16
      %mul3A_33 = vector.broadcast %mul3A_32 : bf16 to vector<1024x4096xbf16>
      %mul3A_34 = arith.mulf %mul3A_33, %max3A_31 : vector<1024x4096xbf16>
      %exp3A = math.exp %mul3A_34 : vector<1024x4096xbf16>
      %sqrt3A = math.sqrt %max3A_31 : vector<1024x4096xbf16>
      %sub3A_35 = arith.constant 2.000000e+00 : bf16
      %sub3A_36 = vector.broadcast %sub3A_35 : bf16 to vector<1024x4096xbf16>
      %sub3A_37 = arith.subf %sqrt3A, %sub3A_36 : vector<1024x4096xbf16>
      %exp3A_38 = math.exp %sub3A_37 : vector<1024x4096xbf16>
      %jit3A = arith.constant 0.000000e+00 : bf16
      %broadcast_in_dim3A = vector.broadcast %jit3A : bf16 to vector<1024x4096xbf16>
      %select_n3A = arith.select %lt3A_15, %exp3A, %broadcast_in_dim3A : vector<1024x4096xi1>, vector<1024x4096xbf16>
      %jit3A_39 = arith.constant 0.000000e+00 : bf16
      %broadcast_in_dim3A_40 = vector.broadcast %jit3A_39 : bf16 to vector<1024x4096xbf16>
      %select_n3A_41 = arith.select %lt3A_15, %exp3A_38, %broadcast_in_dim3A_40 : vector<1024x4096xi1>, vector<1024x4096xbf16>
      %get3A_42 = arith.constant 0 : index
      %get3A_43 = arith.constant 0 : index
      %get3A_44 = arith.constant 0 : index
      %get3A_45 = arith.constant 0 : index
      %get3A_46 = vector.load %arg7[%get3A_42, %get3A_43, %get3A_44, %get3A_45] : memref<3x2x1024x128xf32, #tpu.memory_space<vmem>>, vector<1x1x1024x128xf32>
      %get3A_47 = vector.shape_cast %get3A_46 : vector<1x1x1024x128xf32> to vector<1024x128xf32>
      %slice3A = vector.extract_strided_slice %select_n3A {offsets = [0, 0], sizes = [1024, 128], strides = [1, 1]} : vector<1024x4096xbf16> to vector<1024x128xbf16>
      %slice3A_48 = vector.extract_strided_slice %select_n3A {offsets = [0, 128], sizes = [1024, 128], strides = [1, 1]} : vector<1024x4096xbf16> to vector<1024x128xbf16>
      %add3A_49 = arith.addf %slice3A, %slice3A_48 : vector<1024x128xbf16>
      %slice3A_50 = vector.extract_strided_slice %select_n3A {offsets = [0, 256], sizes = [1024, 128], strides = [1, 1]} : vector<1024x4096xbf16> to vector<1024x128xbf16>
      %add3A_51 = arith.addf %add3A_49, %slice3A_50 : vector<1024x128xbf16>
      %slice3A_52 = vector.extract_strided_slice %select_n3A {offsets = [0, 384], sizes = [1024, 128], strides = [1, 1]} : vector<1024x4096xbf16> to vector<1024x128xbf16>
      %add3A_53 = arith.addf %add3A_51, %slice3A_52 : vector<1024x128xbf16>
      %slice3A_54 = vector.extract_strided_slice %select_n3A {offsets = [0, 512], sizes = [1024, 128], strides = [1, 1]} : vector<1024x4096xbf16> to vector<1024x128xbf16>
      %add3A_55 = arith.addf %add3A_53, %slice3A_54 : vector<1024x128xbf16>
      %slice3A_56 = vector.extract_strided_slice %select_n3A {offsets = [0, 640], sizes = [1024, 128], strides = [1, 1]} : vector<1024x4096xbf16> to vector<1024x128xbf16>
      %add3A_57 = arith.addf %add3A_55, %slice3A_56 : vector<1024x128xbf16>
      %slice3A_58 = vector.extract_strided_slice %select_n3A {offsets = [0, 768], sizes = [1024, 128], strides = [1, 1]} : vector<1024x4096xbf16> to vector<1024x128xbf16>
      %add3A_59 = arith.addf %add3A_57, %slice3A_58 : vector<1024x128xbf16>
      %slice3A_60 = vector.extract_strided_slice %select_n3A {offsets = [0, 896], sizes = [1024, 128], strides = [1, 1]} : vector<1024x4096xbf16> to vector<1024x128xbf16>
      %add3A_61 = arith.addf %add3A_59, %slice3A_60 : vector<1024x128xbf16>
      %slice3A_62 = vector.extract_strided_slice %select_n3A {offsets = [0, 1024], sizes = [1024, 128], strides = [1, 1]} : vector<1024x4096xbf16> to vector<1024x128xbf16>
      %add3A_63 = arith.addf %add3A_61, %slice3A_62 : vector<1024x128xbf16>
      %slice3A_64 = vector.extract_strided_slice %select_n3A {offsets = [0, 1152], sizes = [1024, 128], strides = [1, 1]} : vector<1024x4096xbf16> to vector<1024x128xbf16>
      %add3A_65 = arith.addf %add3A_63, %slice3A_64 : vector<1024x128xbf16>
      %slice3A_66 = vector.extract_strided_slice %select_n3A {offsets = [0, 1280], sizes = [1024, 128], strides = [1, 1]} : vector<1024x4096xbf16> to vector<1024x128xbf16>
      %add3A_67 = arith.addf %add3A_65, %slice3A_66 : vector<1024x128xbf16>
      %slice3A_68 = vector.extract_strided_slice %select_n3A {offsets = [0, 1408], sizes = [1024, 128], strides = [1, 1]} : vector<1024x4096xbf16> to vector<1024x128xbf16>
      %add3A_69 = arith.addf %add3A_67, %slice3A_68 : vector<1024x128xbf16>
      %slice3A_70 = vector.extract_strided_slice %select_n3A {offsets = [0, 1536], sizes = [1024, 128], strides = [1, 1]} : vector<1024x4096xbf16> to vector<1024x128xbf16>
      %add3A_71 = arith.addf %add3A_69, %slice3A_70 : vector<1024x128xbf16>
      %slice3A_72 = vector.extract_strided_slice %select_n3A {offsets = [0, 1664], sizes = [1024, 128], strides = [1, 1]} : vector<1024x4096xbf16> to vector<1024x128xbf16>
      %add3A_73 = arith.addf %add3A_71, %slice3A_72 : vector<1024x128xbf16>
      %slice3A_74 = vector.extract_strided_slice %select_n3A {offsets = [0, 1792], sizes = [1024, 128], strides = [1, 1]} : vector<1024x4096xbf16> to vector<1024x128xbf16>
      %add3A_75 = arith.addf %add3A_73, %slice3A_74 : vector<1024x128xbf16>
      %slice3A_76 = vector.extract_strided_slice %select_n3A {offsets = [0, 1920], sizes = [1024, 128], strides = [1, 1]} : vector<1024x4096xbf16> to vector<1024x128xbf16>
      %add3A_77 = arith.addf %add3A_75, %slice3A_76 : vector<1024x128xbf16>
      %slice3A_78 = vector.extract_strided_slice %select_n3A {offsets = [0, 2048], sizes = [1024, 128], strides = [1, 1]} : vector<1024x4096xbf16> to vector<1024x128xbf16>
      %add3A_79 = arith.addf %add3A_77, %slice3A_78 : vector<1024x128xbf16>
      %slice3A_80 = vector.extract_strided_slice %select_n3A {offsets = [0, 2176], sizes = [1024, 128], strides = [1, 1]} : vector<1024x4096xbf16> to vector<1024x128xbf16>
      %add3A_81 = arith.addf %add3A_79, %slice3A_80 : vector<1024x128xbf16>
      %slice3A_82 = vector.extract_strided_slice %select_n3A {offsets = [0, 2304], sizes = [1024, 128], strides = [1, 1]} : vector<1024x4096xbf16> to vector<1024x128xbf16>
      %add3A_83 = arith.addf %add3A_81, %slice3A_82 : vector<1024x128xbf16>
      %slice3A_84 = vector.extract_strided_slice %select_n3A {offsets = [0, 2432], sizes = [1024, 128], strides = [1, 1]} : vector<1024x4096xbf16> to vector<1024x128xbf16>
      %add3A_85 = arith.addf %add3A_83, %slice3A_84 : vector<1024x128xbf16>
      %slice3A_86 = vector.extract_strided_slice %select_n3A {offsets = [0, 2560], sizes = [1024, 128], strides = [1, 1]} : vector<1024x4096xbf16> to vector<1024x128xbf16>
      %add3A_87 = arith.addf %add3A_85, %slice3A_86 : vector<1024x128xbf16>
      %slice3A_88 = vector.extract_strided_slice %select_n3A {offsets = [0, 2688], sizes = [1024, 128], strides = [1, 1]} : vector<1024x4096xbf16> to vector<1024x128xbf16>
      %add3A_89 = arith.addf %add3A_87, %slice3A_88 : vector<1024x128xbf16>
      %slice3A_90 = vector.extract_strided_slice %select_n3A {offsets = [0, 2816], sizes = [1024, 128], strides = [1, 1]} : vector<1024x4096xbf16> to vector<1024x128xbf16>
      %add3A_91 = arith.addf %add3A_89, %slice3A_90 : vector<1024x128xbf16>
      %slice3A_92 = vector.extract_strided_slice %select_n3A {offsets = [0, 2944], sizes = [1024, 128], strides = [1, 1]} : vector<1024x4096xbf16> to vector<1024x128xbf16>
      %add3A_93 = arith.addf %add3A_91, %slice3A_92 : vector<1024x128xbf16>
      %slice3A_94 = vector.extract_strided_slice %select_n3A {offsets = [0, 3072], sizes = [1024, 128], strides = [1, 1]} : vector<1024x4096xbf16> to vector<1024x128xbf16>
      %add3A_95 = arith.addf %add3A_93, %slice3A_94 : vector<1024x128xbf16>
      %slice3A_96 = vector.extract_strided_slice %select_n3A {offsets = [0, 3200], sizes = [1024, 128], strides = [1, 1]} : vector<1024x4096xbf16> to vector<1024x128xbf16>
      %add3A_97 = arith.addf %add3A_95, %slice3A_96 : vector<1024x128xbf16>
      %slice3A_98 = vector.extract_strided_slice %select_n3A {offsets = [0, 3328], sizes = [1024, 128], strides = [1, 1]} : vector<1024x4096xbf16> to vector<1024x128xbf16>
      %add3A_99 = arith.addf %add3A_97, %slice3A_98 : vector<1024x128xbf16>
      %slice3A_100 = vector.extract_strided_slice %select_n3A {offsets = [0, 3456], sizes = [1024, 128], strides = [1, 1]} : vector<1024x4096xbf16> to vector<1024x128xbf16>
      %add3A_101 = arith.addf %add3A_99, %slice3A_100 : vector<1024x128xbf16>
      %slice3A_102 = vector.extract_strided_slice %select_n3A {offsets = [0, 3584], sizes = [1024, 128], strides = [1, 1]} : vector<1024x4096xbf16> to vector<1024x128xbf16>
      %add3A_103 = arith.addf %add3A_101, %slice3A_102 : vector<1024x128xbf16>
      %slice3A_104 = vector.extract_strided_slice %select_n3A {offsets = [0, 3712], sizes = [1024, 128], strides = [1, 1]} : vector<1024x4096xbf16> to vector<1024x128xbf16>
      %add3A_105 = arith.addf %add3A_103, %slice3A_104 : vector<1024x128xbf16>
      %slice3A_106 = vector.extract_strided_slice %select_n3A {offsets = [0, 3840], sizes = [1024, 128], strides = [1, 1]} : vector<1024x4096xbf16> to vector<1024x128xbf16>
      %add3A_107 = arith.addf %add3A_105, %slice3A_106 : vector<1024x128xbf16>
      %slice3A_108 = vector.extract_strided_slice %select_n3A {offsets = [0, 3968], sizes = [1024, 128], strides = [1, 1]} : vector<1024x4096xbf16> to vector<1024x128xbf16>
      %add3A_109 = arith.addf %add3A_107, %slice3A_108 : vector<1024x128xbf16>
      %convert_element_type3A_110 = arith.extf %add3A_109 : vector<1024x128xbf16> to vector<1024x128xf32>
      %add3A_111 = arith.addf %get3A_47, %convert_element_type3A_110 : vector<1024x128xf32>
      %swap3A = arith.constant 0 : index
      %swap3A_112 = arith.constant 0 : index
      %swap3A_113 = arith.constant 0 : index
      %swap3A_114 = arith.constant 0 : index
      %swap3A_115 = vector.load %arg7[%swap3A, %swap3A_112, %swap3A_113, %swap3A_114] : memref<3x2x1024x128xf32, #tpu.memory_space<vmem>>, vector<1x1x1024x128xf32>
      %swap3A_116 = vector.shape_cast %swap3A_115 : vector<1x1x1024x128xf32> to vector<1024x128xf32>
      %swap3A_117 = vector.shape_cast %add3A_111 : vector<1024x128xf32> to vector<1x1x1024x128xf32>
      tpu.vector_store %arg7[%swap3A, %swap3A_112, %swap3A_113, %swap3A_114], %swap3A_117 {strides = array<i32>} : memref<3x2x1024x128xf32, #tpu.memory_space<vmem>>, vector<1x1x1024x128xf32>,
      %get3A_118 = arith.constant 0 : index
      %get3A_119 = arith.constant 1 : index
      %get3A_120 = arith.constant 0 : index
      %get3A_121 = arith.constant 0 : index
      %get3A_122 = vector.load %arg7[%get3A_118, %get3A_119, %get3A_120, %get3A_121] : memref<3x2x1024x128xf32, #tpu.memory_space<vmem>>, vector<1x1x1024x128xf32>
      %get3A_123 = vector.shape_cast %get3A_122 : vector<1x1x1024x128xf32> to vector<1024x128xf32>
      %slice3A_124 = vector.extract_strided_slice %select_n3A_41 {offsets = [0, 0], sizes = [1024, 128], strides = [1, 1]} : vector<1024x4096xbf16> to vector<1024x128xbf16>
      %slice3A_125 = vector.extract_strided_slice %select_n3A_41 {offsets = [0, 128], sizes = [1024, 128], strides = [1, 1]} : vector<1024x4096xbf16> to vector<1024x128xbf16>
      %add3A_126 = arith.addf %slice3A_124, %slice3A_125 : vector<1024x128xbf16>
      %slice3A_127 = vector.extract_strided_slice %select_n3A_41 {offsets = [0, 256], sizes = [1024, 128], strides = [1, 1]} : vector<1024x4096xbf16> to vector<1024x128xbf16>
      %add3A_128 = arith.addf %add3A_126, %slice3A_127 : vector<1024x128xbf16>
      %slice3A_129 = vector.extract_strided_slice %select_n3A_41 {offsets = [0, 384], sizes = [1024, 128], strides = [1, 1]} : vector<1024x4096xbf16> to vector<1024x128xbf16>
      %add3A_130 = arith.addf %add3A_128, %slice3A_129 : vector<1024x128xbf16>
      %slice3A_131 = vector.extract_strided_slice %select_n3A_41 {offsets = [0, 512], sizes = [1024, 128], strides = [1, 1]} : vector<1024x4096xbf16> to vector<1024x128xbf16>
      %add3A_132 = arith.addf %add3A_130, %slice3A_131 : vector<1024x128xbf16>
      %slice3A_133 = vector.extract_strided_slice %select_n3A_41 {offsets = [0, 640], sizes = [1024, 128], strides = [1, 1]} : vector<1024x4096xbf16> to vector<1024x128xbf16>
      %add3A_134 = arith.addf %add3A_132, %slice3A_133 : vector<1024x128xbf16>
      %slice3A_135 = vector.extract_strided_slice %select_n3A_41 {offsets = [0, 768], sizes = [1024, 128], strides = [1, 1]} : vector<1024x4096xbf16> to vector<1024x128xbf16>
      %add3A_136 = arith.addf %add3A_134, %slice3A_135 : vector<1024x128xbf16>
      %slice3A_137 = vector.extract_strided_slice %select_n3A_41 {offsets = [0, 896], sizes = [1024, 128], strides = [1, 1]} : vector<1024x4096xbf16> to vector<1024x128xbf16>
      %add3A_138 = arith.addf %add3A_136, %slice3A_137 : vector<1024x128xbf16>
      %slice3A_139 = vector.extract_strided_slice %select_n3A_41 {offsets = [0, 1024], sizes = [1024, 128], strides = [1, 1]} : vector<1024x4096xbf16> to vector<1024x128xbf16>
      %add3A_140 = arith.addf %add3A_138, %slice3A_139 : vector<1024x128xbf16>
      %slice3A_141 = vector.extract_strided_slice %select_n3A_41 {offsets = [0, 1152], sizes = [1024, 128], strides = [1, 1]} : vector<1024x4096xbf16> to vector<1024x128xbf16>
      %add3A_142 = arith.addf %add3A_140, %slice3A_141 : vector<1024x128xbf16>
      %slice3A_143 = vector.extract_strided_slice %select_n3A_41 {offsets = [0, 1280], sizes = [1024, 128], strides = [1, 1]} : vector<1024x4096xbf16> to vector<1024x128xbf16>
      %add3A_144 = arith.addf %add3A_142, %slice3A_143 : vector<1024x128xbf16>
      %slice3A_145 = vector.extract_strided_slice %select_n3A_41 {offsets = [0, 1408], sizes = [1024, 128], strides = [1, 1]} : vector<1024x4096xbf16> to vector<1024x128xbf16>
      %add3A_146 = arith.addf %add3A_144, %slice3A_145 : vector<1024x128xbf16>
      %slice3A_147 = vector.extract_strided_slice %select_n3A_41 {offsets = [0, 1536], sizes = [1024, 128], strides = [1, 1]} : vector<1024x4096xbf16> to vector<1024x128xbf16>
      %add3A_148 = arith.addf %add3A_146, %slice3A_147 : vector<1024x128xbf16>
      %slice3A_149 = vector.extract_strided_slice %select_n3A_41 {offsets = [0, 1664], sizes = [1024, 128], strides = [1, 1]} : vector<1024x4096xbf16> to vector<1024x128xbf16>
      %add3A_150 = arith.addf %add3A_148, %slice3A_149 : vector<1024x128xbf16>
      %slice3A_151 = vector.extract_strided_slice %select_n3A_41 {offsets = [0, 1792], sizes = [1024, 128], strides = [1, 1]} : vector<1024x4096xbf16> to vector<1024x128xbf16>
      %add3A_152 = arith.addf %add3A_150, %slice3A_151 : vector<1024x128xbf16>
      %slice3A_153 = vector.extract_strided_slice %select_n3A_41 {offsets = [0, 1920], sizes = [1024, 128], strides = [1, 1]} : vector<1024x4096xbf16> to vector<1024x128xbf16>
      %add3A_154 = arith.addf %add3A_152, %slice3A_153 : vector<1024x128xbf16>
      %slice3A_155 = vector.extract_strided_slice %select_n3A_41 {offsets = [0, 2048], sizes = [1024, 128], strides = [1, 1]} : vector<1024x4096xbf16> to vector<1024x128xbf16>
      %add3A_156 = arith.addf %add3A_154, %slice3A_155 : vector<1024x128xbf16>
      %slice3A_157 = vector.extract_strided_slice %select_n3A_41 {offsets = [0, 2176], sizes = [1024, 128], strides = [1, 1]} : vector<1024x4096xbf16> to vector<1024x128xbf16>
      %add3A_158 = arith.addf %add3A_156, %slice3A_157 : vector<1024x128xbf16>
      %slice3A_159 = vector.extract_strided_slice %select_n3A_41 {offsets = [0, 2304], sizes = [1024, 128], strides = [1, 1]} : vector<1024x4096xbf16> to vector<1024x128xbf16>
      %add3A_160 = arith.addf %add3A_158, %slice3A_159 : vector<1024x128xbf16>
      %slice3A_161 = vector.extract_strided_slice %select_n3A_41 {offsets = [0, 2432], sizes = [1024, 128], strides = [1, 1]} : vector<1024x4096xbf16> to vector<1024x128xbf16>
      %add3A_162 = arith.addf %add3A_160, %slice3A_161 : vector<1024x128xbf16>
      %slice3A_163 = vector.extract_strided_slice %select_n3A_41 {offsets = [0, 2560], sizes = [1024, 128], strides = [1, 1]} : vector<1024x4096xbf16> to vector<1024x128xbf16>
      %add3A_164 = arith.addf %add3A_162, %slice3A_163 : vector<1024x128xbf16>
      %slice3A_165 = vector.extract_strided_slice %select_n3A_41 {offsets = [0, 2688], sizes = [1024, 128], strides = [1, 1]} : vector<1024x4096xbf16> to vector<1024x128xbf16>
      %add3A_166 = arith.addf %add3A_164, %slice3A_165 : vector<1024x128xbf16>
      %slice3A_167 = vector.extract_strided_slice %select_n3A_41 {offsets = [0, 2816], sizes = [1024, 128], strides = [1, 1]} : vector<1024x4096xbf16> to vector<1024x128xbf16>
      %add3A_168 = arith.addf %add3A_166, %slice3A_167 : vector<1024x128xbf16>
      %slice3A_169 = vector.extract_strided_slice %select_n3A_41 {offsets = [0, 2944], sizes = [1024, 128], strides = [1, 1]} : vector<1024x4096xbf16> to vector<1024x128xbf16>
      %add3A_170 = arith.addf %add3A_168, %slice3A_169 : vector<1024x128xbf16>
      %slice3A_171 = vector.extract_strided_slice %select_n3A_41 {offsets = [0, 3072], sizes = [1024, 128], strides = [1, 1]} : vector<1024x4096xbf16> to vector<1024x128xbf16>
      %add3A_172 = arith.addf %add3A_170, %slice3A_171 : vector<1024x128xbf16>
      %slice3A_173 = vector.extract_strided_slice %select_n3A_41 {offsets = [0, 3200], sizes = [1024, 128], strides = [1, 1]} : vector<1024x4096xbf16> to vector<1024x128xbf16>
      %add3A_174 = arith.addf %add3A_172, %slice3A_173 : vector<1024x128xbf16>
      %slice3A_175 = vector.extract_strided_slice %select_n3A_41 {offsets = [0, 3328], sizes = [1024, 128], strides = [1, 1]} : vector<1024x4096xbf16> to vector<1024x128xbf16>
      %add3A_176 = arith.addf %add3A_174, %slice3A_175 : vector<1024x128xbf16>
      %slice3A_177 = vector.extract_strided_slice %select_n3A_41 {offsets = [0, 3456], sizes = [1024, 128], strides = [1, 1]} : vector<1024x4096xbf16> to vector<1024x128xbf16>
      %add3A_178 = arith.addf %add3A_176, %slice3A_177 : vector<1024x128xbf16>
      %slice3A_179 = vector.extract_strided_slice %select_n3A_41 {offsets = [0, 3584], sizes = [1024, 128], strides = [1, 1]} : vector<1024x4096xbf16> to vector<1024x128xbf16>
      %add3A_180 = arith.addf %add3A_178, %slice3A_179 : vector<1024x128xbf16>
      %slice3A_181 = vector.extract_strided_slice %select_n3A_41 {offsets = [0, 3712], sizes = [1024, 128], strides = [1, 1]} : vector<1024x4096xbf16> to vector<1024x128xbf16>
      %add3A_182 = arith.addf %add3A_180, %slice3A_181 : vector<1024x128xbf16>
      %slice3A_183 = vector.extract_strided_slice %select_n3A_41 {offsets = [0, 3840], sizes = [1024, 128], strides = [1, 1]} : vector<1024x4096xbf16> to vector<1024x128xbf16>
      %add3A_184 = arith.addf %add3A_182, %slice3A_183 : vector<1024x128xbf16>
      %slice3A_185 = vector.extract_strided_slice %select_n3A_41 {offsets = [0, 3968], sizes = [1024, 128], strides = [1, 1]} : vector<1024x4096xbf16> to vector<1024x128xbf16>
      %add3A_186 = arith.addf %add3A_184, %slice3A_185 : vector<1024x128xbf16>
      %convert_element_type3A_187 = arith.extf %add3A_186 : vector<1024x128xbf16> to vector<1024x128xf32>
      %add3A_188 = arith.addf %get3A_123, %convert_element_type3A_187 : vector<1024x128xf32>
      %swap3A_189 = arith.constant 0 : index
      %swap3A_190 = arith.constant 1 : index
      %swap3A_191 = arith.constant 0 : index
      %swap3A_192 = arith.constant 0 : index
      %swap3A_193 = vector.load %arg7[%swap3A_189, %swap3A_190, %swap3A_191, %swap3A_192] : memref<3x2x1024x128xf32, #tpu.memory_space<vmem>>, vector<1x1x1024x128xf32>
      %swap3A_194 = vector.shape_cast %swap3A_193 : vector<1x1x1024x128xf32> to vector<1024x128xf32>
      %swap3A_195 = vector.shape_cast %add3A_188 : vector<1024x128xf32> to vector<1x1x1024x128xf32>
      tpu.vector_store %arg7[%swap3A_189, %swap3A_190, %swap3A_191, %swap3A_192], %swap3A_195 {strides = array<i32>} : memref<3x2x1024x128xf32, #tpu.memory_space<vmem>>, vector<1x1x1024x128xf32>,
      %get3A_196 = arith.constant 1 : index
      %get3A_197 = arith.constant 0 : index
      %get3A_198 = arith.constant 0 : index
      %get3A_199 = vector.load %arg8[%get3A_196, %get3A_197, %get3A_198] : memref<3x1024x128xbf16, #tpu.memory_space<vmem>>, vector<1x1024x128xbf16>
      %get3A_200 = vector.shape_cast %get3A_199 : vector<1x1024x128xbf16> to vector<1024x128xbf16>
      %get3A_201 = arith.constant 0 : index
      %get3A_202 = arith.constant 0 : index
      %get3A_203 = vector.load %arg5[%get3A_201, %get3A_202] : memref<4096x128xbf16, #tpu.memory_space<vmem>>, vector<4096x128xbf16>
      %dot_general3A_204 = arith.constant dense<0.000000e+00> : vector<1024x4096xf32>
      %dot_general3A_205 = tpu.matmul %get3A_200, %get3A_203, %dot_general3A_204 {dimension_numbers = #tpu.dot_dimension_numbers<[1], [1], [0], [0], [0, 0, 1, 0], [], []>, transpose_lhs_hint = false} : vector<1024x128xbf16>, vector<4096x128xbf16>, vector<1024x4096xf32> -> vector<1024x4096xf32>
      %convert_element_type3A_206 = arith.truncf %dot_general3A_205 : vector<1024x4096xf32> to vector<1024x4096xbf16>
      %mul3A_207 = arith.constant 2.000000e+00 : bf16
      %mul3A_208 = vector.broadcast %mul3A_207 : bf16 to vector<1024x4096xbf16>
      %mul3A_209 = arith.mulf %mul3A_208, %convert_element_type3A_206 : vector<1024x4096xbf16>
      %sub3A_210 = arith.constant 2.000000e+00 : bf16
      %sub3A_211 = vector.broadcast %sub3A_210 : bf16 to vector<1024x4096xbf16>
      %sub3A_212 = arith.subf %sub3A_211, %mul3A_209 : vector<1024x4096xbf16>
      %max3A_213 = arith.constant 0.000000e+00 : bf16
      %max3A_214 = vector.broadcast %max3A_213 : bf16 to vector<1024x4096xbf16>
      %max3A_215 = arith.maximumf %sub3A_212, %max3A_214 : vector<1024x4096xbf16>
      %mul3A_216 = arith.constant -1.000000e+01 : bf16
      %mul3A_217 = vector.broadcast %mul3A_216 : bf16 to vector<1024x4096xbf16>
      %mul3A_218 = arith.mulf %mul3A_217, %max3A_215 : vector<1024x4096xbf16>
      %exp3A_219 = math.exp %mul3A_218 : vector<1024x4096xbf16>
      %sqrt3A_220 = math.sqrt %max3A_215 : vector<1024x4096xbf16>
      %sub3A_221 = arith.constant 2.000000e+00 : bf16
      %sub3A_222 = vector.broadcast %sub3A_221 : bf16 to vector<1024x4096xbf16>
      %sub3A_223 = arith.subf %sqrt3A_220, %sub3A_222 : vector<1024x4096xbf16>
      %exp3A_224 = math.exp %sub3A_223 : vector<1024x4096xbf16>
      %jit3A_225 = arith.constant 0.000000e+00 : bf16
      %broadcast_in_dim3A_226 = vector.broadcast %jit3A_225 : bf16 to vector<1024x4096xbf16>
      %select_n3A_227 = arith.select %lt3A_15, %exp3A_219, %broadcast_in_dim3A_226 : vector<1024x4096xi1>, vector<1024x4096xbf16>
      %jit3A_228 = arith.constant 0.000000e+00 : bf16
      %broadcast_in_dim3A_229 = vector.broadcast %jit3A_228 : bf16 to vector<1024x4096xbf16>
      %select_n3A_230 = arith.select %lt3A_15, %exp3A_224, %broadcast_in_dim3A_229 : vector<1024x4096xi1>, vector<1024x4096xbf16>
      %get3A_231 = arith.constant 1 : index
      %get3A_232 = arith.constant 0 : index
      %get3A_233 = arith.constant 0 : index
      %get3A_234 = arith.constant 0 : index
      %get3A_235 = vector.load %arg7[%get3A_231, %get3A_232, %get3A_233, %get3A_234] : memref<3x2x1024x128xf32, #tpu.memory_space<vmem>>, vector<1x1x1024x128xf32>
      %get3A_236 = vector.shape_cast %get3A_235 : vector<1x1x1024x128xf32> to vector<1024x128xf32>
      %slice3A_237 = vector.extract_strided_slice %select_n3A_227 {offsets = [0, 0], sizes = [1024, 128], strides = [1, 1]} : vector<1024x4096xbf16> to vector<1024x128xbf16>
      %slice3A_238 = vector.extract_strided_slice %select_n3A_227 {offsets = [0, 128], sizes = [1024, 128], strides = [1, 1]} : vector<1024x4096xbf16> to vector<1024x128xbf16>
      %add3A_239 = arith.addf %slice3A_237, %slice3A_238 : vector<1024x128xbf16>
      %slice3A_240 = vector.extract_strided_slice %select_n3A_227 {offsets = [0, 256], sizes = [1024, 128], strides = [1, 1]} : vector<1024x4096xbf16> to vector<1024x128xbf16>
      %add3A_241 = arith.addf %add3A_239, %slice3A_240 : vector<1024x128xbf16>
      %slice3A_242 = vector.extract_strided_slice %select_n3A_227 {offsets = [0, 384], sizes = [1024, 128], strides = [1, 1]} : vector<1024x4096xbf16> to vector<1024x128xbf16>
      %add3A_243 = arith.addf %add3A_241, %slice3A_242 : vector<1024x128xbf16>
      %slice3A_244 = vector.extract_strided_slice %select_n3A_227 {offsets = [0, 512], sizes = [1024, 128], strides = [1, 1]} : vector<1024x4096xbf16> to vector<1024x128xbf16>
      %add3A_245 = arith.addf %add3A_243, %slice3A_244 : vector<1024x128xbf16>
      %slice3A_246 = vector.extract_strided_slice %select_n3A_227 {offsets = [0, 640], sizes = [1024, 128], strides = [1, 1]} : vector<1024x4096xbf16> to vector<1024x128xbf16>
      %add3A_247 = arith.addf %add3A_245, %slice3A_246 : vector<1024x128xbf16>
      %slice3A_248 = vector.extract_strided_slice %select_n3A_227 {offsets = [0, 768], sizes = [1024, 128], strides = [1, 1]} : vector<1024x4096xbf16> to vector<1024x128xbf16>
      %add3A_249 = arith.addf %add3A_247, %slice3A_248 : vector<1024x128xbf16>
      %slice3A_250 = vector.extract_strided_slice %select_n3A_227 {offsets = [0, 896], sizes = [1024, 128], strides = [1, 1]} : vector<1024x4096xbf16> to vector<1024x128xbf16>
      %add3A_251 = arith.addf %add3A_249, %slice3A_250 : vector<1024x128xbf16>
      %slice3A_252 = vector.extract_strided_slice %select_n3A_227 {offsets = [0, 1024], sizes = [1024, 128], strides = [1, 1]} : vector<1024x4096xbf16> to vector<1024x128xbf16>
      %add3A_253 = arith.addf %add3A_251, %slice3A_252 : vector<1024x128xbf16>
      %slice3A_254 = vector.extract_strided_slice %select_n3A_227 {offsets = [0, 1152], sizes = [1024, 128], strides = [1, 1]} : vector<1024x4096xbf16> to vector<1024x128xbf16>
      %add3A_255 = arith.addf %add3A_253, %slice3A_254 : vector<1024x128xbf16>
      %slice3A_256 = vector.extract_strided_slice %select_n3A_227 {offsets = [0, 1280], sizes = [1024, 128], strides = [1, 1]} : vector<1024x4096xbf16> to vector<1024x128xbf16>
      %add3A_257 = arith.addf %add3A_255, %slice3A_256 : vector<1024x128xbf16>
      %slice3A_258 = vector.extract_strided_slice %select_n3A_227 {offsets = [0, 1408], sizes = [1024, 128], strides = [1, 1]} : vector<1024x4096xbf16> to vector<1024x128xbf16>
      %add3A_259 = arith.addf %add3A_257, %slice3A_258 : vector<1024x128xbf16>
      %slice3A_260 = vector.extract_strided_slice %select_n3A_227 {offsets = [0, 1536], sizes = [1024, 128], strides = [1, 1]} : vector<1024x4096xbf16> to vector<1024x128xbf16>
      %add3A_261 = arith.addf %add3A_259, %slice3A_260 : vector<1024x128xbf16>
      %slice3A_262 = vector.extract_strided_slice %select_n3A_227 {offsets = [0, 1664], sizes = [1024, 128], strides = [1, 1]} : vector<1024x4096xbf16> to vector<1024x128xbf16>
      %add3A_263 = arith.addf %add3A_261, %slice3A_262 : vector<1024x128xbf16>
      %slice3A_264 = vector.extract_strided_slice %select_n3A_227 {offsets = [0, 1792], sizes = [1024, 128], strides = [1, 1]} : vector<1024x4096xbf16> to vector<1024x128xbf16>
      %add3A_265 = arith.addf %add3A_263, %slice3A_264 : vector<1024x128xbf16>
      %slice3A_266 = vector.extract_strided_slice %select_n3A_227 {offsets = [0, 1920], sizes = [1024, 128], strides = [1, 1]} : vector<1024x4096xbf16> to vector<1024x128xbf16>
      %add3A_267 = arith.addf %add3A_265, %slice3A_266 : vector<1024x128xbf16>
      %slice3A_268 = vector.extract_strided_slice %select_n3A_227 {offsets = [0, 2048], sizes = [1024, 128], strides = [1, 1]} : vector<1024x4096xbf16> to vector<1024x128xbf16>
      %add3A_269 = arith.addf %add3A_267, %slice3A_268 : vector<1024x128xbf16>
      %slice3A_270 = vector.extract_strided_slice %select_n3A_227 {offsets = [0, 2176], sizes = [1024, 128], strides = [1, 1]} : vector<1024x4096xbf16> to vector<1024x128xbf16>
      %add3A_271 = arith.addf %add3A_269, %slice3A_270 : vector<1024x128xbf16>
      %slice3A_272 = vector.extract_strided_slice %select_n3A_227 {offsets = [0, 2304], sizes = [1024, 128], strides = [1, 1]} : vector<1024x4096xbf16> to vector<1024x128xbf16>
      %add3A_273 = arith.addf %add3A_271, %slice3A_272 : vector<1024x128xbf16>
      %slice3A_274 = vector.extract_strided_slice %select_n3A_227 {offsets = [0, 2432], sizes = [1024, 128], strides = [1, 1]} : vector<1024x4096xbf16> to vector<1024x128xbf16>
      %add3A_275 = arith.addf %add3A_273, %slice3A_274 : vector<1024x128xbf16>
      %slice3A_276 = vector.extract_strided_slice %select_n3A_227 {offsets = [0, 2560], sizes = [1024, 128], strides = [1, 1]} : vector<1024x4096xbf16> to vector<1024x128xbf16>
      %add3A_277 = arith.addf %add3A_275, %slice3A_276 : vector<1024x128xbf16>
      %slice3A_278 = vector.extract_strided_slice %select_n3A_227 {offsets = [0, 2688], sizes = [1024, 128], strides = [1, 1]} : vector<1024x4096xbf16> to vector<1024x128xbf16>
      %add3A_279 = arith.addf %add3A_277, %slice3A_278 : vector<1024x128xbf16>
      %slice3A_280 = vector.extract_strided_slice %select_n3A_227 {offsets = [0, 2816], sizes = [1024, 128], strides = [1, 1]} : vector<1024x4096xbf16> to vector<1024x128xbf16>
      %add3A_281 = arith.addf %add3A_279, %slice3A_280 : vector<1024x128xbf16>
      %slice3A_282 = vector.extract_strided_slice %select_n3A_227 {offsets = [0, 2944], sizes = [1024, 128], strides = [1, 1]} : vector<1024x4096xbf16> to vector<1024x128xbf16>
      %add3A_283 = arith.addf %add3A_281, %slice3A_282 : vector<1024x128xbf16>
      %slice3A_284 = vector.extract_strided_slice %select_n3A_227 {offsets = [0, 3072], sizes = [1024, 128], strides = [1, 1]} : vector<1024x4096xbf16> to vector<1024x128xbf16>
      %add3A_285 = arith.addf %add3A_283, %slice3A_284 : vector<1024x128xbf16>
      %slice3A_286 = vector.extract_strided_slice %select_n3A_227 {offsets = [0, 3200], sizes = [1024, 128], strides = [1, 1]} : vector<1024x4096xbf16> to vector<1024x128xbf16>
      %add3A_287 = arith.addf %add3A_285, %slice3A_286 : vector<1024x128xbf16>
      %slice3A_288 = vector.extract_strided_slice %select_n3A_227 {offsets = [0, 3328], sizes = [1024, 128], strides = [1, 1]} : vector<1024x4096xbf16> to vector<1024x128xbf16>
      %add3A_289 = arith.addf %add3A_287, %slice3A_288 : vector<1024x128xbf16>
      %slice3A_290 = vector.extract_strided_slice %select_n3A_227 {offsets = [0, 3456], sizes = [1024, 128], strides = [1, 1]} : vector<1024x4096xbf16> to vector<1024x128xbf16>
      %add3A_291 = arith.addf %add3A_289, %slice3A_290 : vector<1024x128xbf16>
      %slice3A_292 = vector.extract_strided_slice %select_n3A_227 {offsets = [0, 3584], sizes = [1024, 128], strides = [1, 1]} : vector<1024x4096xbf16> to vector<1024x128xbf16>
      %add3A_293 = arith.addf %add3A_291, %slice3A_292 : vector<1024x128xbf16>
      %slice3A_294 = vector.extract_strided_slice %select_n3A_227 {offsets = [0, 3712], sizes = [1024, 128], strides = [1, 1]} : vector<1024x4096xbf16> to vector<1024x128xbf16>
      %add3A_295 = arith.addf %add3A_293, %slice3A_294 : vector<1024x128xbf16>
      %slice3A_296 = vector.extract_strided_slice %select_n3A_227 {offsets = [0, 3840], sizes = [1024, 128], strides = [1, 1]} : vector<1024x4096xbf16> to vector<1024x128xbf16>
      %add3A_297 = arith.addf %add3A_295, %slice3A_296 : vector<1024x128xbf16>
      %slice3A_298 = vector.extract_strided_slice %select_n3A_227 {offsets = [0, 3968], sizes = [1024, 128], strides = [1, 1]} : vector<1024x4096xbf16> to vector<1024x128xbf16>
      %add3A_299 = arith.addf %add3A_297, %slice3A_298 : vector<1024x128xbf16>
      %convert_element_type3A_300 = arith.extf %add3A_299 : vector<1024x128xbf16> to vector<1024x128xf32>
      %add3A_301 = arith.addf %get3A_236, %convert_element_type3A_300 : vector<1024x128xf32>
      %swap3A_302 = arith.constant 1 : index
      %swap3A_303 = arith.constant 0 : index
      %swap3A_304 = arith.constant 0 : index
      %swap3A_305 = arith.constant 0 : index
      %swap3A_306 = vector.load %arg7[%swap3A_302, %swap3A_303, %swap3A_304, %swap3A_305] : memref<3x2x1024x128xf32, #tpu.memory_space<vmem>>, vector<1x1x1024x128xf32>
      %swap3A_307 = vector.shape_cast %swap3A_306 : vector<1x1x1024x128xf32> to vector<1024x128xf32>
      %swap3A_308 = vector.shape_cast %add3A_301 : vector<1024x128xf32> to vector<1x1x1024x128xf32>
      tpu.vector_store %arg7[%swap3A_302, %swap3A_303, %swap3A_304, %swap3A_305], %swap3A_308 {strides = array<i32>} : memref<3x2x1024x128xf32, #tpu.memory_space<vmem>>, vector<1x1x1024x128xf32>,
      %get3A_309 = arith.constant 1 : index
      %get3A_310 = arith.constant 1 : index
      %get3A_311 = arith.constant 0 : index
      %get3A_312 = arith.constant 0 : index
      %get3A_313 = vector.load %arg7[%get3A_309, %get3A_310, %get3A_311, %get3A_312] : memref<3x2x1024x128xf32, #tpu.memory_space<vmem>>, vector<1x1x1024x128xf32>
      %get3A_314 = vector.shape_cast %get3A_313 : vector<1x1x1024x128xf32> to vector<1024x128xf32>
      %slice3A_315 = vector.extract_strided_slice %select_n3A_230 {offsets = [0, 0], sizes = [1024, 128], strides = [1, 1]} : vector<1024x4096xbf16> to vector<1024x128xbf16>
      %slice3A_316 = vector.extract_strided_slice %select_n3A_230 {offsets = [0, 128], sizes = [1024, 128], strides = [1, 1]} : vector<1024x4096xbf16> to vector<1024x128xbf16>
      %add3A_317 = arith.addf %slice3A_315, %slice3A_316 : vector<1024x128xbf16>
      %slice3A_318 = vector.extract_strided_slice %select_n3A_230 {offsets = [0, 256], sizes = [1024, 128], strides = [1, 1]} : vector<1024x4096xbf16> to vector<1024x128xbf16>
      %add3A_319 = arith.addf %add3A_317, %slice3A_318 : vector<1024x128xbf16>
      %slice3A_320 = vector.extract_strided_slice %select_n3A_230 {offsets = [0, 384], sizes = [1024, 128], strides = [1, 1]} : vector<1024x4096xbf16> to vector<1024x128xbf16>
      %add3A_321 = arith.addf %add3A_319, %slice3A_320 : vector<1024x128xbf16>
      %slice3A_322 = vector.extract_strided_slice %select_n3A_230 {offsets = [0, 512], sizes = [1024, 128], strides = [1, 1]} : vector<1024x4096xbf16> to vector<1024x128xbf16>
      %add3A_323 = arith.addf %add3A_321, %slice3A_322 : vector<1024x128xbf16>
      %slice3A_324 = vector.extract_strided_slice %select_n3A_230 {offsets = [0, 640], sizes = [1024, 128], strides = [1, 1]} : vector<1024x4096xbf16> to vector<1024x128xbf16>
      %add3A_325 = arith.addf %add3A_323, %slice3A_324 : vector<1024x128xbf16>
      %slice3A_326 = vector.extract_strided_slice %select_n3A_230 {offsets = [0, 768], sizes = [1024, 128], strides = [1, 1]} : vector<1024x4096xbf16> to vector<1024x128xbf16>
      %add3A_327 = arith.addf %add3A_325, %slice3A_326 : vector<1024x128xbf16>
      %slice3A_328 = vector.extract_strided_slice %select_n3A_230 {offsets = [0, 896], sizes = [1024, 128], strides = [1, 1]} : vector<1024x4096xbf16> to vector<1024x128xbf16>
      %add3A_329 = arith.addf %add3A_327, %slice3A_328 : vector<1024x128xbf16>
      %slice3A_330 = vector.extract_strided_slice %select_n3A_230 {offsets = [0, 1024], sizes = [1024, 128], strides = [1, 1]} : vector<1024x4096xbf16> to vector<1024x128xbf16>
      %add3A_331 = arith.addf %add3A_329, %slice3A_330 : vector<1024x128xbf16>
      %slice3A_332 = vector.extract_strided_slice %select_n3A_230 {offsets = [0, 1152], sizes = [1024, 128], strides = [1, 1]} : vector<1024x4096xbf16> to vector<1024x128xbf16>
      %add3A_333 = arith.addf %add3A_331, %slice3A_332 : vector<1024x128xbf16>
      %slice3A_334 = vector.extract_strided_slice %select_n3A_230 {offsets = [0, 1280], sizes = [1024, 128], strides = [1, 1]} : vector<1024x4096xbf16> to vector<1024x128xbf16>
      %add3A_335 = arith.addf %add3A_333, %slice3A_334 : vector<1024x128xbf16>
      %slice3A_336 = vector.extract_strided_slice %select_n3A_230 {offsets = [0, 1408], sizes = [1024, 128], strides = [1, 1]} : vector<1024x4096xbf16> to vector<1024x128xbf16>
      %add3A_337 = arith.addf %add3A_335, %slice3A_336 : vector<1024x128xbf16>
      %slice3A_338 = vector.extract_strided_slice %select_n3A_230 {offsets = [0, 1536], sizes = [1024, 128], strides = [1, 1]} : vector<1024x4096xbf16> to vector<1024x128xbf16>
      %add3A_339 = arith.addf %add3A_337, %slice3A_338 : vector<1024x128xbf16>
      %slice3A_340 = vector.extract_strided_slice %select_n3A_230 {offsets = [0, 1664], sizes = [1024, 128], strides = [1, 1]} : vector<1024x4096xbf16> to vector<1024x128xbf16>
      %add3A_341 = arith.addf %add3A_339, %slice3A_340 : vector<1024x128xbf16>
      %slice3A_342 = vector.extract_strided_slice %select_n3A_230 {offsets = [0, 1792], sizes = [1024, 128], strides = [1, 1]} : vector<1024x4096xbf16> to vector<1024x128xbf16>
      %add3A_343 = arith.addf %add3A_341, %slice3A_342 : vector<1024x128xbf16>
      %slice3A_344 = vector.extract_strided_slice %select_n3A_230 {offsets = [0, 1920], sizes = [1024, 128], strides = [1, 1]} : vector<1024x4096xbf16> to vector<1024x128xbf16>
      %add3A_345 = arith.addf %add3A_343, %slice3A_344 : vector<1024x128xbf16>
      %slice3A_346 = vector.extract_strided_slice %select_n3A_230 {offsets = [0, 2048], sizes = [1024, 128], strides = [1, 1]} : vector<1024x4096xbf16> to vector<1024x128xbf16>
      %add3A_347 = arith.addf %add3A_345, %slice3A_346 : vector<1024x128xbf16>
      %slice3A_348 = vector.extract_strided_slice %select_n3A_230 {offsets = [0, 2176], sizes = [1024, 128], strides = [1, 1]} : vector<1024x4096xbf16> to vector<1024x128xbf16>
      %add3A_349 = arith.addf %add3A_347, %slice3A_348 : vector<1024x128xbf16>
      %slice3A_350 = vector.extract_strided_slice %select_n3A_230 {offsets = [0, 2304], sizes = [1024, 128], strides = [1, 1]} : vector<1024x4096xbf16> to vector<1024x128xbf16>
      %add3A_351 = arith.addf %add3A_349, %slice3A_350 : vector<1024x128xbf16>
      %slice3A_352 = vector.extract_strided_slice %select_n3A_230 {offsets = [0, 2432], sizes = [1024, 128], strides = [1, 1]} : vector<1024x4096xbf16> to vector<1024x128xbf16>
      %add3A_353 = arith.addf %add3A_351, %slice3A_352 : vector<1024x128xbf16>
      %slice3A_354 = vector.extract_strided_slice %select_n3A_230 {offsets = [0, 2560], sizes = [1024, 128], strides = [1, 1]} : vector<1024x4096xbf16> to vector<1024x128xbf16>
      %add3A_355 = arith.addf %add3A_353, %slice3A_354 : vector<1024x128xbf16>
      %slice3A_356 = vector.extract_strided_slice %select_n3A_230 {offsets = [0, 2688], sizes = [1024, 128], strides = [1, 1]} : vector<1024x4096xbf16> to vector<1024x128xbf16>
      %add3A_357 = arith.addf %add3A_355, %slice3A_356 : vector<1024x128xbf16>
      %slice3A_358 = vector.extract_strided_slice %select_n3A_230 {offsets = [0, 2816], sizes = [1024, 128], strides = [1, 1]} : vector<1024x4096xbf16> to vector<1024x128xbf16>
      %add3A_359 = arith.addf %add3A_357, %slice3A_358 : vector<1024x128xbf16>
      %slice3A_360 = vector.extract_strided_slice %select_n3A_230 {offsets = [0, 2944], sizes = [1024, 128], strides = [1, 1]} : vector<1024x4096xbf16> to vector<1024x128xbf16>
      %add3A_361 = arith.addf %add3A_359, %slice3A_360 : vector<1024x128xbf16>
      %slice3A_362 = vector.extract_strided_slice %select_n3A_230 {offsets = [0, 3072], sizes = [1024, 128], strides = [1, 1]} : vector<1024x4096xbf16> to vector<1024x128xbf16>
      %add3A_363 = arith.addf %add3A_361, %slice3A_362 : vector<1024x128xbf16>
      %slice3A_364 = vector.extract_strided_slice %select_n3A_230 {offsets = [0, 3200], sizes = [1024, 128], strides = [1, 1]} : vector<1024x4096xbf16> to vector<1024x128xbf16>
      %add3A_365 = arith.addf %add3A_363, %slice3A_364 : vector<1024x128xbf16>
      %slice3A_366 = vector.extract_strided_slice %select_n3A_230 {offsets = [0, 3328], sizes = [1024, 128], strides = [1, 1]} : vector<1024x4096xbf16> to vector<1024x128xbf16>
      %add3A_367 = arith.addf %add3A_365, %slice3A_366 : vector<1024x128xbf16>
      %slice3A_368 = vector.extract_strided_slice %select_n3A_230 {offsets = [0, 3456], sizes = [1024, 128], strides = [1, 1]} : vector<1024x4096xbf16> to vector<1024x128xbf16>
      %add3A_369 = arith.addf %add3A_367, %slice3A_368 : vector<1024x128xbf16>
      %slice3A_370 = vector.extract_strided_slice %select_n3A_230 {offsets = [0, 3584], sizes = [1024, 128], strides = [1, 1]} : vector<1024x4096xbf16> to vector<1024x128xbf16>
      %add3A_371 = arith.addf %add3A_369, %slice3A_370 : vector<1024x128xbf16>
      %slice3A_372 = vector.extract_strided_slice %select_n3A_230 {offsets = [0, 3712], sizes = [1024, 128], strides = [1, 1]} : vector<1024x4096xbf16> to vector<1024x128xbf16>
      %add3A_373 = arith.addf %add3A_371, %slice3A_372 : vector<1024x128xbf16>
      %slice3A_374 = vector.extract_strided_slice %select_n3A_230 {offsets = [0, 3840], sizes = [1024, 128], strides = [1, 1]} : vector<1024x4096xbf16> to vector<1024x128xbf16>
      %add3A_375 = arith.addf %add3A_373, %slice3A_374 : vector<1024x128xbf16>
      %slice3A_376 = vector.extract_strided_slice %select_n3A_230 {offsets = [0, 3968], sizes = [1024, 128], strides = [1, 1]} : vector<1024x4096xbf16> to vector<1024x128xbf16>
      %add3A_377 = arith.addf %add3A_375, %slice3A_376 : vector<1024x128xbf16>
      %convert_element_type3A_378 = arith.extf %add3A_377 : vector<1024x128xbf16> to vector<1024x128xf32>
      %add3A_379 = arith.addf %get3A_314, %convert_element_type3A_378 : vector<1024x128xf32>
      %swap3A_380 = arith.constant 1 : index
      %swap3A_381 = arith.constant 1 : index
      %swap3A_382 = arith.constant 0 : index
      %swap3A_383 = arith.constant 0 : index
      %swap3A_384 = vector.load %arg7[%swap3A_380, %swap3A_381, %swap3A_382, %swap3A_383] : memref<3x2x1024x128xf32, #tpu.memory_space<vmem>>, vector<1x1x1024x128xf32>
      %swap3A_385 = vector.shape_cast %swap3A_384 : vector<1x1x1024x128xf32> to vector<1024x128xf32>
      %swap3A_386 = vector.shape_cast %add3A_379 : vector<1024x128xf32> to vector<1x1x1024x128xf32>
      tpu.vector_store %arg7[%swap3A_380, %swap3A_381, %swap3A_382, %swap3A_383], %swap3A_386 {strides = array<i32>} : memref<3x2x1024x128xf32, #tpu.memory_space<vmem>>, vector<1x1x1024x128xf32>,
      %get3A_387 = arith.constant 2 : index
      %get3A_388 = arith.constant 0 : index
      %get3A_389 = arith.constant 0 : index
      %get3A_390 = vector.load %arg8[%get3A_387, %get3A_388, %get3A_389] : memref<3x1024x128xbf16, #tpu.memory_space<vmem>>, vector<1x1024x128xbf16>
      %get3A_391 = vector.shape_cast %get3A_390 : vector<1x1024x128xbf16> to vector<1024x128xbf16>
      %get3A_392 = arith.constant 0 : index
      %get3A_393 = arith.constant 0 : index
      %get3A_394 = vector.load %arg6[%get3A_392, %get3A_393] : memref<4096x128xbf16, #tpu.memory_space<vmem>>, vector<4096x128xbf16>
      %dot_general3A_395 = arith.constant dense<0.000000e+00> : vector<1024x4096xf32>
      %dot_general3A_396 = tpu.matmul %get3A_391, %get3A_394, %dot_general3A_395 {dimension_numbers = #tpu.dot_dimension_numbers<[1], [1], [0], [0], [0, 0, 1, 0], [], []>, transpose_lhs_hint = false} : vector<1024x128xbf16>, vector<4096x128xbf16>, vector<1024x4096xf32> -> vector<1024x4096xf32>
      %convert_element_type3A_397 = arith.truncf %dot_general3A_396 : vector<1024x4096xf32> to vector<1024x4096xbf16>
      %mul3A_398 = arith.constant 2.000000e+00 : bf16
      %mul3A_399 = vector.broadcast %mul3A_398 : bf16 to vector<1024x4096xbf16>
      %mul3A_400 = arith.mulf %mul3A_399, %convert_element_type3A_397 : vector<1024x4096xbf16>
      %sub3A_401 = arith.constant 2.000000e+00 : bf16
      %sub3A_402 = vector.broadcast %sub3A_401 : bf16 to vector<1024x4096xbf16>
      %sub3A_403 = arith.subf %sub3A_402, %mul3A_400 : vector<1024x4096xbf16>
      %max3A_404 = arith.constant 0.000000e+00 : bf16
      %max3A_405 = vector.broadcast %max3A_404 : bf16 to vector<1024x4096xbf16>
      %max3A_406 = arith.maximumf %sub3A_403, %max3A_405 : vector<1024x4096xbf16>
      %mul3A_407 = arith.constant -1.000000e+01 : bf16
      %mul3A_408 = vector.broadcast %mul3A_407 : bf16 to vector<1024x4096xbf16>
      %mul3A_409 = arith.mulf %mul3A_408, %max3A_406 : vector<1024x4096xbf16>
      %exp3A_410 = math.exp %mul3A_409 : vector<1024x4096xbf16>
      %sqrt3A_411 = math.sqrt %max3A_406 : vector<1024x4096xbf16>
      %sub3A_412 = arith.constant 2.000000e+00 : bf16
      %sub3A_413 = vector.broadcast %sub3A_412 : bf16 to vector<1024x4096xbf16>
      %sub3A_414 = arith.subf %sqrt3A_411, %sub3A_413 : vector<1024x4096xbf16>
      %exp3A_415 = math.exp %sub3A_414 : vector<1024x4096xbf16>
      %jit3A_416 = arith.constant 0.000000e+00 : bf16
      %broadcast_in_dim3A_417 = vector.broadcast %jit3A_416 : bf16 to vector<1024x4096xbf16>
      %select_n3A_418 = arith.select %lt3A_15, %exp3A_410, %broadcast_in_dim3A_417 : vector<1024x4096xi1>, vector<1024x4096xbf16>
      %jit3A_419 = arith.constant 0.000000e+00 : bf16
      %broadcast_in_dim3A_420 = vector.broadcast %jit3A_419 : bf16 to vector<1024x4096xbf16>
      %select_n3A_421 = arith.select %lt3A_15, %exp3A_415, %broadcast_in_dim3A_420 : vector<1024x4096xi1>, vector<1024x4096xbf16>
      %get3A_422 = arith.constant 2 : index
      %get3A_423 = arith.constant 0 : index
      %get3A_424 = arith.constant 0 : index
      %get3A_425 = arith.constant 0 : index
      %get3A_426 = vector.load %arg7[%get3A_422, %get3A_423, %get3A_424, %get3A_425] : memref<3x2x1024x128xf32, #tpu.memory_space<vmem>>, vector<1x1x1024x128xf32>
      %get3A_427 = vector.shape_cast %get3A_426 : vector<1x1x1024x128xf32> to vector<1024x128xf32>
      %slice3A_428 = vector.extract_strided_slice %select_n3A_418 {offsets = [0, 0], sizes = [1024, 128], strides = [1, 1]} : vector<1024x4096xbf16> to vector<1024x128xbf16>
      %slice3A_429 = vector.extract_strided_slice %select_n3A_418 {offsets = [0, 128], sizes = [1024, 128], strides = [1, 1]} : vector<1024x4096xbf16> to vector<1024x128xbf16>
      %add3A_430 = arith.addf %slice3A_428, %slice3A_429 : vector<1024x128xbf16>
      %slice3A_431 = vector.extract_strided_slice %select_n3A_418 {offsets = [0, 256], sizes = [1024, 128], strides = [1, 1]} : vector<1024x4096xbf16> to vector<1024x128xbf16>
      %add3A_432 = arith.addf %add3A_430, %slice3A_431 : vector<1024x128xbf16>
      %slice3A_433 = vector.extract_strided_slice %select_n3A_418 {offsets = [0, 384], sizes = [1024, 128], strides = [1, 1]} : vector<1024x4096xbf16> to vector<1024x128xbf16>
      %add3A_434 = arith.addf %add3A_432, %slice3A_433 : vector<1024x128xbf16>
      %slice3A_435 = vector.extract_strided_slice %select_n3A_418 {offsets = [0, 512], sizes = [1024, 128], strides = [1, 1]} : vector<1024x4096xbf16> to vector<1024x128xbf16>
      %add3A_436 = arith.addf %add3A_434, %slice3A_435 : vector<1024x128xbf16>
      %slice3A_437 = vector.extract_strided_slice %select_n3A_418 {offsets = [0, 640], sizes = [1024, 128], strides = [1, 1]} : vector<1024x4096xbf16> to vector<1024x128xbf16>
      %add3A_438 = arith.addf %add3A_436, %slice3A_437 : vector<1024x128xbf16>
      %slice3A_439 = vector.extract_strided_slice %select_n3A_418 {offsets = [0, 768], sizes = [1024, 128], strides = [1, 1]} : vector<1024x4096xbf16> to vector<1024x128xbf16>
      %add3A_440 = arith.addf %add3A_438, %slice3A_439 : vector<1024x128xbf16>
      %slice3A_441 = vector.extract_strided_slice %select_n3A_418 {offsets = [0, 896], sizes = [1024, 128], strides = [1, 1]} : vector<1024x4096xbf16> to vector<1024x128xbf16>
      %add3A_442 = arith.addf %add3A_440, %slice3A_441 : vector<1024x128xbf16>
      %slice3A_443 = vector.extract_strided_slice %select_n3A_418 {offsets = [0, 1024], sizes = [1024, 128], strides = [1, 1]} : vector<1024x4096xbf16> to vector<1024x128xbf16>
      %add3A_444 = arith.addf %add3A_442, %slice3A_443 : vector<1024x128xbf16>
      %slice3A_445 = vector.extract_strided_slice %select_n3A_418 {offsets = [0, 1152], sizes = [1024, 128], strides = [1, 1]} : vector<1024x4096xbf16> to vector<1024x128xbf16>
      %add3A_446 = arith.addf %add3A_444, %slice3A_445 : vector<1024x128xbf16>
      %slice3A_447 = vector.extract_strided_slice %select_n3A_418 {offsets = [0, 1280], sizes = [1024, 128], strides = [1, 1]} : vector<1024x4096xbf16> to vector<1024x128xbf16>
      %add3A_448 = arith.addf %add3A_446, %slice3A_447 : vector<1024x128xbf16>
      %slice3A_449 = vector.extract_strided_slice %select_n3A_418 {offsets = [0, 1408], sizes = [1024, 128], strides = [1, 1]} : vector<1024x4096xbf16> to vector<1024x128xbf16>
      %add3A_450 = arith.addf %add3A_448, %slice3A_449 : vector<1024x128xbf16>
      %slice3A_451 = vector.extract_strided_slice %select_n3A_418 {offsets = [0, 1536], sizes = [1024, 128], strides = [1, 1]} : vector<1024x4096xbf16> to vector<1024x128xbf16>
      %add3A_452 = arith.addf %add3A_450, %slice3A_451 : vector<1024x128xbf16>
      %slice3A_453 = vector.extract_strided_slice %select_n3A_418 {offsets = [0, 1664], sizes = [1024, 128], strides = [1, 1]} : vector<1024x4096xbf16> to vector<1024x128xbf16>
      %add3A_454 = arith.addf %add3A_452, %slice3A_453 : vector<1024x128xbf16>
      %slice3A_455 = vector.extract_strided_slice %select_n3A_418 {offsets = [0, 1792], sizes = [1024, 128], strides = [1, 1]} : vector<1024x4096xbf16> to vector<1024x128xbf16>
      %add3A_456 = arith.addf %add3A_454, %slice3A_455 : vector<1024x128xbf16>
      %slice3A_457 = vector.extract_strided_slice %select_n3A_418 {offsets = [0, 1920], sizes = [1024, 128], strides = [1, 1]} : vector<1024x4096xbf16> to vector<1024x128xbf16>
      %add3A_458 = arith.addf %add3A_456, %slice3A_457 : vector<1024x128xbf16>
      %slice3A_459 = vector.extract_strided_slice %select_n3A_418 {offsets = [0, 2048], sizes = [1024, 128], strides = [1, 1]} : vector<1024x4096xbf16> to vector<1024x128xbf16>
      %add3A_460 = arith.addf %add3A_458, %slice3A_459 : vector<1024x128xbf16>
      %slice3A_461 = vector.extract_strided_slice %select_n3A_418 {offsets = [0, 2176], sizes = [1024, 128], strides = [1, 1]} : vector<1024x4096xbf16> to vector<1024x128xbf16>
      %add3A_462 = arith.addf %add3A_460, %slice3A_461 : vector<1024x128xbf16>
      %slice3A_463 = vector.extract_strided_slice %select_n3A_418 {offsets = [0, 2304], sizes = [1024, 128], strides = [1, 1]} : vector<1024x4096xbf16> to vector<1024x128xbf16>
      %add3A_464 = arith.addf %add3A_462, %slice3A_463 : vector<1024x128xbf16>
      %slice3A_465 = vector.extract_strided_slice %select_n3A_418 {offsets = [0, 2432], sizes = [1024, 128], strides = [1, 1]} : vector<1024x4096xbf16> to vector<1024x128xbf16>
      %add3A_466 = arith.addf %add3A_464, %slice3A_465 : vector<1024x128xbf16>
      %slice3A_467 = vector.extract_strided_slice %select_n3A_418 {offsets = [0, 2560], sizes = [1024, 128], strides = [1, 1]} : vector<1024x4096xbf16> to vector<1024x128xbf16>
      %add3A_468 = arith.addf %add3A_466, %slice3A_467 : vector<1024x128xbf16>
      %slice3A_469 = vector.extract_strided_slice %select_n3A_418 {offsets = [0, 2688], sizes = [1024, 128], strides = [1, 1]} : vector<1024x4096xbf16> to vector<1024x128xbf16>
      %add3A_470 = arith.addf %add3A_468, %slice3A_469 : vector<1024x128xbf16>
      %slice3A_471 = vector.extract_strided_slice %select_n3A_418 {offsets = [0, 2816], sizes = [1024, 128], strides = [1, 1]} : vector<1024x4096xbf16> to vector<1024x128xbf16>
      %add3A_472 = arith.addf %add3A_470, %slice3A_471 : vector<1024x128xbf16>
      %slice3A_473 = vector.extract_strided_slice %select_n3A_418 {offsets = [0, 2944], sizes = [1024, 128], strides = [1, 1]} : vector<1024x4096xbf16> to vector<1024x128xbf16>
      %add3A_474 = arith.addf %add3A_472, %slice3A_473 : vector<1024x128xbf16>
      %slice3A_475 = vector.extract_strided_slice %select_n3A_418 {offsets = [0, 3072], sizes = [1024, 128], strides = [1, 1]} : vector<1024x4096xbf16> to vector<1024x128xbf16>
      %add3A_476 = arith.addf %add3A_474, %slice3A_475 : vector<1024x128xbf16>
      %slice3A_477 = vector.extract_strided_slice %select_n3A_418 {offsets = [0, 3200], sizes = [1024, 128], strides = [1, 1]} : vector<1024x4096xbf16> to vector<1024x128xbf16>
      %add3A_478 = arith.addf %add3A_476, %slice3A_477 : vector<1024x128xbf16>
      %slice3A_479 = vector.extract_strided_slice %select_n3A_418 {offsets = [0, 3328], sizes = [1024, 128], strides = [1, 1]} : vector<1024x4096xbf16> to vector<1024x128xbf16>
      %add3A_480 = arith.addf %add3A_478, %slice3A_479 : vector<1024x128xbf16>
      %slice3A_481 = vector.extract_strided_slice %select_n3A_418 {offsets = [0, 3456], sizes = [1024, 128], strides = [1, 1]} : vector<1024x4096xbf16> to vector<1024x128xbf16>
      %add3A_482 = arith.addf %add3A_480, %slice3A_481 : vector<1024x128xbf16>
      %slice3A_483 = vector.extract_strided_slice %select_n3A_418 {offsets = [0, 3584], sizes = [1024, 128], strides = [1, 1]} : vector<1024x4096xbf16> to vector<1024x128xbf16>
      %add3A_484 = arith.addf %add3A_482, %slice3A_483 : vector<1024x128xbf16>
      %slice3A_485 = vector.extract_strided_slice %select_n3A_418 {offsets = [0, 3712], sizes = [1024, 128], strides = [1, 1]} : vector<1024x4096xbf16> to vector<1024x128xbf16>
      %add3A_486 = arith.addf %add3A_484, %slice3A_485 : vector<1024x128xbf16>
      %slice3A_487 = vector.extract_strided_slice %select_n3A_418 {offsets = [0, 3840], sizes = [1024, 128], strides = [1, 1]} : vector<1024x4096xbf16> to vector<1024x128xbf16>
      %add3A_488 = arith.addf %add3A_486, %slice3A_487 : vector<1024x128xbf16>
      %slice3A_489 = vector.extract_strided_slice %select_n3A_418 {offsets = [0, 3968], sizes = [1024, 128], strides = [1, 1]} : vector<1024x4096xbf16> to vector<1024x128xbf16>
      %add3A_490 = arith.addf %add3A_488, %slice3A_489 : vector<1024x128xbf16>
      %convert_element_type3A_491 = arith.extf %add3A_490 : vector<1024x128xbf16> to vector<1024x128xf32>
      %add3A_492 = arith.addf %get3A_427, %convert_element_type3A_491 : vector<1024x128xf32>
      %swap3A_493 = arith.constant 2 : index
      %swap3A_494 = arith.constant 0 : index
      %swap3A_495 = arith.constant 0 : index
      %swap3A_496 = arith.constant 0 : index
      %swap3A_497 = vector.load %arg7[%swap3A_493, %swap3A_494, %swap3A_495, %swap3A_496] : memref<3x2x1024x128xf32, #tpu.memory_space<vmem>>, vector<1x1x1024x128xf32>
      %swap3A_498 = vector.shape_cast %swap3A_497 : vector<1x1x1024x128xf32> to vector<1024x128xf32>
      %swap3A_499 = vector.shape_cast %add3A_492 : vector<1024x128xf32> to vector<1x1x1024x128xf32>
      tpu.vector_store %arg7[%swap3A_493, %swap3A_494, %swap3A_495, %swap3A_496], %swap3A_499 {strides = array<i32>} : memref<3x2x1024x128xf32, #tpu.memory_space<vmem>>, vector<1x1x1024x128xf32>,
      %get3A_500 = arith.constant 2 : index
      %get3A_501 = arith.constant 1 : index
      %get3A_502 = arith.constant 0 : index
      %get3A_503 = arith.constant 0 : index
      %get3A_504 = vector.load %arg7[%get3A_500, %get3A_501, %get3A_502, %get3A_503] : memref<3x2x1024x128xf32, #tpu.memory_space<vmem>>, vector<1x1x1024x128xf32>
      %get3A_505 = vector.shape_cast %get3A_504 : vector<1x1x1024x128xf32> to vector<1024x128xf32>
      %slice3A_506 = vector.extract_strided_slice %select_n3A_421 {offsets = [0, 0], sizes = [1024, 128], strides = [1, 1]} : vector<1024x4096xbf16> to vector<1024x128xbf16>
      %slice3A_507 = vector.extract_strided_slice %select_n3A_421 {offsets = [0, 128], sizes = [1024, 128], strides = [1, 1]} : vector<1024x4096xbf16> to vector<1024x128xbf16>
      %add3A_508 = arith.addf %slice3A_506, %slice3A_507 : vector<1024x128xbf16>
      %slice3A_509 = vector.extract_strided_slice %select_n3A_421 {offsets = [0, 256], sizes = [1024, 128], strides = [1, 1]} : vector<1024x4096xbf16> to vector<1024x128xbf16>
      %add3A_510 = arith.addf %add3A_508, %slice3A_509 : vector<1024x128xbf16>
      %slice3A_511 = vector.extract_strided_slice %select_n3A_421 {offsets = [0, 384], sizes = [1024, 128], strides = [1, 1]} : vector<1024x4096xbf16> to vector<1024x128xbf16>
      %add3A_512 = arith.addf %add3A_510, %slice3A_511 : vector<1024x128xbf16>
      %slice3A_513 = vector.extract_strided_slice %select_n3A_421 {offsets = [0, 512], sizes = [1024, 128], strides = [1, 1]} : vector<1024x4096xbf16> to vector<1024x128xbf16>
      %add3A_514 = arith.addf %add3A_512, %slice3A_513 : vector<1024x128xbf16>
      %slice3A_515 = vector.extract_strided_slice %select_n3A_421 {offsets = [0, 640], sizes = [1024, 128], strides = [1, 1]} : vector<1024x4096xbf16> to vector<1024x128xbf16>
      %add3A_516 = arith.addf %add3A_514, %slice3A_515 : vector<1024x128xbf16>
      %slice3A_517 = vector.extract_strided_slice %select_n3A_421 {offsets = [0, 768], sizes = [1024, 128], strides = [1, 1]} : vector<1024x4096xbf16> to vector<1024x128xbf16>
      %add3A_518 = arith.addf %add3A_516, %slice3A_517 : vector<1024x128xbf16>
      %slice3A_519 = vector.extract_strided_slice %select_n3A_421 {offsets = [0, 896], sizes = [1024, 128], strides = [1, 1]} : vector<1024x4096xbf16> to vector<1024x128xbf16>
      %add3A_520 = arith.addf %add3A_518, %slice3A_519 : vector<1024x128xbf16>
      %slice3A_521 = vector.extract_strided_slice %select_n3A_421 {offsets = [0, 1024], sizes = [1024, 128], strides = [1, 1]} : vector<1024x4096xbf16> to vector<1024x128xbf16>
      %add3A_522 = arith.addf %add3A_520, %slice3A_521 : vector<1024x128xbf16>
      %slice3A_523 = vector.extract_strided_slice %select_n3A_421 {offsets = [0, 1152], sizes = [1024, 128], strides = [1, 1]} : vector<1024x4096xbf16> to vector<1024x128xbf16>
      %add3A_524 = arith.addf %add3A_522, %slice3A_523 : vector<1024x128xbf16>
      %slice3A_525 = vector.extract_strided_slice %select_n3A_421 {offsets = [0, 1280], sizes = [1024, 128], strides = [1, 1]} : vector<1024x4096xbf16> to vector<1024x128xbf16>
      %add3A_526 = arith.addf %add3A_524, %slice3A_525 : vector<1024x128xbf16>
      %slice3A_527 = vector.extract_strided_slice %select_n3A_421 {offsets = [0, 1408], sizes = [1024, 128], strides = [1, 1]} : vector<1024x4096xbf16> to vector<1024x128xbf16>
      %add3A_528 = arith.addf %add3A_526, %slice3A_527 : vector<1024x128xbf16>
      %slice3A_529 = vector.extract_strided_slice %select_n3A_421 {offsets = [0, 1536], sizes = [1024, 128], strides = [1, 1]} : vector<1024x4096xbf16> to vector<1024x128xbf16>
      %add3A_530 = arith.addf %add3A_528, %slice3A_529 : vector<1024x128xbf16>
      %slice3A_531 = vector.extract_strided_slice %select_n3A_421 {offsets = [0, 1664], sizes = [1024, 128], strides = [1, 1]} : vector<1024x4096xbf16> to vector<1024x128xbf16>
      %add3A_532 = arith.addf %add3A_530, %slice3A_531 : vector<1024x128xbf16>
      %slice3A_533 = vector.extract_strided_slice %select_n3A_421 {offsets = [0, 1792], sizes = [1024, 128], strides = [1, 1]} : vector<1024x4096xbf16> to vector<1024x128xbf16>
      %add3A_534 = arith.addf %add3A_532, %slice3A_533 : vector<1024x128xbf16>
      %slice3A_535 = vector.extract_strided_slice %select_n3A_421 {offsets = [0, 1920], sizes = [1024, 128], strides = [1, 1]} : vector<1024x4096xbf16> to vector<1024x128xbf16>
      %add3A_536 = arith.addf %add3A_534, %slice3A_535 : vector<1024x128xbf16>
      %slice3A_537 = vector.extract_strided_slice %select_n3A_421 {offsets = [0, 2048], sizes = [1024, 128], strides = [1, 1]} : vector<1024x4096xbf16> to vector<1024x128xbf16>
      %add3A_538 = arith.addf %add3A_536, %slice3A_537 : vector<1024x128xbf16>
      %slice3A_539 = vector.extract_strided_slice %select_n3A_421 {offsets = [0, 2176], sizes = [1024, 128], strides = [1, 1]} : vector<1024x4096xbf16> to vector<1024x128xbf16>
      %add3A_540 = arith.addf %add3A_538, %slice3A_539 : vector<1024x128xbf16>
      %slice3A_541 = vector.extract_strided_slice %select_n3A_421 {offsets = [0, 2304], sizes = [1024, 128], strides = [1, 1]} : vector<1024x4096xbf16> to vector<1024x128xbf16>
      %add3A_542 = arith.addf %add3A_540, %slice3A_541 : vector<1024x128xbf16>
      %slice3A_543 = vector.extract_strided_slice %select_n3A_421 {offsets = [0, 2432], sizes = [1024, 128], strides = [1, 1]} : vector<1024x4096xbf16> to vector<1024x128xbf16>
      %add3A_544 = arith.addf %add3A_542, %slice3A_543 : vector<1024x128xbf16>
      %slice3A_545 = vector.extract_strided_slice %select_n3A_421 {offsets = [0, 2560], sizes = [1024, 128], strides = [1, 1]} : vector<1024x4096xbf16> to vector<1024x128xbf16>
      %add3A_546 = arith.addf %add3A_544, %slice3A_545 : vector<1024x128xbf16>
      %slice3A_547 = vector.extract_strided_slice %select_n3A_421 {offsets = [0, 2688], sizes = [1024, 128], strides = [1, 1]} : vector<1024x4096xbf16> to vector<1024x128xbf16>
      %add3A_548 = arith.addf %add3A_546, %slice3A_547 : vector<1024x128xbf16>
      %slice3A_549 = vector.extract_strided_slice %select_n3A_421 {offsets = [0, 2816], sizes = [1024, 128], strides = [1, 1]} : vector<1024x4096xbf16> to vector<1024x128xbf16>
      %add3A_550 = arith.addf %add3A_548, %slice3A_549 : vector<1024x128xbf16>
      %slice3A_551 = vector.extract_strided_slice %select_n3A_421 {offsets = [0, 2944], sizes = [1024, 128], strides = [1, 1]} : vector<1024x4096xbf16> to vector<1024x128xbf16>
      %add3A_552 = arith.addf %add3A_550, %slice3A_551 : vector<1024x128xbf16>
      %slice3A_553 = vector.extract_strided_slice %select_n3A_421 {offsets = [0, 3072], sizes = [1024, 128], strides = [1, 1]} : vector<1024x4096xbf16> to vector<1024x128xbf16>
      %add3A_554 = arith.addf %add3A_552, %slice3A_553 : vector<1024x128xbf16>
      %slice3A_555 = vector.extract_strided_slice %select_n3A_421 {offsets = [0, 3200], sizes = [1024, 128], strides = [1, 1]} : vector<1024x4096xbf16> to vector<1024x128xbf16>
      %add3A_556 = arith.addf %add3A_554, %slice3A_555 : vector<1024x128xbf16>
      %slice3A_557 = vector.extract_strided_slice %select_n3A_421 {offsets = [0, 3328], sizes = [1024, 128], strides = [1, 1]} : vector<1024x4096xbf16> to vector<1024x128xbf16>
      %add3A_558 = arith.addf %add3A_556, %slice3A_557 : vector<1024x128xbf16>
      %slice3A_559 = vector.extract_strided_slice %select_n3A_421 {offsets = [0, 3456], sizes = [1024, 128], strides = [1, 1]} : vector<1024x4096xbf16> to vector<1024x128xbf16>
      %add3A_560 = arith.addf %add3A_558, %slice3A_559 : vector<1024x128xbf16>
      %slice3A_561 = vector.extract_strided_slice %select_n3A_421 {offsets = [0, 3584], sizes = [1024, 128], strides = [1, 1]} : vector<1024x4096xbf16> to vector<1024x128xbf16>
      %add3A_562 = arith.addf %add3A_560, %slice3A_561 : vector<1024x128xbf16>
      %slice3A_563 = vector.extract_strided_slice %select_n3A_421 {offsets = [0, 3712], sizes = [1024, 128], strides = [1, 1]} : vector<1024x4096xbf16> to vector<1024x128xbf16>
      %add3A_564 = arith.addf %add3A_562, %slice3A_563 : vector<1024x128xbf16>
      %slice3A_565 = vector.extract_strided_slice %select_n3A_421 {offsets = [0, 3840], sizes = [1024, 128], strides = [1, 1]} : vector<1024x4096xbf16> to vector<1024x128xbf16>
      %add3A_566 = arith.addf %add3A_564, %slice3A_565 : vector<1024x128xbf16>
      %slice3A_567 = vector.extract_strided_slice %select_n3A_421 {offsets = [0, 3968], sizes = [1024, 128], strides = [1, 1]} : vector<1024x4096xbf16> to vector<1024x128xbf16>
      %add3A_568 = arith.addf %add3A_566, %slice3A_567 : vector<1024x128xbf16>
      %convert_element_type3A_569 = arith.extf %add3A_568 : vector<1024x128xbf16> to vector<1024x128xf32>
      %add3A_570 = arith.addf %get3A_505, %convert_element_type3A_569 : vector<1024x128xf32>
      %swap3A_571 = arith.constant 2 : index
      %swap3A_572 = arith.constant 1 : index
      %swap3A_573 = arith.constant 0 : index
      %swap3A_574 = arith.constant 0 : index
      %swap3A_575 = vector.load %arg7[%swap3A_571, %swap3A_572, %swap3A_573, %swap3A_574] : memref<3x2x1024x128xf32, #tpu.memory_space<vmem>>, vector<1x1x1024x128xf32>
      %swap3A_576 = vector.shape_cast %swap3A_575 : vector<1x1x1024x128xf32> to vector<1024x128xf32>
      %swap3A_577 = vector.shape_cast %add3A_570 : vector<1024x128xf32> to vector<1x1x1024x128xf32>
      tpu.vector_store %arg7[%swap3A_571, %swap3A_572, %swap3A_573, %swap3A_574], %swap3A_577 {strides = array<i32>} : memref<3x2x1024x128xf32, #tpu.memory_space<vmem>>, vector<1x1x1024x128xf32>,
    } else {
    }
    return
  }
  func.func @transform_0(%arg0: i32) -> (i32, i32) {
    %c0_i32 = arith.constant 0 : i32
    %c0_i32_0 = arith.constant 0 : i32
    %c0_i32_1 = arith.constant 0 : i32
    return %c0_i32, %c0_i32_0 : i32, i32
  }
  func.func @transform_1(%arg0: i32) -> (i32, i32) {
    %c0_i32 = arith.constant 0 : i32
    %c0_i32_0 = arith.constant 0 : i32
    %c0_i32_1 = arith.constant 0 : i32
    return %c0_i32, %c0_i32_0 : i32, i32
  }
  func.func @transform_2(%arg0: i32) -> (i32, i32) {
    %c0_i32 = arith.constant 0 : i32
    %c0_i32_0 = arith.constant 0 : i32
    %c0_i32_1 = arith.constant 0 : i32
    return %c0_i32, %c0_i32_0 : i32, i32
  }
  func.func @transform_3(%arg0: i32) -> (i32, i32) {
    %c0_i32 = arith.constant 0 : i32
    %c0_i32_0 = arith.constant 0 : i32
    return %arg0, %c0_i32 : i32, i32
  }
  func.func @transform_4(%arg0: i32) -> (i32, i32) {
    %c0_i32 = arith.constant 0 : i32
    %c0_i32_0 = arith.constant 0 : i32
    return %arg0, %c0_i32 : i32, i32
  }
  func.func @transform_5(%arg0: i32) -> (i32, i32) {
    %c0_i32 = arith.constant 0 : i32
    %c0_i32_0 = arith.constant 0 : i32
    return %arg0, %c0_i32 : i32, i32
  }
  func.func @transform_6(%arg0: i32) -> (i32, i32, i32, i32) {
    %c0_i32 = arith.constant 0 : i32
    %c0_i32_0 = arith.constant 0 : i32
    %c0_i32_1 = arith.constant 0 : i32
    %c0_i32_2 = arith.constant 0 : i32
    %c0_i32_3 = arith.constant 0 : i32
    return %c0_i32, %c0_i32_0, %c0_i32_1, %c0_i32_2 : i32, i32, i32, i32
  }
}

</mosaic_0001>

<sc_bundles>
// kernel: kernel.5.cloned.1.call-start
scs
__scs_entry_jumppad:
0x0: {  	(pc) =	sbr.rel $0x88, $3  }
0x1: {  	(tag) =	ssettag $0x0;
	lr =	simm.s32 $0x1  }
0x2: {  	[smem:$0x3F9A] =	sst lr;
	_ =	strace $0xD0000000  }
0x3: {  	_ = 	snop  }
0x4: {  	_ = 	snop  }
0x5: {  	_ = 	snop  }
0x6: {  	_ = 	snop  }
0x7: {  	_ = 	snop  }
__scs_overlays_trampoline_lowered:
0x8: {  	[smem:$0x3FA9] =	sst s0  }
0x9: {  	[smem:$0x3FAA] =	sst s1  }
0xa: {  	[smem:$0x3FAB] =	sst s2  }
0xb: {  	[smem:$0x3FAC] =	sst s3  }
0xc: {  	[smem:$0x3FAD] =	sst s4  }
0xd: {  	[smem:$0x3FAE] =	sst s5  }
0xe: {  	[smem:$0x3FAF] =	sst s6  }
0xf: {  	[smem:$0x3FB0] =	sst s7  }
0x10: {  	[smem:$0x3FB1] =	sst s8  }
0x11: {  	[smem:$0x3FB2] =	sst s9;
	s0 =	simm.s32 @!p0 $0x0  }
0x12: {  	s1 =	sld [smem:$0x3F98];
	s0 =	simm.s32 @p0 $0x1  }
0x13: {  	[smem:$0x3FB3] =	sst s0;
	s0 =	simm.s32 @!p1 $0x0  }
0x14: {  	s2 =	sld [smem:$0x3F97];
	s0 =	simm.s32 @p1 $0x1  }
0x15: {  	[smem:$0x3FB4] =	sst s0;
	s0 =	simm.s32 @!p2 $0x0  }
0x16: {  	s3 =	sld [smem:$0x3FDB];
	s0 =	simm.s32 @p2 $0x1  }
0x17: {  	s4 =	simm.s32 $0x1BF5;
	[smem:$0x3FB6] =	sst s0  }
0x18: {  	s0 =	sld [smem:$0x3F99];
	_ =	swait.ge [sflag:s4], $0x0  }
0x19: {  	s7 =	sld [smem:$0x3F9A]  }
0x1a: {  	s8 =	sadd.s32 $0xFFFFE003, lr  }
0x1b: {  	s9 =	sadd.s32 $0xFFFFFEF7, lr;
	s5 =	simm.s32 $0xFFFFFFFF;
	p2 =	slt.u32 s8, $0xFFFFF086  }
0x1c: {  	p1 =	slt.u32 s9, $0xF7A;
	s5 =	simm.s32 @!p2 $0x0  }
0x1d: {  	s5 =	simm.s32 @p1 $0x1;
	p0 =	seq.s32 s7, s2  }
0x1e: {  	s7 =	smul.u32 @!p0 $0xF7A, s2;
	p2 =	seq.s32 @!p0 s5, $0x0  }
0x1f: {  	s9 =	smul.u32 $0xF7A, s1;
	s8 =	simm.s32 @!p0 $0x1BF5;
	p2 =	por !p2, p0  }
0x20: {  	[sflag:s8] =	ssyncset.s32 @!p0 $0xFFFFF086;
	s6 =	sadd.s32 @!p0 s3, s7;
	s7 =	simm.s32 @!p0 $0x108  }
0x21: {  	s3 =	sadd.s32 s3, s9;
	s6 =	sadd.s32 @!p0 $0x88, s6;
	s7 =	simm.s32 @p2 $0x1082  }
0x22: {  	[simem:s7], [sflag:s8] =	dma.local @!p0 [hbm:s6], $0xF7A  }
0x23: {  	s9 =	sor.u32 $0xD0000000, s2;
	s6 =	simm.s32 $0x108;
	_ =	swait.ge @!p0 [sflag:s8], $0x0  }
0x24: {  	s3 =	sadd.s32 $0x88, s3;
	s6 =	simm.s32 @!p1 $0x1082;
	[sflag:s4] =	ssyncset.s32 $0xFFFFF086  }
0x25: {  	[simem:s6], [sflag:s4] =	dma.local [hbm:s3], $0xF7A  }
0x26: {  	[smem:$0x3F9A] =	sst s1;
	(tag) =	ssettag s2;
	_ =	strace s9  }
0x27: {  	s1 =	sld [smem:$0x3FAA]  }
0x28: {  	s2 =	sld [smem:$0x3FAB]  }
0x29: {  	s4 =	sld [smem:$0x3FAD]  }
0x2a: {  	p0 =	seq.s32 s5, $0x0;
	s5 =	sld [smem:$0x3FAE]  }
0x2b: {  	s6 =	sld [smem:$0x3FAF]  }
0x2c: {  	s7 =	sld [smem:$0x3FB0]  }
0x2d: {  	s3 =	simm.s32 $0x108;
	s8 =	sld [smem:$0x3FB1]  }
0x2e: {  	s3 =	simm.s32 @!p0 $0x1082;
	s9 =	sld [smem:$0x3FB2]  }
0x2f: {  	lr =	sadd.s32 s0, s3;
	s0 =	sld [smem:$0x3FA9]  }
0x30: {  	s3 =	sld [smem:$0x3FAC]  }
0x31: {  	[smem:$0x3FB5] =	sst s10  }
0x32: {  	s10 =	sld [smem:$0x3FB3];
	_ =	sdelay $0x3  }
0x33: {  	p0 =	seq.s32 s10, $0x1;
	s10 =	sld [smem:$0x3FB5];
	_ =	sdelay $0x3  }
0x34: {  	[smem:$0x3FB5] =	sst s10  }
0x35: {  	s10 =	sld [smem:$0x3FB4];
	_ =	sdelay $0x3  }
0x36: {  	p1 =	seq.s32 s10, $0x1;
	s10 =	sld [smem:$0x3FB5];
	_ =	sdelay $0x3  }
0x37: {  	[smem:$0x3FB5] =	sst s10  }
0x38: {  	s10 =	sld [smem:$0x3FB6]  }
0x39: {  	_ = 	snop;
	(pc) =	sbr.ind lr, $3  }
0x3a: {  	_ = 	snop  }
0x3b: {  	_ = 	snop  }
0x3c: {  	p2 =	seq.s32 s10, $0x1;
	s10 =	sld [smem:$0x3FB5]  }
0x3d: {  	_ =	shalt  }
0x3e: {  	_ =	shalt  }
0x3f: {  	_ =	shalt  }
0x40: {  	_ =	shalt  }
0x41: {  	_ =	shalt  }
0x42: {  	_ =	shalt  }
0x43: {  	_ =	shalt  }
0x44: {  	_ =	shalt  }
0x45: {  	_ =	shalt  }
0x46: {  	_ =	shalt  }
0x47: {  	_ =	shalt  }
0x48: {  	_ =	shalt  }
0x49: {  	_ =	shalt  }
0x4a: {  	_ =	shalt  }
0x4b: {  	_ =	shalt  }
0x4c: {  	_ =	shalt  }
0x4d: {  	_ =	shalt  }
0x4e: {  	_ =	shalt  }
0x4f: {  	_ =	shalt  }
0x50: {  	_ =	shalt  }
0x51: {  	_ =	shalt  }
0x52: {  	_ =	shalt  }
0x53: {  	_ =	shalt  }
0x54: {  	_ =	shalt  }
0x55: {  	_ =	shalt  }
0x56: {  	_ =	shalt  }
0x57: {  	_ =	shalt  }
0x58: {  	_ =	shalt  }
0x59: {  	_ =	shalt  }
0x5a: {  	_ =	shalt  }
0x5b: {  	_ =	shalt  }
0x5c: {  	_ =	shalt  }
0x5d: {  	_ =	shalt  }
0x5e: {  	_ =	shalt  }
0x5f: {  	_ =	shalt  }
0x60: {  	_ =	shalt  }
0x61: {  	_ =	shalt  }
0x62: {  	_ =	shalt  }
0x63: {  	_ =	shalt  }
0x64: {  	_ =	shalt  }
0x65: {  	_ =	shalt  }
0x66: {  	_ =	shalt  }
0x67: {  	_ =	shalt  }
0x68: {  	_ =	shalt  }
0x69: {  	_ =	shalt  }
0x6a: {  	_ =	shalt  }
0x6b: {  	_ =	shalt  }
0x6c: {  	_ =	shalt  }
0x6d: {  	_ =	shalt  }
0x6e: {  	_ =	shalt  }
0x6f: {  	_ =	shalt  }
0x70: {  	_ =	shalt  }
0x71: {  	_ =	shalt  }
0x72: {  	_ =	shalt  }
0x73: {  	_ =	shalt  }
0x74: {  	_ =	shalt  }
0x75: {  	_ =	shalt  }
0x76: {  	_ =	shalt  }
0x77: {  	_ =	shalt  }
0x78: {  	_ =	shalt  }
0x79: {  	_ =	shalt  }
0x7a: {  	_ =	shalt  }
0x7b: {  	_ =	shalt  }
0x7c: {  	_ =	shalt  }
0x7d: {  	_ =	shalt  }
0x7e: {  	_ =	shalt  }
0x7f: {  	_ =	shalt  }
0x80: {  	_ =	shalt  }
0x81: {  	_ =	shalt  }
0x82: {  	_ =	shalt  }
0x83: {  	_ =	shalt  }
0x84: {  	_ =	shalt  }
0x85: {  	_ =	shalt  }
0x86: {  	_ =	shalt  }
0x87: {  	_ =	shalt  }
.Lfunc_end0:
.L_simem_size_0:
called_computation_lowered:
.L_overlay_start_0:
0x88: {  	s2 =	sld [smem:$0x3FD9]  }
0x89: {  	s3 =	sld [smem:$0x3FFE];
	_ =	sdelay $0x1  }
0x8a: {  	s1 =	srdreg.scid  }
0x8b: {  	s0 =	sand.u32 $0x1, s1  }
0x8c: {  	s17 =	sshll.u32 s0, $0xA;
	s2 =	sadd.s32 s3, s2  }
0x8d: {  	s2 =	sadd.s32 s2, s17  }
0x8e: {  	[smem:$0x3FC1] =	sst s2  }
0x8f: {  	_ = 	snop  }
0x90: {  	s2 =	sld [smem:$0x3FC6]  }
0x91: {  	s18 =	sld [smem:$0x3FC5]  }
0x92: {  	s4 =	sld [smem:$0x3FC4]  }
0x93: {  	s5 =	sld [smem:$0x3FC3];
	(tm) =	ssettm $0x1  }
0x94: {  	s6 =	sld [smem:$0x3FFB];
	_ =	sdelay $0x3  }
0x95: {  	_ =	strace s6  }
0x96: {  	s6 =	sld [smem:$0x3FFC];
	_ =	sdelay $0x3  }
0x97: {  	_ =	strace s6  }
0x98: {  	s6 =	sld [smem:$0x3FFD];
	_ =	sdelay $0x3  }
0x99: {  	_ =	strace s6  }
0x9a: {  	_ =	strace $0x8FFFFFFF  }
0x9b: {  	s19 =	sld [smem:$0x3FDB];
	_ =	sdelay $0x1  }
0x9c: {  	s7 =	simm.s32 $_scs_section_size  }
0x9d: {  	s8 =	simm.s32 $_size__tile_overlayer_lowered;
	s9 =	simm.s32 $_tile_overlayer_lowered  }
0x9e: {  	s22 =	simm.s32 $0x1BFF;
	s21 =	sshll.u32 s9, $0x1;
	s6 =	sadd.s32 s7, s19  }
0x9f: {  	s10 =	simm.s32 $0x0;
	s20 =	sshll.u32 s8, $0x1;
	s8 =	sadd.s32 s21, s6  }
0xa0: {  	[timem:s10], [sflag:s22] =	dma.local [hbm:s8], s20  }
0xa1: {  	_ =	swait.ge [sflag:s22], s20  }
0xa2: {  	s7 =	ssub.s32 $0x0, s20;
	[sflag:s22] =	ssyncset.done $0x0  }
0xa3: {  	[sflag:s22] =	ssyncadd.s32 s7;
	_ =	sdelay $0x1  }
0xa4: {  	s23 =	simm.s32 $0x1B8B  }
0xa5: {  	_ =	swait.ge [sflag:s23], $0x1  }
0xa6: {  	[sflag:s23] =	ssyncset.done $0x0  }
0xa7: {  	s25 =	simm.s32 $0x1B8E;
	s24 =	sld [smem:$0x3FFE];
	[sflag:s23] =	ssyncadd.s32 $0xFFFFFFFF  }
0xa8: {  	s26 =	simm.s32 $execute0_lowered;
	[smem:$0x3FD2] =	sst s25  }
0xa9: {  	s8 =	sshll.u32 s26, $0x1;
	_ =	strace $0x80000046;
	[dreg:$0x1] =	wrdreg $0xFFFFFFFF  }
0xaa: {  	s28 =	simm.s32 $_size_execute0_lowered;
	s6 =	sadd.s32 s6, s8;
	[dreg:$0x0] =	wrdreg $0x0  }
0xab: {  	s8 =	sshll.u32 s28, $0x1;
	[dreg:$0x2] =	wrdreg s6  }
0xac: {  	[dreg:$0x3] =	wrdreg s8  }
0xad: {  	[dreg:$0x4] =	wrdreg $0xC0  }
0xae: {  	_ =	task [dreg:s10], $0x5FFFF  }
0xaf: {  	[dreg:$0x1] =	wrdreg $0xFFFFFFFF  }
0xb0: {  	[dreg:$0x0] =	wrdreg $0x60  }
0xb1: {  	[dreg:$0x2] =	wrdreg s18  }
0xb2: {  	[dreg:$0x3] =	wrdreg s4  }
0xb3: {  	[dreg:$0x4] =	wrdreg s5  }
0xb4: {  	[dreg:$0x5] =	wrdreg s2  }
0xb5: {  	[dreg:$0x6] =	wrdreg s24  }
0xb6: {  	[dreg:$0x7] =	wrdreg $0x9  }
0xb7: {  	_ =	task.clear_ibuf [dreg:s10], $0x8FFFF;
	_ =	strace $0x90000046  }
0xb8: {  	s29 =	simm.s32 $0x9;
	_ =	strace $0x8000005D  }
0xb9: {  	_ =	swait.ge [sflag:s29], $0x1  }
0xba: {  	[sflag:s29] =	ssyncadd.s32 $0xFFFFFFFF  }
0xbb: {  	_ =	strace $0x9000005D  }
0xbc: {  	_ =	sfence  }
0xbd: {  	s30 =	sld [smem:$0x0];
	_ =	sdelay $0x2  }
0xbe: {  	s31 =	sshll.u32 s1, $0xD;
	s1 =	sshrl.u32 s1, $0x2  }
0xbf: {  	s3 =	sand.u32 $0x4000, s31;
	s1 =	sadd.s32 s1, s30  }
0xc0: {  	s0 =	sor.u32 s3, s0;
	s1 =	sshll.u32 s1, $0x11  }
0xc1: {  	s0 =	sor.u32 s1, s0  }
0xc2: {  	s0 =	sadd.s32 $0x8F2B, s0  }
0xc3: {  	[sflag:s0] =	ssyncadd.remote.s32 $0x1  }
0xc4: {  	_ =	sfence.sel $0xFFFF  }
0xc5: {  	[dreg:$0x0] =	wrdreg $0xFFFFFFFF;
	(pc) =	sbr.abs _section_cstart, $3  }
0xc6: {  	[dreg:$0x1] =	wrdreg $0xFFFFFFFF  }
0xc7: {  	_ =	task.clear_ibuf [dreg:s10], $0x2FFFF;
	_ =	strace $0x9FFFFFFF  }
0xc8: {  	(tm) =	ssettm $0x7FFFFFFF  }
0xc9: {  	_ =	shalt  }
tec
execute0_lowered:
.L_overlay_start_1:
0x0: {  	(tag) =	ssettag $0x1  }
0x1: {  	s0 =	srdreg.scid  }
0x2: {  	s15 =	sand.u32 $0x1, s0  }
0x3: {  	s1 =	stileid.u32;
	s7 =	sshll.u32 s15, $0x4  }
0x4: {  	s2 =	rddreg [dreg:$0x0];
	s7 =	sor.u32 s1, s7  }
0x5: {  	s3 =	rddreg [dreg:$0x1];
	p0 =	sgt.u32 s7, $0x7  }
.Ltmp0:
0x6: {  	s4 =	rddreg [dreg:$0x2];
	(pc) =	sbr.rel @p0 .LBB2_4-.Ltmp0, $4  }
0x7: {  	s6 =	rddreg [dreg:$0x3]  }
0x8: {  	s11 =	rddreg [dreg:$0x4];
	s5 =	simm.s32 $0x0  }
0x9: {  	[smem:$0x7FF] =	sst s5  }
0xa: {  	s0 =	rddreg [dreg:$0x5];
	_ =	strace $0x80000047  }
0xb: {  	s12 =	smin.u32 s7, $0x8  }
0xc: {  	s7 =	sshll.u32 s12, $0x4  }
0xd: {  	_ =	strace $0x80000048;
	s6 =	sadd.s32 s6, s7  }
0xe: {  	[tilespmem:s5], [sflag:$0x1] =	stream.linear.gather [hbm4b:s6+s5], $0x80, $0x200038;
	[tilespmem:$0x8100] =	vst v63  }
0xf: {  	_ =	strace $0x90000048  }
0x10: {  	s7 =	simm.s32 $0x1;
	_ =	strace $0x8000004A  }
0x11: {  	_ =	swait.ge [sflag:s7], $0x80  }
0x12: {  	[sflag:s7] =	ssyncset.done $0x0  }
0x13: {  	[sflag:s7] =	ssyncadd.s32 $0xFFFFFF80  }
0x14: {  	s8 =	simm.s32 $0x80;
	_ =	strace $0x9000004A  }
0x15: {  	s9 =	simm.s32 $0x100;
	s10 =	simm.s32 $0x5;
	_ =	strace $0x8000004B  }
0x16: {  	[tilespmem:s9], [sflag:$0x5] =	stream.indirect.gather [hbm4b:s2+s8], $0x80, s5, s8, $0x2000b8;
	[tilespmem:$0x8100] =	vst v63  }
0x17: {  	_ =	swait.ge [sflag:s10], $0x4000  }
0x18: {  	[sflag:s10] =	ssyncset.done $0x0  }
0x19: {  	s12 =	sshll.u32 s12, $0xB;
	[sflag:s10] =	ssyncadd.s32 $0xFFFFC000  }
0x1a: {  	s14 =	sadd.s32 s12, s11;
	_ =	strace $0x9000004B  }
0x1b: {  	s11 =	sadd.s32 $0x1400, s14;
	_ =	strace $0x8000004C  }
0x1c: {  	[hbm4b:s11+s5] =	stream.linear.scatter [tilespmem:s9], [sflag:$0x3], $0x4000, $0x200038;
	[tilespmem:$0x8100] =	vst v63  }
0x1d: {  	_ =	strace $0x9000004C  }
0x1e: {  	s12 =	simm.s32 $0x3;
	_ =	strace $0x8000004E  }
0x1f: {  	_ =	swait.ge [sflag:s12], $0x4000  }
0x20: {  	[sflag:s12] =	ssyncset.done $0x0  }
0x21: {  	[sflag:s12] =	ssyncadd.s32 $0xFFFFC000  }
0x22: {  	_ =	strace $0x9000004E  }
0x23: {  	_ =	strace $0x8000004F  }
0x24: {  	[tilespmem:s5], [sflag:$0x1] =	stream.linear.gather [hbm4b:s6+s5], $0x80, $0x200038;
	[tilespmem:$0x8100] =	vst v63  }
0x25: {  	_ =	strace $0x9000004F  }
0x26: {  	_ =	strace $0x80000051  }
0x27: {  	_ =	swait.ge [sflag:s7], $0x80  }
0x28: {  	[sflag:s7] =	ssyncset.done $0x0  }
0x29: {  	[sflag:s7] =	ssyncadd.s32 $0xFFFFFF80  }
0x2a: {  	_ =	strace $0x90000051  }
0x2b: {  	_ =	strace $0x80000052  }
0x2c: {  	[tilespmem:s9], [sflag:$0x5] =	stream.indirect.gather [hbm4b:s3+s8], $0x80, s5, s8, $0x2000b8;
	[tilespmem:$0x8100] =	vst v63  }
0x2d: {  	_ =	swait.ge [sflag:s10], $0x4000  }
0x2e: {  	[sflag:s10] =	ssyncset.done $0x0  }
0x2f: {  	[sflag:s10] =	ssyncadd.s32 $0xFFFFC000  }
0x30: {  	_ =	strace $0x90000052  }
0x31: {  	s13 =	sadd.s32 $0x5400, s14;
	_ =	strace $0x80000053  }
0x32: {  	[hbm4b:s13+s5] =	stream.linear.scatter [tilespmem:s9], [sflag:$0x3], $0x4000, $0x200038;
	[tilespmem:$0x8100] =	vst v63  }
0x33: {  	_ =	strace $0x90000053  }
0x34: {  	_ =	strace $0x80000055  }
0x35: {  	_ =	swait.ge [sflag:s12], $0x4000  }
0x36: {  	[sflag:s12] =	ssyncset.done $0x0  }
0x37: {  	[sflag:s12] =	ssyncadd.s32 $0xFFFFC000  }
0x38: {  	_ =	strace $0x90000055  }
0x39: {  	_ =	strace $0x80000056  }
0x3a: {  	[tilespmem:s5], [sflag:$0x1] =	stream.linear.gather [hbm4b:s6+s5], $0x80, $0x200038;
	[tilespmem:$0x8100] =	vst v63  }
0x3b: {  	_ =	strace $0x90000056  }
0x3c: {  	_ =	strace $0x80000058  }
0x3d: {  	_ =	swait.ge [sflag:s7], $0x80  }
0x3e: {  	[sflag:s7] =	ssyncset.done $0x0  }
0x3f: {  	[sflag:s7] =	ssyncadd.s32 $0xFFFFFF80  }
0x40: {  	_ =	strace $0x90000058  }
0x41: {  	_ =	strace $0x80000059  }
0x42: {  	[tilespmem:s9], [sflag:$0x5] =	stream.indirect.gather [hbm4b:s4+s8], $0x80, s5, s8, $0x2000b8;
	[tilespmem:$0x8100] =	vst v63  }
0x43: {  	s15 =	ssub.s32 $0x2, s15;
	_ =	swait.ge [sflag:s10], $0x4000  }
0x44: {  	s16 =	sshrl.u32 s15, $0x1;
	[sflag:s10] =	ssyncset.done $0x0  }
0x45: {  	s15 =	ssub.s32 s15, s16;
	[sflag:s10] =	ssyncadd.s32 $0xFFFFC000  }
0x46: {  	s15 =	smax.u32 s15, $0x1;
	_ =	strace $0x90000059  }
0x47: {  	s14 =	sadd.s32 $0x9400, s14;
	p0 =	sne.s32 s15, $0x1;
	_ =	strace $0x8000005A  }
0x48: {  	[hbm4b:s14+s5] =	stream.linear.scatter [tilespmem:s9], [sflag:$0x3], $0x4000, $0x200038;
	[tilespmem:$0x8100] =	vst v63  }
.Ltmp1:
0x49: {  	_ =	strace $0x9000005A;
	(pc) =	sbr.rel @!p0 .LBB2_3-.Ltmp1, $4  }
0x4a: {  	_ =	strace $0x8000005C  }
0x4b: {  	_ =	swait.ge [sflag:s12], $0x4000  }
0x4c: {  	[sflag:s12] =	ssyncset.done $0x0  }
0x4d: {  	s15 =	sadd.s32 $0xFFFFFFFF, s15;
	[sflag:s12] =	ssyncadd.s32 $0xFFFFC000  }
.LBB2_2:
0x4e: {  	p0 =	sne.s32 s15, $0x1;
	s15 =	sadd.s32 $0xFFFFFFFF, s15;
	_ =	strace $0x9000005C  }
0x4f: {  	_ =	strace $0x80000048  }
0x50: {  	[tilespmem:s5], [sflag:$0x1] =	stream.linear.gather [hbm4b:s6+s5], $0x80, $0x200038;
	[tilespmem:$0x8100] =	vst v63  }
0x51: {  	_ =	strace $0x90000048  }
0x52: {  	_ =	strace $0x8000004A  }
0x53: {  	_ =	swait.ge [sflag:s7], $0x80  }
0x54: {  	[sflag:s7] =	ssyncset.done $0x0  }
0x55: {  	[sflag:s7] =	ssyncadd.s32 $0xFFFFFF80  }
0x56: {  	_ =	strace $0x9000004A  }
0x57: {  	_ =	strace $0x8000004B  }
0x58: {  	[tilespmem:s9], [sflag:$0x5] =	stream.indirect.gather [hbm4b:s2+s8], $0x80, s5, s8, $0x2000b8;
	[tilespmem:$0x8100] =	vst v63  }
0x59: {  	_ =	swait.ge [sflag:s10], $0x4000  }
0x5a: {  	[sflag:s10] =	ssyncset.done $0x0  }
0x5b: {  	[sflag:s10] =	ssyncadd.s32 $0xFFFFC000  }
0x5c: {  	_ =	strace $0x9000004B  }
0x5d: {  	_ =	strace $0x8000004C  }
0x5e: {  	[hbm4b:s11+s5] =	stream.linear.scatter [tilespmem:s9], [sflag:$0x3], $0x4000, $0x200038;
	[tilespmem:$0x8100] =	vst v63  }
0x5f: {  	_ =	strace $0x9000004C  }
0x60: {  	_ =	strace $0x8000004E  }
0x61: {  	_ =	swait.ge [sflag:s12], $0x4000  }
0x62: {  	[sflag:s12] =	ssyncset.done $0x0  }
0x63: {  	[sflag:s12] =	ssyncadd.s32 $0xFFFFC000  }
0x64: {  	_ =	strace $0x9000004E  }
0x65: {  	_ =	strace $0x8000004F  }
0x66: {  	[tilespmem:s5], [sflag:$0x1] =	stream.linear.gather [hbm4b:s6+s5], $0x80, $0x200038;
	[tilespmem:$0x8100] =	vst v63  }
0x67: {  	_ =	strace $0x9000004F  }
0x68: {  	_ =	strace $0x80000051  }
0x69: {  	_ =	swait.ge [sflag:s7], $0x80  }
0x6a: {  	[sflag:s7] =	ssyncset.done $0x0  }
0x6b: {  	[sflag:s7] =	ssyncadd.s32 $0xFFFFFF80  }
0x6c: {  	_ =	strace $0x90000051  }
0x6d: {  	_ =	strace $0x80000052  }
0x6e: {  	[tilespmem:s9], [sflag:$0x5] =	stream.indirect.gather [hbm4b:s3+s8], $0x80, s5, s8, $0x2000b8;
	[tilespmem:$0x8100] =	vst v63  }
0x6f: {  	_ =	swait.ge [sflag:s10], $0x4000  }
0x70: {  	[sflag:s10] =	ssyncset.done $0x0  }
0x71: {  	[sflag:s10] =	ssyncadd.s32 $0xFFFFC000  }
0x72: {  	_ =	strace $0x90000052  }
0x73: {  	_ =	strace $0x80000053  }
0x74: {  	[hbm4b:s13+s5] =	stream.linear.scatter [tilespmem:s9], [sflag:$0x3], $0x4000, $0x200038;
	[tilespmem:$0x8100] =	vst v63  }
0x75: {  	_ =	strace $0x90000053  }
0x76: {  	_ =	strace $0x80000055  }
0x77: {  	_ =	swait.ge [sflag:s12], $0x4000  }
0x78: {  	[sflag:s12] =	ssyncset.done $0x0  }
0x79: {  	[sflag:s12] =	ssyncadd.s32 $0xFFFFC000  }
0x7a: {  	_ =	strace $0x90000055  }
0x7b: {  	_ =	strace $0x80000056  }
0x7c: {  	[tilespmem:s5], [sflag:$0x1] =	stream.linear.gather [hbm4b:s6+s5], $0x80, $0x200038;
	[tilespmem:$0x8100] =	vst v63  }
0x7d: {  	_ =	strace $0x90000056  }
0x7e: {  	_ =	strace $0x80000058  }
0x7f: {  	_ =	swait.ge [sflag:s7], $0x80  }
0x80: {  	[sflag:s7] =	ssyncset.done $0x0  }
0x81: {  	[sflag:s7] =	ssyncadd.s32 $0xFFFFFF80  }
0x82: {  	_ =	strace $0x90000058  }
0x83: {  	_ =	strace $0x80000059  }
0x84: {  	[tilespmem:s9], [sflag:$0x5] =	stream.indirect.gather [hbm4b:s4+s8], $0x80, s5, s8, $0x2000b8;
	[tilespmem:$0x8100] =	vst v63  }
0x85: {  	_ =	swait.ge [sflag:s10], $0x4000  }
0x86: {  	[sflag:s10] =	ssyncset.done $0x0  }
0x87: {  	[sflag:s10] =	ssyncadd.s32 $0xFFFFC000  }
0x88: {  	_ =	strace $0x90000059  }
0x89: {  	_ =	strace $0x8000005A  }
0x8a: {  	[hbm4b:s14+s5] =	stream.linear.scatter [tilespmem:s9], [sflag:$0x3], $0x4000, $0x200038;
	[tilespmem:$0x8100] =	vst v63  }
.Ltmp2:
0x8b: {  	_ =	strace $0x9000005A;
	(pc) =	sbr.rel @p0 .LBB2_2-.Ltmp2, $4  }
0x8c: {  	_ =	strace $0x8000005C  }
0x8d: {  	_ =	swait.ge [sflag:s12], $0x4000  }
0x8e: {  	[sflag:s12] =	ssyncset.done $0x0  }
0x8f: {  	[sflag:s12] =	ssyncadd.s32 $0xFFFFC000  }
.LBB2_3:
0x90: {  	_ =	strace $0x9000005C  }
.LBB2_4:
0x91: {  	_ =	sfence.sel $0x180000  }
0x92: {  	[bflag:$0x0] =	sbarrier.arrive $0xFFFF  }
0x93: {  	p0 =	sne.s32 s1, $0x0;
	_ =	strace $0x90000047  }
0x94: {  	s0 =	sadd.s32 @!p0 $0x100000, s0;
	[bflag:$0x2] =	sbarrier.arrive $0xFFFF  }
0x95: {  	[sflag:s0] =	ssyncadd.tile.s32 @!p0 $0x1;
	_ =	shalt  }
.Lfunc_end2:
_tile_overlayer_lowered:
.L_overlay_start_2:
0x96: {  	(tag) =	ssettag $0x2  }
0x97: {  	s0 =	rddreg [dreg:$0x0];
	s2 =	stileid.u32  }
0x98: {  	s1 =	rddreg [dreg:$0x1];
	p0 =	sne.s32 s2, $0x0  }
0x99: {  	s3 =	rddreg [dreg:$0x2];
	[bflag:$0x3] =	sbarrier.arrive $0xFFFF;
	s2 =	simm.s32 @!p0 $0x1C01  }
0x9a: {  	[timem:s3], [sflag:s2] =	dma.local @!p0 [hbm:s0], s1  }
0x9b: {  	s0 =	simm.s32 @!p0 $0x1  }
0x9c: {  	_ =	swait.ge @!p0 [sflag:s0], s1  }
0x9d: {  	s1 =	ssub.s32 @!p0 $0x0, s1;
	[sflag:s0] =	ssyncset.done @!p0 $0x0  }
0x9e: {  	[sflag:s0] =	ssyncadd.s32 @!p0 s1  }
0x9f: {  	[bflag:$0x3] =	sbarrier.arrive $0xFFFF  }
0xa0: {  	_ =	shalt  }

</sc_bundles>
